<compile_context>
chip_gen: v7x
topology: tpu7x:2x2x1
jax: 0.10.2.dev20260603
libtpu: 0.0.44.dev20260713+nightly
codegen_flags: <defaults>
</compile_context>

<pallas_src>
import functools

import jax
import jax.numpy as jnp
from jax import lax
from jax.experimental import pallas as pl
from jax.experimental.pallas import tpu as pltpu
from jax.experimental.pallas import tpu_sc as plsc

N = 10000
E = 320000
D = 128
D2 = 256
NC, NS = 2, 16
NW = NC * NS
EPW = E // NW
K = 128
CHP = 80
CHI = CHP + 4
EPW_P = CHP * K
EP = NW * EPW_P
BE = 1024
EP_OUT = EP + BE
AGG = 10112
STRIPE = AGG // NS

_mesh = functools.partial(
    plsc.VectorSubcoreMesh, core_axis_name="c", subcore_axis_name="s")


def _sc_histogram(colp, zeros1, ones):
    @functools.partial(
        pl.kernel,
        out_type=jax.ShapeDtypeStruct((NC, AGG, 1), jnp.float32),
        mesh=_mesh(),
        scratch_types=[
            pltpu.VMEM((CHI, K), jnp.int32),
            pltpu.VMEM((K, 1), jnp.float32),
            pltpu.VMEM_SHARED((AGG, 1), jnp.float32),
        ],
    )
    def run(colp_hbm, z1_hbm, ones_hbm, degp_hbm, col_v, ones_v, deg_sh):
        c = lax.axis_index("c")
        s = lax.axis_index("s")
        wid = c * NS + s
        pltpu.sync_copy(z1_hbm.at[pl.ds(s * STRIPE, STRIPE)],
                        deg_sh.at[pl.ds(s * STRIPE, STRIPE)])
        pltpu.sync_copy(ones_hbm, ones_v)
        pltpu.sync_copy(colp_hbm.at[wid], col_v)
        plsc.subcore_barrier()

        def step(j, carry):
            pltpu.sync_copy(ones_v, deg_sh.at[col_v.at[j]], add=True)
            return carry

        lax.fori_loop(0, CHP, step, 0)
        plsc.subcore_barrier()
        pltpu.sync_copy(deg_sh.at[pl.ds(s * STRIPE, STRIPE)],
                        degp_hbm.at[c, pl.ds(s * STRIPE, STRIPE)])

    return run(colp, zeros1, ones)


def _sc_conv(g, rowp, colp, zeros):
    @functools.partial(
        pl.kernel,
        out_type=jax.ShapeDtypeStruct((NC, AGG, D), jnp.float32),
        mesh=_mesh(),
        scratch_types=[
            pltpu.VMEM((4, K), jnp.int32),
            pltpu.VMEM((4, K), jnp.int32),
            pltpu.VMEM((K, D), jnp.float32),
            pltpu.VMEM((K, D), jnp.float32),
            pltpu.VMEM_SHARED((AGG, D), jnp.float32),
            pltpu.SemaphoreType.DMA,
            pltpu.SemaphoreType.DMA,
            pltpu.SemaphoreType.DMA,
            [pltpu.SemaphoreType.DMA] * 4,
            [pltpu.SemaphoreType.DMA] * 4,
        ],
    )
    def run(g_hbm, rowp_hbm, colp_hbm, z_hbm, aggp_hbm,
            idxr_v, idxc_v, buf0, buf1, agg_sh, gs0, gs1, ss, irs, ics):
        c = lax.axis_index("c")
        s = lax.axis_index("s")
        wid = c * NS + s
        bufs = (buf0, buf1)
        gss = (gs0, gs1)
        pltpu.sync_copy(z_hbm.at[pl.ds(s * STRIPE, STRIPE)],
                        agg_sh.at[pl.ds(s * STRIPE, STRIPE)])
        for u in (0, 1):
            pltpu.sync_copy(rowp_hbm.at[wid, u], idxr_v.at[u])
            pltpu.sync_copy(colp_hbm.at[wid, u], idxc_v.at[u])
        for u in (2, 3):
            pltpu.async_copy(rowp_hbm.at[wid, u], idxr_v.at[u], irs[u])
            pltpu.async_copy(colp_hbm.at[wid, u], idxc_v.at[u], ics[u])
        pltpu.async_copy(g_hbm.at[idxr_v.at[0]], buf0, gs0)
        pltpu.async_copy(g_hbm.at[idxr_v.at[1]], buf1, gs1)
        plsc.subcore_barrier()

        def half(j, u):
            m = 4 * j + u
            p = u & 1
            un = (u + 2) & 3
            pltpu.make_async_copy(g_hbm.at[idxr_v.at[u]], bufs[p],
                                  gss[p]).wait()
            pltpu.async_copy(bufs[p], agg_sh.at[idxc_v.at[u]], ss,
                             add=True).wait()
            pltpu.async_copy(rowp_hbm.at[wid, m + 4], idxr_v.at[u], irs[u])
            pltpu.async_copy(colp_hbm.at[wid, m + 4], idxc_v.at[u], ics[u])
            pltpu.make_async_copy(rowp_hbm.at[wid, 0], idxr_v.at[un],
                                  irs[un]).wait()
            pltpu.make_async_copy(colp_hbm.at[wid, 0], idxc_v.at[un],
                                  ics[un]).wait()
            pltpu.async_copy(g_hbm.at[idxr_v.at[un]], bufs[p], gss[p])

        def step(j, carry):
            for u in range(4):
                half(j, u)
            return carry

        lax.fori_loop(0, CHP // 4, step, 0)
        pltpu.make_async_copy(g_hbm.at[idxr_v.at[0]], buf0, gs0).wait()
        pltpu.make_async_copy(g_hbm.at[idxr_v.at[1]], buf1, gs1).wait()
        for u in (2, 3):
            pltpu.make_async_copy(rowp_hbm.at[wid, 0], idxr_v.at[u],
                                  irs[u]).wait()
            pltpu.make_async_copy(colp_hbm.at[wid, 0], idxc_v.at[u],
                                  ics[u]).wait()
        plsc.subcore_barrier()
        pltpu.sync_copy(agg_sh.at[pl.ds(s * STRIPE, STRIPE)],
                        aggp_hbm.at[c, pl.ds(s * STRIPE, STRIPE)])

    return run(g, rowp, colp, zeros)


def _sc_edge_emb(h, srcp, dstp):
    @functools.partial(
        pl.kernel,
        out_type=jax.ShapeDtypeStruct((EP_OUT, D), jnp.float32),
        mesh=_mesh(),
        scratch_types=[
            pltpu.VMEM((CHI, K), jnp.int32),
            pltpu.VMEM((CHI, K), jnp.int32),
            pltpu.VMEM((K, D), jnp.float32),
            pltpu.VMEM((K, D), jnp.float32),
            pltpu.VMEM((K, D), jnp.float32),
            pltpu.VMEM((K, D), jnp.float32),
            pltpu.VMEM((K, D), jnp.float32),
            pltpu.VMEM((K, D), jnp.float32),
            pltpu.SemaphoreType.DMA,
            pltpu.SemaphoreType.DMA,
            pltpu.SemaphoreType.DMA,
            pltpu.SemaphoreType.DMA,
            pltpu.SemaphoreType.DMA,
            pltpu.SemaphoreType.DMA,
        ],
    )
    def run(h_hbm, srcp_hbm, dstp_hbm, emb_hbm, src_v, dst_v,
            a0, b0, c0, a1, b1, c1, sa0, sb0, sa1, sb1, w0, w1):
        cx = lax.axis_index("c")
        s = lax.axis_index("s")
        wid = cx * NS + s
        base = wid * EPW_P
        pltpu.sync_copy(srcp_hbm.at[wid], src_v)
        pltpu.sync_copy(dstp_hbm.at[wid], dst_v)

        pltpu.async_copy(h_hbm.at[src_v.at[0]], a0, sa0)
        pltpu.async_copy(h_hbm.at[dst_v.at[0]], b0, sb0)
        pltpu.async_copy(h_hbm.at[src_v.at[1]], a1, sa1)
        pltpu.async_copy(h_hbm.at[dst_v.at[1]], b1, sb1)
        pltpu.async_copy(c0, emb_hbm.at[pl.ds(EP, K)], w0)
        pltpu.async_copy(c1, emb_hbm.at[pl.ds(EP + K, K)], w1)

        def half(j2, a, b, cb, sa, sb, w):
            pltpu.make_async_copy(h_hbm.at[src_v.at[j2]], a, sa).wait()
            pltpu.make_async_copy(h_hbm.at[dst_v.at[j2]], b, sb).wait()
            pltpu.make_async_copy(cb, emb_hbm.at[pl.ds(EP, K)], w).wait()

            def add_row(e, carry):
                for k in range(D // 16):
                    sl = pl.ds(k * 16, 16)
                    cb[e, sl] = a[e, sl] + b[e, sl]
                return carry

            lax.fori_loop(0, K, add_row, 0)
            pltpu.async_copy(cb, emb_hbm.at[pl.ds(base + j2 * K, K)], w)
            pltpu.async_copy(h_hbm.at[src_v.at[j2 + 2]], a, sa)
            pltpu.async_copy(h_hbm.at[dst_v.at[j2 + 2]], b, sb)

        def step(j, carry):
            half(2 * j, a0, b0, c0, sa0, sb0, w0)
            half(2 * j + 1, a1, b1, c1, sa1, sb1, w1)
            return carry

        lax.fori_loop(0, CHP // 2, step, 0)
        for buf, sem in ((a0, sa0), (b0, sb0), (a1, sa1), (b1, sb1)):
            pltpu.make_async_copy(h_hbm.at[src_v.at[0]], buf, sem).wait()
        pltpu.make_async_copy(c0, emb_hbm.at[pl.ds(EP, K)], w0).wait()
        pltpu.make_async_copy(c1, emb_hbm.at[pl.ds(EP + K, K)], w1).wait()

    return run(h, srcp, dstp)


def _tc_lin1(x, w1t, b1, degp2):
    BR = 1000
    G = N // BR

    def body(x_ref, w_ref, b_ref, d_ref, h_ref, g_ref, dinv_ref, invd_ref):
        h = jnp.dot(x_ref[...], w_ref[...],
                    preferred_element_type=jnp.float32) + b_ref[...]
        d = d_ref[...]
        deg = d[0] + d[1] + 1.0
        dinv = lax.rsqrt(deg)
        h_ref[...] = h
        g_ref[...] = h * dinv
        dinv_ref[...] = dinv
        invd_ref[...] = 1.0 / deg

    return pl.pallas_call(
        body,
        grid=(G,),
        in_specs=[
            pl.BlockSpec((BR, D), lambda r: (r, 0)),
            pl.BlockSpec((D, D), lambda r: (0, 0)),
            pl.BlockSpec((1, D), lambda r: (0, 0)),
            pl.BlockSpec((2, BR, 1), lambda r: (0, r, 0)),
        ],
        out_specs=[
            pl.BlockSpec((BR, D), lambda r: (r, 0)),
            pl.BlockSpec((BR, D), lambda r: (r, 0)),
            pl.BlockSpec((BR, 1), lambda r: (r, 0)),
            pl.BlockSpec((BR, 1), lambda r: (r, 0)),
        ],
        out_shape=[
            jax.ShapeDtypeStruct((N, D), jnp.float32),
            jax.ShapeDtypeStruct((N, D), jnp.float32),
            jax.ShapeDtypeStruct((N, 1), jnp.float32),
            jax.ShapeDtypeStruct((N, 1), jnp.float32),
        ],
    )(x, w1t, b1, degp2)


def _tc_mid(h0, a0, a1, dinv, invd, w2t, b2, c1):
    BR = 1000
    G = N // BR

    def body(h_ref, a0_ref, a1_ref, dinv_ref, invd_ref, w_ref, b_ref,
             c_ref, h2_ref, g1_ref):
        h = h_ref[...]
        dinv = dinv_ref[...]
        o = (0.5 * h - dinv * (a0_ref[...] + a1_ref[...])
             - h * invd_ref[...] + c_ref[...])
        o = jnp.where(o > 0, o, jnp.exp(jnp.minimum(o, 0.0)) - 1.0)
        h2 = jnp.dot(o, w_ref[...],
                     preferred_element_type=jnp.float32) + b_ref[...]
        h2_ref[...] = h2
        g1_ref[...] = h2 * dinv

    return pl.pallas_call(
        body,
        grid=(G,),
        in_specs=[
            pl.BlockSpec((BR, D), lambda r: (r, 0)),
            pl.BlockSpec((BR, D), lambda r: (r, 0)),
            pl.BlockSpec((BR, D), lambda r: (r, 0)),
            pl.BlockSpec((BR, 1), lambda r: (r, 0)),
            pl.BlockSpec((BR, 1), lambda r: (r, 0)),
            pl.BlockSpec((D, D), lambda r: (0, 0)),
            pl.BlockSpec((1, D), lambda r: (0, 0)),
            pl.BlockSpec((1, D), lambda r: (0, 0)),
        ],
        out_specs=[
            pl.BlockSpec((BR, D), lambda r: (r, 0)),
            pl.BlockSpec((BR, D), lambda r: (r, 0)),
        ],
        out_shape=[
            jax.ShapeDtypeStruct((N, D), jnp.float32),
            jax.ShapeDtypeStruct((N, D), jnp.float32),
        ],
    )(h0, a0, a1, dinv, invd, w2t, b2, c1)


def _tc_combine2(h2, a0, a1, dinv, invd, c2):
    BR = 1000
    G = N // BR

    def body(h_ref, a0_ref, a1_ref, dinv_ref, invd_ref, c_ref, o_ref):
        h = h_ref[...]
        o_ref[...] = (0.5 * h - dinv_ref[...] * (a0_ref[...] + a1_ref[...])
                      - h * invd_ref[...] + c_ref[...])

    return pl.pallas_call(
        body,
        grid=(G,),
        in_specs=[
            pl.BlockSpec((BR, D), lambda r: (r, 0)),
            pl.BlockSpec((BR, D), lambda r: (r, 0)),
            pl.BlockSpec((BR, D), lambda r: (r, 0)),
            pl.BlockSpec((BR, 1), lambda r: (r, 0)),
            pl.BlockSpec((BR, 1), lambda r: (r, 0)),
            pl.BlockSpec((1, D), lambda r: (0, 0)),
        ],
        out_specs=[pl.BlockSpec((BR, D), lambda r: (r, 0))],
        out_shape=[jax.ShapeDtypeStruct((N, D), jnp.float32)],
    )(h2, a0, a1, dinv, invd, c2)[0]


def _tc_edge_mlp(emb, w3t, b3, w4c, b4):
    G = EP_OUT // BE

    def body(e_ref, w3_ref, b3_ref, w4_ref, b4_ref, o_ref):
        hdd = jnp.maximum(
            jnp.dot(e_ref[...], w3_ref[...],
                    preferred_element_type=jnp.float32) + b3_ref[...], 0.0)
        z = jnp.dot(hdd, w4_ref[...],
                    preferred_element_type=jnp.float32) + b4_ref[...]
        o_ref[...] = 1.0 / (1.0 + jnp.exp(-z))

    return pl.pallas_call(
        body,
        grid=(G,),
        in_specs=[
            pl.BlockSpec((BE, D), lambda r: (r, 0)),
            pl.BlockSpec((D, D2), lambda r: (0, 0)),
            pl.BlockSpec((1, D2), lambda r: (0, 0)),
            pl.BlockSpec((D2, 1), lambda r: (0, 0)),
            pl.BlockSpec((1, 1), lambda r: (0, 0)),
        ],
        out_specs=[pl.BlockSpec((BE, 1), lambda r: (r, 0))],
        out_shape=[jax.ShapeDtypeStruct((EP_OUT, 1), jnp.float32)],
    )(emb, w3t, b3, w4c, b4)[0]


def kernel(x, edge_index, W1, b1, c1, W2, b2, c2, W3, b3, W4, b4):
    f32 = jnp.float32
    i32 = jnp.int32
    row = edge_index[0]
    col = edge_index[1]

    pad_n = CHI * K - EPW
    rowp = jnp.concatenate(
        [row.reshape(NW, EPW), jnp.zeros((NW, pad_n), i32)],
        axis=1).reshape(NW, CHI, K)
    colp = jnp.concatenate(
        [col.reshape(NW, EPW), jnp.full((NW, pad_n), N, i32)],
        axis=1).reshape(NW, CHI, K)
    dstp0 = jnp.concatenate(
        [col.reshape(NW, EPW), jnp.zeros((NW, pad_n), i32)],
        axis=1).reshape(NW, CHI, K)

    zeros = jnp.zeros((AGG, D), f32)
    zeros1 = jnp.zeros((AGG, 1), f32)
    ones = jnp.ones((K, 1), f32)

    w1t = W1.T
    w2t = W2.T
    w3t = W3.T
    w4c = W4.T
    b1r = b1.reshape(1, D)
    b2r = b2.reshape(1, D)
    b3r = b3.reshape(1, D2)
    b4r = b4.reshape(1, 1)
    c1r = c1.reshape(1, D)
    c2r = c2.reshape(1, D)

    DEBUG_JNP_CONV = False
    DEBUG_JNP_EMB = False
    if DEBUG_JNP_CONV:
        def _sc_conv_dbg(gx, rp, cp, z):
            a = jnp.zeros((AGG, D), f32).at[cp.reshape(-1)].add(
                gx[rp.reshape(-1)])
            return jnp.stack([a, jnp.zeros((AGG, D), f32)])
    else:
        _sc_conv_dbg = _sc_conv
    if DEBUG_JNP_EMB:
        def _sc_edge_emb_dbg(hx, sp, dp):
            ebody = (hx[sp.reshape(NW, CHI * K)[:, :EPW_P].reshape(-1)]
                     + hx[dp.reshape(NW, CHI * K)[:, :EPW_P].reshape(-1)])
            return jnp.concatenate(
                [ebody, jnp.zeros((EP_OUT - EP, D), f32)])
    else:
        _sc_edge_emb_dbg = _sc_edge_emb

    degp = _sc_histogram(colp, zeros1, ones)
    degp2 = degp[:, :N, :]

    h0, g0, dinv, invd = _tc_lin1(x, w1t, b1r, degp2)

    agg0 = _sc_conv_dbg(g0, rowp, colp, zeros)
    h2, g1 = _tc_mid(h0, agg0[0, :N], agg0[1, :N], dinv, invd,
                     w2t, b2r, c1r)

    agg1 = _sc_conv_dbg(g1, rowp, colp, zeros)
    hconv = _tc_combine2(h2, agg1[0, :N], agg1[1, :N], dinv, invd, c2r)

    emb = _sc_edge_emb_dbg(hconv, rowp, dstp0)
    out = _tc_edge_mlp(emb, w3t, b3r, w4c, b4r)

    return out[:EP].reshape(NW, EPW_P)[:, :EPW].reshape(E, 1)

# --- scband reference (transcript-rebuilt; emitter-appended) ---
"""Pipeline reference for scband-augmenter-58188216926738 (READ-ONLY COPY).

The authoritative reference and input builder live on the scoring server;
editing this copy changes nothing except your own understanding.
"""

import jax, jax.numpy as jnp
import numpy as np

N = 10000
E = 320000
D_IN = 128
D_H = 128
AMP = 0.5


def gcn_norm(edge_index, num_nodes):
    # add self loops, then symmetric normalization (GCN norm)
    loop = jnp.arange(num_nodes, dtype=edge_index.dtype)
    row = jnp.concatenate([edge_index[0], loop])
    col = jnp.concatenate([edge_index[1], loop])
    ew = jnp.ones(row.shape[0], dtype=jnp.float32)
    deg = jnp.zeros((num_nodes,), dtype=jnp.float32).at[col].add(ew)
    dinv = jnp.where(deg > 0, jax.lax.rsqrt(jnp.maximum(deg, 1e-12)), 0.0)
    norm = dinv[row] * ew * dinv[col]
    return row, col, norm


def hp_conv(x, row, col, norm, W, bl, cbias):
    # x = lin(x); propagate (gather at src, weight, scatter-add at dst); out = amp*x - agg + bias
    x = x @ W.T + bl
    msg = x[row] * norm[:, None]
    agg = jnp.zeros_like(x).at[col].add(msg)
    out = AMP * x - agg + cbias
    return out


def setup_inputs(seed: int = 0) -> dict:
    key = jax.random.key(seed)
    ks = jax.random.split(key, 8)

    def xavier(k, shape):
        fan_out, fan_in = shape[0], shape[1]
        a = float(np.sqrt(6.0 / (fan_in + fan_out)))
        return jax.random.uniform(k, shape, jnp.float32, -a, a)

    x = jax.random.normal(ks[0], (N, D_IN), dtype=jnp.float32)
    edge_index = jax.random.randint(ks[1], (2, E), 0, N, dtype=jnp.int32)
    W1 = xavier(ks[2], (D_H, D_IN)); b1 = jnp.ones((D_H,), jnp.float32); c1 = jnp.zeros((D_H,), jnp.float32)
    W2 = xavier(ks[3], (D_H, D_H)); b2 = jnp.ones((D_H,), jnp.float32); c2 = jnp.zeros((D_H,), jnp.float32)
    W3 = xavier(ks[4], (2 * D_H, D_H)); b3 = jnp.ones((2 * D_H,), jnp.float32)
    W4 = xavier(ks[5], (1, 2 * D_H)); b4 = jnp.ones((1,), jnp.float32)
    return {"x": x, "edge_index": edge_index, "W1": W1, "b1": b1, "c1": c1,
            "W2": W2, "b2": b2, "c2": c2, "W3": W3, "b3": b3, "W4": W4, "b4": b4}


def reference(x, edge_index, W1, b1, c1, W2, b2, c2, W3, b3, W4, b4):
    row, col, norm = gcn_norm(edge_index, N)
    h = hp_conv(x, row, col, norm, W1, b1, c1)
    h = jax.nn.elu(h)
    h = hp_conv(h, row, col, norm, W2, b2, c2)
    # decompose_norm=False -> use original (non-self-looped) edge_index
    src, dst = edge_index[0], edge_index[1]
    edge_emb = h[src] + h[dst]
    # mlp_edge_model: Dropout(identity in eval) -> Linear -> ReLU -> Dropout -> Linear
    hdd = jax.nn.relu(edge_emb @ W3.T + b3)
    logits = hdd @ W4.T + b4
    return jax.nn.sigmoid(logits)

if __name__ == "__main__":
    import jax
    _d = setup_inputs()
    print(jax.jit(kernel)(*tuple(_d.values())))

</pallas_src>

<mosaic_0001>
#map = affine_map<(d0, d1) -> (0, 0)>
#map1 = affine_map<(d0, d1) -> (0, 0, 0)>
module attributes {stable_mosaic.version = 14 : i64} {
  func.func @run(%arg0: i32, %arg1: i32, %arg2: memref<10000x128xf32, #tpu.memory_space<hbm>>, %arg3: memref<32x84x128xi32, #tpu.memory_space<hbm>>, %arg4: memref<32x84x128xi32, #tpu.memory_space<hbm>>, %arg5: memref<10112x128xf32, #tpu.memory_space<hbm>>, %arg6: memref<2x10112x128xf32, #tpu.memory_space<hbm>>, %arg7: memref<4x128xi32, #tpu.memory_space<vmem>>, %arg8: memref<4x128xi32, #tpu.memory_space<vmem>>, %arg9: memref<128x128xf32, #tpu.memory_space<vmem>>, %arg10: memref<128x128xf32, #tpu.memory_space<vmem>>, %arg11: memref<10112x128xf32, #tpu.memory_space<vmem_shared>>, %arg12: memref<!tpu.dma_semaphore, #tpu.memory_space<semaphore_mem>>, %arg13: memref<!tpu.dma_semaphore, #tpu.memory_space<semaphore_mem>>, %arg14: memref<!tpu.dma_semaphore, #tpu.memory_space<semaphore_mem>>, %arg15: memref<!tpu.dma_semaphore, #tpu.memory_space<semaphore_mem>>, %arg16: memref<!tpu.dma_semaphore, #tpu.memory_space<semaphore_mem>>, %arg17: memref<!tpu.dma_semaphore, #tpu.memory_space<semaphore_mem>>, %arg18: memref<!tpu.dma_semaphore, #tpu.memory_space<semaphore_mem>>, %arg19: memref<!tpu.dma_semaphore, #tpu.memory_space<semaphore_mem>>, %arg20: memref<!tpu.dma_semaphore, #tpu.memory_space<semaphore_mem>>, %arg21: memref<!tpu.dma_semaphore, #tpu.memory_space<semaphore_mem>>, %arg22: memref<!tpu.dma_semaphore, #tpu.memory_space<semaphore_mem>>) attributes {dimension_semantics = [#tpu.dimension_semantics<core_parallel>, #tpu.dimension_semantics<subcore_parallel>], iteration_bounds = array<i64: 2, 16>, scalar_prefetch = 0 : i64, scratch_operands = 16 : i64, tpu.core_type = #tpu.core_type<sc_vector_subcore>, window_params = [{transform_indices = #map}, {transform_indices = #map1}, {transform_indices = #map1}, {transform_indices = #map}, {transform_indices = #map1}]} {
    %mul3A = arith.constant 16 : i32
    %mul3A_0 = arith.muli %arg0, %mul3A : i32
    %add3A = arith.addi %mul3A_0, %arg1 : i32
    %mul3A_1 = arith.constant 632 : i32
    %mul3A_2 = arith.muli %arg1, %mul3A_1 : i32
    %mul3A_3 = arith.constant 632 : i32
    %mul3A_4 = arith.muli %arg1, %mul3A_3 : i32
    "tpu.region"() ({
      %run_scoped3A_160 = tpu.sem_alloc : memref<!tpu.dma_semaphore, #tpu.memory_space<semaphore_mem>>
      %dma_start3A_161 = arith.constant 0 : i32
      %dma_start3A_162 = tpu.memref_slice %arg11[%mul3A_4, %dma_start3A_161] : memref<10112x128xf32, #tpu.memory_space<vmem_shared>> -> memref<632x128xf32, #tpu.memory_space<vmem_shared>>
      %dma_start3A_163 = arith.constant 0 : i32
      %dma_start3A_164 = tpu.memref_slice %arg5[%mul3A_2, %dma_start3A_163] : memref<10112x128xf32, #tpu.memory_space<hbm>> -> memref<632x128xf32, #tpu.memory_space<hbm>>
      tpu.enqueue_dma source(%dma_start3A_164 : memref<632x128xf32, #tpu.memory_space<hbm>>) target(%dma_start3A_162 : memref<632x128xf32, #tpu.memory_space<vmem_shared>>) target_semaphore(%run_scoped3A_160 : memref<!tpu.dma_semaphore, #tpu.memory_space<semaphore_mem>>)
      %dma_wait3A_165 = arith.constant 0 : i32
      %dma_wait3A_166 = tpu.memref_slice %arg11[%mul3A_4, %dma_wait3A_165] : memref<10112x128xf32, #tpu.memory_space<vmem_shared>> -> memref<632x128xf32, #tpu.memory_space<vmem_shared>>
      %dma_wait3A_167 = arith.constant 0 : i32
      %dma_wait3A_168 = tpu.memref_slice %arg5[%mul3A_2, %dma_wait3A_167] : memref<10112x128xf32, #tpu.memory_space<hbm>> -> memref<632x128xf32, #tpu.memory_space<hbm>>
      tpu.wait_dma2 semaphore(%run_scoped3A_160 : memref<!tpu.dma_semaphore, #tpu.memory_space<semaphore_mem>>) src(%dma_wait3A_168 : memref<632x128xf32, #tpu.memory_space<hbm>>) dst(%dma_wait3A_166 : memref<632x128xf32, #tpu.memory_space<vmem_shared>>)
      tpu.yield
    }) : () -> ()
    %run_scoped3A = arith.constant 0 : i32
    %run_scoped3A_5 = arith.constant 0 : i32
    "tpu.region"() ({
      %run_scoped3A_160 = tpu.sem_alloc : memref<!tpu.dma_semaphore, #tpu.memory_space<semaphore_mem>>
      %dma_start3A_161 = arith.constant 0 : i32
      %dma_start3A_162 = tpu.memref_slice %arg7[%run_scoped3A_5, %dma_start3A_161] : memref<4x128xi32, #tpu.memory_space<vmem>> -> memref<1x128xi32, #tpu.memory_space<vmem>>
      %dma_start3A_163 = tpu.memref_squeeze %dma_start3A_162 : memref<1x128xi32, #tpu.memory_space<vmem>> -> memref<128xi32, #tpu.memory_space<vmem>>
      %dma_start3A_164 = arith.constant 0 : i32
      %dma_start3A_165 = tpu.memref_slice %arg3[%add3A, %run_scoped3A, %dma_start3A_164] : memref<32x84x128xi32, #tpu.memory_space<hbm>> -> memref<1x1x128xi32, #tpu.memory_space<hbm>>
      %dma_start3A_166 = tpu.memref_squeeze %dma_start3A_165 : memref<1x1x128xi32, #tpu.memory_space<hbm>> -> memref<128xi32, #tpu.memory_space<hbm>>
      %dma_start3A_167 = arith.constant 0 : i32
      %dma_start3A_168 = tpu.memref_slice %arg7[%run_scoped3A_5, %dma_start3A_167] : memref<4x128xi32, #tpu.memory_space<vmem>> -> memref<1x128xi32, #tpu.memory_space<vmem>>
      %dma_start3A_169 = tpu.memref_squeeze %dma_start3A_168 : memref<1x128xi32, #tpu.memory_space<vmem>> -> memref<128xi32, #tpu.memory_space<vmem>>
      %dma_start3A_170 = arith.constant 0 : i32
      %dma_start3A_171 = tpu.memref_slice %arg3[%add3A, %run_scoped3A, %dma_start3A_170] : memref<32x84x128xi32, #tpu.memory_space<hbm>> -> memref<1x1x128xi32, #tpu.memory_space<hbm>>
      %dma_start3A_172 = tpu.memref_squeeze %dma_start3A_171 : memref<1x1x128xi32, #tpu.memory_space<hbm>> -> memref<128xi32, #tpu.memory_space<hbm>>
      tpu.enqueue_dma source(%dma_start3A_172 : memref<128xi32, #tpu.memory_space<hbm>>) target(%dma_start3A_169 : memref<128xi32, #tpu.memory_space<vmem>>) target_semaphore(%run_scoped3A_160 : memref<!tpu.dma_semaphore, #tpu.memory_space<semaphore_mem>>)
      %dma_wait3A_173 = arith.constant 0 : i32
      %dma_wait3A_174 = tpu.memref_slice %arg7[%run_scoped3A_5, %dma_wait3A_173] : memref<4x128xi32, #tpu.memory_space<vmem>> -> memref<1x128xi32, #tpu.memory_space<vmem>>
      %dma_wait3A_175 = tpu.memref_squeeze %dma_wait3A_174 : memref<1x128xi32, #tpu.memory_space<vmem>> -> memref<128xi32, #tpu.memory_space<vmem>>
      %dma_wait3A_176 = arith.constant 0 : i32
      %dma_wait3A_177 = tpu.memref_slice %arg3[%add3A, %run_scoped3A, %dma_wait3A_176] : memref<32x84x128xi32, #tpu.memory_space<hbm>> -> memref<1x1x128xi32, #tpu.memory_space<hbm>>
      %dma_wait3A_178 = tpu.memref_squeeze %dma_wait3A_177 : memref<1x1x128xi32, #tpu.memory_space<hbm>> -> memref<128xi32, #tpu.memory_space<hbm>>
      %dma_wait3A_179 = arith.constant 0 : i32
      %dma_wait3A_180 = tpu.memref_slice %arg7[%run_scoped3A_5, %dma_wait3A_179] : memref<4x128xi32, #tpu.memory_space<vmem>> -> memref<1x128xi32, #tpu.memory_space<vmem>>
      %dma_wait3A_181 = tpu.memref_squeeze %dma_wait3A_180 : memref<1x128xi32, #tpu.memory_space<vmem>> -> memref<128xi32, #tpu.memory_space<vmem>>
      %dma_wait3A_182 = arith.constant 0 : i32
      %dma_wait3A_183 = tpu.memref_slice %arg3[%add3A, %run_scoped3A, %dma_wait3A_182] : memref<32x84x128xi32, #tpu.memory_space<hbm>> -> memref<1x1x128xi32, #tpu.memory_space<hbm>>
      %dma_wait3A_184 = tpu.memref_squeeze %dma_wait3A_183 : memref<1x1x128xi32, #tpu.memory_space<hbm>> -> memref<128xi32, #tpu.memory_space<hbm>>
      tpu.wait_dma2 semaphore(%run_scoped3A_160 : memref<!tpu.dma_semaphore, #tpu.memory_space<semaphore_mem>>) src(%dma_wait3A_184 : memref<128xi32, #tpu.memory_space<hbm>>) dst(%dma_wait3A_181 : memref<128xi32, #tpu.memory_space<vmem>>)
      tpu.yield
    }) : () -> ()
    %run_scoped3A_6 = arith.constant 0 : i32
    %run_scoped3A_7 = arith.constant 0 : i32
    "tpu.region"() ({
      %run_scoped3A_160 = tpu.sem_alloc : memref<!tpu.dma_semaphore, #tpu.memory_space<semaphore_mem>>
      %dma_start3A_161 = arith.constant 0 : i32
      %dma_start3A_162 = tpu.memref_slice %arg8[%run_scoped3A_7, %dma_start3A_161] : memref<4x128xi32, #tpu.memory_space<vmem>> -> memref<1x128xi32, #tpu.memory_space<vmem>>
      %dma_start3A_163 = tpu.memref_squeeze %dma_start3A_162 : memref<1x128xi32, #tpu.memory_space<vmem>> -> memref<128xi32, #tpu.memory_space<vmem>>
      %dma_start3A_164 = arith.constant 0 : i32
      %dma_start3A_165 = tpu.memref_slice %arg4[%add3A, %run_scoped3A_6, %dma_start3A_164] : memref<32x84x128xi32, #tpu.memory_space<hbm>> -> memref<1x1x128xi32, #tpu.memory_space<hbm>>
      %dma_start3A_166 = tpu.memref_squeeze %dma_start3A_165 : memref<1x1x128xi32, #tpu.memory_space<hbm>> -> memref<128xi32, #tpu.memory_space<hbm>>
      %dma_start3A_167 = arith.constant 0 : i32
      %dma_start3A_168 = tpu.memref_slice %arg8[%run_scoped3A_7, %dma_start3A_167] : memref<4x128xi32, #tpu.memory_space<vmem>> -> memref<1x128xi32, #tpu.memory_space<vmem>>
      %dma_start3A_169 = tpu.memref_squeeze %dma_start3A_168 : memref<1x128xi32, #tpu.memory_space<vmem>> -> memref<128xi32, #tpu.memory_space<vmem>>
      %dma_start3A_170 = arith.constant 0 : i32
      %dma_start3A_171 = tpu.memref_slice %arg4[%add3A, %run_scoped3A_6, %dma_start3A_170] : memref<32x84x128xi32, #tpu.memory_space<hbm>> -> memref<1x1x128xi32, #tpu.memory_space<hbm>>
      %dma_start3A_172 = tpu.memref_squeeze %dma_start3A_171 : memref<1x1x128xi32, #tpu.memory_space<hbm>> -> memref<128xi32, #tpu.memory_space<hbm>>
      tpu.enqueue_dma source(%dma_start3A_172 : memref<128xi32, #tpu.memory_space<hbm>>) target(%dma_start3A_169 : memref<128xi32, #tpu.memory_space<vmem>>) target_semaphore(%run_scoped3A_160 : memref<!tpu.dma_semaphore, #tpu.memory_space<semaphore_mem>>)
      %dma_wait3A_173 = arith.constant 0 : i32
      %dma_wait3A_174 = tpu.memref_slice %arg8[%run_scoped3A_7, %dma_wait3A_173] : memref<4x128xi32, #tpu.memory_space<vmem>> -> memref<1x128xi32, #tpu.memory_space<vmem>>
      %dma_wait3A_175 = tpu.memref_squeeze %dma_wait3A_174 : memref<1x128xi32, #tpu.memory_space<vmem>> -> memref<128xi32, #tpu.memory_space<vmem>>
      %dma_wait3A_176 = arith.constant 0 : i32
      %dma_wait3A_177 = tpu.memref_slice %arg4[%add3A, %run_scoped3A_6, %dma_wait3A_176] : memref<32x84x128xi32, #tpu.memory_space<hbm>> -> memref<1x1x128xi32, #tpu.memory_space<hbm>>
      %dma_wait3A_178 = tpu.memref_squeeze %dma_wait3A_177 : memref<1x1x128xi32, #tpu.memory_space<hbm>> -> memref<128xi32, #tpu.memory_space<hbm>>
      %dma_wait3A_179 = arith.constant 0 : i32
      %dma_wait3A_180 = tpu.memref_slice %arg8[%run_scoped3A_7, %dma_wait3A_179] : memref<4x128xi32, #tpu.memory_space<vmem>> -> memref<1x128xi32, #tpu.memory_space<vmem>>
      %dma_wait3A_181 = tpu.memref_squeeze %dma_wait3A_180 : memref<1x128xi32, #tpu.memory_space<vmem>> -> memref<128xi32, #tpu.memory_space<vmem>>
      %dma_wait3A_182 = arith.constant 0 : i32
      %dma_wait3A_183 = tpu.memref_slice %arg4[%add3A, %run_scoped3A_6, %dma_wait3A_182] : memref<32x84x128xi32, #tpu.memory_space<hbm>> -> memref<1x1x128xi32, #tpu.memory_space<hbm>>
      %dma_wait3A_184 = tpu.memref_squeeze %dma_wait3A_183 : memref<1x1x128xi32, #tpu.memory_space<hbm>> -> memref<128xi32, #tpu.memory_space<hbm>>
      tpu.wait_dma2 semaphore(%run_scoped3A_160 : memref<!tpu.dma_semaphore, #tpu.memory_space<semaphore_mem>>) src(%dma_wait3A_184 : memref<128xi32, #tpu.memory_space<hbm>>) dst(%dma_wait3A_181 : memref<128xi32, #tpu.memory_space<vmem>>)
      tpu.yield
    }) : () -> ()
    %run_scoped3A_8 = arith.constant 1 : i32
    %run_scoped3A_9 = arith.constant 1 : i32
    "tpu.region"() ({
      %run_scoped3A_160 = tpu.sem_alloc : memref<!tpu.dma_semaphore, #tpu.memory_space<semaphore_mem>>
      %dma_start3A_161 = arith.constant 0 : i32
      %dma_start3A_162 = tpu.memref_slice %arg7[%run_scoped3A_9, %dma_start3A_161] : memref<4x128xi32, #tpu.memory_space<vmem>> -> memref<1x128xi32, #tpu.memory_space<vmem>>
      %dma_start3A_163 = tpu.memref_squeeze %dma_start3A_162 : memref<1x128xi32, #tpu.memory_space<vmem>> -> memref<128xi32, #tpu.memory_space<vmem>>
      %dma_start3A_164 = arith.constant 0 : i32
      %dma_start3A_165 = tpu.memref_slice %arg3[%add3A, %run_scoped3A_8, %dma_start3A_164] : memref<32x84x128xi32, #tpu.memory_space<hbm>> -> memref<1x1x128xi32, #tpu.memory_space<hbm>>
      %dma_start3A_166 = tpu.memref_squeeze %dma_start3A_165 : memref<1x1x128xi32, #tpu.memory_space<hbm>> -> memref<128xi32, #tpu.memory_space<hbm>>
      %dma_start3A_167 = arith.constant 0 : i32
      %dma_start3A_168 = tpu.memref_slice %arg7[%run_scoped3A_9, %dma_start3A_167] : memref<4x128xi32, #tpu.memory_space<vmem>> -> memref<1x128xi32, #tpu.memory_space<vmem>>
      %dma_start3A_169 = tpu.memref_squeeze %dma_start3A_168 : memref<1x128xi32, #tpu.memory_space<vmem>> -> memref<128xi32, #tpu.memory_space<vmem>>
      %dma_start3A_170 = arith.constant 0 : i32
      %dma_start3A_171 = tpu.memref_slice %arg3[%add3A, %run_scoped3A_8, %dma_start3A_170] : memref<32x84x128xi32, #tpu.memory_space<hbm>> -> memref<1x1x128xi32, #tpu.memory_space<hbm>>
      %dma_start3A_172 = tpu.memref_squeeze %dma_start3A_171 : memref<1x1x128xi32, #tpu.memory_space<hbm>> -> memref<128xi32, #tpu.memory_space<hbm>>
      tpu.enqueue_dma source(%dma_start3A_172 : memref<128xi32, #tpu.memory_space<hbm>>) target(%dma_start3A_169 : memref<128xi32, #tpu.memory_space<vmem>>) target_semaphore(%run_scoped3A_160 : memref<!tpu.dma_semaphore, #tpu.memory_space<semaphore_mem>>)
      %dma_wait3A_173 = arith.constant 0 : i32
      %dma_wait3A_174 = tpu.memref_slice %arg7[%run_scoped3A_9, %dma_wait3A_173] : memref<4x128xi32, #tpu.memory_space<vmem>> -> memref<1x128xi32, #tpu.memory_space<vmem>>
      %dma_wait3A_175 = tpu.memref_squeeze %dma_wait3A_174 : memref<1x128xi32, #tpu.memory_space<vmem>> -> memref<128xi32, #tpu.memory_space<vmem>>
      %dma_wait3A_176 = arith.constant 0 : i32
      %dma_wait3A_177 = tpu.memref_slice %arg3[%add3A, %run_scoped3A_8, %dma_wait3A_176] : memref<32x84x128xi32, #tpu.memory_space<hbm>> -> memref<1x1x128xi32, #tpu.memory_space<hbm>>
      %dma_wait3A_178 = tpu.memref_squeeze %dma_wait3A_177 : memref<1x1x128xi32, #tpu.memory_space<hbm>> -> memref<128xi32, #tpu.memory_space<hbm>>
      %dma_wait3A_179 = arith.constant 0 : i32
      %dma_wait3A_180 = tpu.memref_slice %arg7[%run_scoped3A_9, %dma_wait3A_179] : memref<4x128xi32, #tpu.memory_space<vmem>> -> memref<1x128xi32, #tpu.memory_space<vmem>>
      %dma_wait3A_181 = tpu.memref_squeeze %dma_wait3A_180 : memref<1x128xi32, #tpu.memory_space<vmem>> -> memref<128xi32, #tpu.memory_space<vmem>>
      %dma_wait3A_182 = arith.constant 0 : i32
      %dma_wait3A_183 = tpu.memref_slice %arg3[%add3A, %run_scoped3A_8, %dma_wait3A_182] : memref<32x84x128xi32, #tpu.memory_space<hbm>> -> memref<1x1x128xi32, #tpu.memory_space<hbm>>
      %dma_wait3A_184 = tpu.memref_squeeze %dma_wait3A_183 : memref<1x1x128xi32, #tpu.memory_space<hbm>> -> memref<128xi32, #tpu.memory_space<hbm>>
      tpu.wait_dma2 semaphore(%run_scoped3A_160 : memref<!tpu.dma_semaphore, #tpu.memory_space<semaphore_mem>>) src(%dma_wait3A_184 : memref<128xi32, #tpu.memory_space<hbm>>) dst(%dma_wait3A_181 : memref<128xi32, #tpu.memory_space<vmem>>)
      tpu.yield
    }) : () -> ()
    %run_scoped3A_10 = arith.constant 1 : i32
    %run_scoped3A_11 = arith.constant 1 : i32
    "tpu.region"() ({
      %run_scoped3A_160 = tpu.sem_alloc : memref<!tpu.dma_semaphore, #tpu.memory_space<semaphore_mem>>
      %dma_start3A_161 = arith.constant 0 : i32
      %dma_start3A_162 = tpu.memref_slice %arg8[%run_scoped3A_11, %dma_start3A_161] : memref<4x128xi32, #tpu.memory_space<vmem>> -> memref<1x128xi32, #tpu.memory_space<vmem>>
      %dma_start3A_163 = tpu.memref_squeeze %dma_start3A_162 : memref<1x128xi32, #tpu.memory_space<vmem>> -> memref<128xi32, #tpu.memory_space<vmem>>
      %dma_start3A_164 = arith.constant 0 : i32
      %dma_start3A_165 = tpu.memref_slice %arg4[%add3A, %run_scoped3A_10, %dma_start3A_164] : memref<32x84x128xi32, #tpu.memory_space<hbm>> -> memref<1x1x128xi32, #tpu.memory_space<hbm>>
      %dma_start3A_166 = tpu.memref_squeeze %dma_start3A_165 : memref<1x1x128xi32, #tpu.memory_space<hbm>> -> memref<128xi32, #tpu.memory_space<hbm>>
      %dma_start3A_167 = arith.constant 0 : i32
      %dma_start3A_168 = tpu.memref_slice %arg8[%run_scoped3A_11, %dma_start3A_167] : memref<4x128xi32, #tpu.memory_space<vmem>> -> memref<1x128xi32, #tpu.memory_space<vmem>>
      %dma_start3A_169 = tpu.memref_squeeze %dma_start3A_168 : memref<1x128xi32, #tpu.memory_space<vmem>> -> memref<128xi32, #tpu.memory_space<vmem>>
      %dma_start3A_170 = arith.constant 0 : i32
      %dma_start3A_171 = tpu.memref_slice %arg4[%add3A, %run_scoped3A_10, %dma_start3A_170] : memref<32x84x128xi32, #tpu.memory_space<hbm>> -> memref<1x1x128xi32, #tpu.memory_space<hbm>>
      %dma_start3A_172 = tpu.memref_squeeze %dma_start3A_171 : memref<1x1x128xi32, #tpu.memory_space<hbm>> -> memref<128xi32, #tpu.memory_space<hbm>>
      tpu.enqueue_dma source(%dma_start3A_172 : memref<128xi32, #tpu.memory_space<hbm>>) target(%dma_start3A_169 : memref<128xi32, #tpu.memory_space<vmem>>) target_semaphore(%run_scoped3A_160 : memref<!tpu.dma_semaphore, #tpu.memory_space<semaphore_mem>>)
      %dma_wait3A_173 = arith.constant 0 : i32
      %dma_wait3A_174 = tpu.memref_slice %arg8[%run_scoped3A_11, %dma_wait3A_173] : memref<4x128xi32, #tpu.memory_space<vmem>> -> memref<1x128xi32, #tpu.memory_space<vmem>>
      %dma_wait3A_175 = tpu.memref_squeeze %dma_wait3A_174 : memref<1x128xi32, #tpu.memory_space<vmem>> -> memref<128xi32, #tpu.memory_space<vmem>>
      %dma_wait3A_176 = arith.constant 0 : i32
      %dma_wait3A_177 = tpu.memref_slice %arg4[%add3A, %run_scoped3A_10, %dma_wait3A_176] : memref<32x84x128xi32, #tpu.memory_space<hbm>> -> memref<1x1x128xi32, #tpu.memory_space<hbm>>
      %dma_wait3A_178 = tpu.memref_squeeze %dma_wait3A_177 : memref<1x1x128xi32, #tpu.memory_space<hbm>> -> memref<128xi32, #tpu.memory_space<hbm>>
      %dma_wait3A_179 = arith.constant 0 : i32
      %dma_wait3A_180 = tpu.memref_slice %arg8[%run_scoped3A_11, %dma_wait3A_179] : memref<4x128xi32, #tpu.memory_space<vmem>> -> memref<1x128xi32, #tpu.memory_space<vmem>>
      %dma_wait3A_181 = tpu.memref_squeeze %dma_wait3A_180 : memref<1x128xi32, #tpu.memory_space<vmem>> -> memref<128xi32, #tpu.memory_space<vmem>>
      %dma_wait3A_182 = arith.constant 0 : i32
      %dma_wait3A_183 = tpu.memref_slice %arg4[%add3A, %run_scoped3A_10, %dma_wait3A_182] : memref<32x84x128xi32, #tpu.memory_space<hbm>> -> memref<1x1x128xi32, #tpu.memory_space<hbm>>
      %dma_wait3A_184 = tpu.memref_squeeze %dma_wait3A_183 : memref<1x1x128xi32, #tpu.memory_space<hbm>> -> memref<128xi32, #tpu.memory_space<hbm>>
      tpu.wait_dma2 semaphore(%run_scoped3A_160 : memref<!tpu.dma_semaphore, #tpu.memory_space<semaphore_mem>>) src(%dma_wait3A_184 : memref<128xi32, #tpu.memory_space<hbm>>) dst(%dma_wait3A_181 : memref<128xi32, #tpu.memory_space<vmem>>)
      tpu.yield
    }) : () -> ()
    %dma_start3A = arith.constant 2 : i32
    %dma_start3A_12 = arith.constant 2 : i32
    %dma_start3A_13 = arith.constant 0 : i32
    %dma_start3A_14 = tpu.memref_slice %arg7[%dma_start3A_12, %dma_start3A_13] : memref<4x128xi32, #tpu.memory_space<vmem>> -> memref<1x128xi32, #tpu.memory_space<vmem>>
    %dma_start3A_15 = tpu.memref_squeeze %dma_start3A_14 : memref<1x128xi32, #tpu.memory_space<vmem>> -> memref<128xi32, #tpu.memory_space<vmem>>
    %dma_start3A_16 = arith.constant 0 : i32
    %dma_start3A_17 = tpu.memref_slice %arg3[%add3A, %dma_start3A, %dma_start3A_16] : memref<32x84x128xi32, #tpu.memory_space<hbm>> -> memref<1x1x128xi32, #tpu.memory_space<hbm>>
    %dma_start3A_18 = tpu.memref_squeeze %dma_start3A_17 : memref<1x1x128xi32, #tpu.memory_space<hbm>> -> memref<128xi32, #tpu.memory_space<hbm>>
    %dma_start3A_19 = arith.constant 0 : i32
    %dma_start3A_20 = tpu.memref_slice %arg7[%dma_start3A_12, %dma_start3A_19] : memref<4x128xi32, #tpu.memory_space<vmem>> -> memref<1x128xi32, #tpu.memory_space<vmem>>
    %dma_start3A_21 = tpu.memref_squeeze %dma_start3A_20 : memref<1x128xi32, #tpu.memory_space<vmem>> -> memref<128xi32, #tpu.memory_space<vmem>>
    %dma_start3A_22 = arith.constant 0 : i32
    %dma_start3A_23 = tpu.memref_slice %arg3[%add3A, %dma_start3A, %dma_start3A_22] : memref<32x84x128xi32, #tpu.memory_space<hbm>> -> memref<1x1x128xi32, #tpu.memory_space<hbm>>
    %dma_start3A_24 = tpu.memref_squeeze %dma_start3A_23 : memref<1x1x128xi32, #tpu.memory_space<hbm>> -> memref<128xi32, #tpu.memory_space<hbm>>
    tpu.enqueue_dma source(%dma_start3A_24 : memref<128xi32, #tpu.memory_space<hbm>>) target(%dma_start3A_21 : memref<128xi32, #tpu.memory_space<vmem>>) target_semaphore(%arg17 : memref<!tpu.dma_semaphore, #tpu.memory_space<semaphore_mem>>)
    %dma_start3A_25 = arith.constant 2 : i32
    %dma_start3A_26 = arith.constant 2 : i32
    %dma_start3A_27 = arith.constant 0 : i32
    %dma_start3A_28 = tpu.memref_slice %arg8[%dma_start3A_26, %dma_start3A_27] : memref<4x128xi32, #tpu.memory_space<vmem>> -> memref<1x128xi32, #tpu.memory_space<vmem>>
    %dma_start3A_29 = tpu.memref_squeeze %dma_start3A_28 : memref<1x128xi32, #tpu.memory_space<vmem>> -> memref<128xi32, #tpu.memory_space<vmem>>
    %dma_start3A_30 = arith.constant 0 : i32
    %dma_start3A_31 = tpu.memref_slice %arg4[%add3A, %dma_start3A_25, %dma_start3A_30] : memref<32x84x128xi32, #tpu.memory_space<hbm>> -> memref<1x1x128xi32, #tpu.memory_space<hbm>>
    %dma_start3A_32 = tpu.memref_squeeze %dma_start3A_31 : memref<1x1x128xi32, #tpu.memory_space<hbm>> -> memref<128xi32, #tpu.memory_space<hbm>>
    %dma_start3A_33 = arith.constant 0 : i32
    %dma_start3A_34 = tpu.memref_slice %arg8[%dma_start3A_26, %dma_start3A_33] : memref<4x128xi32, #tpu.memory_space<vmem>> -> memref<1x128xi32, #tpu.memory_space<vmem>>
    %dma_start3A_35 = tpu.memref_squeeze %dma_start3A_34 : memref<1x128xi32, #tpu.memory_space<vmem>> -> memref<128xi32, #tpu.memory_space<vmem>>
    %dma_start3A_36 = arith.constant 0 : i32
    %dma_start3A_37 = tpu.memref_slice %arg4[%add3A, %dma_start3A_25, %dma_start3A_36] : memref<32x84x128xi32, #tpu.memory_space<hbm>> -> memref<1x1x128xi32, #tpu.memory_space<hbm>>
    %dma_start3A_38 = tpu.memref_squeeze %dma_start3A_37 : memref<1x1x128xi32, #tpu.memory_space<hbm>> -> memref<128xi32, #tpu.memory_space<hbm>>
    tpu.enqueue_dma source(%dma_start3A_38 : memref<128xi32, #tpu.memory_space<hbm>>) target(%dma_start3A_35 : memref<128xi32, #tpu.memory_space<vmem>>) target_semaphore(%arg21 : memref<!tpu.dma_semaphore, #tpu.memory_space<semaphore_mem>>)
    %dma_start3A_39 = arith.constant 3 : i32
    %dma_start3A_40 = arith.constant 3 : i32
    %dma_start3A_41 = arith.constant 0 : i32
    %dma_start3A_42 = tpu.memref_slice %arg7[%dma_start3A_40, %dma_start3A_41] : memref<4x128xi32, #tpu.memory_space<vmem>> -> memref<1x128xi32, #tpu.memory_space<vmem>>
    %dma_start3A_43 = tpu.memref_squeeze %dma_start3A_42 : memref<1x128xi32, #tpu.memory_space<vmem>> -> memref<128xi32, #tpu.memory_space<vmem>>
    %dma_start3A_44 = arith.constant 0 : i32
    %dma_start3A_45 = tpu.memref_slice %arg3[%add3A, %dma_start3A_39, %dma_start3A_44] : memref<32x84x128xi32, #tpu.memory_space<hbm>> -> memref<1x1x128xi32, #tpu.memory_space<hbm>>
    %dma_start3A_46 = tpu.memref_squeeze %dma_start3A_45 : memref<1x1x128xi32, #tpu.memory_space<hbm>> -> memref<128xi32, #tpu.memory_space<hbm>>
    %dma_start3A_47 = arith.constant 0 : i32
    %dma_start3A_48 = tpu.memref_slice %arg7[%dma_start3A_40, %dma_start3A_47] : memref<4x128xi32, #tpu.memory_space<vmem>> -> memref<1x128xi32, #tpu.memory_space<vmem>>
    %dma_start3A_49 = tpu.memref_squeeze %dma_start3A_48 : memref<1x128xi32, #tpu.memory_space<vmem>> -> memref<128xi32, #tpu.memory_space<vmem>>
    %dma_start3A_50 = arith.constant 0 : i32
    %dma_start3A_51 = tpu.memref_slice %arg3[%add3A, %dma_start3A_39, %dma_start3A_50] : memref<32x84x128xi32, #tpu.memory_space<hbm>> -> memref<1x1x128xi32, #tpu.memory_space<hbm>>
    %dma_start3A_52 = tpu.memref_squeeze %dma_start3A_51 : memref<1x1x128xi32, #tpu.memory_space<hbm>> -> memref<128xi32, #tpu.memory_space<hbm>>
    tpu.enqueue_dma source(%dma_start3A_52 : memref<128xi32, #tpu.memory_space<hbm>>) target(%dma_start3A_49 : memref<128xi32, #tpu.memory_space<vmem>>) target_semaphore(%arg18 : memref<!tpu.dma_semaphore, #tpu.memory_space<semaphore_mem>>)
    %dma_start3A_53 = arith.constant 3 : i32
    %dma_start3A_54 = arith.constant 3 : i32
    %dma_start3A_55 = arith.constant 0 : i32
    %dma_start3A_56 = tpu.memref_slice %arg8[%dma_start3A_54, %dma_start3A_55] : memref<4x128xi32, #tpu.memory_space<vmem>> -> memref<1x128xi32, #tpu.memory_space<vmem>>
    %dma_start3A_57 = tpu.memref_squeeze %dma_start3A_56 : memref<1x128xi32, #tpu.memory_space<vmem>> -> memref<128xi32, #tpu.memory_space<vmem>>
    %dma_start3A_58 = arith.constant 0 : i32
    %dma_start3A_59 = tpu.memref_slice %arg4[%add3A, %dma_start3A_53, %dma_start3A_58] : memref<32x84x128xi32, #tpu.memory_space<hbm>> -> memref<1x1x128xi32, #tpu.memory_space<hbm>>
    %dma_start3A_60 = tpu.memref_squeeze %dma_start3A_59 : memref<1x1x128xi32, #tpu.memory_space<hbm>> -> memref<128xi32, #tpu.memory_space<hbm>>
    %dma_start3A_61 = arith.constant 0 : i32
    %dma_start3A_62 = tpu.memref_slice %arg8[%dma_start3A_54, %dma_start3A_61] : memref<4x128xi32, #tpu.memory_space<vmem>> -> memref<1x128xi32, #tpu.memory_space<vmem>>
    %dma_start3A_63 = tpu.memref_squeeze %dma_start3A_62 : memref<1x128xi32, #tpu.memory_space<vmem>> -> memref<128xi32, #tpu.memory_space<vmem>>
    %dma_start3A_64 = arith.constant 0 : i32
    %dma_start3A_65 = tpu.memref_slice %arg4[%add3A, %dma_start3A_53, %dma_start3A_64] : memref<32x84x128xi32, #tpu.memory_space<hbm>> -> memref<1x1x128xi32, #tpu.memory_space<hbm>>
    %dma_start3A_66 = tpu.memref_squeeze %dma_start3A_65 : memref<1x1x128xi32, #tpu.memory_space<hbm>> -> memref<128xi32, #tpu.memory_space<hbm>>
    tpu.enqueue_dma source(%dma_start3A_66 : memref<128xi32, #tpu.memory_space<hbm>>) target(%dma_start3A_63 : memref<128xi32, #tpu.memory_space<vmem>>) target_semaphore(%arg22 : memref<!tpu.dma_semaphore, #tpu.memory_space<semaphore_mem>>)
    %dma_start3A_67 = arith.constant 0 : i32
    %dma_start3A_68 = arith.constant 0 : i32
    %dma_start3A_69 = tpu.memref_slice %arg7[%dma_start3A_67, %dma_start3A_68] : memref<4x128xi32, #tpu.memory_space<vmem>> -> memref<1x128xi32, #tpu.memory_space<vmem>>
    %dma_start3A_70 = tpu.memref_squeeze %dma_start3A_69 : memref<1x128xi32, #tpu.memory_space<vmem>> -> memref<128xi32, #tpu.memory_space<vmem>>
    %dma_start3A_71 = arith.constant 0 : i32
    %dma_start3A_72 = arith.constant 0 : i32
    %dma_start3A_73 = tpu.memref_slice %arg2[%dma_start3A_71, %dma_start3A_72] : memref<10000x128xf32, #tpu.memory_space<hbm>> -> memref<10000x128xf32, #tpu.memory_space<hbm>>
    tpu.enqueue_indirect_dma source(%dma_start3A_73 : memref<10000x128xf32, #tpu.memory_space<hbm>>) target(%arg9 : memref<128x128xf32, #tpu.memory_space<vmem>>) offsets(%dma_start3A_70 : memref<128xi32, #tpu.memory_space<vmem>>) semaphore(%arg12 : memref<!tpu.dma_semaphore, #tpu.memory_space<semaphore_mem>>)
    %dma_start3A_74 = arith.constant 1 : i32
    %dma_start3A_75 = arith.constant 0 : i32
    %dma_start3A_76 = tpu.memref_slice %arg7[%dma_start3A_74, %dma_start3A_75] : memref<4x128xi32, #tpu.memory_space<vmem>> -> memref<1x128xi32, #tpu.memory_space<vmem>>
    %dma_start3A_77 = tpu.memref_squeeze %dma_start3A_76 : memref<1x128xi32, #tpu.memory_space<vmem>> -> memref<128xi32, #tpu.memory_space<vmem>>
    %dma_start3A_78 = arith.constant 0 : i32
    %dma_start3A_79 = arith.constant 0 : i32
    %dma_start3A_80 = tpu.memref_slice %arg2[%dma_start3A_78, %dma_start3A_79] : memref<10000x128xf32, #tpu.memory_space<hbm>> -> memref<10000x128xf32, #tpu.memory_space<hbm>>
    tpu.enqueue_indirect_dma source(%dma_start3A_80 : memref<10000x128xf32, #tpu.memory_space<hbm>>) target(%arg10 : memref<128x128xf32, #tpu.memory_space<vmem>>) offsets(%dma_start3A_77 : memref<128xi32, #tpu.memory_space<vmem>>) semaphore(%arg13 : memref<!tpu.dma_semaphore, #tpu.memory_space<semaphore_mem>>)
    %barrier3A = arith.constant 0 : index
    tpu.barrier barrier_id(%barrier3A)
    %scan3A = arith.constant 0 : i32
    %scan3A_81 = arith.constant 0 : i32
    %scan3A_82 = arith.constant 20 : i32
    %scan3A_83 = arith.addi %scan3A_81, %scan3A_82 : i32
    %scan3A_84 = arith.constant 1 : i32
    scf.for %scan3A_160 = %scan3A_81 to %scan3A_83 step %scan3A_84  : i32 {
      %mul3A_161 = arith.constant 4 : i32
      %mul3A_162 = arith.muli %mul3A_161, %scan3A_160 : i32
      %add3A_163 = arith.constant 0 : i32
      %add3A_164 = arith.addi %mul3A_162, %add3A_163 : i32
      %dma_wait3A_165 = arith.constant 0 : i32
      %dma_wait3A_166 = arith.constant 0 : i32
      %dma_wait3A_167 = tpu.memref_slice %arg7[%dma_wait3A_165, %dma_wait3A_166] : memref<4x128xi32, #tpu.memory_space<vmem>> -> memref<1x128xi32, #tpu.memory_space<vmem>>
      %dma_wait3A_168 = tpu.memref_squeeze %dma_wait3A_167 : memref<1x128xi32, #tpu.memory_space<vmem>> -> memref<128xi32, #tpu.memory_space<vmem>>
      %dma_wait3A_169 = arith.constant 0 : i32
      %dma_wait3A_170 = arith.constant 0 : i32
      %dma_wait3A_171 = tpu.memref_slice %arg2[%dma_wait3A_169, %dma_wait3A_170] : memref<10000x128xf32, #tpu.memory_space<hbm>> -> memref<10000x128xf32, #tpu.memory_space<hbm>>
      tpu.wait_indirect_dma semaphore(%arg12 : memref<!tpu.dma_semaphore, #tpu.memory_space<semaphore_mem>>) src(%dma_wait3A_171 : memref<10000x128xf32, #tpu.memory_space<hbm>>) dst(%arg9 : memref<128x128xf32, #tpu.memory_space<vmem>>)
      %dma_start3A_172 = arith.constant 0 : i32
      %dma_start3A_173 = arith.constant 0 : i32
      %dma_start3A_174 = tpu.memref_slice %arg8[%dma_start3A_172, %dma_start3A_173] : memref<4x128xi32, #tpu.memory_space<vmem>> -> memref<1x128xi32, #tpu.memory_space<vmem>>
      %dma_start3A_175 = tpu.memref_squeeze %dma_start3A_174 : memref<1x128xi32, #tpu.memory_space<vmem>> -> memref<128xi32, #tpu.memory_space<vmem>>
      %dma_start3A_176 = arith.constant 0 : i32
      %dma_start3A_177 = arith.constant 0 : i32
      %dma_start3A_178 = tpu.memref_slice %arg11[%dma_start3A_176, %dma_start3A_177] : memref<10112x128xf32, #tpu.memory_space<vmem_shared>> -> memref<10112x128xf32, #tpu.memory_space<vmem_shared>>
      tpu.enqueue_indirect_dma source(%arg9 : memref<128x128xf32, #tpu.memory_space<vmem>>) target(%dma_start3A_178 : memref<10112x128xf32, #tpu.memory_space<vmem_shared>>) offsets(%dma_start3A_175 : memref<128xi32, #tpu.memory_space<vmem>>) semaphore(%arg14 : memref<!tpu.dma_semaphore, #tpu.memory_space<semaphore_mem>>) {add = true}
      %dma_wait3A_179 = arith.constant 0 : i32
      %dma_wait3A_180 = arith.constant 0 : i32
      %dma_wait3A_181 = tpu.memref_slice %arg8[%dma_wait3A_179, %dma_wait3A_180] : memref<4x128xi32, #tpu.memory_space<vmem>> -> memref<1x128xi32, #tpu.memory_space<vmem>>
      %dma_wait3A_182 = tpu.memref_squeeze %dma_wait3A_181 : memref<1x128xi32, #tpu.memory_space<vmem>> -> memref<128xi32, #tpu.memory_space<vmem>>
      %dma_wait3A_183 = arith.constant 0 : i32
      %dma_wait3A_184 = arith.constant 0 : i32
      %dma_wait3A_185 = tpu.memref_slice %arg11[%dma_wait3A_183, %dma_wait3A_184] : memref<10112x128xf32, #tpu.memory_space<vmem_shared>> -> memref<10112x128xf32, #tpu.memory_space<vmem_shared>>
      tpu.wait_indirect_dma semaphore(%arg14 : memref<!tpu.dma_semaphore, #tpu.memory_space<semaphore_mem>>) src(%arg9 : memref<128x128xf32, #tpu.memory_space<vmem>>) dst(%dma_wait3A_185 : memref<10112x128xf32, #tpu.memory_space<vmem_shared>>)
      %add3A_186 = arith.constant 4 : i32
      %add3A_187 = arith.addi %add3A_164, %add3A_186 : i32
      %dma_start3A_188 = arith.constant 0 : i32
      %dma_start3A_189 = arith.constant 0 : i32
      %dma_start3A_190 = tpu.memref_slice %arg7[%dma_start3A_188, %dma_start3A_189] : memref<4x128xi32, #tpu.memory_space<vmem>> -> memref<1x128xi32, #tpu.memory_space<vmem>>
      %dma_start3A_191 = tpu.memref_squeeze %dma_start3A_190 : memref<1x128xi32, #tpu.memory_space<vmem>> -> memref<128xi32, #tpu.memory_space<vmem>>
      %dma_start3A_192 = arith.constant 0 : i32
      %dma_start3A_193 = tpu.memref_slice %arg3[%add3A, %add3A_187, %dma_start3A_192] : memref<32x84x128xi32, #tpu.memory_space<hbm>> -> memref<1x1x128xi32, #tpu.memory_space<hbm>>
      %dma_start3A_194 = tpu.memref_squeeze %dma_start3A_193 : memref<1x1x128xi32, #tpu.memory_space<hbm>> -> memref<128xi32, #tpu.memory_space<hbm>>
      %dma_start3A_195 = arith.constant 0 : i32
      %dma_start3A_196 = tpu.memref_slice %arg7[%dma_start3A_188, %dma_start3A_195] : memref<4x128xi32, #tpu.memory_space<vmem>> -> memref<1x128xi32, #tpu.memory_space<vmem>>
      %dma_start3A_197 = tpu.memref_squeeze %dma_start3A_196 : memref<1x128xi32, #tpu.memory_space<vmem>> -> memref<128xi32, #tpu.memory_space<vmem>>
      %dma_start3A_198 = arith.constant 0 : i32
      %dma_start3A_199 = tpu.memref_slice %arg3[%add3A, %add3A_187, %dma_start3A_198] : memref<32x84x128xi32, #tpu.memory_space<hbm>> -> memref<1x1x128xi32, #tpu.memory_space<hbm>>
      %dma_start3A_200 = tpu.memref_squeeze %dma_start3A_199 : memref<1x1x128xi32, #tpu.memory_space<hbm>> -> memref<128xi32, #tpu.memory_space<hbm>>
      tpu.enqueue_dma source(%dma_start3A_200 : memref<128xi32, #tpu.memory_space<hbm>>) target(%dma_start3A_197 : memref<128xi32, #tpu.memory_space<vmem>>) target_semaphore(%arg15 : memref<!tpu.dma_semaphore, #tpu.memory_space<semaphore_mem>>)
      %add3A_201 = arith.constant 4 : i32
      %add3A_202 = arith.addi %add3A_164, %add3A_201 : i32
      %dma_start3A_203 = arith.constant 0 : i32
      %dma_start3A_204 = arith.constant 0 : i32
      %dma_start3A_205 = tpu.memref_slice %arg8[%dma_start3A_203, %dma_start3A_204] : memref<4x128xi32, #tpu.memory_space<vmem>> -> memref<1x128xi32, #tpu.memory_space<vmem>>
      %dma_start3A_206 = tpu.memref_squeeze %dma_start3A_205 : memref<1x128xi32, #tpu.memory_space<vmem>> -> memref<128xi32, #tpu.memory_space<vmem>>
      %dma_start3A_207 = arith.constant 0 : i32
      %dma_start3A_208 = tpu.memref_slice %arg4[%add3A, %add3A_202, %dma_start3A_207] : memref<32x84x128xi32, #tpu.memory_space<hbm>> -> memref<1x1x128xi32, #tpu.memory_space<hbm>>
      %dma_start3A_209 = tpu.memref_squeeze %dma_start3A_208 : memref<1x1x128xi32, #tpu.memory_space<hbm>> -> memref<128xi32, #tpu.memory_space<hbm>>
      %dma_start3A_210 = arith.constant 0 : i32
      %dma_start3A_211 = tpu.memref_slice %arg8[%dma_start3A_203, %dma_start3A_210] : memref<4x128xi32, #tpu.memory_space<vmem>> -> memref<1x128xi32, #tpu.memory_space<vmem>>
      %dma_start3A_212 = tpu.memref_squeeze %dma_start3A_211 : memref<1x128xi32, #tpu.memory_space<vmem>> -> memref<128xi32, #tpu.memory_space<vmem>>
      %dma_start3A_213 = arith.constant 0 : i32
      %dma_start3A_214 = tpu.memref_slice %arg4[%add3A, %add3A_202, %dma_start3A_213] : memref<32x84x128xi32, #tpu.memory_space<hbm>> -> memref<1x1x128xi32, #tpu.memory_space<hbm>>
      %dma_start3A_215 = tpu.memref_squeeze %dma_start3A_214 : memref<1x1x128xi32, #tpu.memory_space<hbm>> -> memref<128xi32, #tpu.memory_space<hbm>>
      tpu.enqueue_dma source(%dma_start3A_215 : memref<128xi32, #tpu.memory_space<hbm>>) target(%dma_start3A_212 : memref<128xi32, #tpu.memory_space<vmem>>) target_semaphore(%arg19 : memref<!tpu.dma_semaphore, #tpu.memory_space<semaphore_mem>>)
      %dma_wait3A_216 = arith.constant 0 : i32
      %dma_wait3A_217 = arith.constant 2 : i32
      %dma_wait3A_218 = arith.constant 0 : i32
      %dma_wait3A_219 = tpu.memref_slice %arg7[%dma_wait3A_217, %dma_wait3A_218] : memref<4x128xi32, #tpu.memory_space<vmem>> -> memref<1x128xi32, #tpu.memory_space<vmem>>
      %dma_wait3A_220 = tpu.memref_squeeze %dma_wait3A_219 : memref<1x128xi32, #tpu.memory_space<vmem>> -> memref<128xi32, #tpu.memory_space<vmem>>
      %dma_wait3A_221 = arith.constant 0 : i32
      %dma_wait3A_222 = tpu.memref_slice %arg3[%add3A, %dma_wait3A_216, %dma_wait3A_221] : memref<32x84x128xi32, #tpu.memory_space<hbm>> -> memref<1x1x128xi32, #tpu.memory_space<hbm>>
      %dma_wait3A_223 = tpu.memref_squeeze %dma_wait3A_222 : memref<1x1x128xi32, #tpu.memory_space<hbm>> -> memref<128xi32, #tpu.memory_space<hbm>>
      %dma_wait3A_224 = arith.constant 0 : i32
      %dma_wait3A_225 = tpu.memref_slice %arg7[%dma_wait3A_217, %dma_wait3A_224] : memref<4x128xi32, #tpu.memory_space<vmem>> -> memref<1x128xi32, #tpu.memory_space<vmem>>
      %dma_wait3A_226 = tpu.memref_squeeze %dma_wait3A_225 : memref<1x128xi32, #tpu.memory_space<vmem>> -> memref<128xi32, #tpu.memory_space<vmem>>
      %dma_wait3A_227 = arith.constant 0 : i32
      %dma_wait3A_228 = tpu.memref_slice %arg3[%add3A, %dma_wait3A_216, %dma_wait3A_227] : memref<32x84x128xi32, #tpu.memory_space<hbm>> -> memref<1x1x128xi32, #tpu.memory_space<hbm>>
      %dma_wait3A_229 = tpu.memref_squeeze %dma_wait3A_228 : memref<1x1x128xi32, #tpu.memory_space<hbm>> -> memref<128xi32, #tpu.memory_space<hbm>>
      tpu.wait_dma2 semaphore(%arg17 : memref<!tpu.dma_semaphore, #tpu.memory_space<semaphore_mem>>) src(%dma_wait3A_229 : memref<128xi32, #tpu.memory_space<hbm>>) dst(%dma_wait3A_226 : memref<128xi32, #tpu.memory_space<vmem>>)
      %dma_wait3A_230 = arith.constant 0 : i32
      %dma_wait3A_231 = arith.constant 2 : i32
      %dma_wait3A_232 = arith.constant 0 : i32
      %dma_wait3A_233 = tpu.memref_slice %arg8[%dma_wait3A_231, %dma_wait3A_232] : memref<4x128xi32, #tpu.memory_space<vmem>> -> memref<1x128xi32, #tpu.memory_space<vmem>>
      %dma_wait3A_234 = tpu.memref_squeeze %dma_wait3A_233 : memref<1x128xi32, #tpu.memory_space<vmem>> -> memref<128xi32, #tpu.memory_space<vmem>>
      %dma_wait3A_235 = arith.constant 0 : i32
      %dma_wait3A_236 = tpu.memref_slice %arg4[%add3A, %dma_wait3A_230, %dma_wait3A_235] : memref<32x84x128xi32, #tpu.memory_space<hbm>> -> memref<1x1x128xi32, #tpu.memory_space<hbm>>
      %dma_wait3A_237 = tpu.memref_squeeze %dma_wait3A_236 : memref<1x1x128xi32, #tpu.memory_space<hbm>> -> memref<128xi32, #tpu.memory_space<hbm>>
      %dma_wait3A_238 = arith.constant 0 : i32
      %dma_wait3A_239 = tpu.memref_slice %arg8[%dma_wait3A_231, %dma_wait3A_238] : memref<4x128xi32, #tpu.memory_space<vmem>> -> memref<1x128xi32, #tpu.memory_space<vmem>>
      %dma_wait3A_240 = tpu.memref_squeeze %dma_wait3A_239 : memref<1x128xi32, #tpu.memory_space<vmem>> -> memref<128xi32, #tpu.memory_space<vmem>>
      %dma_wait3A_241 = arith.constant 0 : i32
      %dma_wait3A_242 = tpu.memref_slice %arg4[%add3A, %dma_wait3A_230, %dma_wait3A_241] : memref<32x84x128xi32, #tpu.memory_space<hbm>> -> memref<1x1x128xi32, #tpu.memory_space<hbm>>
      %dma_wait3A_243 = tpu.memref_squeeze %dma_wait3A_242 : memref<1x1x128xi32, #tpu.memory_space<hbm>> -> memref<128xi32, #tpu.memory_space<hbm>>
      tpu.wait_dma2 semaphore(%arg21 : memref<!tpu.dma_semaphore, #tpu.memory_space<semaphore_mem>>) src(%dma_wait3A_243 : memref<128xi32, #tpu.memory_space<hbm>>) dst(%dma_wait3A_240 : memref<128xi32, #tpu.memory_space<vmem>>)
      %dma_start3A_244 = arith.constant 2 : i32
      %dma_start3A_245 = arith.constant 0 : i32
      %dma_start3A_246 = tpu.memref_slice %arg7[%dma_start3A_244, %dma_start3A_245] : memref<4x128xi32, #tpu.memory_space<vmem>> -> memref<1x128xi32, #tpu.memory_space<vmem>>
      %dma_start3A_247 = tpu.memref_squeeze %dma_start3A_246 : memref<1x128xi32, #tpu.memory_space<vmem>> -> memref<128xi32, #tpu.memory_space<vmem>>
      %dma_start3A_248 = arith.constant 0 : i32
      %dma_start3A_249 = arith.constant 0 : i32
      %dma_start3A_250 = tpu.memref_slice %arg2[%dma_start3A_248, %dma_start3A_249] : memref<10000x128xf32, #tpu.memory_space<hbm>> -> memref<10000x128xf32, #tpu.memory_space<hbm>>
      tpu.enqueue_indirect_dma source(%dma_start3A_250 : memref<10000x128xf32, #tpu.memory_space<hbm>>) target(%arg9 : memref<128x128xf32, #tpu.memory_space<vmem>>) offsets(%dma_start3A_247 : memref<128xi32, #tpu.memory_space<vmem>>) semaphore(%arg12 : memref<!tpu.dma_semaphore, #tpu.memory_space<semaphore_mem>>)
      %mul3A_251 = arith.constant 4 : i32
      %mul3A_252 = arith.muli %mul3A_251, %scan3A_160 : i32
      %add3A_253 = arith.constant 1 : i32
      %add3A_254 = arith.addi %mul3A_252, %add3A_253 : i32
      %dma_wait3A_255 = arith.constant 1 : i32
      %dma_wait3A_256 = arith.constant 0 : i32
      %dma_wait3A_257 = tpu.memref_slice %arg7[%dma_wait3A_255, %dma_wait3A_256] : memref<4x128xi32, #tpu.memory_space<vmem>> -> memref<1x128xi32, #tpu.memory_space<vmem>>
      %dma_wait3A_258 = tpu.memref_squeeze %dma_wait3A_257 : memref<1x128xi32, #tpu.memory_space<vmem>> -> memref<128xi32, #tpu.memory_space<vmem>>
      %dma_wait3A_259 = arith.constant 0 : i32
      %dma_wait3A_260 = arith.constant 0 : i32
      %dma_wait3A_261 = tpu.memref_slice %arg2[%dma_wait3A_259, %dma_wait3A_260] : memref<10000x128xf32, #tpu.memory_space<hbm>> -> memref<10000x128xf32, #tpu.memory_space<hbm>>
      tpu.wait_indirect_dma semaphore(%arg13 : memref<!tpu.dma_semaphore, #tpu.memory_space<semaphore_mem>>) src(%dma_wait3A_261 : memref<10000x128xf32, #tpu.memory_space<hbm>>) dst(%arg10 : memref<128x128xf32, #tpu.memory_space<vmem>>)
      %dma_start3A_262 = arith.constant 1 : i32
      %dma_start3A_263 = arith.constant 0 : i32
      %dma_start3A_264 = tpu.memref_slice %arg8[%dma_start3A_262, %dma_start3A_263] : memref<4x128xi32, #tpu.memory_space<vmem>> -> memref<1x128xi32, #tpu.memory_space<vmem>>
      %dma_start3A_265 = tpu.memref_squeeze %dma_start3A_264 : memref<1x128xi32, #tpu.memory_space<vmem>> -> memref<128xi32, #tpu.memory_space<vmem>>
      %dma_start3A_266 = arith.constant 0 : i32
      %dma_start3A_267 = arith.constant 0 : i32
      %dma_start3A_268 = tpu.memref_slice %arg11[%dma_start3A_266, %dma_start3A_267] : memref<10112x128xf32, #tpu.memory_space<vmem_shared>> -> memref<10112x128xf32, #tpu.memory_space<vmem_shared>>
      tpu.enqueue_indirect_dma source(%arg10 : memref<128x128xf32, #tpu.memory_space<vmem>>) target(%dma_start3A_268 : memref<10112x128xf32, #tpu.memory_space<vmem_shared>>) offsets(%dma_start3A_265 : memref<128xi32, #tpu.memory_space<vmem>>) semaphore(%arg14 : memref<!tpu.dma_semaphore, #tpu.memory_space<semaphore_mem>>) {add = true}
      %dma_wait3A_269 = arith.constant 1 : i32
      %dma_wait3A_270 = arith.constant 0 : i32
      %dma_wait3A_271 = tpu.memref_slice %arg8[%dma_wait3A_269, %dma_wait3A_270] : memref<4x128xi32, #tpu.memory_space<vmem>> -> memref<1x128xi32, #tpu.memory_space<vmem>>
      %dma_wait3A_272 = tpu.memref_squeeze %dma_wait3A_271 : memref<1x128xi32, #tpu.memory_space<vmem>> -> memref<128xi32, #tpu.memory_space<vmem>>
      %dma_wait3A_273 = arith.constant 0 : i32
      %dma_wait3A_274 = arith.constant 0 : i32
      %dma_wait3A_275 = tpu.memref_slice %arg11[%dma_wait3A_273, %dma_wait3A_274] : memref<10112x128xf32, #tpu.memory_space<vmem_shared>> -> memref<10112x128xf32, #tpu.memory_space<vmem_shared>>
      tpu.wait_indirect_dma semaphore(%arg14 : memref<!tpu.dma_semaphore, #tpu.memory_space<semaphore_mem>>) src(%arg10 : memref<128x128xf32, #tpu.memory_space<vmem>>) dst(%dma_wait3A_275 : memref<10112x128xf32, #tpu.memory_space<vmem_shared>>)
      %add3A_276 = arith.constant 4 : i32
      %add3A_277 = arith.addi %add3A_254, %add3A_276 : i32
      %dma_start3A_278 = arith.constant 1 : i32
      %dma_start3A_279 = arith.constant 0 : i32
      %dma_start3A_280 = tpu.memref_slice %arg7[%dma_start3A_278, %dma_start3A_279] : memref<4x128xi32, #tpu.memory_space<vmem>> -> memref<1x128xi32, #tpu.memory_space<vmem>>
      %dma_start3A_281 = tpu.memref_squeeze %dma_start3A_280 : memref<1x128xi32, #tpu.memory_space<vmem>> -> memref<128xi32, #tpu.memory_space<vmem>>
      %dma_start3A_282 = arith.constant 0 : i32
      %dma_start3A_283 = tpu.memref_slice %arg3[%add3A, %add3A_277, %dma_start3A_282] : memref<32x84x128xi32, #tpu.memory_space<hbm>> -> memref<1x1x128xi32, #tpu.memory_space<hbm>>
      %dma_start3A_284 = tpu.memref_squeeze %dma_start3A_283 : memref<1x1x128xi32, #tpu.memory_space<hbm>> -> memref<128xi32, #tpu.memory_space<hbm>>
      %dma_start3A_285 = arith.constant 0 : i32
      %dma_start3A_286 = tpu.memref_slice %arg7[%dma_start3A_278, %dma_start3A_285] : memref<4x128xi32, #tpu.memory_space<vmem>> -> memref<1x128xi32, #tpu.memory_space<vmem>>
      %dma_start3A_287 = tpu.memref_squeeze %dma_start3A_286 : memref<1x128xi32, #tpu.memory_space<vmem>> -> memref<128xi32, #tpu.memory_space<vmem>>
      %dma_start3A_288 = arith.constant 0 : i32
      %dma_start3A_289 = tpu.memref_slice %arg3[%add3A, %add3A_277, %dma_start3A_288] : memref<32x84x128xi32, #tpu.memory_space<hbm>> -> memref<1x1x128xi32, #tpu.memory_space<hbm>>
      %dma_start3A_290 = tpu.memref_squeeze %dma_start3A_289 : memref<1x1x128xi32, #tpu.memory_space<hbm>> -> memref<128xi32, #tpu.memory_space<hbm>>
      tpu.enqueue_dma source(%dma_start3A_290 : memref<128xi32, #tpu.memory_space<hbm>>) target(%dma_start3A_287 : memref<128xi32, #tpu.memory_space<vmem>>) target_semaphore(%arg16 : memref<!tpu.dma_semaphore, #tpu.memory_space<semaphore_mem>>)
      %add3A_291 = arith.constant 4 : i32
      %add3A_292 = arith.addi %add3A_254, %add3A_291 : i32
      %dma_start3A_293 = arith.constant 1 : i32
      %dma_start3A_294 = arith.constant 0 : i32
      %dma_start3A_295 = tpu.memref_slice %arg8[%dma_start3A_293, %dma_start3A_294] : memref<4x128xi32, #tpu.memory_space<vmem>> -> memref<1x128xi32, #tpu.memory_space<vmem>>
      %dma_start3A_296 = tpu.memref_squeeze %dma_start3A_295 : memref<1x128xi32, #tpu.memory_space<vmem>> -> memref<128xi32, #tpu.memory_space<vmem>>
      %dma_start3A_297 = arith.constant 0 : i32
      %dma_start3A_298 = tpu.memref_slice %arg4[%add3A, %add3A_292, %dma_start3A_297] : memref<32x84x128xi32, #tpu.memory_space<hbm>> -> memref<1x1x128xi32, #tpu.memory_space<hbm>>
      %dma_start3A_299 = tpu.memref_squeeze %dma_start3A_298 : memref<1x1x128xi32, #tpu.memory_space<hbm>> -> memref<128xi32, #tpu.memory_space<hbm>>
      %dma_start3A_300 = arith.constant 0 : i32
      %dma_start3A_301 = tpu.memref_slice %arg8[%dma_start3A_293, %dma_start3A_300] : memref<4x128xi32, #tpu.memory_space<vmem>> -> memref<1x128xi32, #tpu.memory_space<vmem>>
      %dma_start3A_302 = tpu.memref_squeeze %dma_start3A_301 : memref<1x128xi32, #tpu.memory_space<vmem>> -> memref<128xi32, #tpu.memory_space<vmem>>
      %dma_start3A_303 = arith.constant 0 : i32
      %dma_start3A_304 = tpu.memref_slice %arg4[%add3A, %add3A_292, %dma_start3A_303] : memref<32x84x128xi32, #tpu.memory_space<hbm>> -> memref<1x1x128xi32, #tpu.memory_space<hbm>>
      %dma_start3A_305 = tpu.memref_squeeze %dma_start3A_304 : memref<1x1x128xi32, #tpu.memory_space<hbm>> -> memref<128xi32, #tpu.memory_space<hbm>>
      tpu.enqueue_dma source(%dma_start3A_305 : memref<128xi32, #tpu.memory_space<hbm>>) target(%dma_start3A_302 : memref<128xi32, #tpu.memory_space<vmem>>) target_semaphore(%arg20 : memref<!tpu.dma_semaphore, #tpu.memory_space<semaphore_mem>>)
      %dma_wait3A_306 = arith.constant 0 : i32
      %dma_wait3A_307 = arith.constant 3 : i32
      %dma_wait3A_308 = arith.constant 0 : i32
      %dma_wait3A_309 = tpu.memref_slice %arg7[%dma_wait3A_307, %dma_wait3A_308] : memref<4x128xi32, #tpu.memory_space<vmem>> -> memref<1x128xi32, #tpu.memory_space<vmem>>
      %dma_wait3A_310 = tpu.memref_squeeze %dma_wait3A_309 : memref<1x128xi32, #tpu.memory_space<vmem>> -> memref<128xi32, #tpu.memory_space<vmem>>
      %dma_wait3A_311 = arith.constant 0 : i32
      %dma_wait3A_312 = tpu.memref_slice %arg3[%add3A, %dma_wait3A_306, %dma_wait3A_311] : memref<32x84x128xi32, #tpu.memory_space<hbm>> -> memref<1x1x128xi32, #tpu.memory_space<hbm>>
      %dma_wait3A_313 = tpu.memref_squeeze %dma_wait3A_312 : memref<1x1x128xi32, #tpu.memory_space<hbm>> -> memref<128xi32, #tpu.memory_space<hbm>>
      %dma_wait3A_314 = arith.constant 0 : i32
      %dma_wait3A_315 = tpu.memref_slice %arg7[%dma_wait3A_307, %dma_wait3A_314] : memref<4x128xi32, #tpu.memory_space<vmem>> -> memref<1x128xi32, #tpu.memory_space<vmem>>
      %dma_wait3A_316 = tpu.memref_squeeze %dma_wait3A_315 : memref<1x128xi32, #tpu.memory_space<vmem>> -> memref<128xi32, #tpu.memory_space<vmem>>
      %dma_wait3A_317 = arith.constant 0 : i32
      %dma_wait3A_318 = tpu.memref_slice %arg3[%add3A, %dma_wait3A_306, %dma_wait3A_317] : memref<32x84x128xi32, #tpu.memory_space<hbm>> -> memref<1x1x128xi32, #tpu.memory_space<hbm>>
      %dma_wait3A_319 = tpu.memref_squeeze %dma_wait3A_318 : memref<1x1x128xi32, #tpu.memory_space<hbm>> -> memref<128xi32, #tpu.memory_space<hbm>>
      tpu.wait_dma2 semaphore(%arg18 : memref<!tpu.dma_semaphore, #tpu.memory_space<semaphore_mem>>) src(%dma_wait3A_319 : memref<128xi32, #tpu.memory_space<hbm>>) dst(%dma_wait3A_316 : memref<128xi32, #tpu.memory_space<vmem>>)
      %dma_wait3A_320 = arith.constant 0 : i32
      %dma_wait3A_321 = arith.constant 3 : i32
      %dma_wait3A_322 = arith.constant 0 : i32
      %dma_wait3A_323 = tpu.memref_slice %arg8[%dma_wait3A_321, %dma_wait3A_322] : memref<4x128xi32, #tpu.memory_space<vmem>> -> memref<1x128xi32, #tpu.memory_space<vmem>>
      %dma_wait3A_324 = tpu.memref_squeeze %dma_wait3A_323 : memref<1x128xi32, #tpu.memory_space<vmem>> -> memref<128xi32, #tpu.memory_space<vmem>>
      %dma_wait3A_325 = arith.constant 0 : i32
      %dma_wait3A_326 = tpu.memref_slice %arg4[%add3A, %dma_wait3A_320, %dma_wait3A_325] : memref<32x84x128xi32, #tpu.memory_space<hbm>> -> memref<1x1x128xi32, #tpu.memory_space<hbm>>
      %dma_wait3A_327 = tpu.memref_squeeze %dma_wait3A_326 : memref<1x1x128xi32, #tpu.memory_space<hbm>> -> memref<128xi32, #tpu.memory_space<hbm>>
      %dma_wait3A_328 = arith.constant 0 : i32
      %dma_wait3A_329 = tpu.memref_slice %arg8[%dma_wait3A_321, %dma_wait3A_328] : memref<4x128xi32, #tpu.memory_space<vmem>> -> memref<1x128xi32, #tpu.memory_space<vmem>>
      %dma_wait3A_330 = tpu.memref_squeeze %dma_wait3A_329 : memref<1x128xi32, #tpu.memory_space<vmem>> -> memref<128xi32, #tpu.memory_space<vmem>>
      %dma_wait3A_331 = arith.constant 0 : i32
      %dma_wait3A_332 = tpu.memref_slice %arg4[%add3A, %dma_wait3A_320, %dma_wait3A_331] : memref<32x84x128xi32, #tpu.memory_space<hbm>> -> memref<1x1x128xi32, #tpu.memory_space<hbm>>
      %dma_wait3A_333 = tpu.memref_squeeze %dma_wait3A_332 : memref<1x1x128xi32, #tpu.memory_space<hbm>> -> memref<128xi32, #tpu.memory_space<hbm>>
      tpu.wait_dma2 semaphore(%arg22 : memref<!tpu.dma_semaphore, #tpu.memory_space<semaphore_mem>>) src(%dma_wait3A_333 : memref<128xi32, #tpu.memory_space<hbm>>) dst(%dma_wait3A_330 : memref<128xi32, #tpu.memory_space<vmem>>)
      %dma_start3A_334 = arith.constant 3 : i32
      %dma_start3A_335 = arith.constant 0 : i32
      %dma_start3A_336 = tpu.memref_slice %arg7[%dma_start3A_334, %dma_start3A_335] : memref<4x128xi32, #tpu.memory_space<vmem>> -> memref<1x128xi32, #tpu.memory_space<vmem>>
      %dma_start3A_337 = tpu.memref_squeeze %dma_start3A_336 : memref<1x128xi32, #tpu.memory_space<vmem>> -> memref<128xi32, #tpu.memory_space<vmem>>
      %dma_start3A_338 = arith.constant 0 : i32
      %dma_start3A_339 = arith.constant 0 : i32
      %dma_start3A_340 = tpu.memref_slice %arg2[%dma_start3A_338, %dma_start3A_339] : memref<10000x128xf32, #tpu.memory_space<hbm>> -> memref<10000x128xf32, #tpu.memory_space<hbm>>
      tpu.enqueue_indirect_dma source(%dma_start3A_340 : memref<10000x128xf32, #tpu.memory_space<hbm>>) target(%arg10 : memref<128x128xf32, #tpu.memory_space<vmem>>) offsets(%dma_start3A_337 : memref<128xi32, #tpu.memory_space<vmem>>) semaphore(%arg13 : memref<!tpu.dma_semaphore, #tpu.memory_space<semaphore_mem>>)
      %mul3A_341 = arith.constant 4 : i32
      %mul3A_342 = arith.muli %mul3A_341, %scan3A_160 : i32
      %add3A_343 = arith.constant 2 : i32
      %add3A_344 = arith.addi %mul3A_342, %add3A_343 : i32
      %dma_wait3A_345 = arith.constant 2 : i32
      %dma_wait3A_346 = arith.constant 0 : i32
      %dma_wait3A_347 = tpu.memref_slice %arg7[%dma_wait3A_345, %dma_wait3A_346] : memref<4x128xi32, #tpu.memory_space<vmem>> -> memref<1x128xi32, #tpu.memory_space<vmem>>
      %dma_wait3A_348 = tpu.memref_squeeze %dma_wait3A_347 : memref<1x128xi32, #tpu.memory_space<vmem>> -> memref<128xi32, #tpu.memory_space<vmem>>
      %dma_wait3A_349 = arith.constant 0 : i32
      %dma_wait3A_350 = arith.constant 0 : i32
      %dma_wait3A_351 = tpu.memref_slice %arg2[%dma_wait3A_349, %dma_wait3A_350] : memref<10000x128xf32, #tpu.memory_space<hbm>> -> memref<10000x128xf32, #tpu.memory_space<hbm>>
      tpu.wait_indirect_dma semaphore(%arg12 : memref<!tpu.dma_semaphore, #tpu.memory_space<semaphore_mem>>) src(%dma_wait3A_351 : memref<10000x128xf32, #tpu.memory_space<hbm>>) dst(%arg9 : memref<128x128xf32, #tpu.memory_space<vmem>>)
      %dma_start3A_352 = arith.constant 2 : i32
      %dma_start3A_353 = arith.constant 0 : i32
      %dma_start3A_354 = tpu.memref_slice %arg8[%dma_start3A_352, %dma_start3A_353] : memref<4x128xi32, #tpu.memory_space<vmem>> -> memref<1x128xi32, #tpu.memory_space<vmem>>
      %dma_start3A_355 = tpu.memref_squeeze %dma_start3A_354 : memref<1x128xi32, #tpu.memory_space<vmem>> -> memref<128xi32, #tpu.memory_space<vmem>>
      %dma_start3A_356 = arith.constant 0 : i32
      %dma_start3A_357 = arith.constant 0 : i32
      %dma_start3A_358 = tpu.memref_slice %arg11[%dma_start3A_356, %dma_start3A_357] : memref<10112x128xf32, #tpu.memory_space<vmem_shared>> -> memref<10112x128xf32, #tpu.memory_space<vmem_shared>>
      tpu.enqueue_indirect_dma source(%arg9 : memref<128x128xf32, #tpu.memory_space<vmem>>) target(%dma_start3A_358 : memref<10112x128xf32, #tpu.memory_space<vmem_shared>>) offsets(%dma_start3A_355 : memref<128xi32, #tpu.memory_space<vmem>>) semaphore(%arg14 : memref<!tpu.dma_semaphore, #tpu.memory_space<semaphore_mem>>) {add = true}
      %dma_wait3A_359 = arith.constant 2 : i32
      %dma_wait3A_360 = arith.constant 0 : i32
      %dma_wait3A_361 = tpu.memref_slice %arg8[%dma_wait3A_359, %dma_wait3A_360] : memref<4x128xi32, #tpu.memory_space<vmem>> -> memref<1x128xi32, #tpu.memory_space<vmem>>
      %dma_wait3A_362 = tpu.memref_squeeze %dma_wait3A_361 : memref<1x128xi32, #tpu.memory_space<vmem>> -> memref<128xi32, #tpu.memory_space<vmem>>
      %dma_wait3A_363 = arith.constant 0 : i32
      %dma_wait3A_364 = arith.constant 0 : i32
      %dma_wait3A_365 = tpu.memref_slice %arg11[%dma_wait3A_363, %dma_wait3A_364] : memref<10112x128xf32, #tpu.memory_space<vmem_shared>> -> memref<10112x128xf32, #tpu.memory_space<vmem_shared>>
      tpu.wait_indirect_dma semaphore(%arg14 : memref<!tpu.dma_semaphore, #tpu.memory_space<semaphore_mem>>) src(%arg9 : memref<128x128xf32, #tpu.memory_space<vmem>>) dst(%dma_wait3A_365 : memref<10112x128xf32, #tpu.memory_space<vmem_shared>>)
      %add3A_366 = arith.constant 4 : i32
      %add3A_367 = arith.addi %add3A_344, %add3A_366 : i32
      %dma_start3A_368 = arith.constant 2 : i32
      %dma_start3A_369 = arith.constant 0 : i32
      %dma_start3A_370 = tpu.memref_slice %arg7[%dma_start3A_368, %dma_start3A_369] : memref<4x128xi32, #tpu.memory_space<vmem>> -> memref<1x128xi32, #tpu.memory_space<vmem>>
      %dma_start3A_371 = tpu.memref_squeeze %dma_start3A_370 : memref<1x128xi32, #tpu.memory_space<vmem>> -> memref<128xi32, #tpu.memory_space<vmem>>
      %dma_start3A_372 = arith.constant 0 : i32
      %dma_start3A_373 = tpu.memref_slice %arg3[%add3A, %add3A_367, %dma_start3A_372] : memref<32x84x128xi32, #tpu.memory_space<hbm>> -> memref<1x1x128xi32, #tpu.memory_space<hbm>>
      %dma_start3A_374 = tpu.memref_squeeze %dma_start3A_373 : memref<1x1x128xi32, #tpu.memory_space<hbm>> -> memref<128xi32, #tpu.memory_space<hbm>>
      %dma_start3A_375 = arith.constant 0 : i32
      %dma_start3A_376 = tpu.memref_slice %arg7[%dma_start3A_368, %dma_start3A_375] : memref<4x128xi32, #tpu.memory_space<vmem>> -> memref<1x128xi32, #tpu.memory_space<vmem>>
      %dma_start3A_377 = tpu.memref_squeeze %dma_start3A_376 : memref<1x128xi32, #tpu.memory_space<vmem>> -> memref<128xi32, #tpu.memory_space<vmem>>
      %dma_start3A_378 = arith.constant 0 : i32
      %dma_start3A_379 = tpu.memref_slice %arg3[%add3A, %add3A_367, %dma_start3A_378] : memref<32x84x128xi32, #tpu.memory_space<hbm>> -> memref<1x1x128xi32, #tpu.memory_space<hbm>>
      %dma_start3A_380 = tpu.memref_squeeze %dma_start3A_379 : memref<1x1x128xi32, #tpu.memory_space<hbm>> -> memref<128xi32, #tpu.memory_space<hbm>>
      tpu.enqueue_dma source(%dma_start3A_380 : memref<128xi32, #tpu.memory_space<hbm>>) target(%dma_start3A_377 : memref<128xi32, #tpu.memory_space<vmem>>) target_semaphore(%arg17 : memref<!tpu.dma_semaphore, #tpu.memory_space<semaphore_mem>>)
      %add3A_381 = arith.constant 4 : i32
      %add3A_382 = arith.addi %add3A_344, %add3A_381 : i32
      %dma_start3A_383 = arith.constant 2 : i32
      %dma_start3A_384 = arith.constant 0 : i32
      %dma_start3A_385 = tpu.memref_slice %arg8[%dma_start3A_383, %dma_start3A_384] : memref<4x128xi32, #tpu.memory_space<vmem>> -> memref<1x128xi32, #tpu.memory_space<vmem>>
      %dma_start3A_386 = tpu.memref_squeeze %dma_start3A_385 : memref<1x128xi32, #tpu.memory_space<vmem>> -> memref<128xi32, #tpu.memory_space<vmem>>
      %dma_start3A_387 = arith.constant 0 : i32
      %dma_start3A_388 = tpu.memref_slice %arg4[%add3A, %add3A_382, %dma_start3A_387] : memref<32x84x128xi32, #tpu.memory_space<hbm>> -> memref<1x1x128xi32, #tpu.memory_space<hbm>>
      %dma_start3A_389 = tpu.memref_squeeze %dma_start3A_388 : memref<1x1x128xi32, #tpu.memory_space<hbm>> -> memref<128xi32, #tpu.memory_space<hbm>>
      %dma_start3A_390 = arith.constant 0 : i32
      %dma_start3A_391 = tpu.memref_slice %arg8[%dma_start3A_383, %dma_start3A_390] : memref<4x128xi32, #tpu.memory_space<vmem>> -> memref<1x128xi32, #tpu.memory_space<vmem>>
      %dma_start3A_392 = tpu.memref_squeeze %dma_start3A_391 : memref<1x128xi32, #tpu.memory_space<vmem>> -> memref<128xi32, #tpu.memory_space<vmem>>
      %dma_start3A_393 = arith.constant 0 : i32
      %dma_start3A_394 = tpu.memref_slice %arg4[%add3A, %add3A_382, %dma_start3A_393] : memref<32x84x128xi32, #tpu.memory_space<hbm>> -> memref<1x1x128xi32, #tpu.memory_space<hbm>>
      %dma_start3A_395 = tpu.memref_squeeze %dma_start3A_394 : memref<1x1x128xi32, #tpu.memory_space<hbm>> -> memref<128xi32, #tpu.memory_space<hbm>>
      tpu.enqueue_dma source(%dma_start3A_395 : memref<128xi32, #tpu.memory_space<hbm>>) target(%dma_start3A_392 : memref<128xi32, #tpu.memory_space<vmem>>) target_semaphore(%arg21 : memref<!tpu.dma_semaphore, #tpu.memory_space<semaphore_mem>>)
      %dma_wait3A_396 = arith.constant 0 : i32
      %dma_wait3A_397 = arith.constant 0 : i32
      %dma_wait3A_398 = arith.constant 0 : i32
      %dma_wait3A_399 = tpu.memref_slice %arg7[%dma_wait3A_397, %dma_wait3A_398] : memref<4x128xi32, #tpu.memory_space<vmem>> -> memref<1x128xi32, #tpu.memory_space<vmem>>
      %dma_wait3A_400 = tpu.memref_squeeze %dma_wait3A_399 : memref<1x128xi32, #tpu.memory_space<vmem>> -> memref<128xi32, #tpu.memory_space<vmem>>
      %dma_wait3A_401 = arith.constant 0 : i32
      %dma_wait3A_402 = tpu.memref_slice %arg3[%add3A, %dma_wait3A_396, %dma_wait3A_401] : memref<32x84x128xi32, #tpu.memory_space<hbm>> -> memref<1x1x128xi32, #tpu.memory_space<hbm>>
      %dma_wait3A_403 = tpu.memref_squeeze %dma_wait3A_402 : memref<1x1x128xi32, #tpu.memory_space<hbm>> -> memref<128xi32, #tpu.memory_space<hbm>>
      %dma_wait3A_404 = arith.constant 0 : i32
      %dma_wait3A_405 = tpu.memref_slice %arg7[%dma_wait3A_397, %dma_wait3A_404] : memref<4x128xi32, #tpu.memory_space<vmem>> -> memref<1x128xi32, #tpu.memory_space<vmem>>
      %dma_wait3A_406 = tpu.memref_squeeze %dma_wait3A_405 : memref<1x128xi32, #tpu.memory_space<vmem>> -> memref<128xi32, #tpu.memory_space<vmem>>
      %dma_wait3A_407 = arith.constant 0 : i32
      %dma_wait3A_408 = tpu.memref_slice %arg3[%add3A, %dma_wait3A_396, %dma_wait3A_407] : memref<32x84x128xi32, #tpu.memory_space<hbm>> -> memref<1x1x128xi32, #tpu.memory_space<hbm>>
      %dma_wait3A_409 = tpu.memref_squeeze %dma_wait3A_408 : memref<1x1x128xi32, #tpu.memory_space<hbm>> -> memref<128xi32, #tpu.memory_space<hbm>>
      tpu.wait_dma2 semaphore(%arg15 : memref<!tpu.dma_semaphore, #tpu.memory_space<semaphore_mem>>) src(%dma_wait3A_409 : memref<128xi32, #tpu.memory_space<hbm>>) dst(%dma_wait3A_406 : memref<128xi32, #tpu.memory_space<vmem>>)
      %dma_wait3A_410 = arith.constant 0 : i32
      %dma_wait3A_411 = arith.constant 0 : i32
      %dma_wait3A_412 = arith.constant 0 : i32
      %dma_wait3A_413 = tpu.memref_slice %arg8[%dma_wait3A_411, %dma_wait3A_412] : memref<4x128xi32, #tpu.memory_space<vmem>> -> memref<1x128xi32, #tpu.memory_space<vmem>>
      %dma_wait3A_414 = tpu.memref_squeeze %dma_wait3A_413 : memref<1x128xi32, #tpu.memory_space<vmem>> -> memref<128xi32, #tpu.memory_space<vmem>>
      %dma_wait3A_415 = arith.constant 0 : i32
      %dma_wait3A_416 = tpu.memref_slice %arg4[%add3A, %dma_wait3A_410, %dma_wait3A_415] : memref<32x84x128xi32, #tpu.memory_space<hbm>> -> memref<1x1x128xi32, #tpu.memory_space<hbm>>
      %dma_wait3A_417 = tpu.memref_squeeze %dma_wait3A_416 : memref<1x1x128xi32, #tpu.memory_space<hbm>> -> memref<128xi32, #tpu.memory_space<hbm>>
      %dma_wait3A_418 = arith.constant 0 : i32
      %dma_wait3A_419 = tpu.memref_slice %arg8[%dma_wait3A_411, %dma_wait3A_418] : memref<4x128xi32, #tpu.memory_space<vmem>> -> memref<1x128xi32, #tpu.memory_space<vmem>>
      %dma_wait3A_420 = tpu.memref_squeeze %dma_wait3A_419 : memref<1x128xi32, #tpu.memory_space<vmem>> -> memref<128xi32, #tpu.memory_space<vmem>>
      %dma_wait3A_421 = arith.constant 0 : i32
      %dma_wait3A_422 = tpu.memref_slice %arg4[%add3A, %dma_wait3A_410, %dma_wait3A_421] : memref<32x84x128xi32, #tpu.memory_space<hbm>> -> memref<1x1x128xi32, #tpu.memory_space<hbm>>
      %dma_wait3A_423 = tpu.memref_squeeze %dma_wait3A_422 : memref<1x1x128xi32, #tpu.memory_space<hbm>> -> memref<128xi32, #tpu.memory_space<hbm>>
      tpu.wait_dma2 semaphore(%arg19 : memref<!tpu.dma_semaphore, #tpu.memory_space<semaphore_mem>>) src(%dma_wait3A_423 : memref<128xi32, #tpu.memory_space<hbm>>) dst(%dma_wait3A_420 : memref<128xi32, #tpu.memory_space<vmem>>)
      %dma_start3A_424 = arith.constant 0 : i32
      %dma_start3A_425 = arith.constant 0 : i32
      %dma_start3A_426 = tpu.memref_slice %arg7[%dma_start3A_424, %dma_start3A_425] : memref<4x128xi32, #tpu.memory_space<vmem>> -> memref<1x128xi32, #tpu.memory_space<vmem>>
      %dma_start3A_427 = tpu.memref_squeeze %dma_start3A_426 : memref<1x128xi32, #tpu.memory_space<vmem>> -> memref<128xi32, #tpu.memory_space<vmem>>
      %dma_start3A_428 = arith.constant 0 : i32
      %dma_start3A_429 = arith.constant 0 : i32
      %dma_start3A_430 = tpu.memref_slice %arg2[%dma_start3A_428, %dma_start3A_429] : memref<10000x128xf32, #tpu.memory_space<hbm>> -> memref<10000x128xf32, #tpu.memory_space<hbm>>
      tpu.enqueue_indirect_dma source(%dma_start3A_430 : memref<10000x128xf32, #tpu.memory_space<hbm>>) target(%arg9 : memref<128x128xf32, #tpu.memory_space<vmem>>) offsets(%dma_start3A_427 : memref<128xi32, #tpu.memory_space<vmem>>) semaphore(%arg12 : memref<!tpu.dma_semaphore, #tpu.memory_space<semaphore_mem>>)
      %mul3A_431 = arith.constant 4 : i32
      %mul3A_432 = arith.muli %mul3A_431, %scan3A_160 : i32
      %add3A_433 = arith.constant 3 : i32
      %add3A_434 = arith.addi %mul3A_432, %add3A_433 : i32
      %dma_wait3A_435 = arith.constant 3 : i32
      %dma_wait3A_436 = arith.constant 0 : i32
      %dma_wait3A_437 = tpu.memref_slice %arg7[%dma_wait3A_435, %dma_wait3A_436] : memref<4x128xi32, #tpu.memory_space<vmem>> -> memref<1x128xi32, #tpu.memory_space<vmem>>
      %dma_wait3A_438 = tpu.memref_squeeze %dma_wait3A_437 : memref<1x128xi32, #tpu.memory_space<vmem>> -> memref<128xi32, #tpu.memory_space<vmem>>
      %dma_wait3A_439 = arith.constant 0 : i32
      %dma_wait3A_440 = arith.constant 0 : i32
      %dma_wait3A_441 = tpu.memref_slice %arg2[%dma_wait3A_439, %dma_wait3A_440] : memref<10000x128xf32, #tpu.memory_space<hbm>> -> memref<10000x128xf32, #tpu.memory_space<hbm>>
      tpu.wait_indirect_dma semaphore(%arg13 : memref<!tpu.dma_semaphore, #tpu.memory_space<semaphore_mem>>) src(%dma_wait3A_441 : memref<10000x128xf32, #tpu.memory_space<hbm>>) dst(%arg10 : memref<128x128xf32, #tpu.memory_space<vmem>>)
      %dma_start3A_442 = arith.constant 3 : i32
      %dma_start3A_443 = arith.constant 0 : i32
      %dma_start3A_444 = tpu.memref_slice %arg8[%dma_start3A_442, %dma_start3A_443] : memref<4x128xi32, #tpu.memory_space<vmem>> -> memref<1x128xi32, #tpu.memory_space<vmem>>
      %dma_start3A_445 = tpu.memref_squeeze %dma_start3A_444 : memref<1x128xi32, #tpu.memory_space<vmem>> -> memref<128xi32, #tpu.memory_space<vmem>>
      %dma_start3A_446 = arith.constant 0 : i32
      %dma_start3A_447 = arith.constant 0 : i32
      %dma_start3A_448 = tpu.memref_slice %arg11[%dma_start3A_446, %dma_start3A_447] : memref<10112x128xf32, #tpu.memory_space<vmem_shared>> -> memref<10112x128xf32, #tpu.memory_space<vmem_shared>>
      tpu.enqueue_indirect_dma source(%arg10 : memref<128x128xf32, #tpu.memory_space<vmem>>) target(%dma_start3A_448 : memref<10112x128xf32, #tpu.memory_space<vmem_shared>>) offsets(%dma_start3A_445 : memref<128xi32, #tpu.memory_space<vmem>>) semaphore(%arg14 : memref<!tpu.dma_semaphore, #tpu.memory_space<semaphore_mem>>) {add = true}
      %dma_wait3A_449 = arith.constant 3 : i32
      %dma_wait3A_450 = arith.constant 0 : i32
      %dma_wait3A_451 = tpu.memref_slice %arg8[%dma_wait3A_449, %dma_wait3A_450] : memref<4x128xi32, #tpu.memory_space<vmem>> -> memref<1x128xi32, #tpu.memory_space<vmem>>
      %dma_wait3A_452 = tpu.memref_squeeze %dma_wait3A_451 : memref<1x128xi32, #tpu.memory_space<vmem>> -> memref<128xi32, #tpu.memory_space<vmem>>
      %dma_wait3A_453 = arith.constant 0 : i32
      %dma_wait3A_454 = arith.constant 0 : i32
      %dma_wait3A_455 = tpu.memref_slice %arg11[%dma_wait3A_453, %dma_wait3A_454] : memref<10112x128xf32, #tpu.memory_space<vmem_shared>> -> memref<10112x128xf32, #tpu.memory_space<vmem_shared>>
      tpu.wait_indirect_dma semaphore(%arg14 : memref<!tpu.dma_semaphore, #tpu.memory_space<semaphore_mem>>) src(%arg10 : memref<128x128xf32, #tpu.memory_space<vmem>>) dst(%dma_wait3A_455 : memref<10112x128xf32, #tpu.memory_space<vmem_shared>>)
      %add3A_456 = arith.constant 4 : i32
      %add3A_457 = arith.addi %add3A_434, %add3A_456 : i32
      %dma_start3A_458 = arith.constant 3 : i32
      %dma_start3A_459 = arith.constant 0 : i32
      %dma_start3A_460 = tpu.memref_slice %arg7[%dma_start3A_458, %dma_start3A_459] : memref<4x128xi32, #tpu.memory_space<vmem>> -> memref<1x128xi32, #tpu.memory_space<vmem>>
      %dma_start3A_461 = tpu.memref_squeeze %dma_start3A_460 : memref<1x128xi32, #tpu.memory_space<vmem>> -> memref<128xi32, #tpu.memory_space<vmem>>
      %dma_start3A_462 = arith.constant 0 : i32
      %dma_start3A_463 = tpu.memref_slice %arg3[%add3A, %add3A_457, %dma_start3A_462] : memref<32x84x128xi32, #tpu.memory_space<hbm>> -> memref<1x1x128xi32, #tpu.memory_space<hbm>>
      %dma_start3A_464 = tpu.memref_squeeze %dma_start3A_463 : memref<1x1x128xi32, #tpu.memory_space<hbm>> -> memref<128xi32, #tpu.memory_space<hbm>>
      %dma_start3A_465 = arith.constant 0 : i32
      %dma_start3A_466 = tpu.memref_slice %arg7[%dma_start3A_458, %dma_start3A_465] : memref<4x128xi32, #tpu.memory_space<vmem>> -> memref<1x128xi32, #tpu.memory_space<vmem>>
      %dma_start3A_467 = tpu.memref_squeeze %dma_start3A_466 : memref<1x128xi32, #tpu.memory_space<vmem>> -> memref<128xi32, #tpu.memory_space<vmem>>
      %dma_start3A_468 = arith.constant 0 : i32
      %dma_start3A_469 = tpu.memref_slice %arg3[%add3A, %add3A_457, %dma_start3A_468] : memref<32x84x128xi32, #tpu.memory_space<hbm>> -> memref<1x1x128xi32, #tpu.memory_space<hbm>>
      %dma_start3A_470 = tpu.memref_squeeze %dma_start3A_469 : memref<1x1x128xi32, #tpu.memory_space<hbm>> -> memref<128xi32, #tpu.memory_space<hbm>>
      tpu.enqueue_dma source(%dma_start3A_470 : memref<128xi32, #tpu.memory_space<hbm>>) target(%dma_start3A_467 : memref<128xi32, #tpu.memory_space<vmem>>) target_semaphore(%arg18 : memref<!tpu.dma_semaphore, #tpu.memory_space<semaphore_mem>>)
      %add3A_471 = arith.constant 4 : i32
      %add3A_472 = arith.addi %add3A_434, %add3A_471 : i32
      %dma_start3A_473 = arith.constant 3 : i32
      %dma_start3A_474 = arith.constant 0 : i32
      %dma_start3A_475 = tpu.memref_slice %arg8[%dma_start3A_473, %dma_start3A_474] : memref<4x128xi32, #tpu.memory_space<vmem>> -> memref<1x128xi32, #tpu.memory_space<vmem>>
      %dma_start3A_476 = tpu.memref_squeeze %dma_start3A_475 : memref<1x128xi32, #tpu.memory_space<vmem>> -> memref<128xi32, #tpu.memory_space<vmem>>
      %dma_start3A_477 = arith.constant 0 : i32
      %dma_start3A_478 = tpu.memref_slice %arg4[%add3A, %add3A_472, %dma_start3A_477] : memref<32x84x128xi32, #tpu.memory_space<hbm>> -> memref<1x1x128xi32, #tpu.memory_space<hbm>>
      %dma_start3A_479 = tpu.memref_squeeze %dma_start3A_478 : memref<1x1x128xi32, #tpu.memory_space<hbm>> -> memref<128xi32, #tpu.memory_space<hbm>>
      %dma_start3A_480 = arith.constant 0 : i32
      %dma_start3A_481 = tpu.memref_slice %arg8[%dma_start3A_473, %dma_start3A_480] : memref<4x128xi32, #tpu.memory_space<vmem>> -> memref<1x128xi32, #tpu.memory_space<vmem>>
      %dma_start3A_482 = tpu.memref_squeeze %dma_start3A_481 : memref<1x128xi32, #tpu.memory_space<vmem>> -> memref<128xi32, #tpu.memory_space<vmem>>
      %dma_start3A_483 = arith.constant 0 : i32
      %dma_start3A_484 = tpu.memref_slice %arg4[%add3A, %add3A_472, %dma_start3A_483] : memref<32x84x128xi32, #tpu.memory_space<hbm>> -> memref<1x1x128xi32, #tpu.memory_space<hbm>>
      %dma_start3A_485 = tpu.memref_squeeze %dma_start3A_484 : memref<1x1x128xi32, #tpu.memory_space<hbm>> -> memref<128xi32, #tpu.memory_space<hbm>>
      tpu.enqueue_dma source(%dma_start3A_485 : memref<128xi32, #tpu.memory_space<hbm>>) target(%dma_start3A_482 : memref<128xi32, #tpu.memory_space<vmem>>) target_semaphore(%arg22 : memref<!tpu.dma_semaphore, #tpu.memory_space<semaphore_mem>>)
      %dma_wait3A_486 = arith.constant 0 : i32
      %dma_wait3A_487 = arith.constant 1 : i32
      %dma_wait3A_488 = arith.constant 0 : i32
      %dma_wait3A_489 = tpu.memref_slice %arg7[%dma_wait3A_487, %dma_wait3A_488] : memref<4x128xi32, #tpu.memory_space<vmem>> -> memref<1x128xi32, #tpu.memory_space<vmem>>
      %dma_wait3A_490 = tpu.memref_squeeze %dma_wait3A_489 : memref<1x128xi32, #tpu.memory_space<vmem>> -> memref<128xi32, #tpu.memory_space<vmem>>
      %dma_wait3A_491 = arith.constant 0 : i32
      %dma_wait3A_492 = tpu.memref_slice %arg3[%add3A, %dma_wait3A_486, %dma_wait3A_491] : memref<32x84x128xi32, #tpu.memory_space<hbm>> -> memref<1x1x128xi32, #tpu.memory_space<hbm>>
      %dma_wait3A_493 = tpu.memref_squeeze %dma_wait3A_492 : memref<1x1x128xi32, #tpu.memory_space<hbm>> -> memref<128xi32, #tpu.memory_space<hbm>>
      %dma_wait3A_494 = arith.constant 0 : i32
      %dma_wait3A_495 = tpu.memref_slice %arg7[%dma_wait3A_487, %dma_wait3A_494] : memref<4x128xi32, #tpu.memory_space<vmem>> -> memref<1x128xi32, #tpu.memory_space<vmem>>
      %dma_wait3A_496 = tpu.memref_squeeze %dma_wait3A_495 : memref<1x128xi32, #tpu.memory_space<vmem>> -> memref<128xi32, #tpu.memory_space<vmem>>
      %dma_wait3A_497 = arith.constant 0 : i32
      %dma_wait3A_498 = tpu.memref_slice %arg3[%add3A, %dma_wait3A_486, %dma_wait3A_497] : memref<32x84x128xi32, #tpu.memory_space<hbm>> -> memref<1x1x128xi32, #tpu.memory_space<hbm>>
      %dma_wait3A_499 = tpu.memref_squeeze %dma_wait3A_498 : memref<1x1x128xi32, #tpu.memory_space<hbm>> -> memref<128xi32, #tpu.memory_space<hbm>>
      tpu.wait_dma2 semaphore(%arg16 : memref<!tpu.dma_semaphore, #tpu.memory_space<semaphore_mem>>) src(%dma_wait3A_499 : memref<128xi32, #tpu.memory_space<hbm>>) dst(%dma_wait3A_496 : memref<128xi32, #tpu.memory_space<vmem>>)
      %dma_wait3A_500 = arith.constant 0 : i32
      %dma_wait3A_501 = arith.constant 1 : i32
      %dma_wait3A_502 = arith.constant 0 : i32
      %dma_wait3A_503 = tpu.memref_slice %arg8[%dma_wait3A_501, %dma_wait3A_502] : memref<4x128xi32, #tpu.memory_space<vmem>> -> memref<1x128xi32, #tpu.memory_space<vmem>>
      %dma_wait3A_504 = tpu.memref_squeeze %dma_wait3A_503 : memref<1x128xi32, #tpu.memory_space<vmem>> -> memref<128xi32, #tpu.memory_space<vmem>>
      %dma_wait3A_505 = arith.constant 0 : i32
      %dma_wait3A_506 = tpu.memref_slice %arg4[%add3A, %dma_wait3A_500, %dma_wait3A_505] : memref<32x84x128xi32, #tpu.memory_space<hbm>> -> memref<1x1x128xi32, #tpu.memory_space<hbm>>
      %dma_wait3A_507 = tpu.memref_squeeze %dma_wait3A_506 : memref<1x1x128xi32, #tpu.memory_space<hbm>> -> memref<128xi32, #tpu.memory_space<hbm>>
      %dma_wait3A_508 = arith.constant 0 : i32
      %dma_wait3A_509 = tpu.memref_slice %arg8[%dma_wait3A_501, %dma_wait3A_508] : memref<4x128xi32, #tpu.memory_space<vmem>> -> memref<1x128xi32, #tpu.memory_space<vmem>>
      %dma_wait3A_510 = tpu.memref_squeeze %dma_wait3A_509 : memref<1x128xi32, #tpu.memory_space<vmem>> -> memref<128xi32, #tpu.memory_space<vmem>>
      %dma_wait3A_511 = arith.constant 0 : i32
      %dma_wait3A_512 = tpu.memref_slice %arg4[%add3A, %dma_wait3A_500, %dma_wait3A_511] : memref<32x84x128xi32, #tpu.memory_space<hbm>> -> memref<1x1x128xi32, #tpu.memory_space<hbm>>
      %dma_wait3A_513 = tpu.memref_squeeze %dma_wait3A_512 : memref<1x1x128xi32, #tpu.memory_space<hbm>> -> memref<128xi32, #tpu.memory_space<hbm>>
      tpu.wait_dma2 semaphore(%arg20 : memref<!tpu.dma_semaphore, #tpu.memory_space<semaphore_mem>>) src(%dma_wait3A_513 : memref<128xi32, #tpu.memory_space<hbm>>) dst(%dma_wait3A_510 : memref<128xi32, #tpu.memory_space<vmem>>)
      %dma_start3A_514 = arith.constant 1 : i32
      %dma_start3A_515 = arith.constant 0 : i32
      %dma_start3A_516 = tpu.memref_slice %arg7[%dma_start3A_514, %dma_start3A_515] : memref<4x128xi32, #tpu.memory_space<vmem>> -> memref<1x128xi32, #tpu.memory_space<vmem>>
      %dma_start3A_517 = tpu.memref_squeeze %dma_start3A_516 : memref<1x128xi32, #tpu.memory_space<vmem>> -> memref<128xi32, #tpu.memory_space<vmem>>
      %dma_start3A_518 = arith.constant 0 : i32
      %dma_start3A_519 = arith.constant 0 : i32
      %dma_start3A_520 = tpu.memref_slice %arg2[%dma_start3A_518, %dma_start3A_519] : memref<10000x128xf32, #tpu.memory_space<hbm>> -> memref<10000x128xf32, #tpu.memory_space<hbm>>
      tpu.enqueue_indirect_dma source(%dma_start3A_520 : memref<10000x128xf32, #tpu.memory_space<hbm>>) target(%arg10 : memref<128x128xf32, #tpu.memory_space<vmem>>) offsets(%dma_start3A_517 : memref<128xi32, #tpu.memory_space<vmem>>) semaphore(%arg13 : memref<!tpu.dma_semaphore, #tpu.memory_space<semaphore_mem>>)
    }
    %scan3A_85 = arith.constant 20 : i32
    %dma_wait3A = arith.constant 0 : i32
    %dma_wait3A_86 = arith.constant 0 : i32
    %dma_wait3A_87 = tpu.memref_slice %arg7[%dma_wait3A, %dma_wait3A_86] : memref<4x128xi32, #tpu.memory_space<vmem>> -> memref<1x128xi32, #tpu.memory_space<vmem>>
    %dma_wait3A_88 = tpu.memref_squeeze %dma_wait3A_87 : memref<1x128xi32, #tpu.memory_space<vmem>> -> memref<128xi32, #tpu.memory_space<vmem>>
    %dma_wait3A_89 = arith.constant 0 : i32
    %dma_wait3A_90 = arith.constant 0 : i32
    %dma_wait3A_91 = tpu.memref_slice %arg2[%dma_wait3A_89, %dma_wait3A_90] : memref<10000x128xf32, #tpu.memory_space<hbm>> -> memref<10000x128xf32, #tpu.memory_space<hbm>>
    tpu.wait_indirect_dma semaphore(%arg12 : memref<!tpu.dma_semaphore, #tpu.memory_space<semaphore_mem>>) src(%dma_wait3A_91 : memref<10000x128xf32, #tpu.memory_space<hbm>>) dst(%arg9 : memref<128x128xf32, #tpu.memory_space<vmem>>)
    %dma_wait3A_92 = arith.constant 1 : i32
    %dma_wait3A_93 = arith.constant 0 : i32
    %dma_wait3A_94 = tpu.memref_slice %arg7[%dma_wait3A_92, %dma_wait3A_93] : memref<4x128xi32, #tpu.memory_space<vmem>> -> memref<1x128xi32, #tpu.memory_space<vmem>>
    %dma_wait3A_95 = tpu.memref_squeeze %dma_wait3A_94 : memref<1x128xi32, #tpu.memory_space<vmem>> -> memref<128xi32, #tpu.memory_space<vmem>>
    %dma_wait3A_96 = arith.constant 0 : i32
    %dma_wait3A_97 = arith.constant 0 : i32
    %dma_wait3A_98 = tpu.memref_slice %arg2[%dma_wait3A_96, %dma_wait3A_97] : memref<10000x128xf32, #tpu.memory_space<hbm>> -> memref<10000x128xf32, #tpu.memory_space<hbm>>
    tpu.wait_indirect_dma semaphore(%arg13 : memref<!tpu.dma_semaphore, #tpu.memory_space<semaphore_mem>>) src(%dma_wait3A_98 : memref<10000x128xf32, #tpu.memory_space<hbm>>) dst(%arg10 : memref<128x128xf32, #tpu.memory_space<vmem>>)
    %dma_wait3A_99 = arith.constant 0 : i32
    %dma_wait3A_100 = arith.constant 2 : i32
    %dma_wait3A_101 = arith.constant 0 : i32
    %dma_wait3A_102 = tpu.memref_slice %arg7[%dma_wait3A_100, %dma_wait3A_101] : memref<4x128xi32, #tpu.memory_space<vmem>> -> memref<1x128xi32, #tpu.memory_space<vmem>>
    %dma_wait3A_103 = tpu.memref_squeeze %dma_wait3A_102 : memref<1x128xi32, #tpu.memory_space<vmem>> -> memref<128xi32, #tpu.memory_space<vmem>>
    %dma_wait3A_104 = arith.constant 0 : i32
    %dma_wait3A_105 = tpu.memref_slice %arg3[%add3A, %dma_wait3A_99, %dma_wait3A_104] : memref<32x84x128xi32, #tpu.memory_space<hbm>> -> memref<1x1x128xi32, #tpu.memory_space<hbm>>
    %dma_wait3A_106 = tpu.memref_squeeze %dma_wait3A_105 : memref<1x1x128xi32, #tpu.memory_space<hbm>> -> memref<128xi32, #tpu.memory_space<hbm>>
    %dma_wait3A_107 = arith.constant 0 : i32
    %dma_wait3A_108 = tpu.memref_slice %arg7[%dma_wait3A_100, %dma_wait3A_107] : memref<4x128xi32, #tpu.memory_space<vmem>> -> memref<1x128xi32, #tpu.memory_space<vmem>>
    %dma_wait3A_109 = tpu.memref_squeeze %dma_wait3A_108 : memref<1x128xi32, #tpu.memory_space<vmem>> -> memref<128xi32, #tpu.memory_space<vmem>>
    %dma_wait3A_110 = arith.constant 0 : i32
    %dma_wait3A_111 = tpu.memref_slice %arg3[%add3A, %dma_wait3A_99, %dma_wait3A_110] : memref<32x84x128xi32, #tpu.memory_space<hbm>> -> memref<1x1x128xi32, #tpu.memory_space<hbm>>
    %dma_wait3A_112 = tpu.memref_squeeze %dma_wait3A_111 : memref<1x1x128xi32, #tpu.memory_space<hbm>> -> memref<128xi32, #tpu.memory_space<hbm>>
    tpu.wait_dma2 semaphore(%arg17 : memref<!tpu.dma_semaphore, #tpu.memory_space<semaphore_mem>>) src(%dma_wait3A_112 : memref<128xi32, #tpu.memory_space<hbm>>) dst(%dma_wait3A_109 : memref<128xi32, #tpu.memory_space<vmem>>)
    %dma_wait3A_113 = arith.constant 0 : i32
    %dma_wait3A_114 = arith.constant 2 : i32
    %dma_wait3A_115 = arith.constant 0 : i32
    %dma_wait3A_116 = tpu.memref_slice %arg8[%dma_wait3A_114, %dma_wait3A_115] : memref<4x128xi32, #tpu.memory_space<vmem>> -> memref<1x128xi32, #tpu.memory_space<vmem>>
    %dma_wait3A_117 = tpu.memref_squeeze %dma_wait3A_116 : memref<1x128xi32, #tpu.memory_space<vmem>> -> memref<128xi32, #tpu.memory_space<vmem>>
    %dma_wait3A_118 = arith.constant 0 : i32
    %dma_wait3A_119 = tpu.memref_slice %arg4[%add3A, %dma_wait3A_113, %dma_wait3A_118] : memref<32x84x128xi32, #tpu.memory_space<hbm>> -> memref<1x1x128xi32, #tpu.memory_space<hbm>>
    %dma_wait3A_120 = tpu.memref_squeeze %dma_wait3A_119 : memref<1x1x128xi32, #tpu.memory_space<hbm>> -> memref<128xi32, #tpu.memory_space<hbm>>
    %dma_wait3A_121 = arith.constant 0 : i32
    %dma_wait3A_122 = tpu.memref_slice %arg8[%dma_wait3A_114, %dma_wait3A_121] : memref<4x128xi32, #tpu.memory_space<vmem>> -> memref<1x128xi32, #tpu.memory_space<vmem>>
    %dma_wait3A_123 = tpu.memref_squeeze %dma_wait3A_122 : memref<1x128xi32, #tpu.memory_space<vmem>> -> memref<128xi32, #tpu.memory_space<vmem>>
    %dma_wait3A_124 = arith.constant 0 : i32
    %dma_wait3A_125 = tpu.memref_slice %arg4[%add3A, %dma_wait3A_113, %dma_wait3A_124] : memref<32x84x128xi32, #tpu.memory_space<hbm>> -> memref<1x1x128xi32, #tpu.memory_space<hbm>>
    %dma_wait3A_126 = tpu.memref_squeeze %dma_wait3A_125 : memref<1x1x128xi32, #tpu.memory_space<hbm>> -> memref<128xi32, #tpu.memory_space<hbm>>
    tpu.wait_dma2 semaphore(%arg21 : memref<!tpu.dma_semaphore, #tpu.memory_space<semaphore_mem>>) src(%dma_wait3A_126 : memref<128xi32, #tpu.memory_space<hbm>>) dst(%dma_wait3A_123 : memref<128xi32, #tpu.memory_space<vmem>>)
    %dma_wait3A_127 = arith.constant 0 : i32
    %dma_wait3A_128 = arith.constant 3 : i32
    %dma_wait3A_129 = arith.constant 0 : i32
    %dma_wait3A_130 = tpu.memref_slice %arg7[%dma_wait3A_128, %dma_wait3A_129] : memref<4x128xi32, #tpu.memory_space<vmem>> -> memref<1x128xi32, #tpu.memory_space<vmem>>
    %dma_wait3A_131 = tpu.memref_squeeze %dma_wait3A_130 : memref<1x128xi32, #tpu.memory_space<vmem>> -> memref<128xi32, #tpu.memory_space<vmem>>
    %dma_wait3A_132 = arith.constant 0 : i32
    %dma_wait3A_133 = tpu.memref_slice %arg3[%add3A, %dma_wait3A_127, %dma_wait3A_132] : memref<32x84x128xi32, #tpu.memory_space<hbm>> -> memref<1x1x128xi32, #tpu.memory_space<hbm>>
    %dma_wait3A_134 = tpu.memref_squeeze %dma_wait3A_133 : memref<1x1x128xi32, #tpu.memory_space<hbm>> -> memref<128xi32, #tpu.memory_space<hbm>>
    %dma_wait3A_135 = arith.constant 0 : i32
    %dma_wait3A_136 = tpu.memref_slice %arg7[%dma_wait3A_128, %dma_wait3A_135] : memref<4x128xi32, #tpu.memory_space<vmem>> -> memref<1x128xi32, #tpu.memory_space<vmem>>
    %dma_wait3A_137 = tpu.memref_squeeze %dma_wait3A_136 : memref<1x128xi32, #tpu.memory_space<vmem>> -> memref<128xi32, #tpu.memory_space<vmem>>
    %dma_wait3A_138 = arith.constant 0 : i32
    %dma_wait3A_139 = tpu.memref_slice %arg3[%add3A, %dma_wait3A_127, %dma_wait3A_138] : memref<32x84x128xi32, #tpu.memory_space<hbm>> -> memref<1x1x128xi32, #tpu.memory_space<hbm>>
    %dma_wait3A_140 = tpu.memref_squeeze %dma_wait3A_139 : memref<1x1x128xi32, #tpu.memory_space<hbm>> -> memref<128xi32, #tpu.memory_space<hbm>>
    tpu.wait_dma2 semaphore(%arg18 : memref<!tpu.dma_semaphore, #tpu.memory_space<semaphore_mem>>) src(%dma_wait3A_140 : memref<128xi32, #tpu.memory_space<hbm>>) dst(%dma_wait3A_137 : memref<128xi32, #tpu.memory_space<vmem>>)
    %dma_wait3A_141 = arith.constant 0 : i32
    %dma_wait3A_142 = arith.constant 3 : i32
    %dma_wait3A_143 = arith.constant 0 : i32
    %dma_wait3A_144 = tpu.memref_slice %arg8[%dma_wait3A_142, %dma_wait3A_143] : memref<4x128xi32, #tpu.memory_space<vmem>> -> memref<1x128xi32, #tpu.memory_space<vmem>>
    %dma_wait3A_145 = tpu.memref_squeeze %dma_wait3A_144 : memref<1x128xi32, #tpu.memory_space<vmem>> -> memref<128xi32, #tpu.memory_space<vmem>>
    %dma_wait3A_146 = arith.constant 0 : i32
    %dma_wait3A_147 = tpu.memref_slice %arg4[%add3A, %dma_wait3A_141, %dma_wait3A_146] : memref<32x84x128xi32, #tpu.memory_space<hbm>> -> memref<1x1x128xi32, #tpu.memory_space<hbm>>
    %dma_wait3A_148 = tpu.memref_squeeze %dma_wait3A_147 : memref<1x1x128xi32, #tpu.memory_space<hbm>> -> memref<128xi32, #tpu.memory_space<hbm>>
    %dma_wait3A_149 = arith.constant 0 : i32
    %dma_wait3A_150 = tpu.memref_slice %arg8[%dma_wait3A_142, %dma_wait3A_149] : memref<4x128xi32, #tpu.memory_space<vmem>> -> memref<1x128xi32, #tpu.memory_space<vmem>>
    %dma_wait3A_151 = tpu.memref_squeeze %dma_wait3A_150 : memref<1x128xi32, #tpu.memory_space<vmem>> -> memref<128xi32, #tpu.memory_space<vmem>>
    %dma_wait3A_152 = arith.constant 0 : i32
    %dma_wait3A_153 = tpu.memref_slice %arg4[%add3A, %dma_wait3A_141, %dma_wait3A_152] : memref<32x84x128xi32, #tpu.memory_space<hbm>> -> memref<1x1x128xi32, #tpu.memory_space<hbm>>
    %dma_wait3A_154 = tpu.memref_squeeze %dma_wait3A_153 : memref<1x1x128xi32, #tpu.memory_space<hbm>> -> memref<128xi32, #tpu.memory_space<hbm>>
    tpu.wait_dma2 semaphore(%arg22 : memref<!tpu.dma_semaphore, #tpu.memory_space<semaphore_mem>>) src(%dma_wait3A_154 : memref<128xi32, #tpu.memory_space<hbm>>) dst(%dma_wait3A_151 : memref<128xi32, #tpu.memory_space<vmem>>)
    %barrier3A_155 = arith.constant 0 : index
    tpu.barrier barrier_id(%barrier3A_155)
    %mul3A_156 = arith.constant 632 : i32
    %mul3A_157 = arith.muli %arg1, %mul3A_156 : i32
    %mul3A_158 = arith.constant 632 : i32
    %mul3A_159 = arith.muli %arg1, %mul3A_158 : i32
    "tpu.region"() ({
      %run_scoped3A_160 = tpu.sem_alloc : memref<!tpu.dma_semaphore, #tpu.memory_space<semaphore_mem>>
      %dma_start3A_161 = arith.constant 0 : i32
      %dma_start3A_162 = tpu.memref_slice %arg6[%arg0, %mul3A_159, %dma_start3A_161] : memref<2x10112x128xf32, #tpu.memory_space<hbm>> -> memref<1x632x128xf32, #tpu.memory_space<hbm>>
      %dma_start3A_163 = tpu.memref_squeeze %dma_start3A_162 : memref<1x632x128xf32, #tpu.memory_space<hbm>> -> memref<632x128xf32, #tpu.memory_space<hbm>>
      %dma_start3A_164 = arith.constant 0 : i32
      %dma_start3A_165 = tpu.memref_slice %arg11[%mul3A_157, %dma_start3A_164] : memref<10112x128xf32, #tpu.memory_space<vmem_shared>> -> memref<632x128xf32, #tpu.memory_space<vmem_shared>>
      tpu.enqueue_dma source(%dma_start3A_165 : memref<632x128xf32, #tpu.memory_space<vmem_shared>>) target(%dma_start3A_163 : memref<632x128xf32, #tpu.memory_space<hbm>>) target_semaphore(%run_scoped3A_160 : memref<!tpu.dma_semaphore, #tpu.memory_space<semaphore_mem>>)
      %dma_wait3A_166 = arith.constant 0 : i32
      %dma_wait3A_167 = tpu.memref_slice %arg6[%arg0, %mul3A_159, %dma_wait3A_166] : memref<2x10112x128xf32, #tpu.memory_space<hbm>> -> memref<1x632x128xf32, #tpu.memory_space<hbm>>
      %dma_wait3A_168 = tpu.memref_squeeze %dma_wait3A_167 : memref<1x632x128xf32, #tpu.memory_space<hbm>> -> memref<632x128xf32, #tpu.memory_space<hbm>>
      %dma_wait3A_169 = arith.constant 0 : i32
      %dma_wait3A_170 = tpu.memref_slice %arg11[%mul3A_157, %dma_wait3A_169] : memref<10112x128xf32, #tpu.memory_space<vmem_shared>> -> memref<632x128xf32, #tpu.memory_space<vmem_shared>>
      tpu.wait_dma2 semaphore(%run_scoped3A_160 : memref<!tpu.dma_semaphore, #tpu.memory_space<semaphore_mem>>) src(%dma_wait3A_170 : memref<632x128xf32, #tpu.memory_space<vmem_shared>>) dst(%dma_wait3A_168 : memref<632x128xf32, #tpu.memory_space<hbm>>)
      tpu.yield
    }) : () -> ()
    return
  }
}

#map = affine_map<(d0, d1) -> (0, 0, 0)>
#map1 = affine_map<(d0, d1) -> (0, 0)>
module attributes {stable_mosaic.version = 14 : i64} {
  func.func @run(%arg0: i32, %arg1: i32, %arg2: memref<32x84x128xi32, #tpu.memory_space<hbm>>, %arg3: memref<10112x1xf32, #tpu.memory_space<hbm>>, %arg4: memref<128x1xf32, #tpu.memory_space<hbm>>, %arg5: memref<2x10112x1xf32, #tpu.memory_space<hbm>>, %arg6: memref<84x128xi32, #tpu.memory_space<vmem>>, %arg7: memref<128x1xf32, #tpu.memory_space<vmem>>, %arg8: memref<10112x1xf32, #tpu.memory_space<vmem_shared>>) attributes {dimension_semantics = [#tpu.dimension_semantics<core_parallel>, #tpu.dimension_semantics<subcore_parallel>], iteration_bounds = array<i64: 2, 16>, scalar_prefetch = 0 : i64, scratch_operands = 3 : i64, tpu.core_type = #tpu.core_type<sc_vector_subcore>, window_params = [{transform_indices = #map}, {transform_indices = #map1}, {transform_indices = #map1}, {transform_indices = #map}]} {
    %mul3A = arith.constant 16 : i32
    %mul3A_0 = arith.muli %arg0, %mul3A : i32
    %add3A = arith.addi %mul3A_0, %arg1 : i32
    %mul3A_1 = arith.constant 632 : i32
    %mul3A_2 = arith.muli %arg1, %mul3A_1 : i32
    %mul3A_3 = arith.constant 632 : i32
    %mul3A_4 = arith.muli %arg1, %mul3A_3 : i32
    "tpu.region"() ({
      %run_scoped3A = tpu.sem_alloc : memref<!tpu.dma_semaphore, #tpu.memory_space<semaphore_mem>>
      %dma_start3A = arith.constant 0 : i32
      %dma_start3A_15 = tpu.memref_slice %arg8[%mul3A_4, %dma_start3A] : memref<10112x1xf32, #tpu.memory_space<vmem_shared>> -> memref<632x1xf32, #tpu.memory_space<vmem_shared>>
      %dma_start3A_16 = arith.constant 0 : i32
      %dma_start3A_17 = tpu.memref_slice %arg3[%mul3A_2, %dma_start3A_16] : memref<10112x1xf32, #tpu.memory_space<hbm>> -> memref<632x1xf32, #tpu.memory_space<hbm>>
      tpu.enqueue_dma source(%dma_start3A_17 : memref<632x1xf32, #tpu.memory_space<hbm>>) target(%dma_start3A_15 : memref<632x1xf32, #tpu.memory_space<vmem_shared>>) target_semaphore(%run_scoped3A : memref<!tpu.dma_semaphore, #tpu.memory_space<semaphore_mem>>)
      %dma_wait3A = arith.constant 0 : i32
      %dma_wait3A_18 = tpu.memref_slice %arg8[%mul3A_4, %dma_wait3A] : memref<10112x1xf32, #tpu.memory_space<vmem_shared>> -> memref<632x1xf32, #tpu.memory_space<vmem_shared>>
      %dma_wait3A_19 = arith.constant 0 : i32
      %dma_wait3A_20 = tpu.memref_slice %arg3[%mul3A_2, %dma_wait3A_19] : memref<10112x1xf32, #tpu.memory_space<hbm>> -> memref<632x1xf32, #tpu.memory_space<hbm>>
      tpu.wait_dma2 semaphore(%run_scoped3A : memref<!tpu.dma_semaphore, #tpu.memory_space<semaphore_mem>>) src(%dma_wait3A_20 : memref<632x1xf32, #tpu.memory_space<hbm>>) dst(%dma_wait3A_18 : memref<632x1xf32, #tpu.memory_space<vmem_shared>>)
      tpu.yield
    }) : () -> ()
    "tpu.region"() ({
      %run_scoped3A = tpu.sem_alloc : memref<!tpu.dma_semaphore, #tpu.memory_space<semaphore_mem>>
      tpu.enqueue_dma source(%arg4 : memref<128x1xf32, #tpu.memory_space<hbm>>) target(%arg7 : memref<128x1xf32, #tpu.memory_space<vmem>>) target_semaphore(%run_scoped3A : memref<!tpu.dma_semaphore, #tpu.memory_space<semaphore_mem>>)
      tpu.wait_dma2 semaphore(%run_scoped3A : memref<!tpu.dma_semaphore, #tpu.memory_space<semaphore_mem>>) src(%arg4 : memref<128x1xf32, #tpu.memory_space<hbm>>) dst(%arg7 : memref<128x1xf32, #tpu.memory_space<vmem>>)
      tpu.yield
    }) : () -> ()
    "tpu.region"() ({
      %run_scoped3A = tpu.sem_alloc : memref<!tpu.dma_semaphore, #tpu.memory_space<semaphore_mem>>
      %dma_start3A = arith.constant 0 : i32
      %dma_start3A_15 = arith.constant 0 : i32
      %dma_start3A_16 = tpu.memref_slice %arg2[%add3A, %dma_start3A, %dma_start3A_15] : memref<32x84x128xi32, #tpu.memory_space<hbm>> -> memref<1x84x128xi32, #tpu.memory_space<hbm>>
      %dma_start3A_17 = tpu.memref_squeeze %dma_start3A_16 : memref<1x84x128xi32, #tpu.memory_space<hbm>> -> memref<84x128xi32, #tpu.memory_space<hbm>>
      %dma_start3A_18 = arith.constant 0 : i32
      %dma_start3A_19 = arith.constant 0 : i32
      %dma_start3A_20 = tpu.memref_slice %arg2[%add3A, %dma_start3A_18, %dma_start3A_19] : memref<32x84x128xi32, #tpu.memory_space<hbm>> -> memref<1x84x128xi32, #tpu.memory_space<hbm>>
      %dma_start3A_21 = tpu.memref_squeeze %dma_start3A_20 : memref<1x84x128xi32, #tpu.memory_space<hbm>> -> memref<84x128xi32, #tpu.memory_space<hbm>>
      tpu.enqueue_dma source(%dma_start3A_21 : memref<84x128xi32, #tpu.memory_space<hbm>>) target(%arg6 : memref<84x128xi32, #tpu.memory_space<vmem>>) target_semaphore(%run_scoped3A : memref<!tpu.dma_semaphore, #tpu.memory_space<semaphore_mem>>)
      %dma_wait3A = arith.constant 0 : i32
      %dma_wait3A_22 = arith.constant 0 : i32
      %dma_wait3A_23 = tpu.memref_slice %arg2[%add3A, %dma_wait3A, %dma_wait3A_22] : memref<32x84x128xi32, #tpu.memory_space<hbm>> -> memref<1x84x128xi32, #tpu.memory_space<hbm>>
      %dma_wait3A_24 = tpu.memref_squeeze %dma_wait3A_23 : memref<1x84x128xi32, #tpu.memory_space<hbm>> -> memref<84x128xi32, #tpu.memory_space<hbm>>
      %dma_wait3A_25 = arith.constant 0 : i32
      %dma_wait3A_26 = arith.constant 0 : i32
      %dma_wait3A_27 = tpu.memref_slice %arg2[%add3A, %dma_wait3A_25, %dma_wait3A_26] : memref<32x84x128xi32, #tpu.memory_space<hbm>> -> memref<1x84x128xi32, #tpu.memory_space<hbm>>
      %dma_wait3A_28 = tpu.memref_squeeze %dma_wait3A_27 : memref<1x84x128xi32, #tpu.memory_space<hbm>> -> memref<84x128xi32, #tpu.memory_space<hbm>>
      tpu.wait_dma2 semaphore(%run_scoped3A : memref<!tpu.dma_semaphore, #tpu.memory_space<semaphore_mem>>) src(%dma_wait3A_28 : memref<84x128xi32, #tpu.memory_space<hbm>>) dst(%arg6 : memref<84x128xi32, #tpu.memory_space<vmem>>)
      tpu.yield
    }) : () -> ()
    %barrier3A = arith.constant 0 : index
    tpu.barrier barrier_id(%barrier3A)
    %scan3A = arith.constant 0 : i32
    %scan3A_5 = arith.constant 0 : i32
    %scan3A_6 = arith.constant 80 : i32
    %scan3A_7 = arith.addi %scan3A_5, %scan3A_6 : i32
    %scan3A_8 = arith.constant 1 : i32
    scf.for %scan3A_15 = %scan3A_5 to %scan3A_7 step %scan3A_8  : i32 {
      "tpu.region"() ({
        %run_scoped3A = tpu.sem_alloc : memref<!tpu.dma_semaphore, #tpu.memory_space<semaphore_mem>>
        %dma_start3A = arith.constant 0 : i32
        %dma_start3A_16 = tpu.memref_slice %arg6[%scan3A_15, %dma_start3A] : memref<84x128xi32, #tpu.memory_space<vmem>> -> memref<1x128xi32, #tpu.memory_space<vmem>>
        %dma_start3A_17 = tpu.memref_squeeze %dma_start3A_16 : memref<1x128xi32, #tpu.memory_space<vmem>> -> memref<128xi32, #tpu.memory_space<vmem>>
        %dma_start3A_18 = arith.constant 0 : i32
        %dma_start3A_19 = arith.constant 0 : i32
        %dma_start3A_20 = tpu.memref_slice %arg8[%dma_start3A_18, %dma_start3A_19] : memref<10112x1xf32, #tpu.memory_space<vmem_shared>> -> memref<10112x1xf32, #tpu.memory_space<vmem_shared>>
        tpu.enqueue_indirect_dma source(%arg7 : memref<128x1xf32, #tpu.memory_space<vmem>>) target(%dma_start3A_20 : memref<10112x1xf32, #tpu.memory_space<vmem_shared>>) offsets(%dma_start3A_17 : memref<128xi32, #tpu.memory_space<vmem>>) semaphore(%run_scoped3A : memref<!tpu.dma_semaphore, #tpu.memory_space<semaphore_mem>>) {add = true}
        %dma_wait3A = arith.constant 0 : i32
        %dma_wait3A_21 = tpu.memref_slice %arg6[%scan3A_15, %dma_wait3A] : memref<84x128xi32, #tpu.memory_space<vmem>> -> memref<1x128xi32, #tpu.memory_space<vmem>>
        %dma_wait3A_22 = tpu.memref_squeeze %dma_wait3A_21 : memref<1x128xi32, #tpu.memory_space<vmem>> -> memref<128xi32, #tpu.memory_space<vmem>>
        %dma_wait3A_23 = arith.constant 0 : i32
        %dma_wait3A_24 = arith.constant 0 : i32
        %dma_wait3A_25 = tpu.memref_slice %arg8[%dma_wait3A_23, %dma_wait3A_24] : memref<10112x1xf32, #tpu.memory_space<vmem_shared>> -> memref<10112x1xf32, #tpu.memory_space<vmem_shared>>
        tpu.wait_indirect_dma semaphore(%run_scoped3A : memref<!tpu.dma_semaphore, #tpu.memory_space<semaphore_mem>>) src(%arg7 : memref<128x1xf32, #tpu.memory_space<vmem>>) dst(%dma_wait3A_25 : memref<10112x1xf32, #tpu.memory_space<vmem_shared>>)
        tpu.yield
      }) : () -> ()
    }
    %scan3A_9 = arith.constant 80 : i32
    %barrier3A_10 = arith.constant 0 : index
    tpu.barrier barrier_id(%barrier3A_10)
    %mul3A_11 = arith.constant 632 : i32
    %mul3A_12 = arith.muli %arg1, %mul3A_11 : i32
    %mul3A_13 = arith.constant 632 : i32
    %mul3A_14 = arith.muli %arg1, %mul3A_13 : i32
    "tpu.region"() ({
      %run_scoped3A = tpu.sem_alloc : memref<!tpu.dma_semaphore, #tpu.memory_space<semaphore_mem>>
      %dma_start3A = arith.constant 0 : i32
      %dma_start3A_15 = tpu.memref_slice %arg5[%arg0, %mul3A_14, %dma_start3A] : memref<2x10112x1xf32, #tpu.memory_space<hbm>> -> memref<1x632x1xf32, #tpu.memory_space<hbm>>
      %dma_start3A_16 = tpu.memref_squeeze %dma_start3A_15 : memref<1x632x1xf32, #tpu.memory_space<hbm>> -> memref<632x1xf32, #tpu.memory_space<hbm>>
      %dma_start3A_17 = arith.constant 0 : i32
      %dma_start3A_18 = tpu.memref_slice %arg8[%mul3A_12, %dma_start3A_17] : memref<10112x1xf32, #tpu.memory_space<vmem_shared>> -> memref<632x1xf32, #tpu.memory_space<vmem_shared>>
      tpu.enqueue_dma source(%dma_start3A_18 : memref<632x1xf32, #tpu.memory_space<vmem_shared>>) target(%dma_start3A_16 : memref<632x1xf32, #tpu.memory_space<hbm>>) target_semaphore(%run_scoped3A : memref<!tpu.dma_semaphore, #tpu.memory_space<semaphore_mem>>)
      %dma_wait3A = arith.constant 0 : i32
      %dma_wait3A_19 = tpu.memref_slice %arg5[%arg0, %mul3A_14, %dma_wait3A] : memref<2x10112x1xf32, #tpu.memory_space<hbm>> -> memref<1x632x1xf32, #tpu.memory_space<hbm>>
      %dma_wait3A_20 = tpu.memref_squeeze %dma_wait3A_19 : memref<1x632x1xf32, #tpu.memory_space<hbm>> -> memref<632x1xf32, #tpu.memory_space<hbm>>
      %dma_wait3A_21 = arith.constant 0 : i32
      %dma_wait3A_22 = tpu.memref_slice %arg8[%mul3A_12, %dma_wait3A_21] : memref<10112x1xf32, #tpu.memory_space<vmem_shared>> -> memref<632x1xf32, #tpu.memory_space<vmem_shared>>
      tpu.wait_dma2 semaphore(%run_scoped3A : memref<!tpu.dma_semaphore, #tpu.memory_space<semaphore_mem>>) src(%dma_wait3A_22 : memref<632x1xf32, #tpu.memory_space<vmem_shared>>) dst(%dma_wait3A_20 : memref<632x1xf32, #tpu.memory_space<hbm>>)
      tpu.yield
    }) : () -> ()
    return
  }
}

#map = affine_map<(d0, d1) -> (0, 0)>
#map1 = affine_map<(d0, d1) -> (0, 0, 0)>
module attributes {stable_mosaic.version = 14 : i64} {
  func.func @run(%arg0: i32, %arg1: i32, %arg2: memref<10000x128xf32, #tpu.memory_space<hbm>>, %arg3: memref<32x84x128xi32, #tpu.memory_space<hbm>>, %arg4: memref<32x84x128xi32, #tpu.memory_space<hbm>>, %arg5: memref<10112x128xf32, #tpu.memory_space<hbm>>, %arg6: memref<2x10112x128xf32, #tpu.memory_space<hbm>>, %arg7: memref<4x128xi32, #tpu.memory_space<vmem>>, %arg8: memref<4x128xi32, #tpu.memory_space<vmem>>, %arg9: memref<128x128xf32, #tpu.memory_space<vmem>>, %arg10: memref<128x128xf32, #tpu.memory_space<vmem>>, %arg11: memref<10112x128xf32, #tpu.memory_space<vmem_shared>>, %arg12: memref<!tpu.dma_semaphore, #tpu.memory_space<semaphore_mem>>, %arg13: memref<!tpu.dma_semaphore, #tpu.memory_space<semaphore_mem>>, %arg14: memref<!tpu.dma_semaphore, #tpu.memory_space<semaphore_mem>>, %arg15: memref<!tpu.dma_semaphore, #tpu.memory_space<semaphore_mem>>, %arg16: memref<!tpu.dma_semaphore, #tpu.memory_space<semaphore_mem>>, %arg17: memref<!tpu.dma_semaphore, #tpu.memory_space<semaphore_mem>>, %arg18: memref<!tpu.dma_semaphore, #tpu.memory_space<semaphore_mem>>, %arg19: memref<!tpu.dma_semaphore, #tpu.memory_space<semaphore_mem>>, %arg20: memref<!tpu.dma_semaphore, #tpu.memory_space<semaphore_mem>>, %arg21: memref<!tpu.dma_semaphore, #tpu.memory_space<semaphore_mem>>, %arg22: memref<!tpu.dma_semaphore, #tpu.memory_space<semaphore_mem>>) attributes {dimension_semantics = [#tpu.dimension_semantics<core_parallel>, #tpu.dimension_semantics<subcore_parallel>], iteration_bounds = array<i64: 2, 16>, scalar_prefetch = 0 : i64, scratch_operands = 16 : i64, tpu.core_type = #tpu.core_type<sc_vector_subcore>, window_params = [{transform_indices = #map}, {transform_indices = #map1}, {transform_indices = #map1}, {transform_indices = #map}, {transform_indices = #map1}]} {
    %mul3A = arith.constant 16 : i32
    %mul3A_0 = arith.muli %arg0, %mul3A : i32
    %add3A = arith.addi %mul3A_0, %arg1 : i32
    %mul3A_1 = arith.constant 632 : i32
    %mul3A_2 = arith.muli %arg1, %mul3A_1 : i32
    %mul3A_3 = arith.constant 632 : i32
    %mul3A_4 = arith.muli %arg1, %mul3A_3 : i32
    "tpu.region"() ({
      %run_scoped3A_160 = tpu.sem_alloc : memref<!tpu.dma_semaphore, #tpu.memory_space<semaphore_mem>>
      %dma_start3A_161 = arith.constant 0 : i32
      %dma_start3A_162 = tpu.memref_slice %arg11[%mul3A_4, %dma_start3A_161] : memref<10112x128xf32, #tpu.memory_space<vmem_shared>> -> memref<632x128xf32, #tpu.memory_space<vmem_shared>>
      %dma_start3A_163 = arith.constant 0 : i32
      %dma_start3A_164 = tpu.memref_slice %arg5[%mul3A_2, %dma_start3A_163] : memref<10112x128xf32, #tpu.memory_space<hbm>> -> memref<632x128xf32, #tpu.memory_space<hbm>>
      tpu.enqueue_dma source(%dma_start3A_164 : memref<632x128xf32, #tpu.memory_space<hbm>>) target(%dma_start3A_162 : memref<632x128xf32, #tpu.memory_space<vmem_shared>>) target_semaphore(%run_scoped3A_160 : memref<!tpu.dma_semaphore, #tpu.memory_space<semaphore_mem>>)
      %dma_wait3A_165 = arith.constant 0 : i32
      %dma_wait3A_166 = tpu.memref_slice %arg11[%mul3A_4, %dma_wait3A_165] : memref<10112x128xf32, #tpu.memory_space<vmem_shared>> -> memref<632x128xf32, #tpu.memory_space<vmem_shared>>
      %dma_wait3A_167 = arith.constant 0 : i32
      %dma_wait3A_168 = tpu.memref_slice %arg5[%mul3A_2, %dma_wait3A_167] : memref<10112x128xf32, #tpu.memory_space<hbm>> -> memref<632x128xf32, #tpu.memory_space<hbm>>
      tpu.wait_dma2 semaphore(%run_scoped3A_160 : memref<!tpu.dma_semaphore, #tpu.memory_space<semaphore_mem>>) src(%dma_wait3A_168 : memref<632x128xf32, #tpu.memory_space<hbm>>) dst(%dma_wait3A_166 : memref<632x128xf32, #tpu.memory_space<vmem_shared>>)
      tpu.yield
    }) : () -> ()
    %run_scoped3A = arith.constant 0 : i32
    %run_scoped3A_5 = arith.constant 0 : i32
    "tpu.region"() ({
      %run_scoped3A_160 = tpu.sem_alloc : memref<!tpu.dma_semaphore, #tpu.memory_space<semaphore_mem>>
      %dma_start3A_161 = arith.constant 0 : i32
      %dma_start3A_162 = tpu.memref_slice %arg7[%run_scoped3A_5, %dma_start3A_161] : memref<4x128xi32, #tpu.memory_space<vmem>> -> memref<1x128xi32, #tpu.memory_space<vmem>>
      %dma_start3A_163 = tpu.memref_squeeze %dma_start3A_162 : memref<1x128xi32, #tpu.memory_space<vmem>> -> memref<128xi32, #tpu.memory_space<vmem>>
      %dma_start3A_164 = arith.constant 0 : i32
      %dma_start3A_165 = tpu.memref_slice %arg3[%add3A, %run_scoped3A, %dma_start3A_164] : memref<32x84x128xi32, #tpu.memory_space<hbm>> -> memref<1x1x128xi32, #tpu.memory_space<hbm>>
      %dma_start3A_166 = tpu.memref_squeeze %dma_start3A_165 : memref<1x1x128xi32, #tpu.memory_space<hbm>> -> memref<128xi32, #tpu.memory_space<hbm>>
      %dma_start3A_167 = arith.constant 0 : i32
      %dma_start3A_168 = tpu.memref_slice %arg7[%run_scoped3A_5, %dma_start3A_167] : memref<4x128xi32, #tpu.memory_space<vmem>> -> memref<1x128xi32, #tpu.memory_space<vmem>>
      %dma_start3A_169 = tpu.memref_squeeze %dma_start3A_168 : memref<1x128xi32, #tpu.memory_space<vmem>> -> memref<128xi32, #tpu.memory_space<vmem>>
      %dma_start3A_170 = arith.constant 0 : i32
      %dma_start3A_171 = tpu.memref_slice %arg3[%add3A, %run_scoped3A, %dma_start3A_170] : memref<32x84x128xi32, #tpu.memory_space<hbm>> -> memref<1x1x128xi32, #tpu.memory_space<hbm>>
      %dma_start3A_172 = tpu.memref_squeeze %dma_start3A_171 : memref<1x1x128xi32, #tpu.memory_space<hbm>> -> memref<128xi32, #tpu.memory_space<hbm>>
      tpu.enqueue_dma source(%dma_start3A_172 : memref<128xi32, #tpu.memory_space<hbm>>) target(%dma_start3A_169 : memref<128xi32, #tpu.memory_space<vmem>>) target_semaphore(%run_scoped3A_160 : memref<!tpu.dma_semaphore, #tpu.memory_space<semaphore_mem>>)
      %dma_wait3A_173 = arith.constant 0 : i32
      %dma_wait3A_174 = tpu.memref_slice %arg7[%run_scoped3A_5, %dma_wait3A_173] : memref<4x128xi32, #tpu.memory_space<vmem>> -> memref<1x128xi32, #tpu.memory_space<vmem>>
      %dma_wait3A_175 = tpu.memref_squeeze %dma_wait3A_174 : memref<1x128xi32, #tpu.memory_space<vmem>> -> memref<128xi32, #tpu.memory_space<vmem>>
      %dma_wait3A_176 = arith.constant 0 : i32
      %dma_wait3A_177 = tpu.memref_slice %arg3[%add3A, %run_scoped3A, %dma_wait3A_176] : memref<32x84x128xi32, #tpu.memory_space<hbm>> -> memref<1x1x128xi32, #tpu.memory_space<hbm>>
      %dma_wait3A_178 = tpu.memref_squeeze %dma_wait3A_177 : memref<1x1x128xi32, #tpu.memory_space<hbm>> -> memref<128xi32, #tpu.memory_space<hbm>>
      %dma_wait3A_179 = arith.constant 0 : i32
      %dma_wait3A_180 = tpu.memref_slice %arg7[%run_scoped3A_5, %dma_wait3A_179] : memref<4x128xi32, #tpu.memory_space<vmem>> -> memref<1x128xi32, #tpu.memory_space<vmem>>
      %dma_wait3A_181 = tpu.memref_squeeze %dma_wait3A_180 : memref<1x128xi32, #tpu.memory_space<vmem>> -> memref<128xi32, #tpu.memory_space<vmem>>
      %dma_wait3A_182 = arith.constant 0 : i32
      %dma_wait3A_183 = tpu.memref_slice %arg3[%add3A, %run_scoped3A, %dma_wait3A_182] : memref<32x84x128xi32, #tpu.memory_space<hbm>> -> memref<1x1x128xi32, #tpu.memory_space<hbm>>
      %dma_wait3A_184 = tpu.memref_squeeze %dma_wait3A_183 : memref<1x1x128xi32, #tpu.memory_space<hbm>> -> memref<128xi32, #tpu.memory_space<hbm>>
      tpu.wait_dma2 semaphore(%run_scoped3A_160 : memref<!tpu.dma_semaphore, #tpu.memory_space<semaphore_mem>>) src(%dma_wait3A_184 : memref<128xi32, #tpu.memory_space<hbm>>) dst(%dma_wait3A_181 : memref<128xi32, #tpu.memory_space<vmem>>)
      tpu.yield
    }) : () -> ()
    %run_scoped3A_6 = arith.constant 0 : i32
    %run_scoped3A_7 = arith.constant 0 : i32
    "tpu.region"() ({
      %run_scoped3A_160 = tpu.sem_alloc : memref<!tpu.dma_semaphore, #tpu.memory_space<semaphore_mem>>
      %dma_start3A_161 = arith.constant 0 : i32
      %dma_start3A_162 = tpu.memref_slice %arg8[%run_scoped3A_7, %dma_start3A_161] : memref<4x128xi32, #tpu.memory_space<vmem>> -> memref<1x128xi32, #tpu.memory_space<vmem>>
      %dma_start3A_163 = tpu.memref_squeeze %dma_start3A_162 : memref<1x128xi32, #tpu.memory_space<vmem>> -> memref<128xi32, #tpu.memory_space<vmem>>
      %dma_start3A_164 = arith.constant 0 : i32
      %dma_start3A_165 = tpu.memref_slice %arg4[%add3A, %run_scoped3A_6, %dma_start3A_164] : memref<32x84x128xi32, #tpu.memory_space<hbm>> -> memref<1x1x128xi32, #tpu.memory_space<hbm>>
      %dma_start3A_166 = tpu.memref_squeeze %dma_start3A_165 : memref<1x1x128xi32, #tpu.memory_space<hbm>> -> memref<128xi32, #tpu.memory_space<hbm>>
      %dma_start3A_167 = arith.constant 0 : i32
      %dma_start3A_168 = tpu.memref_slice %arg8[%run_scoped3A_7, %dma_start3A_167] : memref<4x128xi32, #tpu.memory_space<vmem>> -> memref<1x128xi32, #tpu.memory_space<vmem>>
      %dma_start3A_169 = tpu.memref_squeeze %dma_start3A_168 : memref<1x128xi32, #tpu.memory_space<vmem>> -> memref<128xi32, #tpu.memory_space<vmem>>
      %dma_start3A_170 = arith.constant 0 : i32
      %dma_start3A_171 = tpu.memref_slice %arg4[%add3A, %run_scoped3A_6, %dma_start3A_170] : memref<32x84x128xi32, #tpu.memory_space<hbm>> -> memref<1x1x128xi32, #tpu.memory_space<hbm>>
      %dma_start3A_172 = tpu.memref_squeeze %dma_start3A_171 : memref<1x1x128xi32, #tpu.memory_space<hbm>> -> memref<128xi32, #tpu.memory_space<hbm>>
      tpu.enqueue_dma source(%dma_start3A_172 : memref<128xi32, #tpu.memory_space<hbm>>) target(%dma_start3A_169 : memref<128xi32, #tpu.memory_space<vmem>>) target_semaphore(%run_scoped3A_160 : memref<!tpu.dma_semaphore, #tpu.memory_space<semaphore_mem>>)
      %dma_wait3A_173 = arith.constant 0 : i32
      %dma_wait3A_174 = tpu.memref_slice %arg8[%run_scoped3A_7, %dma_wait3A_173] : memref<4x128xi32, #tpu.memory_space<vmem>> -> memref<1x128xi32, #tpu.memory_space<vmem>>
      %dma_wait3A_175 = tpu.memref_squeeze %dma_wait3A_174 : memref<1x128xi32, #tpu.memory_space<vmem>> -> memref<128xi32, #tpu.memory_space<vmem>>
      %dma_wait3A_176 = arith.constant 0 : i32
      %dma_wait3A_177 = tpu.memref_slice %arg4[%add3A, %run_scoped3A_6, %dma_wait3A_176] : memref<32x84x128xi32, #tpu.memory_space<hbm>> -> memref<1x1x128xi32, #tpu.memory_space<hbm>>
      %dma_wait3A_178 = tpu.memref_squeeze %dma_wait3A_177 : memref<1x1x128xi32, #tpu.memory_space<hbm>> -> memref<128xi32, #tpu.memory_space<hbm>>
      %dma_wait3A_179 = arith.constant 0 : i32
      %dma_wait3A_180 = tpu.memref_slice %arg8[%run_scoped3A_7, %dma_wait3A_179] : memref<4x128xi32, #tpu.memory_space<vmem>> -> memref<1x128xi32, #tpu.memory_space<vmem>>
      %dma_wait3A_181 = tpu.memref_squeeze %dma_wait3A_180 : memref<1x128xi32, #tpu.memory_space<vmem>> -> memref<128xi32, #tpu.memory_space<vmem>>
      %dma_wait3A_182 = arith.constant 0 : i32
      %dma_wait3A_183 = tpu.memref_slice %arg4[%add3A, %run_scoped3A_6, %dma_wait3A_182] : memref<32x84x128xi32, #tpu.memory_space<hbm>> -> memref<1x1x128xi32, #tpu.memory_space<hbm>>
      %dma_wait3A_184 = tpu.memref_squeeze %dma_wait3A_183 : memref<1x1x128xi32, #tpu.memory_space<hbm>> -> memref<128xi32, #tpu.memory_space<hbm>>
      tpu.wait_dma2 semaphore(%run_scoped3A_160 : memref<!tpu.dma_semaphore, #tpu.memory_space<semaphore_mem>>) src(%dma_wait3A_184 : memref<128xi32, #tpu.memory_space<hbm>>) dst(%dma_wait3A_181 : memref<128xi32, #tpu.memory_space<vmem>>)
      tpu.yield
    }) : () -> ()
    %run_scoped3A_8 = arith.constant 1 : i32
    %run_scoped3A_9 = arith.constant 1 : i32
    "tpu.region"() ({
      %run_scoped3A_160 = tpu.sem_alloc : memref<!tpu.dma_semaphore, #tpu.memory_space<semaphore_mem>>
      %dma_start3A_161 = arith.constant 0 : i32
      %dma_start3A_162 = tpu.memref_slice %arg7[%run_scoped3A_9, %dma_start3A_161] : memref<4x128xi32, #tpu.memory_space<vmem>> -> memref<1x128xi32, #tpu.memory_space<vmem>>
      %dma_start3A_163 = tpu.memref_squeeze %dma_start3A_162 : memref<1x128xi32, #tpu.memory_space<vmem>> -> memref<128xi32, #tpu.memory_space<vmem>>
      %dma_start3A_164 = arith.constant 0 : i32
      %dma_start3A_165 = tpu.memref_slice %arg3[%add3A, %run_scoped3A_8, %dma_start3A_164] : memref<32x84x128xi32, #tpu.memory_space<hbm>> -> memref<1x1x128xi32, #tpu.memory_space<hbm>>
      %dma_start3A_166 = tpu.memref_squeeze %dma_start3A_165 : memref<1x1x128xi32, #tpu.memory_space<hbm>> -> memref<128xi32, #tpu.memory_space<hbm>>
      %dma_start3A_167 = arith.constant 0 : i32
      %dma_start3A_168 = tpu.memref_slice %arg7[%run_scoped3A_9, %dma_start3A_167] : memref<4x128xi32, #tpu.memory_space<vmem>> -> memref<1x128xi32, #tpu.memory_space<vmem>>
      %dma_start3A_169 = tpu.memref_squeeze %dma_start3A_168 : memref<1x128xi32, #tpu.memory_space<vmem>> -> memref<128xi32, #tpu.memory_space<vmem>>
      %dma_start3A_170 = arith.constant 0 : i32
      %dma_start3A_171 = tpu.memref_slice %arg3[%add3A, %run_scoped3A_8, %dma_start3A_170] : memref<32x84x128xi32, #tpu.memory_space<hbm>> -> memref<1x1x128xi32, #tpu.memory_space<hbm>>
      %dma_start3A_172 = tpu.memref_squeeze %dma_start3A_171 : memref<1x1x128xi32, #tpu.memory_space<hbm>> -> memref<128xi32, #tpu.memory_space<hbm>>
      tpu.enqueue_dma source(%dma_start3A_172 : memref<128xi32, #tpu.memory_space<hbm>>) target(%dma_start3A_169 : memref<128xi32, #tpu.memory_space<vmem>>) target_semaphore(%run_scoped3A_160 : memref<!tpu.dma_semaphore, #tpu.memory_space<semaphore_mem>>)
      %dma_wait3A_173 = arith.constant 0 : i32
      %dma_wait3A_174 = tpu.memref_slice %arg7[%run_scoped3A_9, %dma_wait3A_173] : memref<4x128xi32, #tpu.memory_space<vmem>> -> memref<1x128xi32, #tpu.memory_space<vmem>>
      %dma_wait3A_175 = tpu.memref_squeeze %dma_wait3A_174 : memref<1x128xi32, #tpu.memory_space<vmem>> -> memref<128xi32, #tpu.memory_space<vmem>>
      %dma_wait3A_176 = arith.constant 0 : i32
      %dma_wait3A_177 = tpu.memref_slice %arg3[%add3A, %run_scoped3A_8, %dma_wait3A_176] : memref<32x84x128xi32, #tpu.memory_space<hbm>> -> memref<1x1x128xi32, #tpu.memory_space<hbm>>
      %dma_wait3A_178 = tpu.memref_squeeze %dma_wait3A_177 : memref<1x1x128xi32, #tpu.memory_space<hbm>> -> memref<128xi32, #tpu.memory_space<hbm>>
      %dma_wait3A_179 = arith.constant 0 : i32
      %dma_wait3A_180 = tpu.memref_slice %arg7[%run_scoped3A_9, %dma_wait3A_179] : memref<4x128xi32, #tpu.memory_space<vmem>> -> memref<1x128xi32, #tpu.memory_space<vmem>>
      %dma_wait3A_181 = tpu.memref_squeeze %dma_wait3A_180 : memref<1x128xi32, #tpu.memory_space<vmem>> -> memref<128xi32, #tpu.memory_space<vmem>>
      %dma_wait3A_182 = arith.constant 0 : i32
      %dma_wait3A_183 = tpu.memref_slice %arg3[%add3A, %run_scoped3A_8, %dma_wait3A_182] : memref<32x84x128xi32, #tpu.memory_space<hbm>> -> memref<1x1x128xi32, #tpu.memory_space<hbm>>
      %dma_wait3A_184 = tpu.memref_squeeze %dma_wait3A_183 : memref<1x1x128xi32, #tpu.memory_space<hbm>> -> memref<128xi32, #tpu.memory_space<hbm>>
      tpu.wait_dma2 semaphore(%run_scoped3A_160 : memref<!tpu.dma_semaphore, #tpu.memory_space<semaphore_mem>>) src(%dma_wait3A_184 : memref<128xi32, #tpu.memory_space<hbm>>) dst(%dma_wait3A_181 : memref<128xi32, #tpu.memory_space<vmem>>)
      tpu.yield
    }) : () -> ()
    %run_scoped3A_10 = arith.constant 1 : i32
    %run_scoped3A_11 = arith.constant 1 : i32
    "tpu.region"() ({
      %run_scoped3A_160 = tpu.sem_alloc : memref<!tpu.dma_semaphore, #tpu.memory_space<semaphore_mem>>
      %dma_start3A_161 = arith.constant 0 : i32
      %dma_start3A_162 = tpu.memref_slice %arg8[%run_scoped3A_11, %dma_start3A_161] : memref<4x128xi32, #tpu.memory_space<vmem>> -> memref<1x128xi32, #tpu.memory_space<vmem>>
      %dma_start3A_163 = tpu.memref_squeeze %dma_start3A_162 : memref<1x128xi32, #tpu.memory_space<vmem>> -> memref<128xi32, #tpu.memory_space<vmem>>
      %dma_start3A_164 = arith.constant 0 : i32
      %dma_start3A_165 = tpu.memref_slice %arg4[%add3A, %run_scoped3A_10, %dma_start3A_164] : memref<32x84x128xi32, #tpu.memory_space<hbm>> -> memref<1x1x128xi32, #tpu.memory_space<hbm>>
      %dma_start3A_166 = tpu.memref_squeeze %dma_start3A_165 : memref<1x1x128xi32, #tpu.memory_space<hbm>> -> memref<128xi32, #tpu.memory_space<hbm>>
      %dma_start3A_167 = arith.constant 0 : i32
      %dma_start3A_168 = tpu.memref_slice %arg8[%run_scoped3A_11, %dma_start3A_167] : memref<4x128xi32, #tpu.memory_space<vmem>> -> memref<1x128xi32, #tpu.memory_space<vmem>>
      %dma_start3A_169 = tpu.memref_squeeze %dma_start3A_168 : memref<1x128xi32, #tpu.memory_space<vmem>> -> memref<128xi32, #tpu.memory_space<vmem>>
      %dma_start3A_170 = arith.constant 0 : i32
      %dma_start3A_171 = tpu.memref_slice %arg4[%add3A, %run_scoped3A_10, %dma_start3A_170] : memref<32x84x128xi32, #tpu.memory_space<hbm>> -> memref<1x1x128xi32, #tpu.memory_space<hbm>>
      %dma_start3A_172 = tpu.memref_squeeze %dma_start3A_171 : memref<1x1x128xi32, #tpu.memory_space<hbm>> -> memref<128xi32, #tpu.memory_space<hbm>>
      tpu.enqueue_dma source(%dma_start3A_172 : memref<128xi32, #tpu.memory_space<hbm>>) target(%dma_start3A_169 : memref<128xi32, #tpu.memory_space<vmem>>) target_semaphore(%run_scoped3A_160 : memref<!tpu.dma_semaphore, #tpu.memory_space<semaphore_mem>>)
      %dma_wait3A_173 = arith.constant 0 : i32
      %dma_wait3A_174 = tpu.memref_slice %arg8[%run_scoped3A_11, %dma_wait3A_173] : memref<4x128xi32, #tpu.memory_space<vmem>> -> memref<1x128xi32, #tpu.memory_space<vmem>>
      %dma_wait3A_175 = tpu.memref_squeeze %dma_wait3A_174 : memref<1x128xi32, #tpu.memory_space<vmem>> -> memref<128xi32, #tpu.memory_space<vmem>>
      %dma_wait3A_176 = arith.constant 0 : i32
      %dma_wait3A_177 = tpu.memref_slice %arg4[%add3A, %run_scoped3A_10, %dma_wait3A_176] : memref<32x84x128xi32, #tpu.memory_space<hbm>> -> memref<1x1x128xi32, #tpu.memory_space<hbm>>
      %dma_wait3A_178 = tpu.memref_squeeze %dma_wait3A_177 : memref<1x1x128xi32, #tpu.memory_space<hbm>> -> memref<128xi32, #tpu.memory_space<hbm>>
      %dma_wait3A_179 = arith.constant 0 : i32
      %dma_wait3A_180 = tpu.memref_slice %arg8[%run_scoped3A_11, %dma_wait3A_179] : memref<4x128xi32, #tpu.memory_space<vmem>> -> memref<1x128xi32, #tpu.memory_space<vmem>>
      %dma_wait3A_181 = tpu.memref_squeeze %dma_wait3A_180 : memref<1x128xi32, #tpu.memory_space<vmem>> -> memref<128xi32, #tpu.memory_space<vmem>>
      %dma_wait3A_182 = arith.constant 0 : i32
      %dma_wait3A_183 = tpu.memref_slice %arg4[%add3A, %run_scoped3A_10, %dma_wait3A_182] : memref<32x84x128xi32, #tpu.memory_space<hbm>> -> memref<1x1x128xi32, #tpu.memory_space<hbm>>
      %dma_wait3A_184 = tpu.memref_squeeze %dma_wait3A_183 : memref<1x1x128xi32, #tpu.memory_space<hbm>> -> memref<128xi32, #tpu.memory_space<hbm>>
      tpu.wait_dma2 semaphore(%run_scoped3A_160 : memref<!tpu.dma_semaphore, #tpu.memory_space<semaphore_mem>>) src(%dma_wait3A_184 : memref<128xi32, #tpu.memory_space<hbm>>) dst(%dma_wait3A_181 : memref<128xi32, #tpu.memory_space<vmem>>)
      tpu.yield
    }) : () -> ()
    %dma_start3A = arith.constant 2 : i32
    %dma_start3A_12 = arith.constant 2 : i32
    %dma_start3A_13 = arith.constant 0 : i32
    %dma_start3A_14 = tpu.memref_slice %arg7[%dma_start3A_12, %dma_start3A_13] : memref<4x128xi32, #tpu.memory_space<vmem>> -> memref<1x128xi32, #tpu.memory_space<vmem>>
    %dma_start3A_15 = tpu.memref_squeeze %dma_start3A_14 : memref<1x128xi32, #tpu.memory_space<vmem>> -> memref<128xi32, #tpu.memory_space<vmem>>
    %dma_start3A_16 = arith.constant 0 : i32
    %dma_start3A_17 = tpu.memref_slice %arg3[%add3A, %dma_start3A, %dma_start3A_16] : memref<32x84x128xi32, #tpu.memory_space<hbm>> -> memref<1x1x128xi32, #tpu.memory_space<hbm>>
    %dma_start3A_18 = tpu.memref_squeeze %dma_start3A_17 : memref<1x1x128xi32, #tpu.memory_space<hbm>> -> memref<128xi32, #tpu.memory_space<hbm>>
    %dma_start3A_19 = arith.constant 0 : i32
    %dma_start3A_20 = tpu.memref_slice %arg7[%dma_start3A_12, %dma_start3A_19] : memref<4x128xi32, #tpu.memory_space<vmem>> -> memref<1x128xi32, #tpu.memory_space<vmem>>
    %dma_start3A_21 = tpu.memref_squeeze %dma_start3A_20 : memref<1x128xi32, #tpu.memory_space<vmem>> -> memref<128xi32, #tpu.memory_space<vmem>>
    %dma_start3A_22 = arith.constant 0 : i32
    %dma_start3A_23 = tpu.memref_slice %arg3[%add3A, %dma_start3A, %dma_start3A_22] : memref<32x84x128xi32, #tpu.memory_space<hbm>> -> memref<1x1x128xi32, #tpu.memory_space<hbm>>
    %dma_start3A_24 = tpu.memref_squeeze %dma_start3A_23 : memref<1x1x128xi32, #tpu.memory_space<hbm>> -> memref<128xi32, #tpu.memory_space<hbm>>
    tpu.enqueue_dma source(%dma_start3A_24 : memref<128xi32, #tpu.memory_space<hbm>>) target(%dma_start3A_21 : memref<128xi32, #tpu.memory_space<vmem>>) target_semaphore(%arg17 : memref<!tpu.dma_semaphore, #tpu.memory_space<semaphore_mem>>)
    %dma_start3A_25 = arith.constant 2 : i32
    %dma_start3A_26 = arith.constant 2 : i32
    %dma_start3A_27 = arith.constant 0 : i32
    %dma_start3A_28 = tpu.memref_slice %arg8[%dma_start3A_26, %dma_start3A_27] : memref<4x128xi32, #tpu.memory_space<vmem>> -> memref<1x128xi32, #tpu.memory_space<vmem>>
    %dma_start3A_29 = tpu.memref_squeeze %dma_start3A_28 : memref<1x128xi32, #tpu.memory_space<vmem>> -> memref<128xi32, #tpu.memory_space<vmem>>
    %dma_start3A_30 = arith.constant 0 : i32
    %dma_start3A_31 = tpu.memref_slice %arg4[%add3A, %dma_start3A_25, %dma_start3A_30] : memref<32x84x128xi32, #tpu.memory_space<hbm>> -> memref<1x1x128xi32, #tpu.memory_space<hbm>>
    %dma_start3A_32 = tpu.memref_squeeze %dma_start3A_31 : memref<1x1x128xi32, #tpu.memory_space<hbm>> -> memref<128xi32, #tpu.memory_space<hbm>>
    %dma_start3A_33 = arith.constant 0 : i32
    %dma_start3A_34 = tpu.memref_slice %arg8[%dma_start3A_26, %dma_start3A_33] : memref<4x128xi32, #tpu.memory_space<vmem>> -> memref<1x128xi32, #tpu.memory_space<vmem>>
    %dma_start3A_35 = tpu.memref_squeeze %dma_start3A_34 : memref<1x128xi32, #tpu.memory_space<vmem>> -> memref<128xi32, #tpu.memory_space<vmem>>
    %dma_start3A_36 = arith.constant 0 : i32
    %dma_start3A_37 = tpu.memref_slice %arg4[%add3A, %dma_start3A_25, %dma_start3A_36] : memref<32x84x128xi32, #tpu.memory_space<hbm>> -> memref<1x1x128xi32, #tpu.memory_space<hbm>>
    %dma_start3A_38 = tpu.memref_squeeze %dma_start3A_37 : memref<1x1x128xi32, #tpu.memory_space<hbm>> -> memref<128xi32, #tpu.memory_space<hbm>>
    tpu.enqueue_dma source(%dma_start3A_38 : memref<128xi32, #tpu.memory_space<hbm>>) target(%dma_start3A_35 : memref<128xi32, #tpu.memory_space<vmem>>) target_semaphore(%arg21 : memref<!tpu.dma_semaphore, #tpu.memory_space<semaphore_mem>>)
    %dma_start3A_39 = arith.constant 3 : i32
    %dma_start3A_40 = arith.constant 3 : i32
    %dma_start3A_41 = arith.constant 0 : i32
    %dma_start3A_42 = tpu.memref_slice %arg7[%dma_start3A_40, %dma_start3A_41] : memref<4x128xi32, #tpu.memory_space<vmem>> -> memref<1x128xi32, #tpu.memory_space<vmem>>
    %dma_start3A_43 = tpu.memref_squeeze %dma_start3A_42 : memref<1x128xi32, #tpu.memory_space<vmem>> -> memref<128xi32, #tpu.memory_space<vmem>>
    %dma_start3A_44 = arith.constant 0 : i32
    %dma_start3A_45 = tpu.memref_slice %arg3[%add3A, %dma_start3A_39, %dma_start3A_44] : memref<32x84x128xi32, #tpu.memory_space<hbm>> -> memref<1x1x128xi32, #tpu.memory_space<hbm>>
    %dma_start3A_46 = tpu.memref_squeeze %dma_start3A_45 : memref<1x1x128xi32, #tpu.memory_space<hbm>> -> memref<128xi32, #tpu.memory_space<hbm>>
    %dma_start3A_47 = arith.constant 0 : i32
    %dma_start3A_48 = tpu.memref_slice %arg7[%dma_start3A_40, %dma_start3A_47] : memref<4x128xi32, #tpu.memory_space<vmem>> -> memref<1x128xi32, #tpu.memory_space<vmem>>
    %dma_start3A_49 = tpu.memref_squeeze %dma_start3A_48 : memref<1x128xi32, #tpu.memory_space<vmem>> -> memref<128xi32, #tpu.memory_space<vmem>>
    %dma_start3A_50 = arith.constant 0 : i32
    %dma_start3A_51 = tpu.memref_slice %arg3[%add3A, %dma_start3A_39, %dma_start3A_50] : memref<32x84x128xi32, #tpu.memory_space<hbm>> -> memref<1x1x128xi32, #tpu.memory_space<hbm>>
    %dma_start3A_52 = tpu.memref_squeeze %dma_start3A_51 : memref<1x1x128xi32, #tpu.memory_space<hbm>> -> memref<128xi32, #tpu.memory_space<hbm>>
    tpu.enqueue_dma source(%dma_start3A_52 : memref<128xi32, #tpu.memory_space<hbm>>) target(%dma_start3A_49 : memref<128xi32, #tpu.memory_space<vmem>>) target_semaphore(%arg18 : memref<!tpu.dma_semaphore, #tpu.memory_space<semaphore_mem>>)
    %dma_start3A_53 = arith.constant 3 : i32
    %dma_start3A_54 = arith.constant 3 : i32
    %dma_start3A_55 = arith.constant 0 : i32
    %dma_start3A_56 = tpu.memref_slice %arg8[%dma_start3A_54, %dma_start3A_55] : memref<4x128xi32, #tpu.memory_space<vmem>> -> memref<1x128xi32, #tpu.memory_space<vmem>>
    %dma_start3A_57 = tpu.memref_squeeze %dma_start3A_56 : memref<1x128xi32, #tpu.memory_space<vmem>> -> memref<128xi32, #tpu.memory_space<vmem>>
    %dma_start3A_58 = arith.constant 0 : i32
    %dma_start3A_59 = tpu.memref_slice %arg4[%add3A, %dma_start3A_53, %dma_start3A_58] : memref<32x84x128xi32, #tpu.memory_space<hbm>> -> memref<1x1x128xi32, #tpu.memory_space<hbm>>
    %dma_start3A_60 = tpu.memref_squeeze %dma_start3A_59 : memref<1x1x128xi32, #tpu.memory_space<hbm>> -> memref<128xi32, #tpu.memory_space<hbm>>
    %dma_start3A_61 = arith.constant 0 : i32
    %dma_start3A_62 = tpu.memref_slice %arg8[%dma_start3A_54, %dma_start3A_61] : memref<4x128xi32, #tpu.memory_space<vmem>> -> memref<1x128xi32, #tpu.memory_space<vmem>>
    %dma_start3A_63 = tpu.memref_squeeze %dma_start3A_62 : memref<1x128xi32, #tpu.memory_space<vmem>> -> memref<128xi32, #tpu.memory_space<vmem>>
    %dma_start3A_64 = arith.constant 0 : i32
    %dma_start3A_65 = tpu.memref_slice %arg4[%add3A, %dma_start3A_53, %dma_start3A_64] : memref<32x84x128xi32, #tpu.memory_space<hbm>> -> memref<1x1x128xi32, #tpu.memory_space<hbm>>
    %dma_start3A_66 = tpu.memref_squeeze %dma_start3A_65 : memref<1x1x128xi32, #tpu.memory_space<hbm>> -> memref<128xi32, #tpu.memory_space<hbm>>
    tpu.enqueue_dma source(%dma_start3A_66 : memref<128xi32, #tpu.memory_space<hbm>>) target(%dma_start3A_63 : memref<128xi32, #tpu.memory_space<vmem>>) target_semaphore(%arg22 : memref<!tpu.dma_semaphore, #tpu.memory_space<semaphore_mem>>)
    %dma_start3A_67 = arith.constant 0 : i32
    %dma_start3A_68 = arith.constant 0 : i32
    %dma_start3A_69 = tpu.memref_slice %arg7[%dma_start3A_67, %dma_start3A_68] : memref<4x128xi32, #tpu.memory_space<vmem>> -> memref<1x128xi32, #tpu.memory_space<vmem>>
    %dma_start3A_70 = tpu.memref_squeeze %dma_start3A_69 : memref<1x128xi32, #tpu.memory_space<vmem>> -> memref<128xi32, #tpu.memory_space<vmem>>
    %dma_start3A_71 = arith.constant 0 : i32
    %dma_start3A_72 = arith.constant 0 : i32
    %dma_start3A_73 = tpu.memref_slice %arg2[%dma_start3A_71, %dma_start3A_72] : memref<10000x128xf32, #tpu.memory_space<hbm>> -> memref<10000x128xf32, #tpu.memory_space<hbm>>
    tpu.enqueue_indirect_dma source(%dma_start3A_73 : memref<10000x128xf32, #tpu.memory_space<hbm>>) target(%arg9 : memref<128x128xf32, #tpu.memory_space<vmem>>) offsets(%dma_start3A_70 : memref<128xi32, #tpu.memory_space<vmem>>) semaphore(%arg12 : memref<!tpu.dma_semaphore, #tpu.memory_space<semaphore_mem>>)
    %dma_start3A_74 = arith.constant 1 : i32
    %dma_start3A_75 = arith.constant 0 : i32
    %dma_start3A_76 = tpu.memref_slice %arg7[%dma_start3A_74, %dma_start3A_75] : memref<4x128xi32, #tpu.memory_space<vmem>> -> memref<1x128xi32, #tpu.memory_space<vmem>>
    %dma_start3A_77 = tpu.memref_squeeze %dma_start3A_76 : memref<1x128xi32, #tpu.memory_space<vmem>> -> memref<128xi32, #tpu.memory_space<vmem>>
    %dma_start3A_78 = arith.constant 0 : i32
    %dma_start3A_79 = arith.constant 0 : i32
    %dma_start3A_80 = tpu.memref_slice %arg2[%dma_start3A_78, %dma_start3A_79] : memref<10000x128xf32, #tpu.memory_space<hbm>> -> memref<10000x128xf32, #tpu.memory_space<hbm>>
    tpu.enqueue_indirect_dma source(%dma_start3A_80 : memref<10000x128xf32, #tpu.memory_space<hbm>>) target(%arg10 : memref<128x128xf32, #tpu.memory_space<vmem>>) offsets(%dma_start3A_77 : memref<128xi32, #tpu.memory_space<vmem>>) semaphore(%arg13 : memref<!tpu.dma_semaphore, #tpu.memory_space<semaphore_mem>>)
    %barrier3A = arith.constant 0 : index
    tpu.barrier barrier_id(%barrier3A)
    %scan3A = arith.constant 0 : i32
    %scan3A_81 = arith.constant 0 : i32
    %scan3A_82 = arith.constant 20 : i32
    %scan3A_83 = arith.addi %scan3A_81, %scan3A_82 : i32
    %scan3A_84 = arith.constant 1 : i32
    scf.for %scan3A_160 = %scan3A_81 to %scan3A_83 step %scan3A_84  : i32 {
      %mul3A_161 = arith.constant 4 : i32
      %mul3A_162 = arith.muli %mul3A_161, %scan3A_160 : i32
      %add3A_163 = arith.constant 0 : i32
      %add3A_164 = arith.addi %mul3A_162, %add3A_163 : i32
      %dma_wait3A_165 = arith.constant 0 : i32
      %dma_wait3A_166 = arith.constant 0 : i32
      %dma_wait3A_167 = tpu.memref_slice %arg7[%dma_wait3A_165, %dma_wait3A_166] : memref<4x128xi32, #tpu.memory_space<vmem>> -> memref<1x128xi32, #tpu.memory_space<vmem>>
      %dma_wait3A_168 = tpu.memref_squeeze %dma_wait3A_167 : memref<1x128xi32, #tpu.memory_space<vmem>> -> memref<128xi32, #tpu.memory_space<vmem>>
      %dma_wait3A_169 = arith.constant 0 : i32
      %dma_wait3A_170 = arith.constant 0 : i32
      %dma_wait3A_171 = tpu.memref_slice %arg2[%dma_wait3A_169, %dma_wait3A_170] : memref<10000x128xf32, #tpu.memory_space<hbm>> -> memref<10000x128xf32, #tpu.memory_space<hbm>>
      tpu.wait_indirect_dma semaphore(%arg12 : memref<!tpu.dma_semaphore, #tpu.memory_space<semaphore_mem>>) src(%dma_wait3A_171 : memref<10000x128xf32, #tpu.memory_space<hbm>>) dst(%arg9 : memref<128x128xf32, #tpu.memory_space<vmem>>)
      %dma_start3A_172 = arith.constant 0 : i32
      %dma_start3A_173 = arith.constant 0 : i32
      %dma_start3A_174 = tpu.memref_slice %arg8[%dma_start3A_172, %dma_start3A_173] : memref<4x128xi32, #tpu.memory_space<vmem>> -> memref<1x128xi32, #tpu.memory_space<vmem>>
      %dma_start3A_175 = tpu.memref_squeeze %dma_start3A_174 : memref<1x128xi32, #tpu.memory_space<vmem>> -> memref<128xi32, #tpu.memory_space<vmem>>
      %dma_start3A_176 = arith.constant 0 : i32
      %dma_start3A_177 = arith.constant 0 : i32
      %dma_start3A_178 = tpu.memref_slice %arg11[%dma_start3A_176, %dma_start3A_177] : memref<10112x128xf32, #tpu.memory_space<vmem_shared>> -> memref<10112x128xf32, #tpu.memory_space<vmem_shared>>
      tpu.enqueue_indirect_dma source(%arg9 : memref<128x128xf32, #tpu.memory_space<vmem>>) target(%dma_start3A_178 : memref<10112x128xf32, #tpu.memory_space<vmem_shared>>) offsets(%dma_start3A_175 : memref<128xi32, #tpu.memory_space<vmem>>) semaphore(%arg14 : memref<!tpu.dma_semaphore, #tpu.memory_space<semaphore_mem>>) {add = true}
      %dma_wait3A_179 = arith.constant 0 : i32
      %dma_wait3A_180 = arith.constant 0 : i32
      %dma_wait3A_181 = tpu.memref_slice %arg8[%dma_wait3A_179, %dma_wait3A_180] : memref<4x128xi32, #tpu.memory_space<vmem>> -> memref<1x128xi32, #tpu.memory_space<vmem>>
      %dma_wait3A_182 = tpu.memref_squeeze %dma_wait3A_181 : memref<1x128xi32, #tpu.memory_space<vmem>> -> memref<128xi32, #tpu.memory_space<vmem>>
      %dma_wait3A_183 = arith.constant 0 : i32
      %dma_wait3A_184 = arith.constant 0 : i32
      %dma_wait3A_185 = tpu.memref_slice %arg11[%dma_wait3A_183, %dma_wait3A_184] : memref<10112x128xf32, #tpu.memory_space<vmem_shared>> -> memref<10112x128xf32, #tpu.memory_space<vmem_shared>>
      tpu.wait_indirect_dma semaphore(%arg14 : memref<!tpu.dma_semaphore, #tpu.memory_space<semaphore_mem>>) src(%arg9 : memref<128x128xf32, #tpu.memory_space<vmem>>) dst(%dma_wait3A_185 : memref<10112x128xf32, #tpu.memory_space<vmem_shared>>)
      %add3A_186 = arith.constant 4 : i32
      %add3A_187 = arith.addi %add3A_164, %add3A_186 : i32
      %dma_start3A_188 = arith.constant 0 : i32
      %dma_start3A_189 = arith.constant 0 : i32
      %dma_start3A_190 = tpu.memref_slice %arg7[%dma_start3A_188, %dma_start3A_189] : memref<4x128xi32, #tpu.memory_space<vmem>> -> memref<1x128xi32, #tpu.memory_space<vmem>>
      %dma_start3A_191 = tpu.memref_squeeze %dma_start3A_190 : memref<1x128xi32, #tpu.memory_space<vmem>> -> memref<128xi32, #tpu.memory_space<vmem>>
      %dma_start3A_192 = arith.constant 0 : i32
      %dma_start3A_193 = tpu.memref_slice %arg3[%add3A, %add3A_187, %dma_start3A_192] : memref<32x84x128xi32, #tpu.memory_space<hbm>> -> memref<1x1x128xi32, #tpu.memory_space<hbm>>
      %dma_start3A_194 = tpu.memref_squeeze %dma_start3A_193 : memref<1x1x128xi32, #tpu.memory_space<hbm>> -> memref<128xi32, #tpu.memory_space<hbm>>
      %dma_start3A_195 = arith.constant 0 : i32
      %dma_start3A_196 = tpu.memref_slice %arg7[%dma_start3A_188, %dma_start3A_195] : memref<4x128xi32, #tpu.memory_space<vmem>> -> memref<1x128xi32, #tpu.memory_space<vmem>>
      %dma_start3A_197 = tpu.memref_squeeze %dma_start3A_196 : memref<1x128xi32, #tpu.memory_space<vmem>> -> memref<128xi32, #tpu.memory_space<vmem>>
      %dma_start3A_198 = arith.constant 0 : i32
      %dma_start3A_199 = tpu.memref_slice %arg3[%add3A, %add3A_187, %dma_start3A_198] : memref<32x84x128xi32, #tpu.memory_space<hbm>> -> memref<1x1x128xi32, #tpu.memory_space<hbm>>
      %dma_start3A_200 = tpu.memref_squeeze %dma_start3A_199 : memref<1x1x128xi32, #tpu.memory_space<hbm>> -> memref<128xi32, #tpu.memory_space<hbm>>
      tpu.enqueue_dma source(%dma_start3A_200 : memref<128xi32, #tpu.memory_space<hbm>>) target(%dma_start3A_197 : memref<128xi32, #tpu.memory_space<vmem>>) target_semaphore(%arg15 : memref<!tpu.dma_semaphore, #tpu.memory_space<semaphore_mem>>)
      %add3A_201 = arith.constant 4 : i32
      %add3A_202 = arith.addi %add3A_164, %add3A_201 : i32
      %dma_start3A_203 = arith.constant 0 : i32
      %dma_start3A_204 = arith.constant 0 : i32
      %dma_start3A_205 = tpu.memref_slice %arg8[%dma_start3A_203, %dma_start3A_204] : memref<4x128xi32, #tpu.memory_space<vmem>> -> memref<1x128xi32, #tpu.memory_space<vmem>>
      %dma_start3A_206 = tpu.memref_squeeze %dma_start3A_205 : memref<1x128xi32, #tpu.memory_space<vmem>> -> memref<128xi32, #tpu.memory_space<vmem>>
      %dma_start3A_207 = arith.constant 0 : i32
      %dma_start3A_208 = tpu.memref_slice %arg4[%add3A, %add3A_202, %dma_start3A_207] : memref<32x84x128xi32, #tpu.memory_space<hbm>> -> memref<1x1x128xi32, #tpu.memory_space<hbm>>
      %dma_start3A_209 = tpu.memref_squeeze %dma_start3A_208 : memref<1x1x128xi32, #tpu.memory_space<hbm>> -> memref<128xi32, #tpu.memory_space<hbm>>
      %dma_start3A_210 = arith.constant 0 : i32
      %dma_start3A_211 = tpu.memref_slice %arg8[%dma_start3A_203, %dma_start3A_210] : memref<4x128xi32, #tpu.memory_space<vmem>> -> memref<1x128xi32, #tpu.memory_space<vmem>>
      %dma_start3A_212 = tpu.memref_squeeze %dma_start3A_211 : memref<1x128xi32, #tpu.memory_space<vmem>> -> memref<128xi32, #tpu.memory_space<vmem>>
      %dma_start3A_213 = arith.constant 0 : i32
      %dma_start3A_214 = tpu.memref_slice %arg4[%add3A, %add3A_202, %dma_start3A_213] : memref<32x84x128xi32, #tpu.memory_space<hbm>> -> memref<1x1x128xi32, #tpu.memory_space<hbm>>
      %dma_start3A_215 = tpu.memref_squeeze %dma_start3A_214 : memref<1x1x128xi32, #tpu.memory_space<hbm>> -> memref<128xi32, #tpu.memory_space<hbm>>
      tpu.enqueue_dma source(%dma_start3A_215 : memref<128xi32, #tpu.memory_space<hbm>>) target(%dma_start3A_212 : memref<128xi32, #tpu.memory_space<vmem>>) target_semaphore(%arg19 : memref<!tpu.dma_semaphore, #tpu.memory_space<semaphore_mem>>)
      %dma_wait3A_216 = arith.constant 0 : i32
      %dma_wait3A_217 = arith.constant 2 : i32
      %dma_wait3A_218 = arith.constant 0 : i32
      %dma_wait3A_219 = tpu.memref_slice %arg7[%dma_wait3A_217, %dma_wait3A_218] : memref<4x128xi32, #tpu.memory_space<vmem>> -> memref<1x128xi32, #tpu.memory_space<vmem>>
      %dma_wait3A_220 = tpu.memref_squeeze %dma_wait3A_219 : memref<1x128xi32, #tpu.memory_space<vmem>> -> memref<128xi32, #tpu.memory_space<vmem>>
      %dma_wait3A_221 = arith.constant 0 : i32
      %dma_wait3A_222 = tpu.memref_slice %arg3[%add3A, %dma_wait3A_216, %dma_wait3A_221] : memref<32x84x128xi32, #tpu.memory_space<hbm>> -> memref<1x1x128xi32, #tpu.memory_space<hbm>>
      %dma_wait3A_223 = tpu.memref_squeeze %dma_wait3A_222 : memref<1x1x128xi32, #tpu.memory_space<hbm>> -> memref<128xi32, #tpu.memory_space<hbm>>
      %dma_wait3A_224 = arith.constant 0 : i32
      %dma_wait3A_225 = tpu.memref_slice %arg7[%dma_wait3A_217, %dma_wait3A_224] : memref<4x128xi32, #tpu.memory_space<vmem>> -> memref<1x128xi32, #tpu.memory_space<vmem>>
      %dma_wait3A_226 = tpu.memref_squeeze %dma_wait3A_225 : memref<1x128xi32, #tpu.memory_space<vmem>> -> memref<128xi32, #tpu.memory_space<vmem>>
      %dma_wait3A_227 = arith.constant 0 : i32
      %dma_wait3A_228 = tpu.memref_slice %arg3[%add3A, %dma_wait3A_216, %dma_wait3A_227] : memref<32x84x128xi32, #tpu.memory_space<hbm>> -> memref<1x1x128xi32, #tpu.memory_space<hbm>>
      %dma_wait3A_229 = tpu.memref_squeeze %dma_wait3A_228 : memref<1x1x128xi32, #tpu.memory_space<hbm>> -> memref<128xi32, #tpu.memory_space<hbm>>
      tpu.wait_dma2 semaphore(%arg17 : memref<!tpu.dma_semaphore, #tpu.memory_space<semaphore_mem>>) src(%dma_wait3A_229 : memref<128xi32, #tpu.memory_space<hbm>>) dst(%dma_wait3A_226 : memref<128xi32, #tpu.memory_space<vmem>>)
      %dma_wait3A_230 = arith.constant 0 : i32
      %dma_wait3A_231 = arith.constant 2 : i32
      %dma_wait3A_232 = arith.constant 0 : i32
      %dma_wait3A_233 = tpu.memref_slice %arg8[%dma_wait3A_231, %dma_wait3A_232] : memref<4x128xi32, #tpu.memory_space<vmem>> -> memref<1x128xi32, #tpu.memory_space<vmem>>
      %dma_wait3A_234 = tpu.memref_squeeze %dma_wait3A_233 : memref<1x128xi32, #tpu.memory_space<vmem>> -> memref<128xi32, #tpu.memory_space<vmem>>
      %dma_wait3A_235 = arith.constant 0 : i32
      %dma_wait3A_236 = tpu.memref_slice %arg4[%add3A, %dma_wait3A_230, %dma_wait3A_235] : memref<32x84x128xi32, #tpu.memory_space<hbm>> -> memref<1x1x128xi32, #tpu.memory_space<hbm>>
      %dma_wait3A_237 = tpu.memref_squeeze %dma_wait3A_236 : memref<1x1x128xi32, #tpu.memory_space<hbm>> -> memref<128xi32, #tpu.memory_space<hbm>>
      %dma_wait3A_238 = arith.constant 0 : i32
      %dma_wait3A_239 = tpu.memref_slice %arg8[%dma_wait3A_231, %dma_wait3A_238] : memref<4x128xi32, #tpu.memory_space<vmem>> -> memref<1x128xi32, #tpu.memory_space<vmem>>
      %dma_wait3A_240 = tpu.memref_squeeze %dma_wait3A_239 : memref<1x128xi32, #tpu.memory_space<vmem>> -> memref<128xi32, #tpu.memory_space<vmem>>
      %dma_wait3A_241 = arith.constant 0 : i32
      %dma_wait3A_242 = tpu.memref_slice %arg4[%add3A, %dma_wait3A_230, %dma_wait3A_241] : memref<32x84x128xi32, #tpu.memory_space<hbm>> -> memref<1x1x128xi32, #tpu.memory_space<hbm>>
      %dma_wait3A_243 = tpu.memref_squeeze %dma_wait3A_242 : memref<1x1x128xi32, #tpu.memory_space<hbm>> -> memref<128xi32, #tpu.memory_space<hbm>>
      tpu.wait_dma2 semaphore(%arg21 : memref<!tpu.dma_semaphore, #tpu.memory_space<semaphore_mem>>) src(%dma_wait3A_243 : memref<128xi32, #tpu.memory_space<hbm>>) dst(%dma_wait3A_240 : memref<128xi32, #tpu.memory_space<vmem>>)
      %dma_start3A_244 = arith.constant 2 : i32
      %dma_start3A_245 = arith.constant 0 : i32
      %dma_start3A_246 = tpu.memref_slice %arg7[%dma_start3A_244, %dma_start3A_245] : memref<4x128xi32, #tpu.memory_space<vmem>> -> memref<1x128xi32, #tpu.memory_space<vmem>>
      %dma_start3A_247 = tpu.memref_squeeze %dma_start3A_246 : memref<1x128xi32, #tpu.memory_space<vmem>> -> memref<128xi32, #tpu.memory_space<vmem>>
      %dma_start3A_248 = arith.constant 0 : i32
      %dma_start3A_249 = arith.constant 0 : i32
      %dma_start3A_250 = tpu.memref_slice %arg2[%dma_start3A_248, %dma_start3A_249] : memref<10000x128xf32, #tpu.memory_space<hbm>> -> memref<10000x128xf32, #tpu.memory_space<hbm>>
      tpu.enqueue_indirect_dma source(%dma_start3A_250 : memref<10000x128xf32, #tpu.memory_space<hbm>>) target(%arg9 : memref<128x128xf32, #tpu.memory_space<vmem>>) offsets(%dma_start3A_247 : memref<128xi32, #tpu.memory_space<vmem>>) semaphore(%arg12 : memref<!tpu.dma_semaphore, #tpu.memory_space<semaphore_mem>>)
      %mul3A_251 = arith.constant 4 : i32
      %mul3A_252 = arith.muli %mul3A_251, %scan3A_160 : i32
      %add3A_253 = arith.constant 1 : i32
      %add3A_254 = arith.addi %mul3A_252, %add3A_253 : i32
      %dma_wait3A_255 = arith.constant 1 : i32
      %dma_wait3A_256 = arith.constant 0 : i32
      %dma_wait3A_257 = tpu.memref_slice %arg7[%dma_wait3A_255, %dma_wait3A_256] : memref<4x128xi32, #tpu.memory_space<vmem>> -> memref<1x128xi32, #tpu.memory_space<vmem>>
      %dma_wait3A_258 = tpu.memref_squeeze %dma_wait3A_257 : memref<1x128xi32, #tpu.memory_space<vmem>> -> memref<128xi32, #tpu.memory_space<vmem>>
      %dma_wait3A_259 = arith.constant 0 : i32
      %dma_wait3A_260 = arith.constant 0 : i32
      %dma_wait3A_261 = tpu.memref_slice %arg2[%dma_wait3A_259, %dma_wait3A_260] : memref<10000x128xf32, #tpu.memory_space<hbm>> -> memref<10000x128xf32, #tpu.memory_space<hbm>>
      tpu.wait_indirect_dma semaphore(%arg13 : memref<!tpu.dma_semaphore, #tpu.memory_space<semaphore_mem>>) src(%dma_wait3A_261 : memref<10000x128xf32, #tpu.memory_space<hbm>>) dst(%arg10 : memref<128x128xf32, #tpu.memory_space<vmem>>)
      %dma_start3A_262 = arith.constant 1 : i32
      %dma_start3A_263 = arith.constant 0 : i32
      %dma_start3A_264 = tpu.memref_slice %arg8[%dma_start3A_262, %dma_start3A_263] : memref<4x128xi32, #tpu.memory_space<vmem>> -> memref<1x128xi32, #tpu.memory_space<vmem>>
      %dma_start3A_265 = tpu.memref_squeeze %dma_start3A_264 : memref<1x128xi32, #tpu.memory_space<vmem>> -> memref<128xi32, #tpu.memory_space<vmem>>
      %dma_start3A_266 = arith.constant 0 : i32
      %dma_start3A_267 = arith.constant 0 : i32
      %dma_start3A_268 = tpu.memref_slice %arg11[%dma_start3A_266, %dma_start3A_267] : memref<10112x128xf32, #tpu.memory_space<vmem_shared>> -> memref<10112x128xf32, #tpu.memory_space<vmem_shared>>
      tpu.enqueue_indirect_dma source(%arg10 : memref<128x128xf32, #tpu.memory_space<vmem>>) target(%dma_start3A_268 : memref<10112x128xf32, #tpu.memory_space<vmem_shared>>) offsets(%dma_start3A_265 : memref<128xi32, #tpu.memory_space<vmem>>) semaphore(%arg14 : memref<!tpu.dma_semaphore, #tpu.memory_space<semaphore_mem>>) {add = true}
      %dma_wait3A_269 = arith.constant 1 : i32
      %dma_wait3A_270 = arith.constant 0 : i32
      %dma_wait3A_271 = tpu.memref_slice %arg8[%dma_wait3A_269, %dma_wait3A_270] : memref<4x128xi32, #tpu.memory_space<vmem>> -> memref<1x128xi32, #tpu.memory_space<vmem>>
      %dma_wait3A_272 = tpu.memref_squeeze %dma_wait3A_271 : memref<1x128xi32, #tpu.memory_space<vmem>> -> memref<128xi32, #tpu.memory_space<vmem>>
      %dma_wait3A_273 = arith.constant 0 : i32
      %dma_wait3A_274 = arith.constant 0 : i32
      %dma_wait3A_275 = tpu.memref_slice %arg11[%dma_wait3A_273, %dma_wait3A_274] : memref<10112x128xf32, #tpu.memory_space<vmem_shared>> -> memref<10112x128xf32, #tpu.memory_space<vmem_shared>>
      tpu.wait_indirect_dma semaphore(%arg14 : memref<!tpu.dma_semaphore, #tpu.memory_space<semaphore_mem>>) src(%arg10 : memref<128x128xf32, #tpu.memory_space<vmem>>) dst(%dma_wait3A_275 : memref<10112x128xf32, #tpu.memory_space<vmem_shared>>)
      %add3A_276 = arith.constant 4 : i32
      %add3A_277 = arith.addi %add3A_254, %add3A_276 : i32
      %dma_start3A_278 = arith.constant 1 : i32
      %dma_start3A_279 = arith.constant 0 : i32
      %dma_start3A_280 = tpu.memref_slice %arg7[%dma_start3A_278, %dma_start3A_279] : memref<4x128xi32, #tpu.memory_space<vmem>> -> memref<1x128xi32, #tpu.memory_space<vmem>>
      %dma_start3A_281 = tpu.memref_squeeze %dma_start3A_280 : memref<1x128xi32, #tpu.memory_space<vmem>> -> memref<128xi32, #tpu.memory_space<vmem>>
      %dma_start3A_282 = arith.constant 0 : i32
      %dma_start3A_283 = tpu.memref_slice %arg3[%add3A, %add3A_277, %dma_start3A_282] : memref<32x84x128xi32, #tpu.memory_space<hbm>> -> memref<1x1x128xi32, #tpu.memory_space<hbm>>
      %dma_start3A_284 = tpu.memref_squeeze %dma_start3A_283 : memref<1x1x128xi32, #tpu.memory_space<hbm>> -> memref<128xi32, #tpu.memory_space<hbm>>
      %dma_start3A_285 = arith.constant 0 : i32
      %dma_start3A_286 = tpu.memref_slice %arg7[%dma_start3A_278, %dma_start3A_285] : memref<4x128xi32, #tpu.memory_space<vmem>> -> memref<1x128xi32, #tpu.memory_space<vmem>>
      %dma_start3A_287 = tpu.memref_squeeze %dma_start3A_286 : memref<1x128xi32, #tpu.memory_space<vmem>> -> memref<128xi32, #tpu.memory_space<vmem>>
      %dma_start3A_288 = arith.constant 0 : i32
      %dma_start3A_289 = tpu.memref_slice %arg3[%add3A, %add3A_277, %dma_start3A_288] : memref<32x84x128xi32, #tpu.memory_space<hbm>> -> memref<1x1x128xi32, #tpu.memory_space<hbm>>
      %dma_start3A_290 = tpu.memref_squeeze %dma_start3A_289 : memref<1x1x128xi32, #tpu.memory_space<hbm>> -> memref<128xi32, #tpu.memory_space<hbm>>
      tpu.enqueue_dma source(%dma_start3A_290 : memref<128xi32, #tpu.memory_space<hbm>>) target(%dma_start3A_287 : memref<128xi32, #tpu.memory_space<vmem>>) target_semaphore(%arg16 : memref<!tpu.dma_semaphore, #tpu.memory_space<semaphore_mem>>)
      %add3A_291 = arith.constant 4 : i32
      %add3A_292 = arith.addi %add3A_254, %add3A_291 : i32
      %dma_start3A_293 = arith.constant 1 : i32
      %dma_start3A_294 = arith.constant 0 : i32
      %dma_start3A_295 = tpu.memref_slice %arg8[%dma_start3A_293, %dma_start3A_294] : memref<4x128xi32, #tpu.memory_space<vmem>> -> memref<1x128xi32, #tpu.memory_space<vmem>>
      %dma_start3A_296 = tpu.memref_squeeze %dma_start3A_295 : memref<1x128xi32, #tpu.memory_space<vmem>> -> memref<128xi32, #tpu.memory_space<vmem>>
      %dma_start3A_297 = arith.constant 0 : i32
      %dma_start3A_298 = tpu.memref_slice %arg4[%add3A, %add3A_292, %dma_start3A_297] : memref<32x84x128xi32, #tpu.memory_space<hbm>> -> memref<1x1x128xi32, #tpu.memory_space<hbm>>
      %dma_start3A_299 = tpu.memref_squeeze %dma_start3A_298 : memref<1x1x128xi32, #tpu.memory_space<hbm>> -> memref<128xi32, #tpu.memory_space<hbm>>
      %dma_start3A_300 = arith.constant 0 : i32
      %dma_start3A_301 = tpu.memref_slice %arg8[%dma_start3A_293, %dma_start3A_300] : memref<4x128xi32, #tpu.memory_space<vmem>> -> memref<1x128xi32, #tpu.memory_space<vmem>>
      %dma_start3A_302 = tpu.memref_squeeze %dma_start3A_301 : memref<1x128xi32, #tpu.memory_space<vmem>> -> memref<128xi32, #tpu.memory_space<vmem>>
      %dma_start3A_303 = arith.constant 0 : i32
      %dma_start3A_304 = tpu.memref_slice %arg4[%add3A, %add3A_292, %dma_start3A_303] : memref<32x84x128xi32, #tpu.memory_space<hbm>> -> memref<1x1x128xi32, #tpu.memory_space<hbm>>
      %dma_start3A_305 = tpu.memref_squeeze %dma_start3A_304 : memref<1x1x128xi32, #tpu.memory_space<hbm>> -> memref<128xi32, #tpu.memory_space<hbm>>
      tpu.enqueue_dma source(%dma_start3A_305 : memref<128xi32, #tpu.memory_space<hbm>>) target(%dma_start3A_302 : memref<128xi32, #tpu.memory_space<vmem>>) target_semaphore(%arg20 : memref<!tpu.dma_semaphore, #tpu.memory_space<semaphore_mem>>)
      %dma_wait3A_306 = arith.constant 0 : i32
      %dma_wait3A_307 = arith.constant 3 : i32
      %dma_wait3A_308 = arith.constant 0 : i32
      %dma_wait3A_309 = tpu.memref_slice %arg7[%dma_wait3A_307, %dma_wait3A_308] : memref<4x128xi32, #tpu.memory_space<vmem>> -> memref<1x128xi32, #tpu.memory_space<vmem>>
      %dma_wait3A_310 = tpu.memref_squeeze %dma_wait3A_309 : memref<1x128xi32, #tpu.memory_space<vmem>> -> memref<128xi32, #tpu.memory_space<vmem>>
      %dma_wait3A_311 = arith.constant 0 : i32
      %dma_wait3A_312 = tpu.memref_slice %arg3[%add3A, %dma_wait3A_306, %dma_wait3A_311] : memref<32x84x128xi32, #tpu.memory_space<hbm>> -> memref<1x1x128xi32, #tpu.memory_space<hbm>>
      %dma_wait3A_313 = tpu.memref_squeeze %dma_wait3A_312 : memref<1x1x128xi32, #tpu.memory_space<hbm>> -> memref<128xi32, #tpu.memory_space<hbm>>
      %dma_wait3A_314 = arith.constant 0 : i32
      %dma_wait3A_315 = tpu.memref_slice %arg7[%dma_wait3A_307, %dma_wait3A_314] : memref<4x128xi32, #tpu.memory_space<vmem>> -> memref<1x128xi32, #tpu.memory_space<vmem>>
      %dma_wait3A_316 = tpu.memref_squeeze %dma_wait3A_315 : memref<1x128xi32, #tpu.memory_space<vmem>> -> memref<128xi32, #tpu.memory_space<vmem>>
      %dma_wait3A_317 = arith.constant 0 : i32
      %dma_wait3A_318 = tpu.memref_slice %arg3[%add3A, %dma_wait3A_306, %dma_wait3A_317] : memref<32x84x128xi32, #tpu.memory_space<hbm>> -> memref<1x1x128xi32, #tpu.memory_space<hbm>>
      %dma_wait3A_319 = tpu.memref_squeeze %dma_wait3A_318 : memref<1x1x128xi32, #tpu.memory_space<hbm>> -> memref<128xi32, #tpu.memory_space<hbm>>
      tpu.wait_dma2 semaphore(%arg18 : memref<!tpu.dma_semaphore, #tpu.memory_space<semaphore_mem>>) src(%dma_wait3A_319 : memref<128xi32, #tpu.memory_space<hbm>>) dst(%dma_wait3A_316 : memref<128xi32, #tpu.memory_space<vmem>>)
      %dma_wait3A_320 = arith.constant 0 : i32
      %dma_wait3A_321 = arith.constant 3 : i32
      %dma_wait3A_322 = arith.constant 0 : i32
      %dma_wait3A_323 = tpu.memref_slice %arg8[%dma_wait3A_321, %dma_wait3A_322] : memref<4x128xi32, #tpu.memory_space<vmem>> -> memref<1x128xi32, #tpu.memory_space<vmem>>
      %dma_wait3A_324 = tpu.memref_squeeze %dma_wait3A_323 : memref<1x128xi32, #tpu.memory_space<vmem>> -> memref<128xi32, #tpu.memory_space<vmem>>
      %dma_wait3A_325 = arith.constant 0 : i32
      %dma_wait3A_326 = tpu.memref_slice %arg4[%add3A, %dma_wait3A_320, %dma_wait3A_325] : memref<32x84x128xi32, #tpu.memory_space<hbm>> -> memref<1x1x128xi32, #tpu.memory_space<hbm>>
      %dma_wait3A_327 = tpu.memref_squeeze %dma_wait3A_326 : memref<1x1x128xi32, #tpu.memory_space<hbm>> -> memref<128xi32, #tpu.memory_space<hbm>>
      %dma_wait3A_328 = arith.constant 0 : i32
      %dma_wait3A_329 = tpu.memref_slice %arg8[%dma_wait3A_321, %dma_wait3A_328] : memref<4x128xi32, #tpu.memory_space<vmem>> -> memref<1x128xi32, #tpu.memory_space<vmem>>
      %dma_wait3A_330 = tpu.memref_squeeze %dma_wait3A_329 : memref<1x128xi32, #tpu.memory_space<vmem>> -> memref<128xi32, #tpu.memory_space<vmem>>
      %dma_wait3A_331 = arith.constant 0 : i32
      %dma_wait3A_332 = tpu.memref_slice %arg4[%add3A, %dma_wait3A_320, %dma_wait3A_331] : memref<32x84x128xi32, #tpu.memory_space<hbm>> -> memref<1x1x128xi32, #tpu.memory_space<hbm>>
      %dma_wait3A_333 = tpu.memref_squeeze %dma_wait3A_332 : memref<1x1x128xi32, #tpu.memory_space<hbm>> -> memref<128xi32, #tpu.memory_space<hbm>>
      tpu.wait_dma2 semaphore(%arg22 : memref<!tpu.dma_semaphore, #tpu.memory_space<semaphore_mem>>) src(%dma_wait3A_333 : memref<128xi32, #tpu.memory_space<hbm>>) dst(%dma_wait3A_330 : memref<128xi32, #tpu.memory_space<vmem>>)
      %dma_start3A_334 = arith.constant 3 : i32
      %dma_start3A_335 = arith.constant 0 : i32
      %dma_start3A_336 = tpu.memref_slice %arg7[%dma_start3A_334, %dma_start3A_335] : memref<4x128xi32, #tpu.memory_space<vmem>> -> memref<1x128xi32, #tpu.memory_space<vmem>>
      %dma_start3A_337 = tpu.memref_squeeze %dma_start3A_336 : memref<1x128xi32, #tpu.memory_space<vmem>> -> memref<128xi32, #tpu.memory_space<vmem>>
      %dma_start3A_338 = arith.constant 0 : i32
      %dma_start3A_339 = arith.constant 0 : i32
      %dma_start3A_340 = tpu.memref_slice %arg2[%dma_start3A_338, %dma_start3A_339] : memref<10000x128xf32, #tpu.memory_space<hbm>> -> memref<10000x128xf32, #tpu.memory_space<hbm>>
      tpu.enqueue_indirect_dma source(%dma_start3A_340 : memref<10000x128xf32, #tpu.memory_space<hbm>>) target(%arg10 : memref<128x128xf32, #tpu.memory_space<vmem>>) offsets(%dma_start3A_337 : memref<128xi32, #tpu.memory_space<vmem>>) semaphore(%arg13 : memref<!tpu.dma_semaphore, #tpu.memory_space<semaphore_mem>>)
      %mul3A_341 = arith.constant 4 : i32
      %mul3A_342 = arith.muli %mul3A_341, %scan3A_160 : i32
      %add3A_343 = arith.constant 2 : i32
      %add3A_344 = arith.addi %mul3A_342, %add3A_343 : i32
      %dma_wait3A_345 = arith.constant 2 : i32
      %dma_wait3A_346 = arith.constant 0 : i32
      %dma_wait3A_347 = tpu.memref_slice %arg7[%dma_wait3A_345, %dma_wait3A_346] : memref<4x128xi32, #tpu.memory_space<vmem>> -> memref<1x128xi32, #tpu.memory_space<vmem>>
      %dma_wait3A_348 = tpu.memref_squeeze %dma_wait3A_347 : memref<1x128xi32, #tpu.memory_space<vmem>> -> memref<128xi32, #tpu.memory_space<vmem>>
      %dma_wait3A_349 = arith.constant 0 : i32
      %dma_wait3A_350 = arith.constant 0 : i32
      %dma_wait3A_351 = tpu.memref_slice %arg2[%dma_wait3A_349, %dma_wait3A_350] : memref<10000x128xf32, #tpu.memory_space<hbm>> -> memref<10000x128xf32, #tpu.memory_space<hbm>>
      tpu.wait_indirect_dma semaphore(%arg12 : memref<!tpu.dma_semaphore, #tpu.memory_space<semaphore_mem>>) src(%dma_wait3A_351 : memref<10000x128xf32, #tpu.memory_space<hbm>>) dst(%arg9 : memref<128x128xf32, #tpu.memory_space<vmem>>)
      %dma_start3A_352 = arith.constant 2 : i32
      %dma_start3A_353 = arith.constant 0 : i32
      %dma_start3A_354 = tpu.memref_slice %arg8[%dma_start3A_352, %dma_start3A_353] : memref<4x128xi32, #tpu.memory_space<vmem>> -> memref<1x128xi32, #tpu.memory_space<vmem>>
      %dma_start3A_355 = tpu.memref_squeeze %dma_start3A_354 : memref<1x128xi32, #tpu.memory_space<vmem>> -> memref<128xi32, #tpu.memory_space<vmem>>
      %dma_start3A_356 = arith.constant 0 : i32
      %dma_start3A_357 = arith.constant 0 : i32
      %dma_start3A_358 = tpu.memref_slice %arg11[%dma_start3A_356, %dma_start3A_357] : memref<10112x128xf32, #tpu.memory_space<vmem_shared>> -> memref<10112x128xf32, #tpu.memory_space<vmem_shared>>
      tpu.enqueue_indirect_dma source(%arg9 : memref<128x128xf32, #tpu.memory_space<vmem>>) target(%dma_start3A_358 : memref<10112x128xf32, #tpu.memory_space<vmem_shared>>) offsets(%dma_start3A_355 : memref<128xi32, #tpu.memory_space<vmem>>) semaphore(%arg14 : memref<!tpu.dma_semaphore, #tpu.memory_space<semaphore_mem>>) {add = true}
      %dma_wait3A_359 = arith.constant 2 : i32
      %dma_wait3A_360 = arith.constant 0 : i32
      %dma_wait3A_361 = tpu.memref_slice %arg8[%dma_wait3A_359, %dma_wait3A_360] : memref<4x128xi32, #tpu.memory_space<vmem>> -> memref<1x128xi32, #tpu.memory_space<vmem>>
      %dma_wait3A_362 = tpu.memref_squeeze %dma_wait3A_361 : memref<1x128xi32, #tpu.memory_space<vmem>> -> memref<128xi32, #tpu.memory_space<vmem>>
      %dma_wait3A_363 = arith.constant 0 : i32
      %dma_wait3A_364 = arith.constant 0 : i32
      %dma_wait3A_365 = tpu.memref_slice %arg11[%dma_wait3A_363, %dma_wait3A_364] : memref<10112x128xf32, #tpu.memory_space<vmem_shared>> -> memref<10112x128xf32, #tpu.memory_space<vmem_shared>>
      tpu.wait_indirect_dma semaphore(%arg14 : memref<!tpu.dma_semaphore, #tpu.memory_space<semaphore_mem>>) src(%arg9 : memref<128x128xf32, #tpu.memory_space<vmem>>) dst(%dma_wait3A_365 : memref<10112x128xf32, #tpu.memory_space<vmem_shared>>)
      %add3A_366 = arith.constant 4 : i32
      %add3A_367 = arith.addi %add3A_344, %add3A_366 : i32
      %dma_start3A_368 = arith.constant 2 : i32
      %dma_start3A_369 = arith.constant 0 : i32
      %dma_start3A_370 = tpu.memref_slice %arg7[%dma_start3A_368, %dma_start3A_369] : memref<4x128xi32, #tpu.memory_space<vmem>> -> memref<1x128xi32, #tpu.memory_space<vmem>>
      %dma_start3A_371 = tpu.memref_squeeze %dma_start3A_370 : memref<1x128xi32, #tpu.memory_space<vmem>> -> memref<128xi32, #tpu.memory_space<vmem>>
      %dma_start3A_372 = arith.constant 0 : i32
      %dma_start3A_373 = tpu.memref_slice %arg3[%add3A, %add3A_367, %dma_start3A_372] : memref<32x84x128xi32, #tpu.memory_space<hbm>> -> memref<1x1x128xi32, #tpu.memory_space<hbm>>
      %dma_start3A_374 = tpu.memref_squeeze %dma_start3A_373 : memref<1x1x128xi32, #tpu.memory_space<hbm>> -> memref<128xi32, #tpu.memory_space<hbm>>
      %dma_start3A_375 = arith.constant 0 : i32
      %dma_start3A_376 = tpu.memref_slice %arg7[%dma_start3A_368, %dma_start3A_375] : memref<4x128xi32, #tpu.memory_space<vmem>> -> memref<1x128xi32, #tpu.memory_space<vmem>>
      %dma_start3A_377 = tpu.memref_squeeze %dma_start3A_376 : memref<1x128xi32, #tpu.memory_space<vmem>> -> memref<128xi32, #tpu.memory_space<vmem>>
      %dma_start3A_378 = arith.constant 0 : i32
      %dma_start3A_379 = tpu.memref_slice %arg3[%add3A, %add3A_367, %dma_start3A_378] : memref<32x84x128xi32, #tpu.memory_space<hbm>> -> memref<1x1x128xi32, #tpu.memory_space<hbm>>
      %dma_start3A_380 = tpu.memref_squeeze %dma_start3A_379 : memref<1x1x128xi32, #tpu.memory_space<hbm>> -> memref<128xi32, #tpu.memory_space<hbm>>
      tpu.enqueue_dma source(%dma_start3A_380 : memref<128xi32, #tpu.memory_space<hbm>>) target(%dma_start3A_377 : memref<128xi32, #tpu.memory_space<vmem>>) target_semaphore(%arg17 : memref<!tpu.dma_semaphore, #tpu.memory_space<semaphore_mem>>)
      %add3A_381 = arith.constant 4 : i32
      %add3A_382 = arith.addi %add3A_344, %add3A_381 : i32
      %dma_start3A_383 = arith.constant 2 : i32
      %dma_start3A_384 = arith.constant 0 : i32
      %dma_start3A_385 = tpu.memref_slice %arg8[%dma_start3A_383, %dma_start3A_384] : memref<4x128xi32, #tpu.memory_space<vmem>> -> memref<1x128xi32, #tpu.memory_space<vmem>>
      %dma_start3A_386 = tpu.memref_squeeze %dma_start3A_385 : memref<1x128xi32, #tpu.memory_space<vmem>> -> memref<128xi32, #tpu.memory_space<vmem>>
      %dma_start3A_387 = arith.constant 0 : i32
      %dma_start3A_388 = tpu.memref_slice %arg4[%add3A, %add3A_382, %dma_start3A_387] : memref<32x84x128xi32, #tpu.memory_space<hbm>> -> memref<1x1x128xi32, #tpu.memory_space<hbm>>
      %dma_start3A_389 = tpu.memref_squeeze %dma_start3A_388 : memref<1x1x128xi32, #tpu.memory_space<hbm>> -> memref<128xi32, #tpu.memory_space<hbm>>
      %dma_start3A_390 = arith.constant 0 : i32
      %dma_start3A_391 = tpu.memref_slice %arg8[%dma_start3A_383, %dma_start3A_390] : memref<4x128xi32, #tpu.memory_space<vmem>> -> memref<1x128xi32, #tpu.memory_space<vmem>>
      %dma_start3A_392 = tpu.memref_squeeze %dma_start3A_391 : memref<1x128xi32, #tpu.memory_space<vmem>> -> memref<128xi32, #tpu.memory_space<vmem>>
      %dma_start3A_393 = arith.constant 0 : i32
      %dma_start3A_394 = tpu.memref_slice %arg4[%add3A, %add3A_382, %dma_start3A_393] : memref<32x84x128xi32, #tpu.memory_space<hbm>> -> memref<1x1x128xi32, #tpu.memory_space<hbm>>
      %dma_start3A_395 = tpu.memref_squeeze %dma_start3A_394 : memref<1x1x128xi32, #tpu.memory_space<hbm>> -> memref<128xi32, #tpu.memory_space<hbm>>
      tpu.enqueue_dma source(%dma_start3A_395 : memref<128xi32, #tpu.memory_space<hbm>>) target(%dma_start3A_392 : memref<128xi32, #tpu.memory_space<vmem>>) target_semaphore(%arg21 : memref<!tpu.dma_semaphore, #tpu.memory_space<semaphore_mem>>)
      %dma_wait3A_396 = arith.constant 0 : i32
      %dma_wait3A_397 = arith.constant 0 : i32
      %dma_wait3A_398 = arith.constant 0 : i32
      %dma_wait3A_399 = tpu.memref_slice %arg7[%dma_wait3A_397, %dma_wait3A_398] : memref<4x128xi32, #tpu.memory_space<vmem>> -> memref<1x128xi32, #tpu.memory_space<vmem>>
      %dma_wait3A_400 = tpu.memref_squeeze %dma_wait3A_399 : memref<1x128xi32, #tpu.memory_space<vmem>> -> memref<128xi32, #tpu.memory_space<vmem>>
      %dma_wait3A_401 = arith.constant 0 : i32
      %dma_wait3A_402 = tpu.memref_slice %arg3[%add3A, %dma_wait3A_396, %dma_wait3A_401] : memref<32x84x128xi32, #tpu.memory_space<hbm>> -> memref<1x1x128xi32, #tpu.memory_space<hbm>>
      %dma_wait3A_403 = tpu.memref_squeeze %dma_wait3A_402 : memref<1x1x128xi32, #tpu.memory_space<hbm>> -> memref<128xi32, #tpu.memory_space<hbm>>
      %dma_wait3A_404 = arith.constant 0 : i32
      %dma_wait3A_405 = tpu.memref_slice %arg7[%dma_wait3A_397, %dma_wait3A_404] : memref<4x128xi32, #tpu.memory_space<vmem>> -> memref<1x128xi32, #tpu.memory_space<vmem>>
      %dma_wait3A_406 = tpu.memref_squeeze %dma_wait3A_405 : memref<1x128xi32, #tpu.memory_space<vmem>> -> memref<128xi32, #tpu.memory_space<vmem>>
      %dma_wait3A_407 = arith.constant 0 : i32
      %dma_wait3A_408 = tpu.memref_slice %arg3[%add3A, %dma_wait3A_396, %dma_wait3A_407] : memref<32x84x128xi32, #tpu.memory_space<hbm>> -> memref<1x1x128xi32, #tpu.memory_space<hbm>>
      %dma_wait3A_409 = tpu.memref_squeeze %dma_wait3A_408 : memref<1x1x128xi32, #tpu.memory_space<hbm>> -> memref<128xi32, #tpu.memory_space<hbm>>
      tpu.wait_dma2 semaphore(%arg15 : memref<!tpu.dma_semaphore, #tpu.memory_space<semaphore_mem>>) src(%dma_wait3A_409 : memref<128xi32, #tpu.memory_space<hbm>>) dst(%dma_wait3A_406 : memref<128xi32, #tpu.memory_space<vmem>>)
      %dma_wait3A_410 = arith.constant 0 : i32
      %dma_wait3A_411 = arith.constant 0 : i32
      %dma_wait3A_412 = arith.constant 0 : i32
      %dma_wait3A_413 = tpu.memref_slice %arg8[%dma_wait3A_411, %dma_wait3A_412] : memref<4x128xi32, #tpu.memory_space<vmem>> -> memref<1x128xi32, #tpu.memory_space<vmem>>
      %dma_wait3A_414 = tpu.memref_squeeze %dma_wait3A_413 : memref<1x128xi32, #tpu.memory_space<vmem>> -> memref<128xi32, #tpu.memory_space<vmem>>
      %dma_wait3A_415 = arith.constant 0 : i32
      %dma_wait3A_416 = tpu.memref_slice %arg4[%add3A, %dma_wait3A_410, %dma_wait3A_415] : memref<32x84x128xi32, #tpu.memory_space<hbm>> -> memref<1x1x128xi32, #tpu.memory_space<hbm>>
      %dma_wait3A_417 = tpu.memref_squeeze %dma_wait3A_416 : memref<1x1x128xi32, #tpu.memory_space<hbm>> -> memref<128xi32, #tpu.memory_space<hbm>>
      %dma_wait3A_418 = arith.constant 0 : i32
      %dma_wait3A_419 = tpu.memref_slice %arg8[%dma_wait3A_411, %dma_wait3A_418] : memref<4x128xi32, #tpu.memory_space<vmem>> -> memref<1x128xi32, #tpu.memory_space<vmem>>
      %dma_wait3A_420 = tpu.memref_squeeze %dma_wait3A_419 : memref<1x128xi32, #tpu.memory_space<vmem>> -> memref<128xi32, #tpu.memory_space<vmem>>
      %dma_wait3A_421 = arith.constant 0 : i32
      %dma_wait3A_422 = tpu.memref_slice %arg4[%add3A, %dma_wait3A_410, %dma_wait3A_421] : memref<32x84x128xi32, #tpu.memory_space<hbm>> -> memref<1x1x128xi32, #tpu.memory_space<hbm>>
      %dma_wait3A_423 = tpu.memref_squeeze %dma_wait3A_422 : memref<1x1x128xi32, #tpu.memory_space<hbm>> -> memref<128xi32, #tpu.memory_space<hbm>>
      tpu.wait_dma2 semaphore(%arg19 : memref<!tpu.dma_semaphore, #tpu.memory_space<semaphore_mem>>) src(%dma_wait3A_423 : memref<128xi32, #tpu.memory_space<hbm>>) dst(%dma_wait3A_420 : memref<128xi32, #tpu.memory_space<vmem>>)
      %dma_start3A_424 = arith.constant 0 : i32
      %dma_start3A_425 = arith.constant 0 : i32
      %dma_start3A_426 = tpu.memref_slice %arg7[%dma_start3A_424, %dma_start3A_425] : memref<4x128xi32, #tpu.memory_space<vmem>> -> memref<1x128xi32, #tpu.memory_space<vmem>>
      %dma_start3A_427 = tpu.memref_squeeze %dma_start3A_426 : memref<1x128xi32, #tpu.memory_space<vmem>> -> memref<128xi32, #tpu.memory_space<vmem>>
      %dma_start3A_428 = arith.constant 0 : i32
      %dma_start3A_429 = arith.constant 0 : i32
      %dma_start3A_430 = tpu.memref_slice %arg2[%dma_start3A_428, %dma_start3A_429] : memref<10000x128xf32, #tpu.memory_space<hbm>> -> memref<10000x128xf32, #tpu.memory_space<hbm>>
      tpu.enqueue_indirect_dma source(%dma_start3A_430 : memref<10000x128xf32, #tpu.memory_space<hbm>>) target(%arg9 : memref<128x128xf32, #tpu.memory_space<vmem>>) offsets(%dma_start3A_427 : memref<128xi32, #tpu.memory_space<vmem>>) semaphore(%arg12 : memref<!tpu.dma_semaphore, #tpu.memory_space<semaphore_mem>>)
      %mul3A_431 = arith.constant 4 : i32
      %mul3A_432 = arith.muli %mul3A_431, %scan3A_160 : i32
      %add3A_433 = arith.constant 3 : i32
      %add3A_434 = arith.addi %mul3A_432, %add3A_433 : i32
      %dma_wait3A_435 = arith.constant 3 : i32
      %dma_wait3A_436 = arith.constant 0 : i32
      %dma_wait3A_437 = tpu.memref_slice %arg7[%dma_wait3A_435, %dma_wait3A_436] : memref<4x128xi32, #tpu.memory_space<vmem>> -> memref<1x128xi32, #tpu.memory_space<vmem>>
      %dma_wait3A_438 = tpu.memref_squeeze %dma_wait3A_437 : memref<1x128xi32, #tpu.memory_space<vmem>> -> memref<128xi32, #tpu.memory_space<vmem>>
      %dma_wait3A_439 = arith.constant 0 : i32
      %dma_wait3A_440 = arith.constant 0 : i32
      %dma_wait3A_441 = tpu.memref_slice %arg2[%dma_wait3A_439, %dma_wait3A_440] : memref<10000x128xf32, #tpu.memory_space<hbm>> -> memref<10000x128xf32, #tpu.memory_space<hbm>>
      tpu.wait_indirect_dma semaphore(%arg13 : memref<!tpu.dma_semaphore, #tpu.memory_space<semaphore_mem>>) src(%dma_wait3A_441 : memref<10000x128xf32, #tpu.memory_space<hbm>>) dst(%arg10 : memref<128x128xf32, #tpu.memory_space<vmem>>)
      %dma_start3A_442 = arith.constant 3 : i32
      %dma_start3A_443 = arith.constant 0 : i32
      %dma_start3A_444 = tpu.memref_slice %arg8[%dma_start3A_442, %dma_start3A_443] : memref<4x128xi32, #tpu.memory_space<vmem>> -> memref<1x128xi32, #tpu.memory_space<vmem>>
      %dma_start3A_445 = tpu.memref_squeeze %dma_start3A_444 : memref<1x128xi32, #tpu.memory_space<vmem>> -> memref<128xi32, #tpu.memory_space<vmem>>
      %dma_start3A_446 = arith.constant 0 : i32
      %dma_start3A_447 = arith.constant 0 : i32
      %dma_start3A_448 = tpu.memref_slice %arg11[%dma_start3A_446, %dma_start3A_447] : memref<10112x128xf32, #tpu.memory_space<vmem_shared>> -> memref<10112x128xf32, #tpu.memory_space<vmem_shared>>
      tpu.enqueue_indirect_dma source(%arg10 : memref<128x128xf32, #tpu.memory_space<vmem>>) target(%dma_start3A_448 : memref<10112x128xf32, #tpu.memory_space<vmem_shared>>) offsets(%dma_start3A_445 : memref<128xi32, #tpu.memory_space<vmem>>) semaphore(%arg14 : memref<!tpu.dma_semaphore, #tpu.memory_space<semaphore_mem>>) {add = true}
      %dma_wait3A_449 = arith.constant 3 : i32
      %dma_wait3A_450 = arith.constant 0 : i32
      %dma_wait3A_451 = tpu.memref_slice %arg8[%dma_wait3A_449, %dma_wait3A_450] : memref<4x128xi32, #tpu.memory_space<vmem>> -> memref<1x128xi32, #tpu.memory_space<vmem>>
      %dma_wait3A_452 = tpu.memref_squeeze %dma_wait3A_451 : memref<1x128xi32, #tpu.memory_space<vmem>> -> memref<128xi32, #tpu.memory_space<vmem>>
      %dma_wait3A_453 = arith.constant 0 : i32
      %dma_wait3A_454 = arith.constant 0 : i32
      %dma_wait3A_455 = tpu.memref_slice %arg11[%dma_wait3A_453, %dma_wait3A_454] : memref<10112x128xf32, #tpu.memory_space<vmem_shared>> -> memref<10112x128xf32, #tpu.memory_space<vmem_shared>>
      tpu.wait_indirect_dma semaphore(%arg14 : memref<!tpu.dma_semaphore, #tpu.memory_space<semaphore_mem>>) src(%arg10 : memref<128x128xf32, #tpu.memory_space<vmem>>) dst(%dma_wait3A_455 : memref<10112x128xf32, #tpu.memory_space<vmem_shared>>)
      %add3A_456 = arith.constant 4 : i32
      %add3A_457 = arith.addi %add3A_434, %add3A_456 : i32
      %dma_start3A_458 = arith.constant 3 : i32
      %dma_start3A_459 = arith.constant 0 : i32
      %dma_start3A_460 = tpu.memref_slice %arg7[%dma_start3A_458, %dma_start3A_459] : memref<4x128xi32, #tpu.memory_space<vmem>> -> memref<1x128xi32, #tpu.memory_space<vmem>>
      %dma_start3A_461 = tpu.memref_squeeze %dma_start3A_460 : memref<1x128xi32, #tpu.memory_space<vmem>> -> memref<128xi32, #tpu.memory_space<vmem>>
      %dma_start3A_462 = arith.constant 0 : i32
      %dma_start3A_463 = tpu.memref_slice %arg3[%add3A, %add3A_457, %dma_start3A_462] : memref<32x84x128xi32, #tpu.memory_space<hbm>> -> memref<1x1x128xi32, #tpu.memory_space<hbm>>
      %dma_start3A_464 = tpu.memref_squeeze %dma_start3A_463 : memref<1x1x128xi32, #tpu.memory_space<hbm>> -> memref<128xi32, #tpu.memory_space<hbm>>
      %dma_start3A_465 = arith.constant 0 : i32
      %dma_start3A_466 = tpu.memref_slice %arg7[%dma_start3A_458, %dma_start3A_465] : memref<4x128xi32, #tpu.memory_space<vmem>> -> memref<1x128xi32, #tpu.memory_space<vmem>>
      %dma_start3A_467 = tpu.memref_squeeze %dma_start3A_466 : memref<1x128xi32, #tpu.memory_space<vmem>> -> memref<128xi32, #tpu.memory_space<vmem>>
      %dma_start3A_468 = arith.constant 0 : i32
      %dma_start3A_469 = tpu.memref_slice %arg3[%add3A, %add3A_457, %dma_start3A_468] : memref<32x84x128xi32, #tpu.memory_space<hbm>> -> memref<1x1x128xi32, #tpu.memory_space<hbm>>
      %dma_start3A_470 = tpu.memref_squeeze %dma_start3A_469 : memref<1x1x128xi32, #tpu.memory_space<hbm>> -> memref<128xi32, #tpu.memory_space<hbm>>
      tpu.enqueue_dma source(%dma_start3A_470 : memref<128xi32, #tpu.memory_space<hbm>>) target(%dma_start3A_467 : memref<128xi32, #tpu.memory_space<vmem>>) target_semaphore(%arg18 : memref<!tpu.dma_semaphore, #tpu.memory_space<semaphore_mem>>)
      %add3A_471 = arith.constant 4 : i32
      %add3A_472 = arith.addi %add3A_434, %add3A_471 : i32
      %dma_start3A_473 = arith.constant 3 : i32
      %dma_start3A_474 = arith.constant 0 : i32
      %dma_start3A_475 = tpu.memref_slice %arg8[%dma_start3A_473, %dma_start3A_474] : memref<4x128xi32, #tpu.memory_space<vmem>> -> memref<1x128xi32, #tpu.memory_space<vmem>>
      %dma_start3A_476 = tpu.memref_squeeze %dma_start3A_475 : memref<1x128xi32, #tpu.memory_space<vmem>> -> memref<128xi32, #tpu.memory_space<vmem>>
      %dma_start3A_477 = arith.constant 0 : i32
      %dma_start3A_478 = tpu.memref_slice %arg4[%add3A, %add3A_472, %dma_start3A_477] : memref<32x84x128xi32, #tpu.memory_space<hbm>> -> memref<1x1x128xi32, #tpu.memory_space<hbm>>
      %dma_start3A_479 = tpu.memref_squeeze %dma_start3A_478 : memref<1x1x128xi32, #tpu.memory_space<hbm>> -> memref<128xi32, #tpu.memory_space<hbm>>
      %dma_start3A_480 = arith.constant 0 : i32
      %dma_start3A_481 = tpu.memref_slice %arg8[%dma_start3A_473, %dma_start3A_480] : memref<4x128xi32, #tpu.memory_space<vmem>> -> memref<1x128xi32, #tpu.memory_space<vmem>>
      %dma_start3A_482 = tpu.memref_squeeze %dma_start3A_481 : memref<1x128xi32, #tpu.memory_space<vmem>> -> memref<128xi32, #tpu.memory_space<vmem>>
      %dma_start3A_483 = arith.constant 0 : i32
      %dma_start3A_484 = tpu.memref_slice %arg4[%add3A, %add3A_472, %dma_start3A_483] : memref<32x84x128xi32, #tpu.memory_space<hbm>> -> memref<1x1x128xi32, #tpu.memory_space<hbm>>
      %dma_start3A_485 = tpu.memref_squeeze %dma_start3A_484 : memref<1x1x128xi32, #tpu.memory_space<hbm>> -> memref<128xi32, #tpu.memory_space<hbm>>
      tpu.enqueue_dma source(%dma_start3A_485 : memref<128xi32, #tpu.memory_space<hbm>>) target(%dma_start3A_482 : memref<128xi32, #tpu.memory_space<vmem>>) target_semaphore(%arg22 : memref<!tpu.dma_semaphore, #tpu.memory_space<semaphore_mem>>)
      %dma_wait3A_486 = arith.constant 0 : i32
      %dma_wait3A_487 = arith.constant 1 : i32
      %dma_wait3A_488 = arith.constant 0 : i32
      %dma_wait3A_489 = tpu.memref_slice %arg7[%dma_wait3A_487, %dma_wait3A_488] : memref<4x128xi32, #tpu.memory_space<vmem>> -> memref<1x128xi32, #tpu.memory_space<vmem>>
      %dma_wait3A_490 = tpu.memref_squeeze %dma_wait3A_489 : memref<1x128xi32, #tpu.memory_space<vmem>> -> memref<128xi32, #tpu.memory_space<vmem>>
      %dma_wait3A_491 = arith.constant 0 : i32
      %dma_wait3A_492 = tpu.memref_slice %arg3[%add3A, %dma_wait3A_486, %dma_wait3A_491] : memref<32x84x128xi32, #tpu.memory_space<hbm>> -> memref<1x1x128xi32, #tpu.memory_space<hbm>>
      %dma_wait3A_493 = tpu.memref_squeeze %dma_wait3A_492 : memref<1x1x128xi32, #tpu.memory_space<hbm>> -> memref<128xi32, #tpu.memory_space<hbm>>
      %dma_wait3A_494 = arith.constant 0 : i32
      %dma_wait3A_495 = tpu.memref_slice %arg7[%dma_wait3A_487, %dma_wait3A_494] : memref<4x128xi32, #tpu.memory_space<vmem>> -> memref<1x128xi32, #tpu.memory_space<vmem>>
      %dma_wait3A_496 = tpu.memref_squeeze %dma_wait3A_495 : memref<1x128xi32, #tpu.memory_space<vmem>> -> memref<128xi32, #tpu.memory_space<vmem>>
      %dma_wait3A_497 = arith.constant 0 : i32
      %dma_wait3A_498 = tpu.memref_slice %arg3[%add3A, %dma_wait3A_486, %dma_wait3A_497] : memref<32x84x128xi32, #tpu.memory_space<hbm>> -> memref<1x1x128xi32, #tpu.memory_space<hbm>>
      %dma_wait3A_499 = tpu.memref_squeeze %dma_wait3A_498 : memref<1x1x128xi32, #tpu.memory_space<hbm>> -> memref<128xi32, #tpu.memory_space<hbm>>
      tpu.wait_dma2 semaphore(%arg16 : memref<!tpu.dma_semaphore, #tpu.memory_space<semaphore_mem>>) src(%dma_wait3A_499 : memref<128xi32, #tpu.memory_space<hbm>>) dst(%dma_wait3A_496 : memref<128xi32, #tpu.memory_space<vmem>>)
      %dma_wait3A_500 = arith.constant 0 : i32
      %dma_wait3A_501 = arith.constant 1 : i32
      %dma_wait3A_502 = arith.constant 0 : i32
      %dma_wait3A_503 = tpu.memref_slice %arg8[%dma_wait3A_501, %dma_wait3A_502] : memref<4x128xi32, #tpu.memory_space<vmem>> -> memref<1x128xi32, #tpu.memory_space<vmem>>
      %dma_wait3A_504 = tpu.memref_squeeze %dma_wait3A_503 : memref<1x128xi32, #tpu.memory_space<vmem>> -> memref<128xi32, #tpu.memory_space<vmem>>
      %dma_wait3A_505 = arith.constant 0 : i32
      %dma_wait3A_506 = tpu.memref_slice %arg4[%add3A, %dma_wait3A_500, %dma_wait3A_505] : memref<32x84x128xi32, #tpu.memory_space<hbm>> -> memref<1x1x128xi32, #tpu.memory_space<hbm>>
      %dma_wait3A_507 = tpu.memref_squeeze %dma_wait3A_506 : memref<1x1x128xi32, #tpu.memory_space<hbm>> -> memref<128xi32, #tpu.memory_space<hbm>>
      %dma_wait3A_508 = arith.constant 0 : i32
      %dma_wait3A_509 = tpu.memref_slice %arg8[%dma_wait3A_501, %dma_wait3A_508] : memref<4x128xi32, #tpu.memory_space<vmem>> -> memref<1x128xi32, #tpu.memory_space<vmem>>
      %dma_wait3A_510 = tpu.memref_squeeze %dma_wait3A_509 : memref<1x128xi32, #tpu.memory_space<vmem>> -> memref<128xi32, #tpu.memory_space<vmem>>
      %dma_wait3A_511 = arith.constant 0 : i32
      %dma_wait3A_512 = tpu.memref_slice %arg4[%add3A, %dma_wait3A_500, %dma_wait3A_511] : memref<32x84x128xi32, #tpu.memory_space<hbm>> -> memref<1x1x128xi32, #tpu.memory_space<hbm>>
      %dma_wait3A_513 = tpu.memref_squeeze %dma_wait3A_512 : memref<1x1x128xi32, #tpu.memory_space<hbm>> -> memref<128xi32, #tpu.memory_space<hbm>>
      tpu.wait_dma2 semaphore(%arg20 : memref<!tpu.dma_semaphore, #tpu.memory_space<semaphore_mem>>) src(%dma_wait3A_513 : memref<128xi32, #tpu.memory_space<hbm>>) dst(%dma_wait3A_510 : memref<128xi32, #tpu.memory_space<vmem>>)
      %dma_start3A_514 = arith.constant 1 : i32
      %dma_start3A_515 = arith.constant 0 : i32
      %dma_start3A_516 = tpu.memref_slice %arg7[%dma_start3A_514, %dma_start3A_515] : memref<4x128xi32, #tpu.memory_space<vmem>> -> memref<1x128xi32, #tpu.memory_space<vmem>>
      %dma_start3A_517 = tpu.memref_squeeze %dma_start3A_516 : memref<1x128xi32, #tpu.memory_space<vmem>> -> memref<128xi32, #tpu.memory_space<vmem>>
      %dma_start3A_518 = arith.constant 0 : i32
      %dma_start3A_519 = arith.constant 0 : i32
      %dma_start3A_520 = tpu.memref_slice %arg2[%dma_start3A_518, %dma_start3A_519] : memref<10000x128xf32, #tpu.memory_space<hbm>> -> memref<10000x128xf32, #tpu.memory_space<hbm>>
      tpu.enqueue_indirect_dma source(%dma_start3A_520 : memref<10000x128xf32, #tpu.memory_space<hbm>>) target(%arg10 : memref<128x128xf32, #tpu.memory_space<vmem>>) offsets(%dma_start3A_517 : memref<128xi32, #tpu.memory_space<vmem>>) semaphore(%arg13 : memref<!tpu.dma_semaphore, #tpu.memory_space<semaphore_mem>>)
    }
    %scan3A_85 = arith.constant 20 : i32
    %dma_wait3A = arith.constant 0 : i32
    %dma_wait3A_86 = arith.constant 0 : i32
    %dma_wait3A_87 = tpu.memref_slice %arg7[%dma_wait3A, %dma_wait3A_86] : memref<4x128xi32, #tpu.memory_space<vmem>> -> memref<1x128xi32, #tpu.memory_space<vmem>>
    %dma_wait3A_88 = tpu.memref_squeeze %dma_wait3A_87 : memref<1x128xi32, #tpu.memory_space<vmem>> -> memref<128xi32, #tpu.memory_space<vmem>>
    %dma_wait3A_89 = arith.constant 0 : i32
    %dma_wait3A_90 = arith.constant 0 : i32
    %dma_wait3A_91 = tpu.memref_slice %arg2[%dma_wait3A_89, %dma_wait3A_90] : memref<10000x128xf32, #tpu.memory_space<hbm>> -> memref<10000x128xf32, #tpu.memory_space<hbm>>
    tpu.wait_indirect_dma semaphore(%arg12 : memref<!tpu.dma_semaphore, #tpu.memory_space<semaphore_mem>>) src(%dma_wait3A_91 : memref<10000x128xf32, #tpu.memory_space<hbm>>) dst(%arg9 : memref<128x128xf32, #tpu.memory_space<vmem>>)
    %dma_wait3A_92 = arith.constant 1 : i32
    %dma_wait3A_93 = arith.constant 0 : i32
    %dma_wait3A_94 = tpu.memref_slice %arg7[%dma_wait3A_92, %dma_wait3A_93] : memref<4x128xi32, #tpu.memory_space<vmem>> -> memref<1x128xi32, #tpu.memory_space<vmem>>
    %dma_wait3A_95 = tpu.memref_squeeze %dma_wait3A_94 : memref<1x128xi32, #tpu.memory_space<vmem>> -> memref<128xi32, #tpu.memory_space<vmem>>
    %dma_wait3A_96 = arith.constant 0 : i32
    %dma_wait3A_97 = arith.constant 0 : i32
    %dma_wait3A_98 = tpu.memref_slice %arg2[%dma_wait3A_96, %dma_wait3A_97] : memref<10000x128xf32, #tpu.memory_space<hbm>> -> memref<10000x128xf32, #tpu.memory_space<hbm>>
    tpu.wait_indirect_dma semaphore(%arg13 : memref<!tpu.dma_semaphore, #tpu.memory_space<semaphore_mem>>) src(%dma_wait3A_98 : memref<10000x128xf32, #tpu.memory_space<hbm>>) dst(%arg10 : memref<128x128xf32, #tpu.memory_space<vmem>>)
    %dma_wait3A_99 = arith.constant 0 : i32
    %dma_wait3A_100 = arith.constant 2 : i32
    %dma_wait3A_101 = arith.constant 0 : i32
    %dma_wait3A_102 = tpu.memref_slice %arg7[%dma_wait3A_100, %dma_wait3A_101] : memref<4x128xi32, #tpu.memory_space<vmem>> -> memref<1x128xi32, #tpu.memory_space<vmem>>
    %dma_wait3A_103 = tpu.memref_squeeze %dma_wait3A_102 : memref<1x128xi32, #tpu.memory_space<vmem>> -> memref<128xi32, #tpu.memory_space<vmem>>
    %dma_wait3A_104 = arith.constant 0 : i32
    %dma_wait3A_105 = tpu.memref_slice %arg3[%add3A, %dma_wait3A_99, %dma_wait3A_104] : memref<32x84x128xi32, #tpu.memory_space<hbm>> -> memref<1x1x128xi32, #tpu.memory_space<hbm>>
    %dma_wait3A_106 = tpu.memref_squeeze %dma_wait3A_105 : memref<1x1x128xi32, #tpu.memory_space<hbm>> -> memref<128xi32, #tpu.memory_space<hbm>>
    %dma_wait3A_107 = arith.constant 0 : i32
    %dma_wait3A_108 = tpu.memref_slice %arg7[%dma_wait3A_100, %dma_wait3A_107] : memref<4x128xi32, #tpu.memory_space<vmem>> -> memref<1x128xi32, #tpu.memory_space<vmem>>
    %dma_wait3A_109 = tpu.memref_squeeze %dma_wait3A_108 : memref<1x128xi32, #tpu.memory_space<vmem>> -> memref<128xi32, #tpu.memory_space<vmem>>
    %dma_wait3A_110 = arith.constant 0 : i32
    %dma_wait3A_111 = tpu.memref_slice %arg3[%add3A, %dma_wait3A_99, %dma_wait3A_110] : memref<32x84x128xi32, #tpu.memory_space<hbm>> -> memref<1x1x128xi32, #tpu.memory_space<hbm>>
    %dma_wait3A_112 = tpu.memref_squeeze %dma_wait3A_111 : memref<1x1x128xi32, #tpu.memory_space<hbm>> -> memref<128xi32, #tpu.memory_space<hbm>>
    tpu.wait_dma2 semaphore(%arg17 : memref<!tpu.dma_semaphore, #tpu.memory_space<semaphore_mem>>) src(%dma_wait3A_112 : memref<128xi32, #tpu.memory_space<hbm>>) dst(%dma_wait3A_109 : memref<128xi32, #tpu.memory_space<vmem>>)
    %dma_wait3A_113 = arith.constant 0 : i32
    %dma_wait3A_114 = arith.constant 2 : i32
    %dma_wait3A_115 = arith.constant 0 : i32
    %dma_wait3A_116 = tpu.memref_slice %arg8[%dma_wait3A_114, %dma_wait3A_115] : memref<4x128xi32, #tpu.memory_space<vmem>> -> memref<1x128xi32, #tpu.memory_space<vmem>>
    %dma_wait3A_117 = tpu.memref_squeeze %dma_wait3A_116 : memref<1x128xi32, #tpu.memory_space<vmem>> -> memref<128xi32, #tpu.memory_space<vmem>>
    %dma_wait3A_118 = arith.constant 0 : i32
    %dma_wait3A_119 = tpu.memref_slice %arg4[%add3A, %dma_wait3A_113, %dma_wait3A_118] : memref<32x84x128xi32, #tpu.memory_space<hbm>> -> memref<1x1x128xi32, #tpu.memory_space<hbm>>
    %dma_wait3A_120 = tpu.memref_squeeze %dma_wait3A_119 : memref<1x1x128xi32, #tpu.memory_space<hbm>> -> memref<128xi32, #tpu.memory_space<hbm>>
    %dma_wait3A_121 = arith.constant 0 : i32
    %dma_wait3A_122 = tpu.memref_slice %arg8[%dma_wait3A_114, %dma_wait3A_121] : memref<4x128xi32, #tpu.memory_space<vmem>> -> memref<1x128xi32, #tpu.memory_space<vmem>>
    %dma_wait3A_123 = tpu.memref_squeeze %dma_wait3A_122 : memref<1x128xi32, #tpu.memory_space<vmem>> -> memref<128xi32, #tpu.memory_space<vmem>>
    %dma_wait3A_124 = arith.constant 0 : i32
    %dma_wait3A_125 = tpu.memref_slice %arg4[%add3A, %dma_wait3A_113, %dma_wait3A_124] : memref<32x84x128xi32, #tpu.memory_space<hbm>> -> memref<1x1x128xi32, #tpu.memory_space<hbm>>
    %dma_wait3A_126 = tpu.memref_squeeze %dma_wait3A_125 : memref<1x1x128xi32, #tpu.memory_space<hbm>> -> memref<128xi32, #tpu.memory_space<hbm>>
    tpu.wait_dma2 semaphore(%arg21 : memref<!tpu.dma_semaphore, #tpu.memory_space<semaphore_mem>>) src(%dma_wait3A_126 : memref<128xi32, #tpu.memory_space<hbm>>) dst(%dma_wait3A_123 : memref<128xi32, #tpu.memory_space<vmem>>)
    %dma_wait3A_127 = arith.constant 0 : i32
    %dma_wait3A_128 = arith.constant 3 : i32
    %dma_wait3A_129 = arith.constant 0 : i32
    %dma_wait3A_130 = tpu.memref_slice %arg7[%dma_wait3A_128, %dma_wait3A_129] : memref<4x128xi32, #tpu.memory_space<vmem>> -> memref<1x128xi32, #tpu.memory_space<vmem>>
    %dma_wait3A_131 = tpu.memref_squeeze %dma_wait3A_130 : memref<1x128xi32, #tpu.memory_space<vmem>> -> memref<128xi32, #tpu.memory_space<vmem>>
    %dma_wait3A_132 = arith.constant 0 : i32
    %dma_wait3A_133 = tpu.memref_slice %arg3[%add3A, %dma_wait3A_127, %dma_wait3A_132] : memref<32x84x128xi32, #tpu.memory_space<hbm>> -> memref<1x1x128xi32, #tpu.memory_space<hbm>>
    %dma_wait3A_134 = tpu.memref_squeeze %dma_wait3A_133 : memref<1x1x128xi32, #tpu.memory_space<hbm>> -> memref<128xi32, #tpu.memory_space<hbm>>
    %dma_wait3A_135 = arith.constant 0 : i32
    %dma_wait3A_136 = tpu.memref_slice %arg7[%dma_wait3A_128, %dma_wait3A_135] : memref<4x128xi32, #tpu.memory_space<vmem>> -> memref<1x128xi32, #tpu.memory_space<vmem>>
    %dma_wait3A_137 = tpu.memref_squeeze %dma_wait3A_136 : memref<1x128xi32, #tpu.memory_space<vmem>> -> memref<128xi32, #tpu.memory_space<vmem>>
    %dma_wait3A_138 = arith.constant 0 : i32
    %dma_wait3A_139 = tpu.memref_slice %arg3[%add3A, %dma_wait3A_127, %dma_wait3A_138] : memref<32x84x128xi32, #tpu.memory_space<hbm>> -> memref<1x1x128xi32, #tpu.memory_space<hbm>>
    %dma_wait3A_140 = tpu.memref_squeeze %dma_wait3A_139 : memref<1x1x128xi32, #tpu.memory_space<hbm>> -> memref<128xi32, #tpu.memory_space<hbm>>
    tpu.wait_dma2 semaphore(%arg18 : memref<!tpu.dma_semaphore, #tpu.memory_space<semaphore_mem>>) src(%dma_wait3A_140 : memref<128xi32, #tpu.memory_space<hbm>>) dst(%dma_wait3A_137 : memref<128xi32, #tpu.memory_space<vmem>>)
    %dma_wait3A_141 = arith.constant 0 : i32
    %dma_wait3A_142 = arith.constant 3 : i32
    %dma_wait3A_143 = arith.constant 0 : i32
    %dma_wait3A_144 = tpu.memref_slice %arg8[%dma_wait3A_142, %dma_wait3A_143] : memref<4x128xi32, #tpu.memory_space<vmem>> -> memref<1x128xi32, #tpu.memory_space<vmem>>
    %dma_wait3A_145 = tpu.memref_squeeze %dma_wait3A_144 : memref<1x128xi32, #tpu.memory_space<vmem>> -> memref<128xi32, #tpu.memory_space<vmem>>
    %dma_wait3A_146 = arith.constant 0 : i32
    %dma_wait3A_147 = tpu.memref_slice %arg4[%add3A, %dma_wait3A_141, %dma_wait3A_146] : memref<32x84x128xi32, #tpu.memory_space<hbm>> -> memref<1x1x128xi32, #tpu.memory_space<hbm>>
    %dma_wait3A_148 = tpu.memref_squeeze %dma_wait3A_147 : memref<1x1x128xi32, #tpu.memory_space<hbm>> -> memref<128xi32, #tpu.memory_space<hbm>>
    %dma_wait3A_149 = arith.constant 0 : i32
    %dma_wait3A_150 = tpu.memref_slice %arg8[%dma_wait3A_142, %dma_wait3A_149] : memref<4x128xi32, #tpu.memory_space<vmem>> -> memref<1x128xi32, #tpu.memory_space<vmem>>
    %dma_wait3A_151 = tpu.memref_squeeze %dma_wait3A_150 : memref<1x128xi32, #tpu.memory_space<vmem>> -> memref<128xi32, #tpu.memory_space<vmem>>
    %dma_wait3A_152 = arith.constant 0 : i32
    %dma_wait3A_153 = tpu.memref_slice %arg4[%add3A, %dma_wait3A_141, %dma_wait3A_152] : memref<32x84x128xi32, #tpu.memory_space<hbm>> -> memref<1x1x128xi32, #tpu.memory_space<hbm>>
    %dma_wait3A_154 = tpu.memref_squeeze %dma_wait3A_153 : memref<1x1x128xi32, #tpu.memory_space<hbm>> -> memref<128xi32, #tpu.memory_space<hbm>>
    tpu.wait_dma2 semaphore(%arg22 : memref<!tpu.dma_semaphore, #tpu.memory_space<semaphore_mem>>) src(%dma_wait3A_154 : memref<128xi32, #tpu.memory_space<hbm>>) dst(%dma_wait3A_151 : memref<128xi32, #tpu.memory_space<vmem>>)
    %barrier3A_155 = arith.constant 0 : index
    tpu.barrier barrier_id(%barrier3A_155)
    %mul3A_156 = arith.constant 632 : i32
    %mul3A_157 = arith.muli %arg1, %mul3A_156 : i32
    %mul3A_158 = arith.constant 632 : i32
    %mul3A_159 = arith.muli %arg1, %mul3A_158 : i32
    "tpu.region"() ({
      %run_scoped3A_160 = tpu.sem_alloc : memref<!tpu.dma_semaphore, #tpu.memory_space<semaphore_mem>>
      %dma_start3A_161 = arith.constant 0 : i32
      %dma_start3A_162 = tpu.memref_slice %arg6[%arg0, %mul3A_159, %dma_start3A_161] : memref<2x10112x128xf32, #tpu.memory_space<hbm>> -> memref<1x632x128xf32, #tpu.memory_space<hbm>>
      %dma_start3A_163 = tpu.memref_squeeze %dma_start3A_162 : memref<1x632x128xf32, #tpu.memory_space<hbm>> -> memref<632x128xf32, #tpu.memory_space<hbm>>
      %dma_start3A_164 = arith.constant 0 : i32
      %dma_start3A_165 = tpu.memref_slice %arg11[%mul3A_157, %dma_start3A_164] : memref<10112x128xf32, #tpu.memory_space<vmem_shared>> -> memref<632x128xf32, #tpu.memory_space<vmem_shared>>
      tpu.enqueue_dma source(%dma_start3A_165 : memref<632x128xf32, #tpu.memory_space<vmem_shared>>) target(%dma_start3A_163 : memref<632x128xf32, #tpu.memory_space<hbm>>) target_semaphore(%run_scoped3A_160 : memref<!tpu.dma_semaphore, #tpu.memory_space<semaphore_mem>>)
      %dma_wait3A_166 = arith.constant 0 : i32
      %dma_wait3A_167 = tpu.memref_slice %arg6[%arg0, %mul3A_159, %dma_wait3A_166] : memref<2x10112x128xf32, #tpu.memory_space<hbm>> -> memref<1x632x128xf32, #tpu.memory_space<hbm>>
      %dma_wait3A_168 = tpu.memref_squeeze %dma_wait3A_167 : memref<1x632x128xf32, #tpu.memory_space<hbm>> -> memref<632x128xf32, #tpu.memory_space<hbm>>
      %dma_wait3A_169 = arith.constant 0 : i32
      %dma_wait3A_170 = tpu.memref_slice %arg11[%mul3A_157, %dma_wait3A_169] : memref<10112x128xf32, #tpu.memory_space<vmem_shared>> -> memref<632x128xf32, #tpu.memory_space<vmem_shared>>
      tpu.wait_dma2 semaphore(%run_scoped3A_160 : memref<!tpu.dma_semaphore, #tpu.memory_space<semaphore_mem>>) src(%dma_wait3A_170 : memref<632x128xf32, #tpu.memory_space<vmem_shared>>) dst(%dma_wait3A_168 : memref<632x128xf32, #tpu.memory_space<hbm>>)
      tpu.yield
    }) : () -> ()
    return
  }
}

#map = affine_map<(d0, d1) -> (0, 0)>
#map1 = affine_map<(d0, d1) -> (0, 0, 0)>
module attributes {stable_mosaic.version = 14 : i64} {
  func.func @run(%arg0: i32, %arg1: i32, %arg2: memref<10000x128xf32, #tpu.memory_space<hbm>>, %arg3: memref<32x84x128xi32, #tpu.memory_space<hbm>>, %arg4: memref<32x84x128xi32, #tpu.memory_space<hbm>>, %arg5: memref<328704x128xf32, #tpu.memory_space<hbm>>, %arg6: memref<84x128xi32, #tpu.memory_space<vmem>>, %arg7: memref<84x128xi32, #tpu.memory_space<vmem>>, %arg8: memref<128x128xf32, #tpu.memory_space<vmem>>, %arg9: memref<128x128xf32, #tpu.memory_space<vmem>>, %arg10: memref<128x128xf32, #tpu.memory_space<vmem>>, %arg11: memref<128x128xf32, #tpu.memory_space<vmem>>, %arg12: memref<128x128xf32, #tpu.memory_space<vmem>>, %arg13: memref<128x128xf32, #tpu.memory_space<vmem>>, %arg14: memref<!tpu.dma_semaphore, #tpu.memory_space<semaphore_mem>>, %arg15: memref<!tpu.dma_semaphore, #tpu.memory_space<semaphore_mem>>, %arg16: memref<!tpu.dma_semaphore, #tpu.memory_space<semaphore_mem>>, %arg17: memref<!tpu.dma_semaphore, #tpu.memory_space<semaphore_mem>>, %arg18: memref<!tpu.dma_semaphore, #tpu.memory_space<semaphore_mem>>, %arg19: memref<!tpu.dma_semaphore, #tpu.memory_space<semaphore_mem>>) attributes {dimension_semantics = [#tpu.dimension_semantics<core_parallel>, #tpu.dimension_semantics<subcore_parallel>], iteration_bounds = array<i64: 2, 16>, scalar_prefetch = 0 : i64, scratch_operands = 14 : i64, tpu.core_type = #tpu.core_type<sc_vector_subcore>, window_params = [{transform_indices = #map}, {transform_indices = #map1}, {transform_indices = #map1}, {transform_indices = #map}]} {
    %mul3A = arith.constant 16 : i32
    %mul3A_0 = arith.muli %arg0, %mul3A : i32
    %add3A = arith.addi %mul3A_0, %arg1 : i32
    %mul3A_1 = arith.constant 10240 : i32
    %mul3A_2 = arith.muli %add3A, %mul3A_1 : i32
    "tpu.region"() ({
      %run_scoped3A = tpu.sem_alloc : memref<!tpu.dma_semaphore, #tpu.memory_space<semaphore_mem>>
      %dma_start3A_86 = arith.constant 0 : i32
      %dma_start3A_87 = arith.constant 0 : i32
      %dma_start3A_88 = tpu.memref_slice %arg3[%add3A, %dma_start3A_86, %dma_start3A_87] : memref<32x84x128xi32, #tpu.memory_space<hbm>> -> memref<1x84x128xi32, #tpu.memory_space<hbm>>
      %dma_start3A_89 = tpu.memref_squeeze %dma_start3A_88 : memref<1x84x128xi32, #tpu.memory_space<hbm>> -> memref<84x128xi32, #tpu.memory_space<hbm>>
      %dma_start3A_90 = arith.constant 0 : i32
      %dma_start3A_91 = arith.constant 0 : i32
      %dma_start3A_92 = tpu.memref_slice %arg3[%add3A, %dma_start3A_90, %dma_start3A_91] : memref<32x84x128xi32, #tpu.memory_space<hbm>> -> memref<1x84x128xi32, #tpu.memory_space<hbm>>
      %dma_start3A_93 = tpu.memref_squeeze %dma_start3A_92 : memref<1x84x128xi32, #tpu.memory_space<hbm>> -> memref<84x128xi32, #tpu.memory_space<hbm>>
      tpu.enqueue_dma source(%dma_start3A_93 : memref<84x128xi32, #tpu.memory_space<hbm>>) target(%arg6 : memref<84x128xi32, #tpu.memory_space<vmem>>) target_semaphore(%run_scoped3A : memref<!tpu.dma_semaphore, #tpu.memory_space<semaphore_mem>>)
      %dma_wait3A_94 = arith.constant 0 : i32
      %dma_wait3A_95 = arith.constant 0 : i32
      %dma_wait3A_96 = tpu.memref_slice %arg3[%add3A, %dma_wait3A_94, %dma_wait3A_95] : memref<32x84x128xi32, #tpu.memory_space<hbm>> -> memref<1x84x128xi32, #tpu.memory_space<hbm>>
      %dma_wait3A_97 = tpu.memref_squeeze %dma_wait3A_96 : memref<1x84x128xi32, #tpu.memory_space<hbm>> -> memref<84x128xi32, #tpu.memory_space<hbm>>
      %dma_wait3A_98 = arith.constant 0 : i32
      %dma_wait3A_99 = arith.constant 0 : i32
      %dma_wait3A_100 = tpu.memref_slice %arg3[%add3A, %dma_wait3A_98, %dma_wait3A_99] : memref<32x84x128xi32, #tpu.memory_space<hbm>> -> memref<1x84x128xi32, #tpu.memory_space<hbm>>
      %dma_wait3A_101 = tpu.memref_squeeze %dma_wait3A_100 : memref<1x84x128xi32, #tpu.memory_space<hbm>> -> memref<84x128xi32, #tpu.memory_space<hbm>>
      tpu.wait_dma2 semaphore(%run_scoped3A : memref<!tpu.dma_semaphore, #tpu.memory_space<semaphore_mem>>) src(%dma_wait3A_101 : memref<84x128xi32, #tpu.memory_space<hbm>>) dst(%arg6 : memref<84x128xi32, #tpu.memory_space<vmem>>)
      tpu.yield
    }) : () -> ()
    "tpu.region"() ({
      %run_scoped3A = tpu.sem_alloc : memref<!tpu.dma_semaphore, #tpu.memory_space<semaphore_mem>>
      %dma_start3A_86 = arith.constant 0 : i32
      %dma_start3A_87 = arith.constant 0 : i32
      %dma_start3A_88 = tpu.memref_slice %arg4[%add3A, %dma_start3A_86, %dma_start3A_87] : memref<32x84x128xi32, #tpu.memory_space<hbm>> -> memref<1x84x128xi32, #tpu.memory_space<hbm>>
      %dma_start3A_89 = tpu.memref_squeeze %dma_start3A_88 : memref<1x84x128xi32, #tpu.memory_space<hbm>> -> memref<84x128xi32, #tpu.memory_space<hbm>>
      %dma_start3A_90 = arith.constant 0 : i32
      %dma_start3A_91 = arith.constant 0 : i32
      %dma_start3A_92 = tpu.memref_slice %arg4[%add3A, %dma_start3A_90, %dma_start3A_91] : memref<32x84x128xi32, #tpu.memory_space<hbm>> -> memref<1x84x128xi32, #tpu.memory_space<hbm>>
      %dma_start3A_93 = tpu.memref_squeeze %dma_start3A_92 : memref<1x84x128xi32, #tpu.memory_space<hbm>> -> memref<84x128xi32, #tpu.memory_space<hbm>>
      tpu.enqueue_dma source(%dma_start3A_93 : memref<84x128xi32, #tpu.memory_space<hbm>>) target(%arg7 : memref<84x128xi32, #tpu.memory_space<vmem>>) target_semaphore(%run_scoped3A : memref<!tpu.dma_semaphore, #tpu.memory_space<semaphore_mem>>)
      %dma_wait3A_94 = arith.constant 0 : i32
      %dma_wait3A_95 = arith.constant 0 : i32
      %dma_wait3A_96 = tpu.memref_slice %arg4[%add3A, %dma_wait3A_94, %dma_wait3A_95] : memref<32x84x128xi32, #tpu.memory_space<hbm>> -> memref<1x84x128xi32, #tpu.memory_space<hbm>>
      %dma_wait3A_97 = tpu.memref_squeeze %dma_wait3A_96 : memref<1x84x128xi32, #tpu.memory_space<hbm>> -> memref<84x128xi32, #tpu.memory_space<hbm>>
      %dma_wait3A_98 = arith.constant 0 : i32
      %dma_wait3A_99 = arith.constant 0 : i32
      %dma_wait3A_100 = tpu.memref_slice %arg4[%add3A, %dma_wait3A_98, %dma_wait3A_99] : memref<32x84x128xi32, #tpu.memory_space<hbm>> -> memref<1x84x128xi32, #tpu.memory_space<hbm>>
      %dma_wait3A_101 = tpu.memref_squeeze %dma_wait3A_100 : memref<1x84x128xi32, #tpu.memory_space<hbm>> -> memref<84x128xi32, #tpu.memory_space<hbm>>
      tpu.wait_dma2 semaphore(%run_scoped3A : memref<!tpu.dma_semaphore, #tpu.memory_space<semaphore_mem>>) src(%dma_wait3A_101 : memref<84x128xi32, #tpu.memory_space<hbm>>) dst(%arg7 : memref<84x128xi32, #tpu.memory_space<vmem>>)
      tpu.yield
    }) : () -> ()
    %dma_start3A = arith.constant 0 : i32
    %dma_start3A_3 = arith.constant 0 : i32
    %dma_start3A_4 = tpu.memref_slice %arg6[%dma_start3A, %dma_start3A_3] : memref<84x128xi32, #tpu.memory_space<vmem>> -> memref<1x128xi32, #tpu.memory_space<vmem>>
    %dma_start3A_5 = tpu.memref_squeeze %dma_start3A_4 : memref<1x128xi32, #tpu.memory_space<vmem>> -> memref<128xi32, #tpu.memory_space<vmem>>
    %dma_start3A_6 = arith.constant 0 : i32
    %dma_start3A_7 = arith.constant 0 : i32
    %dma_start3A_8 = tpu.memref_slice %arg2[%dma_start3A_6, %dma_start3A_7] : memref<10000x128xf32, #tpu.memory_space<hbm>> -> memref<10000x128xf32, #tpu.memory_space<hbm>>
    tpu.enqueue_indirect_dma source(%dma_start3A_8 : memref<10000x128xf32, #tpu.memory_space<hbm>>) target(%arg8 : memref<128x128xf32, #tpu.memory_space<vmem>>) offsets(%dma_start3A_5 : memref<128xi32, #tpu.memory_space<vmem>>) semaphore(%arg14 : memref<!tpu.dma_semaphore, #tpu.memory_space<semaphore_mem>>)
    %dma_start3A_9 = arith.constant 0 : i32
    %dma_start3A_10 = arith.constant 0 : i32
    %dma_start3A_11 = tpu.memref_slice %arg7[%dma_start3A_9, %dma_start3A_10] : memref<84x128xi32, #tpu.memory_space<vmem>> -> memref<1x128xi32, #tpu.memory_space<vmem>>
    %dma_start3A_12 = tpu.memref_squeeze %dma_start3A_11 : memref<1x128xi32, #tpu.memory_space<vmem>> -> memref<128xi32, #tpu.memory_space<vmem>>
    %dma_start3A_13 = arith.constant 0 : i32
    %dma_start3A_14 = arith.constant 0 : i32
    %dma_start3A_15 = tpu.memref_slice %arg2[%dma_start3A_13, %dma_start3A_14] : memref<10000x128xf32, #tpu.memory_space<hbm>> -> memref<10000x128xf32, #tpu.memory_space<hbm>>
    tpu.enqueue_indirect_dma source(%dma_start3A_15 : memref<10000x128xf32, #tpu.memory_space<hbm>>) target(%arg9 : memref<128x128xf32, #tpu.memory_space<vmem>>) offsets(%dma_start3A_12 : memref<128xi32, #tpu.memory_space<vmem>>) semaphore(%arg15 : memref<!tpu.dma_semaphore, #tpu.memory_space<semaphore_mem>>)
    %dma_start3A_16 = arith.constant 1 : i32
    %dma_start3A_17 = arith.constant 0 : i32
    %dma_start3A_18 = tpu.memref_slice %arg6[%dma_start3A_16, %dma_start3A_17] : memref<84x128xi32, #tpu.memory_space<vmem>> -> memref<1x128xi32, #tpu.memory_space<vmem>>
    %dma_start3A_19 = tpu.memref_squeeze %dma_start3A_18 : memref<1x128xi32, #tpu.memory_space<vmem>> -> memref<128xi32, #tpu.memory_space<vmem>>
    %dma_start3A_20 = arith.constant 0 : i32
    %dma_start3A_21 = arith.constant 0 : i32
    %dma_start3A_22 = tpu.memref_slice %arg2[%dma_start3A_20, %dma_start3A_21] : memref<10000x128xf32, #tpu.memory_space<hbm>> -> memref<10000x128xf32, #tpu.memory_space<hbm>>
    tpu.enqueue_indirect_dma source(%dma_start3A_22 : memref<10000x128xf32, #tpu.memory_space<hbm>>) target(%arg11 : memref<128x128xf32, #tpu.memory_space<vmem>>) offsets(%dma_start3A_19 : memref<128xi32, #tpu.memory_space<vmem>>) semaphore(%arg16 : memref<!tpu.dma_semaphore, #tpu.memory_space<semaphore_mem>>)
    %dma_start3A_23 = arith.constant 1 : i32
    %dma_start3A_24 = arith.constant 0 : i32
    %dma_start3A_25 = tpu.memref_slice %arg7[%dma_start3A_23, %dma_start3A_24] : memref<84x128xi32, #tpu.memory_space<vmem>> -> memref<1x128xi32, #tpu.memory_space<vmem>>
    %dma_start3A_26 = tpu.memref_squeeze %dma_start3A_25 : memref<1x128xi32, #tpu.memory_space<vmem>> -> memref<128xi32, #tpu.memory_space<vmem>>
    %dma_start3A_27 = arith.constant 0 : i32
    %dma_start3A_28 = arith.constant 0 : i32
    %dma_start3A_29 = tpu.memref_slice %arg2[%dma_start3A_27, %dma_start3A_28] : memref<10000x128xf32, #tpu.memory_space<hbm>> -> memref<10000x128xf32, #tpu.memory_space<hbm>>
    tpu.enqueue_indirect_dma source(%dma_start3A_29 : memref<10000x128xf32, #tpu.memory_space<hbm>>) target(%arg12 : memref<128x128xf32, #tpu.memory_space<vmem>>) offsets(%dma_start3A_26 : memref<128xi32, #tpu.memory_space<vmem>>) semaphore(%arg17 : memref<!tpu.dma_semaphore, #tpu.memory_space<semaphore_mem>>)
    %dma_start3A_30 = arith.constant 327680 : i32
    %dma_start3A_31 = arith.constant 0 : i32
    %dma_start3A_32 = tpu.memref_slice %arg5[%dma_start3A_30, %dma_start3A_31] : memref<328704x128xf32, #tpu.memory_space<hbm>> -> memref<128x128xf32, #tpu.memory_space<hbm>>
    %dma_start3A_33 = arith.constant 327680 : i32
    %dma_start3A_34 = arith.constant 0 : i32
    %dma_start3A_35 = tpu.memref_slice %arg5[%dma_start3A_33, %dma_start3A_34] : memref<328704x128xf32, #tpu.memory_space<hbm>> -> memref<128x128xf32, #tpu.memory_space<hbm>>
    tpu.enqueue_dma source(%arg10 : memref<128x128xf32, #tpu.memory_space<vmem>>) target(%dma_start3A_35 : memref<128x128xf32, #tpu.memory_space<hbm>>) target_semaphore(%arg18 : memref<!tpu.dma_semaphore, #tpu.memory_space<semaphore_mem>>)
    %dma_start3A_36 = arith.constant 327808 : i32
    %dma_start3A_37 = arith.constant 0 : i32
    %dma_start3A_38 = tpu.memref_slice %arg5[%dma_start3A_36, %dma_start3A_37] : memref<328704x128xf32, #tpu.memory_space<hbm>> -> memref<128x128xf32, #tpu.memory_space<hbm>>
    %dma_start3A_39 = arith.constant 327808 : i32
    %dma_start3A_40 = arith.constant 0 : i32
    %dma_start3A_41 = tpu.memref_slice %arg5[%dma_start3A_39, %dma_start3A_40] : memref<328704x128xf32, #tpu.memory_space<hbm>> -> memref<128x128xf32, #tpu.memory_space<hbm>>
    tpu.enqueue_dma source(%arg13 : memref<128x128xf32, #tpu.memory_space<vmem>>) target(%dma_start3A_41 : memref<128x128xf32, #tpu.memory_space<hbm>>) target_semaphore(%arg19 : memref<!tpu.dma_semaphore, #tpu.memory_space<semaphore_mem>>)
    %scan3A = arith.constant 0 : i32
    %scan3A_42 = arith.constant 0 : i32
    %scan3A_43 = arith.constant 40 : i32
    %scan3A_44 = arith.addi %scan3A_42, %scan3A_43 : i32
    %scan3A_45 = arith.constant 1 : i32
    scf.for %scan3A_86 = %scan3A_42 to %scan3A_44 step %scan3A_45  : i32 {
      %mul3A_87 = arith.constant 2 : i32
      %mul3A_88 = arith.muli %mul3A_87, %scan3A_86 : i32
      %dma_wait3A_89 = arith.constant 0 : i32
      %dma_wait3A_90 = tpu.memref_slice %arg6[%mul3A_88, %dma_wait3A_89] : memref<84x128xi32, #tpu.memory_space<vmem>> -> memref<1x128xi32, #tpu.memory_space<vmem>>
      %dma_wait3A_91 = tpu.memref_squeeze %dma_wait3A_90 : memref<1x128xi32, #tpu.memory_space<vmem>> -> memref<128xi32, #tpu.memory_space<vmem>>
      %dma_wait3A_92 = arith.constant 0 : i32
      %dma_wait3A_93 = arith.constant 0 : i32
      %dma_wait3A_94 = tpu.memref_slice %arg2[%dma_wait3A_92, %dma_wait3A_93] : memref<10000x128xf32, #tpu.memory_space<hbm>> -> memref<10000x128xf32, #tpu.memory_space<hbm>>
      tpu.wait_indirect_dma semaphore(%arg14 : memref<!tpu.dma_semaphore, #tpu.memory_space<semaphore_mem>>) src(%dma_wait3A_94 : memref<10000x128xf32, #tpu.memory_space<hbm>>) dst(%arg8 : memref<128x128xf32, #tpu.memory_space<vmem>>)
      %dma_wait3A_95 = arith.constant 0 : i32
      %dma_wait3A_96 = tpu.memref_slice %arg7[%mul3A_88, %dma_wait3A_95] : memref<84x128xi32, #tpu.memory_space<vmem>> -> memref<1x128xi32, #tpu.memory_space<vmem>>
      %dma_wait3A_97 = tpu.memref_squeeze %dma_wait3A_96 : memref<1x128xi32, #tpu.memory_space<vmem>> -> memref<128xi32, #tpu.memory_space<vmem>>
      %dma_wait3A_98 = arith.constant 0 : i32
      %dma_wait3A_99 = arith.constant 0 : i32
      %dma_wait3A_100 = tpu.memref_slice %arg2[%dma_wait3A_98, %dma_wait3A_99] : memref<10000x128xf32, #tpu.memory_space<hbm>> -> memref<10000x128xf32, #tpu.memory_space<hbm>>
      tpu.wait_indirect_dma semaphore(%arg15 : memref<!tpu.dma_semaphore, #tpu.memory_space<semaphore_mem>>) src(%dma_wait3A_100 : memref<10000x128xf32, #tpu.memory_space<hbm>>) dst(%arg9 : memref<128x128xf32, #tpu.memory_space<vmem>>)
      %dma_wait3A_101 = arith.constant 327680 : i32
      %dma_wait3A_102 = arith.constant 0 : i32
      %dma_wait3A_103 = tpu.memref_slice %arg5[%dma_wait3A_101, %dma_wait3A_102] : memref<328704x128xf32, #tpu.memory_space<hbm>> -> memref<128x128xf32, #tpu.memory_space<hbm>>
      %dma_wait3A_104 = arith.constant 327680 : i32
      %dma_wait3A_105 = arith.constant 0 : i32
      %dma_wait3A_106 = tpu.memref_slice %arg5[%dma_wait3A_104, %dma_wait3A_105] : memref<328704x128xf32, #tpu.memory_space<hbm>> -> memref<128x128xf32, #tpu.memory_space<hbm>>
      tpu.wait_dma2 semaphore(%arg18 : memref<!tpu.dma_semaphore, #tpu.memory_space<semaphore_mem>>) src(%arg10 : memref<128x128xf32, #tpu.memory_space<vmem>>) dst(%dma_wait3A_106 : memref<128x128xf32, #tpu.memory_space<hbm>>)
      %scan3A_107 = arith.constant 0 : i32
      %scan3A_108 = arith.constant 0 : i32
      %scan3A_109 = arith.constant 128 : i32
      %scan3A_110 = arith.addi %scan3A_108, %scan3A_109 : i32
      %scan3A_111 = arith.constant 1 : i32
      scf.for %scan3A_187 = %scan3A_108 to %scan3A_110 step %scan3A_111  : i32 {
        %get3A = arith.index_cast %scan3A_187 : i32 to index
        %get3A_188 = arith.constant 0 : index
        %get3A_189 = tpu.vector_load %arg8[%get3A, %get3A_188] {strides = array<i32>} : memref<128x128xf32, #tpu.memory_space<vmem>>, vector<1x16xf32>,
        %get3A_190 = vector.shape_cast %get3A_189 : vector<1x16xf32> to vector<16xf32>
        %get3A_191 = arith.index_cast %scan3A_187 : i32 to index
        %get3A_192 = arith.constant 0 : index
        %get3A_193 = tpu.vector_load %arg9[%get3A_191, %get3A_192] {strides = array<i32>} : memref<128x128xf32, #tpu.memory_space<vmem>>, vector<1x16xf32>,
        %get3A_194 = vector.shape_cast %get3A_193 : vector<1x16xf32> to vector<16xf32>
        %add3A_195 = arith.addf %get3A_190, %get3A_194 : vector<16xf32>
        %swap3A = arith.index_cast %scan3A_187 : i32 to index
        %swap3A_196 = arith.constant 0 : index
        %swap3A_197 = tpu.vector_load %arg10[%swap3A, %swap3A_196] {strides = array<i32>} : memref<128x128xf32, #tpu.memory_space<vmem>>, vector<1x16xf32>,
        %swap3A_198 = vector.shape_cast %swap3A_197 : vector<1x16xf32> to vector<16xf32>
        %swap3A_199 = vector.shape_cast %add3A_195 : vector<16xf32> to vector<1x16xf32>
        tpu.vector_store %arg10[%swap3A, %swap3A_196], %swap3A_199 {strides = array<i32>} : memref<128x128xf32, #tpu.memory_space<vmem>>, vector<1x16xf32>,
        %get3A_200 = arith.index_cast %scan3A_187 : i32 to index
        %get3A_201 = arith.constant 16 : index
        %get3A_202 = tpu.vector_load %arg8[%get3A_200, %get3A_201] {strides = array<i32>} : memref<128x128xf32, #tpu.memory_space<vmem>>, vector<1x16xf32>,
        %get3A_203 = vector.shape_cast %get3A_202 : vector<1x16xf32> to vector<16xf32>
        %get3A_204 = arith.index_cast %scan3A_187 : i32 to index
        %get3A_205 = arith.constant 16 : index
        %get3A_206 = tpu.vector_load %arg9[%get3A_204, %get3A_205] {strides = array<i32>} : memref<128x128xf32, #tpu.memory_space<vmem>>, vector<1x16xf32>,
        %get3A_207 = vector.shape_cast %get3A_206 : vector<1x16xf32> to vector<16xf32>
        %add3A_208 = arith.addf %get3A_203, %get3A_207 : vector<16xf32>
        %swap3A_209 = arith.index_cast %scan3A_187 : i32 to index
        %swap3A_210 = arith.constant 16 : index
        %swap3A_211 = tpu.vector_load %arg10[%swap3A_209, %swap3A_210] {strides = array<i32>} : memref<128x128xf32, #tpu.memory_space<vmem>>, vector<1x16xf32>,
        %swap3A_212 = vector.shape_cast %swap3A_211 : vector<1x16xf32> to vector<16xf32>
        %swap3A_213 = vector.shape_cast %add3A_208 : vector<16xf32> to vector<1x16xf32>
        tpu.vector_store %arg10[%swap3A_209, %swap3A_210], %swap3A_213 {strides = array<i32>} : memref<128x128xf32, #tpu.memory_space<vmem>>, vector<1x16xf32>,
        %get3A_214 = arith.index_cast %scan3A_187 : i32 to index
        %get3A_215 = arith.constant 32 : index
        %get3A_216 = tpu.vector_load %arg8[%get3A_214, %get3A_215] {strides = array<i32>} : memref<128x128xf32, #tpu.memory_space<vmem>>, vector<1x16xf32>,
        %get3A_217 = vector.shape_cast %get3A_216 : vector<1x16xf32> to vector<16xf32>
        %get3A_218 = arith.index_cast %scan3A_187 : i32 to index
        %get3A_219 = arith.constant 32 : index
        %get3A_220 = tpu.vector_load %arg9[%get3A_218, %get3A_219] {strides = array<i32>} : memref<128x128xf32, #tpu.memory_space<vmem>>, vector<1x16xf32>,
        %get3A_221 = vector.shape_cast %get3A_220 : vector<1x16xf32> to vector<16xf32>
        %add3A_222 = arith.addf %get3A_217, %get3A_221 : vector<16xf32>
        %swap3A_223 = arith.index_cast %scan3A_187 : i32 to index
        %swap3A_224 = arith.constant 32 : index
        %swap3A_225 = tpu.vector_load %arg10[%swap3A_223, %swap3A_224] {strides = array<i32>} : memref<128x128xf32, #tpu.memory_space<vmem>>, vector<1x16xf32>,
        %swap3A_226 = vector.shape_cast %swap3A_225 : vector<1x16xf32> to vector<16xf32>
        %swap3A_227 = vector.shape_cast %add3A_222 : vector<16xf32> to vector<1x16xf32>
        tpu.vector_store %arg10[%swap3A_223, %swap3A_224], %swap3A_227 {strides = array<i32>} : memref<128x128xf32, #tpu.memory_space<vmem>>, vector<1x16xf32>,
        %get3A_228 = arith.index_cast %scan3A_187 : i32 to index
        %get3A_229 = arith.constant 48 : index
        %get3A_230 = tpu.vector_load %arg8[%get3A_228, %get3A_229] {strides = array<i32>} : memref<128x128xf32, #tpu.memory_space<vmem>>, vector<1x16xf32>,
        %get3A_231 = vector.shape_cast %get3A_230 : vector<1x16xf32> to vector<16xf32>
        %get3A_232 = arith.index_cast %scan3A_187 : i32 to index
        %get3A_233 = arith.constant 48 : index
        %get3A_234 = tpu.vector_load %arg9[%get3A_232, %get3A_233] {strides = array<i32>} : memref<128x128xf32, #tpu.memory_space<vmem>>, vector<1x16xf32>,
        %get3A_235 = vector.shape_cast %get3A_234 : vector<1x16xf32> to vector<16xf32>
        %add3A_236 = arith.addf %get3A_231, %get3A_235 : vector<16xf32>
        %swap3A_237 = arith.index_cast %scan3A_187 : i32 to index
        %swap3A_238 = arith.constant 48 : index
        %swap3A_239 = tpu.vector_load %arg10[%swap3A_237, %swap3A_238] {strides = array<i32>} : memref<128x128xf32, #tpu.memory_space<vmem>>, vector<1x16xf32>,
        %swap3A_240 = vector.shape_cast %swap3A_239 : vector<1x16xf32> to vector<16xf32>
        %swap3A_241 = vector.shape_cast %add3A_236 : vector<16xf32> to vector<1x16xf32>
        tpu.vector_store %arg10[%swap3A_237, %swap3A_238], %swap3A_241 {strides = array<i32>} : memref<128x128xf32, #tpu.memory_space<vmem>>, vector<1x16xf32>,
        %get3A_242 = arith.index_cast %scan3A_187 : i32 to index
        %get3A_243 = arith.constant 64 : index
        %get3A_244 = tpu.vector_load %arg8[%get3A_242, %get3A_243] {strides = array<i32>} : memref<128x128xf32, #tpu.memory_space<vmem>>, vector<1x16xf32>,
        %get3A_245 = vector.shape_cast %get3A_244 : vector<1x16xf32> to vector<16xf32>
        %get3A_246 = arith.index_cast %scan3A_187 : i32 to index
        %get3A_247 = arith.constant 64 : index
        %get3A_248 = tpu.vector_load %arg9[%get3A_246, %get3A_247] {strides = array<i32>} : memref<128x128xf32, #tpu.memory_space<vmem>>, vector<1x16xf32>,
        %get3A_249 = vector.shape_cast %get3A_248 : vector<1x16xf32> to vector<16xf32>
        %add3A_250 = arith.addf %get3A_245, %get3A_249 : vector<16xf32>
        %swap3A_251 = arith.index_cast %scan3A_187 : i32 to index
        %swap3A_252 = arith.constant 64 : index
        %swap3A_253 = tpu.vector_load %arg10[%swap3A_251, %swap3A_252] {strides = array<i32>} : memref<128x128xf32, #tpu.memory_space<vmem>>, vector<1x16xf32>,
        %swap3A_254 = vector.shape_cast %swap3A_253 : vector<1x16xf32> to vector<16xf32>
        %swap3A_255 = vector.shape_cast %add3A_250 : vector<16xf32> to vector<1x16xf32>
        tpu.vector_store %arg10[%swap3A_251, %swap3A_252], %swap3A_255 {strides = array<i32>} : memref<128x128xf32, #tpu.memory_space<vmem>>, vector<1x16xf32>,
        %get3A_256 = arith.index_cast %scan3A_187 : i32 to index
        %get3A_257 = arith.constant 80 : index
        %get3A_258 = tpu.vector_load %arg8[%get3A_256, %get3A_257] {strides = array<i32>} : memref<128x128xf32, #tpu.memory_space<vmem>>, vector<1x16xf32>,
        %get3A_259 = vector.shape_cast %get3A_258 : vector<1x16xf32> to vector<16xf32>
        %get3A_260 = arith.index_cast %scan3A_187 : i32 to index
        %get3A_261 = arith.constant 80 : index
        %get3A_262 = tpu.vector_load %arg9[%get3A_260, %get3A_261] {strides = array<i32>} : memref<128x128xf32, #tpu.memory_space<vmem>>, vector<1x16xf32>,
        %get3A_263 = vector.shape_cast %get3A_262 : vector<1x16xf32> to vector<16xf32>
        %add3A_264 = arith.addf %get3A_259, %get3A_263 : vector<16xf32>
        %swap3A_265 = arith.index_cast %scan3A_187 : i32 to index
        %swap3A_266 = arith.constant 80 : index
        %swap3A_267 = tpu.vector_load %arg10[%swap3A_265, %swap3A_266] {strides = array<i32>} : memref<128x128xf32, #tpu.memory_space<vmem>>, vector<1x16xf32>,
        %swap3A_268 = vector.shape_cast %swap3A_267 : vector<1x16xf32> to vector<16xf32>
        %swap3A_269 = vector.shape_cast %add3A_264 : vector<16xf32> to vector<1x16xf32>
        tpu.vector_store %arg10[%swap3A_265, %swap3A_266], %swap3A_269 {strides = array<i32>} : memref<128x128xf32, #tpu.memory_space<vmem>>, vector<1x16xf32>,
        %get3A_270 = arith.index_cast %scan3A_187 : i32 to index
        %get3A_271 = arith.constant 96 : index
        %get3A_272 = tpu.vector_load %arg8[%get3A_270, %get3A_271] {strides = array<i32>} : memref<128x128xf32, #tpu.memory_space<vmem>>, vector<1x16xf32>,
        %get3A_273 = vector.shape_cast %get3A_272 : vector<1x16xf32> to vector<16xf32>
        %get3A_274 = arith.index_cast %scan3A_187 : i32 to index
        %get3A_275 = arith.constant 96 : index
        %get3A_276 = tpu.vector_load %arg9[%get3A_274, %get3A_275] {strides = array<i32>} : memref<128x128xf32, #tpu.memory_space<vmem>>, vector<1x16xf32>,
        %get3A_277 = vector.shape_cast %get3A_276 : vector<1x16xf32> to vector<16xf32>
        %add3A_278 = arith.addf %get3A_273, %get3A_277 : vector<16xf32>
        %swap3A_279 = arith.index_cast %scan3A_187 : i32 to index
        %swap3A_280 = arith.constant 96 : index
        %swap3A_281 = tpu.vector_load %arg10[%swap3A_279, %swap3A_280] {strides = array<i32>} : memref<128x128xf32, #tpu.memory_space<vmem>>, vector<1x16xf32>,
        %swap3A_282 = vector.shape_cast %swap3A_281 : vector<1x16xf32> to vector<16xf32>
        %swap3A_283 = vector.shape_cast %add3A_278 : vector<16xf32> to vector<1x16xf32>
        tpu.vector_store %arg10[%swap3A_279, %swap3A_280], %swap3A_283 {strides = array<i32>} : memref<128x128xf32, #tpu.memory_space<vmem>>, vector<1x16xf32>,
        %get3A_284 = arith.index_cast %scan3A_187 : i32 to index
        %get3A_285 = arith.constant 112 : index
        %get3A_286 = tpu.vector_load %arg8[%get3A_284, %get3A_285] {strides = array<i32>} : memref<128x128xf32, #tpu.memory_space<vmem>>, vector<1x16xf32>,
        %get3A_287 = vector.shape_cast %get3A_286 : vector<1x16xf32> to vector<16xf32>
        %get3A_288 = arith.index_cast %scan3A_187 : i32 to index
        %get3A_289 = arith.constant 112 : index
        %get3A_290 = tpu.vector_load %arg9[%get3A_288, %get3A_289] {strides = array<i32>} : memref<128x128xf32, #tpu.memory_space<vmem>>, vector<1x16xf32>,
        %get3A_291 = vector.shape_cast %get3A_290 : vector<1x16xf32> to vector<16xf32>
        %add3A_292 = arith.addf %get3A_287, %get3A_291 : vector<16xf32>
        %swap3A_293 = arith.index_cast %scan3A_187 : i32 to index
        %swap3A_294 = arith.constant 112 : index
        %swap3A_295 = tpu.vector_load %arg10[%swap3A_293, %swap3A_294] {strides = array<i32>} : memref<128x128xf32, #tpu.memory_space<vmem>>, vector<1x16xf32>,
        %swap3A_296 = vector.shape_cast %swap3A_295 : vector<1x16xf32> to vector<16xf32>
        %swap3A_297 = vector.shape_cast %add3A_292 : vector<16xf32> to vector<1x16xf32>
        tpu.vector_store %arg10[%swap3A_293, %swap3A_294], %swap3A_297 {strides = array<i32>} : memref<128x128xf32, #tpu.memory_space<vmem>>, vector<1x16xf32>,
      }
      %scan3A_112 = arith.constant 128 : i32
      %mul3A_113 = arith.constant 128 : i32
      %mul3A_114 = arith.muli %mul3A_88, %mul3A_113 : i32
      %add3A_115 = arith.addi %mul3A_2, %mul3A_114 : i32
      %dma_start3A_116 = arith.constant 0 : i32
      %dma_start3A_117 = tpu.memref_slice %arg5[%add3A_115, %dma_start3A_116] : memref<328704x128xf32, #tpu.memory_space<hbm>> -> memref<128x128xf32, #tpu.memory_space<hbm>>
      %dma_start3A_118 = arith.constant 0 : i32
      %dma_start3A_119 = tpu.memref_slice %arg5[%add3A_115, %dma_start3A_118] : memref<328704x128xf32, #tpu.memory_space<hbm>> -> memref<128x128xf32, #tpu.memory_space<hbm>>
      tpu.enqueue_dma source(%arg10 : memref<128x128xf32, #tpu.memory_space<vmem>>) target(%dma_start3A_119 : memref<128x128xf32, #tpu.memory_space<hbm>>) target_semaphore(%arg18 : memref<!tpu.dma_semaphore, #tpu.memory_space<semaphore_mem>>)
      %add3A_120 = arith.constant 2 : i32
      %add3A_121 = arith.addi %mul3A_88, %add3A_120 : i32
      %dma_start3A_122 = arith.constant 0 : i32
      %dma_start3A_123 = tpu.memref_slice %arg6[%add3A_121, %dma_start3A_122] : memref<84x128xi32, #tpu.memory_space<vmem>> -> memref<1x128xi32, #tpu.memory_space<vmem>>
      %dma_start3A_124 = tpu.memref_squeeze %dma_start3A_123 : memref<1x128xi32, #tpu.memory_space<vmem>> -> memref<128xi32, #tpu.memory_space<vmem>>
      %dma_start3A_125 = arith.constant 0 : i32
      %dma_start3A_126 = arith.constant 0 : i32
      %dma_start3A_127 = tpu.memref_slice %arg2[%dma_start3A_125, %dma_start3A_126] : memref<10000x128xf32, #tpu.memory_space<hbm>> -> memref<10000x128xf32, #tpu.memory_space<hbm>>
      tpu.enqueue_indirect_dma source(%dma_start3A_127 : memref<10000x128xf32, #tpu.memory_space<hbm>>) target(%arg8 : memref<128x128xf32, #tpu.memory_space<vmem>>) offsets(%dma_start3A_124 : memref<128xi32, #tpu.memory_space<vmem>>) semaphore(%arg14 : memref<!tpu.dma_semaphore, #tpu.memory_space<semaphore_mem>>)
      %add3A_128 = arith.constant 2 : i32
      %add3A_129 = arith.addi %mul3A_88, %add3A_128 : i32
      %dma_start3A_130 = arith.constant 0 : i32
      %dma_start3A_131 = tpu.memref_slice %arg7[%add3A_129, %dma_start3A_130] : memref<84x128xi32, #tpu.memory_space<vmem>> -> memref<1x128xi32, #tpu.memory_space<vmem>>
      %dma_start3A_132 = tpu.memref_squeeze %dma_start3A_131 : memref<1x128xi32, #tpu.memory_space<vmem>> -> memref<128xi32, #tpu.memory_space<vmem>>
      %dma_start3A_133 = arith.constant 0 : i32
      %dma_start3A_134 = arith.constant 0 : i32
      %dma_start3A_135 = tpu.memref_slice %arg2[%dma_start3A_133, %dma_start3A_134] : memref<10000x128xf32, #tpu.memory_space<hbm>> -> memref<10000x128xf32, #tpu.memory_space<hbm>>
      tpu.enqueue_indirect_dma source(%dma_start3A_135 : memref<10000x128xf32, #tpu.memory_space<hbm>>) target(%arg9 : memref<128x128xf32, #tpu.memory_space<vmem>>) offsets(%dma_start3A_132 : memref<128xi32, #tpu.memory_space<vmem>>) semaphore(%arg15 : memref<!tpu.dma_semaphore, #tpu.memory_space<semaphore_mem>>)
      %mul3A_136 = arith.constant 2 : i32
      %mul3A_137 = arith.muli %mul3A_136, %scan3A_86 : i32
      %add3A_138 = arith.constant 1 : i32
      %add3A_139 = arith.addi %mul3A_137, %add3A_138 : i32
      %dma_wait3A_140 = arith.constant 0 : i32
      %dma_wait3A_141 = tpu.memref_slice %arg6[%add3A_139, %dma_wait3A_140] : memref<84x128xi32, #tpu.memory_space<vmem>> -> memref<1x128xi32, #tpu.memory_space<vmem>>
      %dma_wait3A_142 = tpu.memref_squeeze %dma_wait3A_141 : memref<1x128xi32, #tpu.memory_space<vmem>> -> memref<128xi32, #tpu.memory_space<vmem>>
      %dma_wait3A_143 = arith.constant 0 : i32
      %dma_wait3A_144 = arith.constant 0 : i32
      %dma_wait3A_145 = tpu.memref_slice %arg2[%dma_wait3A_143, %dma_wait3A_144] : memref<10000x128xf32, #tpu.memory_space<hbm>> -> memref<10000x128xf32, #tpu.memory_space<hbm>>
      tpu.wait_indirect_dma semaphore(%arg16 : memref<!tpu.dma_semaphore, #tpu.memory_space<semaphore_mem>>) src(%dma_wait3A_145 : memref<10000x128xf32, #tpu.memory_space<hbm>>) dst(%arg11 : memref<128x128xf32, #tpu.memory_space<vmem>>)
      %dma_wait3A_146 = arith.constant 0 : i32
      %dma_wait3A_147 = tpu.memref_slice %arg7[%add3A_139, %dma_wait3A_146] : memref<84x128xi32, #tpu.memory_space<vmem>> -> memref<1x128xi32, #tpu.memory_space<vmem>>
      %dma_wait3A_148 = tpu.memref_squeeze %dma_wait3A_147 : memref<1x128xi32, #tpu.memory_space<vmem>> -> memref<128xi32, #tpu.memory_space<vmem>>
      %dma_wait3A_149 = arith.constant 0 : i32
      %dma_wait3A_150 = arith.constant 0 : i32
      %dma_wait3A_151 = tpu.memref_slice %arg2[%dma_wait3A_149, %dma_wait3A_150] : memref<10000x128xf32, #tpu.memory_space<hbm>> -> memref<10000x128xf32, #tpu.memory_space<hbm>>
      tpu.wait_indirect_dma semaphore(%arg17 : memref<!tpu.dma_semaphore, #tpu.memory_space<semaphore_mem>>) src(%dma_wait3A_151 : memref<10000x128xf32, #tpu.memory_space<hbm>>) dst(%arg12 : memref<128x128xf32, #tpu.memory_space<vmem>>)
      %dma_wait3A_152 = arith.constant 327680 : i32
      %dma_wait3A_153 = arith.constant 0 : i32
      %dma_wait3A_154 = tpu.memref_slice %arg5[%dma_wait3A_152, %dma_wait3A_153] : memref<328704x128xf32, #tpu.memory_space<hbm>> -> memref<128x128xf32, #tpu.memory_space<hbm>>
      %dma_wait3A_155 = arith.constant 327680 : i32
      %dma_wait3A_156 = arith.constant 0 : i32
      %dma_wait3A_157 = tpu.memref_slice %arg5[%dma_wait3A_155, %dma_wait3A_156] : memref<328704x128xf32, #tpu.memory_space<hbm>> -> memref<128x128xf32, #tpu.memory_space<hbm>>
      tpu.wait_dma2 semaphore(%arg19 : memref<!tpu.dma_semaphore, #tpu.memory_space<semaphore_mem>>) src(%arg13 : memref<128x128xf32, #tpu.memory_space<vmem>>) dst(%dma_wait3A_157 : memref<128x128xf32, #tpu.memory_space<hbm>>)
      %scan3A_158 = arith.constant 0 : i32
      %scan3A_159 = arith.constant 0 : i32
      %scan3A_160 = arith.constant 128 : i32
      %scan3A_161 = arith.addi %scan3A_159, %scan3A_160 : i32
      %scan3A_162 = arith.constant 1 : i32
      scf.for %scan3A_187 = %scan3A_159 to %scan3A_161 step %scan3A_162  : i32 {
        %get3A = arith.index_cast %scan3A_187 : i32 to index
        %get3A_188 = arith.constant 0 : index
        %get3A_189 = tpu.vector_load %arg11[%get3A, %get3A_188] {strides = array<i32>} : memref<128x128xf32, #tpu.memory_space<vmem>>, vector<1x16xf32>,
        %get3A_190 = vector.shape_cast %get3A_189 : vector<1x16xf32> to vector<16xf32>
        %get3A_191 = arith.index_cast %scan3A_187 : i32 to index
        %get3A_192 = arith.constant 0 : index
        %get3A_193 = tpu.vector_load %arg12[%get3A_191, %get3A_192] {strides = array<i32>} : memref<128x128xf32, #tpu.memory_space<vmem>>, vector<1x16xf32>,
        %get3A_194 = vector.shape_cast %get3A_193 : vector<1x16xf32> to vector<16xf32>
        %add3A_195 = arith.addf %get3A_190, %get3A_194 : vector<16xf32>
        %swap3A = arith.index_cast %scan3A_187 : i32 to index
        %swap3A_196 = arith.constant 0 : index
        %swap3A_197 = tpu.vector_load %arg13[%swap3A, %swap3A_196] {strides = array<i32>} : memref<128x128xf32, #tpu.memory_space<vmem>>, vector<1x16xf32>,
        %swap3A_198 = vector.shape_cast %swap3A_197 : vector<1x16xf32> to vector<16xf32>
        %swap3A_199 = vector.shape_cast %add3A_195 : vector<16xf32> to vector<1x16xf32>
        tpu.vector_store %arg13[%swap3A, %swap3A_196], %swap3A_199 {strides = array<i32>} : memref<128x128xf32, #tpu.memory_space<vmem>>, vector<1x16xf32>,
        %get3A_200 = arith.index_cast %scan3A_187 : i32 to index
        %get3A_201 = arith.constant 16 : index
        %get3A_202 = tpu.vector_load %arg11[%get3A_200, %get3A_201] {strides = array<i32>} : memref<128x128xf32, #tpu.memory_space<vmem>>, vector<1x16xf32>,
        %get3A_203 = vector.shape_cast %get3A_202 : vector<1x16xf32> to vector<16xf32>
        %get3A_204 = arith.index_cast %scan3A_187 : i32 to index
        %get3A_205 = arith.constant 16 : index
        %get3A_206 = tpu.vector_load %arg12[%get3A_204, %get3A_205] {strides = array<i32>} : memref<128x128xf32, #tpu.memory_space<vmem>>, vector<1x16xf32>,
        %get3A_207 = vector.shape_cast %get3A_206 : vector<1x16xf32> to vector<16xf32>
        %add3A_208 = arith.addf %get3A_203, %get3A_207 : vector<16xf32>
        %swap3A_209 = arith.index_cast %scan3A_187 : i32 to index
        %swap3A_210 = arith.constant 16 : index
        %swap3A_211 = tpu.vector_load %arg13[%swap3A_209, %swap3A_210] {strides = array<i32>} : memref<128x128xf32, #tpu.memory_space<vmem>>, vector<1x16xf32>,
        %swap3A_212 = vector.shape_cast %swap3A_211 : vector<1x16xf32> to vector<16xf32>
        %swap3A_213 = vector.shape_cast %add3A_208 : vector<16xf32> to vector<1x16xf32>
        tpu.vector_store %arg13[%swap3A_209, %swap3A_210], %swap3A_213 {strides = array<i32>} : memref<128x128xf32, #tpu.memory_space<vmem>>, vector<1x16xf32>,
        %get3A_214 = arith.index_cast %scan3A_187 : i32 to index
        %get3A_215 = arith.constant 32 : index
        %get3A_216 = tpu.vector_load %arg11[%get3A_214, %get3A_215] {strides = array<i32>} : memref<128x128xf32, #tpu.memory_space<vmem>>, vector<1x16xf32>,
        %get3A_217 = vector.shape_cast %get3A_216 : vector<1x16xf32> to vector<16xf32>
        %get3A_218 = arith.index_cast %scan3A_187 : i32 to index
        %get3A_219 = arith.constant 32 : index
        %get3A_220 = tpu.vector_load %arg12[%get3A_218, %get3A_219] {strides = array<i32>} : memref<128x128xf32, #tpu.memory_space<vmem>>, vector<1x16xf32>,
        %get3A_221 = vector.shape_cast %get3A_220 : vector<1x16xf32> to vector<16xf32>
        %add3A_222 = arith.addf %get3A_217, %get3A_221 : vector<16xf32>
        %swap3A_223 = arith.index_cast %scan3A_187 : i32 to index
        %swap3A_224 = arith.constant 32 : index
        %swap3A_225 = tpu.vector_load %arg13[%swap3A_223, %swap3A_224] {strides = array<i32>} : memref<128x128xf32, #tpu.memory_space<vmem>>, vector<1x16xf32>,
        %swap3A_226 = vector.shape_cast %swap3A_225 : vector<1x16xf32> to vector<16xf32>
        %swap3A_227 = vector.shape_cast %add3A_222 : vector<16xf32> to vector<1x16xf32>
        tpu.vector_store %arg13[%swap3A_223, %swap3A_224], %swap3A_227 {strides = array<i32>} : memref<128x128xf32, #tpu.memory_space<vmem>>, vector<1x16xf32>,
        %get3A_228 = arith.index_cast %scan3A_187 : i32 to index
        %get3A_229 = arith.constant 48 : index
        %get3A_230 = tpu.vector_load %arg11[%get3A_228, %get3A_229] {strides = array<i32>} : memref<128x128xf32, #tpu.memory_space<vmem>>, vector<1x16xf32>,
        %get3A_231 = vector.shape_cast %get3A_230 : vector<1x16xf32> to vector<16xf32>
        %get3A_232 = arith.index_cast %scan3A_187 : i32 to index
        %get3A_233 = arith.constant 48 : index
        %get3A_234 = tpu.vector_load %arg12[%get3A_232, %get3A_233] {strides = array<i32>} : memref<128x128xf32, #tpu.memory_space<vmem>>, vector<1x16xf32>,
        %get3A_235 = vector.shape_cast %get3A_234 : vector<1x16xf32> to vector<16xf32>
        %add3A_236 = arith.addf %get3A_231, %get3A_235 : vector<16xf32>
        %swap3A_237 = arith.index_cast %scan3A_187 : i32 to index
        %swap3A_238 = arith.constant 48 : index
        %swap3A_239 = tpu.vector_load %arg13[%swap3A_237, %swap3A_238] {strides = array<i32>} : memref<128x128xf32, #tpu.memory_space<vmem>>, vector<1x16xf32>,
        %swap3A_240 = vector.shape_cast %swap3A_239 : vector<1x16xf32> to vector<16xf32>
        %swap3A_241 = vector.shape_cast %add3A_236 : vector<16xf32> to vector<1x16xf32>
        tpu.vector_store %arg13[%swap3A_237, %swap3A_238], %swap3A_241 {strides = array<i32>} : memref<128x128xf32, #tpu.memory_space<vmem>>, vector<1x16xf32>,
        %get3A_242 = arith.index_cast %scan3A_187 : i32 to index
        %get3A_243 = arith.constant 64 : index
        %get3A_244 = tpu.vector_load %arg11[%get3A_242, %get3A_243] {strides = array<i32>} : memref<128x128xf32, #tpu.memory_space<vmem>>, vector<1x16xf32>,
        %get3A_245 = vector.shape_cast %get3A_244 : vector<1x16xf32> to vector<16xf32>
        %get3A_246 = arith.index_cast %scan3A_187 : i32 to index
        %get3A_247 = arith.constant 64 : index
        %get3A_248 = tpu.vector_load %arg12[%get3A_246, %get3A_247] {strides = array<i32>} : memref<128x128xf32, #tpu.memory_space<vmem>>, vector<1x16xf32>,
        %get3A_249 = vector.shape_cast %get3A_248 : vector<1x16xf32> to vector<16xf32>
        %add3A_250 = arith.addf %get3A_245, %get3A_249 : vector<16xf32>
        %swap3A_251 = arith.index_cast %scan3A_187 : i32 to index
        %swap3A_252 = arith.constant 64 : index
        %swap3A_253 = tpu.vector_load %arg13[%swap3A_251, %swap3A_252] {strides = array<i32>} : memref<128x128xf32, #tpu.memory_space<vmem>>, vector<1x16xf32>,
        %swap3A_254 = vector.shape_cast %swap3A_253 : vector<1x16xf32> to vector<16xf32>
        %swap3A_255 = vector.shape_cast %add3A_250 : vector<16xf32> to vector<1x16xf32>
        tpu.vector_store %arg13[%swap3A_251, %swap3A_252], %swap3A_255 {strides = array<i32>} : memref<128x128xf32, #tpu.memory_space<vmem>>, vector<1x16xf32>,
        %get3A_256 = arith.index_cast %scan3A_187 : i32 to index
        %get3A_257 = arith.constant 80 : index
        %get3A_258 = tpu.vector_load %arg11[%get3A_256, %get3A_257] {strides = array<i32>} : memref<128x128xf32, #tpu.memory_space<vmem>>, vector<1x16xf32>,
        %get3A_259 = vector.shape_cast %get3A_258 : vector<1x16xf32> to vector<16xf32>
        %get3A_260 = arith.index_cast %scan3A_187 : i32 to index
        %get3A_261 = arith.constant 80 : index
        %get3A_262 = tpu.vector_load %arg12[%get3A_260, %get3A_261] {strides = array<i32>} : memref<128x128xf32, #tpu.memory_space<vmem>>, vector<1x16xf32>,
        %get3A_263 = vector.shape_cast %get3A_262 : vector<1x16xf32> to vector<16xf32>
        %add3A_264 = arith.addf %get3A_259, %get3A_263 : vector<16xf32>
        %swap3A_265 = arith.index_cast %scan3A_187 : i32 to index
        %swap3A_266 = arith.constant 80 : index
        %swap3A_267 = tpu.vector_load %arg13[%swap3A_265, %swap3A_266] {strides = array<i32>} : memref<128x128xf32, #tpu.memory_space<vmem>>, vector<1x16xf32>,
        %swap3A_268 = vector.shape_cast %swap3A_267 : vector<1x16xf32> to vector<16xf32>
        %swap3A_269 = vector.shape_cast %add3A_264 : vector<16xf32> to vector<1x16xf32>
        tpu.vector_store %arg13[%swap3A_265, %swap3A_266], %swap3A_269 {strides = array<i32>} : memref<128x128xf32, #tpu.memory_space<vmem>>, vector<1x16xf32>,
        %get3A_270 = arith.index_cast %scan3A_187 : i32 to index
        %get3A_271 = arith.constant 96 : index
        %get3A_272 = tpu.vector_load %arg11[%get3A_270, %get3A_271] {strides = array<i32>} : memref<128x128xf32, #tpu.memory_space<vmem>>, vector<1x16xf32>,
        %get3A_273 = vector.shape_cast %get3A_272 : vector<1x16xf32> to vector<16xf32>
        %get3A_274 = arith.index_cast %scan3A_187 : i32 to index
        %get3A_275 = arith.constant 96 : index
        %get3A_276 = tpu.vector_load %arg12[%get3A_274, %get3A_275] {strides = array<i32>} : memref<128x128xf32, #tpu.memory_space<vmem>>, vector<1x16xf32>,
        %get3A_277 = vector.shape_cast %get3A_276 : vector<1x16xf32> to vector<16xf32>
        %add3A_278 = arith.addf %get3A_273, %get3A_277 : vector<16xf32>
        %swap3A_279 = arith.index_cast %scan3A_187 : i32 to index
        %swap3A_280 = arith.constant 96 : index
        %swap3A_281 = tpu.vector_load %arg13[%swap3A_279, %swap3A_280] {strides = array<i32>} : memref<128x128xf32, #tpu.memory_space<vmem>>, vector<1x16xf32>,
        %swap3A_282 = vector.shape_cast %swap3A_281 : vector<1x16xf32> to vector<16xf32>
        %swap3A_283 = vector.shape_cast %add3A_278 : vector<16xf32> to vector<1x16xf32>
        tpu.vector_store %arg13[%swap3A_279, %swap3A_280], %swap3A_283 {strides = array<i32>} : memref<128x128xf32, #tpu.memory_space<vmem>>, vector<1x16xf32>,
        %get3A_284 = arith.index_cast %scan3A_187 : i32 to index
        %get3A_285 = arith.constant 112 : index
        %get3A_286 = tpu.vector_load %arg11[%get3A_284, %get3A_285] {strides = array<i32>} : memref<128x128xf32, #tpu.memory_space<vmem>>, vector<1x16xf32>,
        %get3A_287 = vector.shape_cast %get3A_286 : vector<1x16xf32> to vector<16xf32>
        %get3A_288 = arith.index_cast %scan3A_187 : i32 to index
        %get3A_289 = arith.constant 112 : index
        %get3A_290 = tpu.vector_load %arg12[%get3A_288, %get3A_289] {strides = array<i32>} : memref<128x128xf32, #tpu.memory_space<vmem>>, vector<1x16xf32>,
        %get3A_291 = vector.shape_cast %get3A_290 : vector<1x16xf32> to vector<16xf32>
        %add3A_292 = arith.addf %get3A_287, %get3A_291 : vector<16xf32>
        %swap3A_293 = arith.index_cast %scan3A_187 : i32 to index
        %swap3A_294 = arith.constant 112 : index
        %swap3A_295 = tpu.vector_load %arg13[%swap3A_293, %swap3A_294] {strides = array<i32>} : memref<128x128xf32, #tpu.memory_space<vmem>>, vector<1x16xf32>,
        %swap3A_296 = vector.shape_cast %swap3A_295 : vector<1x16xf32> to vector<16xf32>
        %swap3A_297 = vector.shape_cast %add3A_292 : vector<16xf32> to vector<1x16xf32>
        tpu.vector_store %arg13[%swap3A_293, %swap3A_294], %swap3A_297 {strides = array<i32>} : memref<128x128xf32, #tpu.memory_space<vmem>>, vector<1x16xf32>,
      }
      %scan3A_163 = arith.constant 128 : i32
      %mul3A_164 = arith.constant 128 : i32
      %mul3A_165 = arith.muli %add3A_139, %mul3A_164 : i32
      %add3A_166 = arith.addi %mul3A_2, %mul3A_165 : i32
      %dma_start3A_167 = arith.constant 0 : i32
      %dma_start3A_168 = tpu.memref_slice %arg5[%add3A_166, %dma_start3A_167] : memref<328704x128xf32, #tpu.memory_space<hbm>> -> memref<128x128xf32, #tpu.memory_space<hbm>>
      %dma_start3A_169 = arith.constant 0 : i32
      %dma_start3A_170 = tpu.memref_slice %arg5[%add3A_166, %dma_start3A_169] : memref<328704x128xf32, #tpu.memory_space<hbm>> -> memref<128x128xf32, #tpu.memory_space<hbm>>
      tpu.enqueue_dma source(%arg13 : memref<128x128xf32, #tpu.memory_space<vmem>>) target(%dma_start3A_170 : memref<128x128xf32, #tpu.memory_space<hbm>>) target_semaphore(%arg19 : memref<!tpu.dma_semaphore, #tpu.memory_space<semaphore_mem>>)
      %add3A_171 = arith.constant 2 : i32
      %add3A_172 = arith.addi %add3A_139, %add3A_171 : i32
      %dma_start3A_173 = arith.constant 0 : i32
      %dma_start3A_174 = tpu.memref_slice %arg6[%add3A_172, %dma_start3A_173] : memref<84x128xi32, #tpu.memory_space<vmem>> -> memref<1x128xi32, #tpu.memory_space<vmem>>
      %dma_start3A_175 = tpu.memref_squeeze %dma_start3A_174 : memref<1x128xi32, #tpu.memory_space<vmem>> -> memref<128xi32, #tpu.memory_space<vmem>>
      %dma_start3A_176 = arith.constant 0 : i32
      %dma_start3A_177 = arith.constant 0 : i32
      %dma_start3A_178 = tpu.memref_slice %arg2[%dma_start3A_176, %dma_start3A_177] : memref<10000x128xf32, #tpu.memory_space<hbm>> -> memref<10000x128xf32, #tpu.memory_space<hbm>>
      tpu.enqueue_indirect_dma source(%dma_start3A_178 : memref<10000x128xf32, #tpu.memory_space<hbm>>) target(%arg11 : memref<128x128xf32, #tpu.memory_space<vmem>>) offsets(%dma_start3A_175 : memref<128xi32, #tpu.memory_space<vmem>>) semaphore(%arg16 : memref<!tpu.dma_semaphore, #tpu.memory_space<semaphore_mem>>)
      %add3A_179 = arith.constant 2 : i32
      %add3A_180 = arith.addi %add3A_139, %add3A_179 : i32
      %dma_start3A_181 = arith.constant 0 : i32
      %dma_start3A_182 = tpu.memref_slice %arg7[%add3A_180, %dma_start3A_181] : memref<84x128xi32, #tpu.memory_space<vmem>> -> memref<1x128xi32, #tpu.memory_space<vmem>>
      %dma_start3A_183 = tpu.memref_squeeze %dma_start3A_182 : memref<1x128xi32, #tpu.memory_space<vmem>> -> memref<128xi32, #tpu.memory_space<vmem>>
      %dma_start3A_184 = arith.constant 0 : i32
      %dma_start3A_185 = arith.constant 0 : i32
      %dma_start3A_186 = tpu.memref_slice %arg2[%dma_start3A_184, %dma_start3A_185] : memref<10000x128xf32, #tpu.memory_space<hbm>> -> memref<10000x128xf32, #tpu.memory_space<hbm>>
      tpu.enqueue_indirect_dma source(%dma_start3A_186 : memref<10000x128xf32, #tpu.memory_space<hbm>>) target(%arg12 : memref<128x128xf32, #tpu.memory_space<vmem>>) offsets(%dma_start3A_183 : memref<128xi32, #tpu.memory_space<vmem>>) semaphore(%arg17 : memref<!tpu.dma_semaphore, #tpu.memory_space<semaphore_mem>>)
    }
    %scan3A_46 = arith.constant 40 : i32
    %dma_wait3A = arith.constant 0 : i32
    %dma_wait3A_47 = arith.constant 0 : i32
    %dma_wait3A_48 = tpu.memref_slice %arg6[%dma_wait3A, %dma_wait3A_47] : memref<84x128xi32, #tpu.memory_space<vmem>> -> memref<1x128xi32, #tpu.memory_space<vmem>>
    %dma_wait3A_49 = tpu.memref_squeeze %dma_wait3A_48 : memref<1x128xi32, #tpu.memory_space<vmem>> -> memref<128xi32, #tpu.memory_space<vmem>>
    %dma_wait3A_50 = arith.constant 0 : i32
    %dma_wait3A_51 = arith.constant 0 : i32
    %dma_wait3A_52 = tpu.memref_slice %arg2[%dma_wait3A_50, %dma_wait3A_51] : memref<10000x128xf32, #tpu.memory_space<hbm>> -> memref<10000x128xf32, #tpu.memory_space<hbm>>
    tpu.wait_indirect_dma semaphore(%arg14 : memref<!tpu.dma_semaphore, #tpu.memory_space<semaphore_mem>>) src(%dma_wait3A_52 : memref<10000x128xf32, #tpu.memory_space<hbm>>) dst(%arg8 : memref<128x128xf32, #tpu.memory_space<vmem>>)
    %dma_wait3A_53 = arith.constant 0 : i32
    %dma_wait3A_54 = arith.constant 0 : i32
    %dma_wait3A_55 = tpu.memref_slice %arg6[%dma_wait3A_53, %dma_wait3A_54] : memref<84x128xi32, #tpu.memory_space<vmem>> -> memref<1x128xi32, #tpu.memory_space<vmem>>
    %dma_wait3A_56 = tpu.memref_squeeze %dma_wait3A_55 : memref<1x128xi32, #tpu.memory_space<vmem>> -> memref<128xi32, #tpu.memory_space<vmem>>
    %dma_wait3A_57 = arith.constant 0 : i32
    %dma_wait3A_58 = arith.constant 0 : i32
    %dma_wait3A_59 = tpu.memref_slice %arg2[%dma_wait3A_57, %dma_wait3A_58] : memref<10000x128xf32, #tpu.memory_space<hbm>> -> memref<10000x128xf32, #tpu.memory_space<hbm>>
    tpu.wait_indirect_dma semaphore(%arg15 : memref<!tpu.dma_semaphore, #tpu.memory_space<semaphore_mem>>) src(%dma_wait3A_59 : memref<10000x128xf32, #tpu.memory_space<hbm>>) dst(%arg9 : memref<128x128xf32, #tpu.memory_space<vmem>>)
    %dma_wait3A_60 = arith.constant 0 : i32
    %dma_wait3A_61 = arith.constant 0 : i32
    %dma_wait3A_62 = tpu.memref_slice %arg6[%dma_wait3A_60, %dma_wait3A_61] : memref<84x128xi32, #tpu.memory_space<vmem>> -> memref<1x128xi32, #tpu.memory_space<vmem>>
    %dma_wait3A_63 = tpu.memref_squeeze %dma_wait3A_62 : memref<1x128xi32, #tpu.memory_space<vmem>> -> memref<128xi32, #tpu.memory_space<vmem>>
    %dma_wait3A_64 = arith.constant 0 : i32
    %dma_wait3A_65 = arith.constant 0 : i32
    %dma_wait3A_66 = tpu.memref_slice %arg2[%dma_wait3A_64, %dma_wait3A_65] : memref<10000x128xf32, #tpu.memory_space<hbm>> -> memref<10000x128xf32, #tpu.memory_space<hbm>>
    tpu.wait_indirect_dma semaphore(%arg16 : memref<!tpu.dma_semaphore, #tpu.memory_space<semaphore_mem>>) src(%dma_wait3A_66 : memref<10000x128xf32, #tpu.memory_space<hbm>>) dst(%arg11 : memref<128x128xf32, #tpu.memory_space<vmem>>)
    %dma_wait3A_67 = arith.constant 0 : i32
    %dma_wait3A_68 = arith.constant 0 : i32
    %dma_wait3A_69 = tpu.memref_slice %arg6[%dma_wait3A_67, %dma_wait3A_68] : memref<84x128xi32, #tpu.memory_space<vmem>> -> memref<1x128xi32, #tpu.memory_space<vmem>>
    %dma_wait3A_70 = tpu.memref_squeeze %dma_wait3A_69 : memref<1x128xi32, #tpu.memory_space<vmem>> -> memref<128xi32, #tpu.memory_space<vmem>>
    %dma_wait3A_71 = arith.constant 0 : i32
    %dma_wait3A_72 = arith.constant 0 : i32
    %dma_wait3A_73 = tpu.memref_slice %arg2[%dma_wait3A_71, %dma_wait3A_72] : memref<10000x128xf32, #tpu.memory_space<hbm>> -> memref<10000x128xf32, #tpu.memory_space<hbm>>
    tpu.wait_indirect_dma semaphore(%arg17 : memref<!tpu.dma_semaphore, #tpu.memory_space<semaphore_mem>>) src(%dma_wait3A_73 : memref<10000x128xf32, #tpu.memory_space<hbm>>) dst(%arg12 : memref<128x128xf32, #tpu.memory_space<vmem>>)
    %dma_wait3A_74 = arith.constant 327680 : i32
    %dma_wait3A_75 = arith.constant 0 : i32
    %dma_wait3A_76 = tpu.memref_slice %arg5[%dma_wait3A_74, %dma_wait3A_75] : memref<328704x128xf32, #tpu.memory_space<hbm>> -> memref<128x128xf32, #tpu.memory_space<hbm>>
    %dma_wait3A_77 = arith.constant 327680 : i32
    %dma_wait3A_78 = arith.constant 0 : i32
    %dma_wait3A_79 = tpu.memref_slice %arg5[%dma_wait3A_77, %dma_wait3A_78] : memref<328704x128xf32, #tpu.memory_space<hbm>> -> memref<128x128xf32, #tpu.memory_space<hbm>>
    tpu.wait_dma2 semaphore(%arg18 : memref<!tpu.dma_semaphore, #tpu.memory_space<semaphore_mem>>) src(%arg10 : memref<128x128xf32, #tpu.memory_space<vmem>>) dst(%dma_wait3A_79 : memref<128x128xf32, #tpu.memory_space<hbm>>)
    %dma_wait3A_80 = arith.constant 327808 : i32
    %dma_wait3A_81 = arith.constant 0 : i32
    %dma_wait3A_82 = tpu.memref_slice %arg5[%dma_wait3A_80, %dma_wait3A_81] : memref<328704x128xf32, #tpu.memory_space<hbm>> -> memref<128x128xf32, #tpu.memory_space<hbm>>
    %dma_wait3A_83 = arith.constant 327808 : i32
    %dma_wait3A_84 = arith.constant 0 : i32
    %dma_wait3A_85 = tpu.memref_slice %arg5[%dma_wait3A_83, %dma_wait3A_84] : memref<328704x128xf32, #tpu.memory_space<hbm>> -> memref<128x128xf32, #tpu.memory_space<hbm>>
    tpu.wait_dma2 semaphore(%arg19 : memref<!tpu.dma_semaphore, #tpu.memory_space<semaphore_mem>>) src(%arg13 : memref<128x128xf32, #tpu.memory_space<vmem>>) dst(%dma_wait3A_85 : memref<128x128xf32, #tpu.memory_space<hbm>>)
    return
  }
}

module attributes {stable_mosaic.version = 14 : i64} {
  func.func @body(%arg0: i32, %arg1: memref<1000x128xf32, #tpu.memory_space<vmem>>, %arg2: memref<128x128xf32, #tpu.memory_space<vmem>>, %arg3: memref<1x128xf32, #tpu.memory_space<vmem>>, %arg4: memref<2x1000x1xf32, #tpu.memory_space<vmem>>, %arg5: memref<1000x128xf32, #tpu.memory_space<vmem>>, %arg6: memref<1000x128xf32, #tpu.memory_space<vmem>>, %arg7: memref<1000x1xf32, #tpu.memory_space<vmem>>, %arg8: memref<1000x1xf32, #tpu.memory_space<vmem>>) attributes {dimension_semantics = [#tpu.dimension_semantics<arbitrary>], iteration_bounds = array<i64: 10>, scalar_prefetch = 0 : i64, scratch_operands = 0 : i64, tpu.core_type = #tpu.core_type<tc>, window_params = [{transform_indices = @transform_0, window_bounds = array<i64: 1000, 128>}, {pipeline_mode = #tpu.pipeline_mode<synchronous>, transform_indices = @transform_1, window_bounds = array<i64: 128, 128>}, {pipeline_mode = #tpu.pipeline_mode<synchronous>, transform_indices = @transform_2, window_bounds = array<i64: 1, 128>}, {transform_indices = @transform_3, window_bounds = array<i64: 2, 1000, 1>}, {transform_indices = @transform_4, window_bounds = array<i64: 1000, 128>}, {transform_indices = @transform_5, window_bounds = array<i64: 1000, 128>}, {transform_indices = @transform_6, window_bounds = array<i64: 1000, 1>}, {transform_indices = @transform_7, window_bounds = array<i64: 1000, 1>}]} {
    %get3A = arith.constant 0 : index
    %get3A_0 = arith.constant 0 : index
    %get3A_1 = vector.load %arg1[%get3A, %get3A_0] : memref<1000x128xf32, #tpu.memory_space<vmem>>, vector<1000x128xf32>
    %get3A_2 = arith.constant 0 : index
    %get3A_3 = arith.constant 0 : index
    %get3A_4 = vector.load %arg2[%get3A_2, %get3A_3] : memref<128x128xf32, #tpu.memory_space<vmem>>, vector<128x128xf32>
    %dot_general3A = arith.constant dense<0.000000e+00> : vector<1000x128xf32>
    %dot_general3A_5 = tpu.matmul %get3A_1, %get3A_4, %dot_general3A {dimension_numbers = #tpu.dot_dimension_numbers<[1], [0], [0], [1], [0, 0, 1, 1], [], []>, transpose_lhs_hint = false} : vector<1000x128xf32>, vector<128x128xf32>, vector<1000x128xf32> -> vector<1000x128xf32>
    %get3A_6 = arith.constant 0 : index
    %get3A_7 = arith.constant 0 : index
    %get3A_8 = vector.load %arg3[%get3A_6, %get3A_7] : memref<1x128xf32, #tpu.memory_space<vmem>>, vector<1x128xf32>
    %add3A = vector.broadcast %get3A_8 : vector<1x128xf32> to vector<1000x128xf32>
    %add3A_9 = arith.addf %dot_general3A_5, %add3A : vector<1000x128xf32>
    %get3A_10 = arith.constant 0 : index
    %get3A_11 = arith.constant 0 : index
    %get3A_12 = arith.constant 0 : index
    %get3A_13 = vector.load %arg4[%get3A_10, %get3A_11, %get3A_12] : memref<2x1000x1xf32, #tpu.memory_space<vmem>>, vector<2x1000x1xf32>
    %slice3A = vector.extract_strided_slice %get3A_13 {offsets = [0, 0, 0], sizes = [1, 1000, 1], strides = [1, 1, 1]} : vector<2x1000x1xf32> to vector<1x1000x1xf32>
    %squeeze3A = vector.shape_cast %slice3A : vector<1x1000x1xf32> to vector<1000x1xf32>
    %slice3A_14 = vector.extract_strided_slice %get3A_13 {offsets = [1, 0, 0], sizes = [1, 1000, 1], strides = [1, 1, 1]} : vector<2x1000x1xf32> to vector<1x1000x1xf32>
    %squeeze3A_15 = vector.shape_cast %slice3A_14 : vector<1x1000x1xf32> to vector<1000x1xf32>
    %add3A_16 = arith.addf %squeeze3A, %squeeze3A_15 : vector<1000x1xf32>
    %add3A_17 = arith.constant 1.000000e+00 : f32
    %add3A_18 = vector.broadcast %add3A_17 : f32 to vector<1000x1xf32>
    %add3A_19 = arith.addf %add3A_16, %add3A_18 : vector<1000x1xf32>
    %rsqrt3A = math.rsqrt %add3A_19 : vector<1000x1xf32>
    %swap3A = arith.constant 0 : index
    %swap3A_20 = arith.constant 0 : index
    %swap3A_21 = vector.load %arg5[%swap3A, %swap3A_20] : memref<1000x128xf32, #tpu.memory_space<vmem>>, vector<1000x128xf32>
    tpu.vector_store %arg5[%swap3A, %swap3A_20], %add3A_9 {strides = array<i32>} : memref<1000x128xf32, #tpu.memory_space<vmem>>, vector<1000x128xf32>,
    %mul3A = vector.broadcast %rsqrt3A : vector<1000x1xf32> to vector<1000x128xf32>
    %mul3A_22 = arith.mulf %add3A_9, %mul3A : vector<1000x128xf32>
    %swap3A_23 = arith.constant 0 : index
    %swap3A_24 = arith.constant 0 : index
    %swap3A_25 = vector.load %arg6[%swap3A_23, %swap3A_24] : memref<1000x128xf32, #tpu.memory_space<vmem>>, vector<1000x128xf32>
    tpu.vector_store %arg6[%swap3A_23, %swap3A_24], %mul3A_22 {strides = array<i32>} : memref<1000x128xf32, #tpu.memory_space<vmem>>, vector<1000x128xf32>,
    %swap3A_26 = arith.constant 0 : index
    %swap3A_27 = arith.constant 0 : index
    %swap3A_28 = vector.load %arg7[%swap3A_26, %swap3A_27] : memref<1000x1xf32, #tpu.memory_space<vmem>>, vector<1000x1xf32>
    tpu.vector_store %arg7[%swap3A_26, %swap3A_27], %rsqrt3A {strides = array<i32>} : memref<1000x1xf32, #tpu.memory_space<vmem>>, vector<1000x1xf32>,
    %div3A = arith.constant 1.000000e+00 : f32
    %div3A_29 = vector.broadcast %div3A : f32 to vector<1000x1xf32>
    %div3A_30 = arith.divf %div3A_29, %add3A_19 : vector<1000x1xf32>
    %swap3A_31 = arith.constant 0 : index
    %swap3A_32 = arith.constant 0 : index
    %swap3A_33 = vector.load %arg8[%swap3A_31, %swap3A_32] : memref<1000x1xf32, #tpu.memory_space<vmem>>, vector<1000x1xf32>
    tpu.vector_store %arg8[%swap3A_31, %swap3A_32], %div3A_30 {strides = array<i32>} : memref<1000x1xf32, #tpu.memory_space<vmem>>, vector<1000x1xf32>,
    return
  }
  func.func @transform_0(%arg0: i32) -> (i32, i32) {
    %c0_i32 = arith.constant 0 : i32
    %c0_i32_0 = arith.constant 0 : i32
    return %arg0, %c0_i32 : i32, i32
  }
  func.func @transform_1(%arg0: i32) -> (i32, i32) {
    %c0_i32 = arith.constant 0 : i32
    %c0_i32_0 = arith.constant 0 : i32
    %c0_i32_1 = arith.constant 0 : i32
    return %c0_i32, %c0_i32_0 : i32, i32
  }
  func.func @transform_2(%arg0: i32) -> (i32, i32) {
    %c0_i32 = arith.constant 0 : i32
    %c0_i32_0 = arith.constant 0 : i32
    %c0_i32_1 = arith.constant 0 : i32
    return %c0_i32, %c0_i32_0 : i32, i32
  }
  func.func @transform_3(%arg0: i32) -> (i32, i32, i32) {
    %c0_i32 = arith.constant 0 : i32
    %c0_i32_0 = arith.constant 0 : i32
    %c0_i32_1 = arith.constant 0 : i32
    return %c0_i32, %arg0, %c0_i32_0 : i32, i32, i32
  }
  func.func @transform_4(%arg0: i32) -> (i32, i32) {
    %c0_i32 = arith.constant 0 : i32
    %c0_i32_0 = arith.constant 0 : i32
    return %arg0, %c0_i32 : i32, i32
  }
  func.func @transform_5(%arg0: i32) -> (i32, i32) {
    %c0_i32 = arith.constant 0 : i32
    %c0_i32_0 = arith.constant 0 : i32
    return %arg0, %c0_i32 : i32, i32
  }
  func.func @transform_6(%arg0: i32) -> (i32, i32) {
    %c0_i32 = arith.constant 0 : i32
    %c0_i32_0 = arith.constant 0 : i32
    return %arg0, %c0_i32 : i32, i32
  }
  func.func @transform_7(%arg0: i32) -> (i32, i32) {
    %c0_i32 = arith.constant 0 : i32
    %c0_i32_0 = arith.constant 0 : i32
    return %arg0, %c0_i32 : i32, i32
  }
}

module attributes {stable_mosaic.version = 14 : i64} {
  func.func @body(%arg0: i32, %arg1: memref<1000x128xf32, #tpu.memory_space<vmem>>, %arg2: memref<1000x128xf32, #tpu.memory_space<vmem>>, %arg3: memref<1000x128xf32, #tpu.memory_space<vmem>>, %arg4: memref<1000x1xf32, #tpu.memory_space<vmem>>, %arg5: memref<1000x1xf32, #tpu.memory_space<vmem>>, %arg6: memref<128x128xf32, #tpu.memory_space<vmem>>, %arg7: memref<1x128xf32, #tpu.memory_space<vmem>>, %arg8: memref<1x128xf32, #tpu.memory_space<vmem>>, %arg9: memref<1000x128xf32, #tpu.memory_space<vmem>>, %arg10: memref<1000x128xf32, #tpu.memory_space<vmem>>) attributes {dimension_semantics = [#tpu.dimension_semantics<arbitrary>], iteration_bounds = array<i64: 10>, scalar_prefetch = 0 : i64, scratch_operands = 0 : i64, tpu.core_type = #tpu.core_type<tc>, window_params = [{transform_indices = @transform_0, window_bounds = array<i64: 1000, 128>}, {transform_indices = @transform_1, window_bounds = array<i64: 1000, 128>}, {transform_indices = @transform_2, window_bounds = array<i64: 1000, 128>}, {transform_indices = @transform_3, window_bounds = array<i64: 1000, 1>}, {transform_indices = @transform_4, window_bounds = array<i64: 1000, 1>}, {pipeline_mode = #tpu.pipeline_mode<synchronous>, transform_indices = @transform_5, window_bounds = array<i64: 128, 128>}, {pipeline_mode = #tpu.pipeline_mode<synchronous>, transform_indices = @transform_6, window_bounds = array<i64: 1, 128>}, {pipeline_mode = #tpu.pipeline_mode<synchronous>, transform_indices = @transform_7, window_bounds = array<i64: 1, 128>}, {transform_indices = @transform_8, window_bounds = array<i64: 1000, 128>}, {transform_indices = @transform_9, window_bounds = array<i64: 1000, 128>}]} {
    %get3A = arith.constant 0 : index
    %get3A_0 = arith.constant 0 : index
    %get3A_1 = vector.load %arg1[%get3A, %get3A_0] : memref<1000x128xf32, #tpu.memory_space<vmem>>, vector<1000x128xf32>
    %get3A_2 = arith.constant 0 : index
    %get3A_3 = arith.constant 0 : index
    %get3A_4 = vector.load %arg4[%get3A_2, %get3A_3] : memref<1000x1xf32, #tpu.memory_space<vmem>>, vector<1000x1xf32>
    %mul3A = arith.constant 5.000000e-01 : f32
    %mul3A_5 = vector.broadcast %mul3A : f32 to vector<1000x128xf32>
    %mul3A_6 = arith.mulf %mul3A_5, %get3A_1 : vector<1000x128xf32>
    %get3A_7 = arith.constant 0 : index
    %get3A_8 = arith.constant 0 : index
    %get3A_9 = vector.load %arg2[%get3A_7, %get3A_8] : memref<1000x128xf32, #tpu.memory_space<vmem>>, vector<1000x128xf32>
    %get3A_10 = arith.constant 0 : index
    %get3A_11 = arith.constant 0 : index
    %get3A_12 = vector.load %arg3[%get3A_10, %get3A_11] : memref<1000x128xf32, #tpu.memory_space<vmem>>, vector<1000x128xf32>
    %add3A = arith.addf %get3A_9, %get3A_12 : vector<1000x128xf32>
    %mul3A_13 = vector.broadcast %get3A_4 : vector<1000x1xf32> to vector<1000x128xf32>
    %mul3A_14 = arith.mulf %mul3A_13, %add3A : vector<1000x128xf32>
    %sub3A = arith.subf %mul3A_6, %mul3A_14 : vector<1000x128xf32>
    %get3A_15 = arith.constant 0 : index
    %get3A_16 = arith.constant 0 : index
    %get3A_17 = vector.load %arg5[%get3A_15, %get3A_16] : memref<1000x1xf32, #tpu.memory_space<vmem>>, vector<1000x1xf32>
    %mul3A_18 = vector.broadcast %get3A_17 : vector<1000x1xf32> to vector<1000x128xf32>
    %mul3A_19 = arith.mulf %get3A_1, %mul3A_18 : vector<1000x128xf32>
    %sub3A_20 = arith.subf %sub3A, %mul3A_19 : vector<1000x128xf32>
    %get3A_21 = arith.constant 0 : index
    %get3A_22 = arith.constant 0 : index
    %get3A_23 = vector.load %arg8[%get3A_21, %get3A_22] : memref<1x128xf32, #tpu.memory_space<vmem>>, vector<1x128xf32>
    %add3A_24 = vector.broadcast %get3A_23 : vector<1x128xf32> to vector<1000x128xf32>
    %add3A_25 = arith.addf %sub3A_20, %add3A_24 : vector<1000x128xf32>
    %gt3A = arith.constant 0.000000e+00 : f32
    %gt3A_26 = vector.broadcast %gt3A : f32 to vector<1000x128xf32>
    %gt3A_27 = arith.cmpf ogt, %add3A_25, %gt3A_26 : vector<1000x128xf32>
    %min3A = arith.constant 0.000000e+00 : f32
    %min3A_28 = vector.broadcast %min3A : f32 to vector<1000x128xf32>
    %min3A_29 = arith.minimumf %add3A_25, %min3A_28 : vector<1000x128xf32>
    %exp3A = math.exp %min3A_29 : vector<1000x128xf32>
    %sub3A_30 = arith.constant 1.000000e+00 : f32
    %sub3A_31 = vector.broadcast %sub3A_30 : f32 to vector<1000x128xf32>
    %sub3A_32 = arith.subf %exp3A, %sub3A_31 : vector<1000x128xf32>
    %select_n3A = arith.select %gt3A_27, %add3A_25, %sub3A_32 : vector<1000x128xi1>, vector<1000x128xf32>
    %get3A_33 = arith.constant 0 : index
    %get3A_34 = arith.constant 0 : index
    %get3A_35 = vector.load %arg6[%get3A_33, %get3A_34] : memref<128x128xf32, #tpu.memory_space<vmem>>, vector<128x128xf32>
    %dot_general3A = arith.constant dense<0.000000e+00> : vector<1000x128xf32>
    %dot_general3A_36 = tpu.matmul %select_n3A, %get3A_35, %dot_general3A {dimension_numbers = #tpu.dot_dimension_numbers<[1], [0], [0], [1], [0, 0, 1, 1], [], []>, transpose_lhs_hint = false} : vector<1000x128xf32>, vector<128x128xf32>, vector<1000x128xf32> -> vector<1000x128xf32>
    %get3A_37 = arith.constant 0 : index
    %get3A_38 = arith.constant 0 : index
    %get3A_39 = vector.load %arg7[%get3A_37, %get3A_38] : memref<1x128xf32, #tpu.memory_space<vmem>>, vector<1x128xf32>
    %add3A_40 = vector.broadcast %get3A_39 : vector<1x128xf32> to vector<1000x128xf32>
    %add3A_41 = arith.addf %dot_general3A_36, %add3A_40 : vector<1000x128xf32>
    %swap3A = arith.constant 0 : index
    %swap3A_42 = arith.constant 0 : index
    %swap3A_43 = vector.load %arg9[%swap3A, %swap3A_42] : memref<1000x128xf32, #tpu.memory_space<vmem>>, vector<1000x128xf32>
    tpu.vector_store %arg9[%swap3A, %swap3A_42], %add3A_41 {strides = array<i32>} : memref<1000x128xf32, #tpu.memory_space<vmem>>, vector<1000x128xf32>,
    %mul3A_44 = vector.broadcast %get3A_4 : vector<1000x1xf32> to vector<1000x128xf32>
    %mul3A_45 = arith.mulf %add3A_41, %mul3A_44 : vector<1000x128xf32>
    %swap3A_46 = arith.constant 0 : index
    %swap3A_47 = arith.constant 0 : index
    %swap3A_48 = vector.load %arg10[%swap3A_46, %swap3A_47] : memref<1000x128xf32, #tpu.memory_space<vmem>>, vector<1000x128xf32>
    tpu.vector_store %arg10[%swap3A_46, %swap3A_47], %mul3A_45 {strides = array<i32>} : memref<1000x128xf32, #tpu.memory_space<vmem>>, vector<1000x128xf32>,
    return
  }
  func.func @transform_0(%arg0: i32) -> (i32, i32) {
    %c0_i32 = arith.constant 0 : i32
    %c0_i32_0 = arith.constant 0 : i32
    return %arg0, %c0_i32 : i32, i32
  }
  func.func @transform_1(%arg0: i32) -> (i32, i32) {
    %c0_i32 = arith.constant 0 : i32
    %c0_i32_0 = arith.constant 0 : i32
    return %arg0, %c0_i32 : i32, i32
  }
  func.func @transform_2(%arg0: i32) -> (i32, i32) {
    %c0_i32 = arith.constant 0 : i32
    %c0_i32_0 = arith.constant 0 : i32
    return %arg0, %c0_i32 : i32, i32
  }
  func.func @transform_3(%arg0: i32) -> (i32, i32) {
    %c0_i32 = arith.constant 0 : i32
    %c0_i32_0 = arith.constant 0 : i32
    return %arg0, %c0_i32 : i32, i32
  }
  func.func @transform_4(%arg0: i32) -> (i32, i32) {
    %c0_i32 = arith.constant 0 : i32
    %c0_i32_0 = arith.constant 0 : i32
    return %arg0, %c0_i32 : i32, i32
  }
  func.func @transform_5(%arg0: i32) -> (i32, i32) {
    %c0_i32 = arith.constant 0 : i32
    %c0_i32_0 = arith.constant 0 : i32
    %c0_i32_1 = arith.constant 0 : i32
    return %c0_i32, %c0_i32_0 : i32, i32
  }
  func.func @transform_6(%arg0: i32) -> (i32, i32) {
    %c0_i32 = arith.constant 0 : i32
    %c0_i32_0 = arith.constant 0 : i32
    %c0_i32_1 = arith.constant 0 : i32
    return %c0_i32, %c0_i32_0 : i32, i32
  }
  func.func @transform_7(%arg0: i32) -> (i32, i32) {
    %c0_i32 = arith.constant 0 : i32
    %c0_i32_0 = arith.constant 0 : i32
    %c0_i32_1 = arith.constant 0 : i32
    return %c0_i32, %c0_i32_0 : i32, i32
  }
  func.func @transform_8(%arg0: i32) -> (i32, i32) {
    %c0_i32 = arith.constant 0 : i32
    %c0_i32_0 = arith.constant 0 : i32
    return %arg0, %c0_i32 : i32, i32
  }
  func.func @transform_9(%arg0: i32) -> (i32, i32) {
    %c0_i32 = arith.constant 0 : i32
    %c0_i32_0 = arith.constant 0 : i32
    return %arg0, %c0_i32 : i32, i32
  }
}

module attributes {stable_mosaic.version = 14 : i64} {
  func.func @body(%arg0: i32, %arg1: memref<1000x128xf32, #tpu.memory_space<vmem>>, %arg2: memref<1000x128xf32, #tpu.memory_space<vmem>>, %arg3: memref<1000x128xf32, #tpu.memory_space<vmem>>, %arg4: memref<1000x1xf32, #tpu.memory_space<vmem>>, %arg5: memref<1000x1xf32, #tpu.memory_space<vmem>>, %arg6: memref<1x128xf32, #tpu.memory_space<vmem>>, %arg7: memref<1000x128xf32, #tpu.memory_space<vmem>>) attributes {dimension_semantics = [#tpu.dimension_semantics<arbitrary>], iteration_bounds = array<i64: 10>, scalar_prefetch = 0 : i64, scratch_operands = 0 : i64, tpu.core_type = #tpu.core_type<tc>, window_params = [{transform_indices = @transform_0, window_bounds = array<i64: 1000, 128>}, {transform_indices = @transform_1, window_bounds = array<i64: 1000, 128>}, {transform_indices = @transform_2, window_bounds = array<i64: 1000, 128>}, {transform_indices = @transform_3, window_bounds = array<i64: 1000, 1>}, {transform_indices = @transform_4, window_bounds = array<i64: 1000, 1>}, {pipeline_mode = #tpu.pipeline_mode<synchronous>, transform_indices = @transform_5, window_bounds = array<i64: 1, 128>}, {transform_indices = @transform_6, window_bounds = array<i64: 1000, 128>}]} {
    %get3A = arith.constant 0 : index
    %get3A_0 = arith.constant 0 : index
    %get3A_1 = vector.load %arg1[%get3A, %get3A_0] : memref<1000x128xf32, #tpu.memory_space<vmem>>, vector<1000x128xf32>
    %mul3A = arith.constant 5.000000e-01 : f32
    %mul3A_2 = vector.broadcast %mul3A : f32 to vector<1000x128xf32>
    %mul3A_3 = arith.mulf %mul3A_2, %get3A_1 : vector<1000x128xf32>
    %get3A_4 = arith.constant 0 : index
    %get3A_5 = arith.constant 0 : index
    %get3A_6 = vector.load %arg4[%get3A_4, %get3A_5] : memref<1000x1xf32, #tpu.memory_space<vmem>>, vector<1000x1xf32>
    %get3A_7 = arith.constant 0 : index
    %get3A_8 = arith.constant 0 : index
    %get3A_9 = vector.load %arg2[%get3A_7, %get3A_8] : memref<1000x128xf32, #tpu.memory_space<vmem>>, vector<1000x128xf32>
    %get3A_10 = arith.constant 0 : index
    %get3A_11 = arith.constant 0 : index
    %get3A_12 = vector.load %arg3[%get3A_10, %get3A_11] : memref<1000x128xf32, #tpu.memory_space<vmem>>, vector<1000x128xf32>
    %add3A = arith.addf %get3A_9, %get3A_12 : vector<1000x128xf32>
    %mul3A_13 = vector.broadcast %get3A_6 : vector<1000x1xf32> to vector<1000x128xf32>
    %mul3A_14 = arith.mulf %mul3A_13, %add3A : vector<1000x128xf32>
    %sub3A = arith.subf %mul3A_3, %mul3A_14 : vector<1000x128xf32>
    %get3A_15 = arith.constant 0 : index
    %get3A_16 = arith.constant 0 : index
    %get3A_17 = vector.load %arg5[%get3A_15, %get3A_16] : memref<1000x1xf32, #tpu.memory_space<vmem>>, vector<1000x1xf32>
    %mul3A_18 = vector.broadcast %get3A_17 : vector<1000x1xf32> to vector<1000x128xf32>
    %mul3A_19 = arith.mulf %get3A_1, %mul3A_18 : vector<1000x128xf32>
    %sub3A_20 = arith.subf %sub3A, %mul3A_19 : vector<1000x128xf32>
    %get3A_21 = arith.constant 0 : index
    %get3A_22 = arith.constant 0 : index
    %get3A_23 = vector.load %arg6[%get3A_21, %get3A_22] : memref<1x128xf32, #tpu.memory_space<vmem>>, vector<1x128xf32>
    %add3A_24 = vector.broadcast %get3A_23 : vector<1x128xf32> to vector<1000x128xf32>
    %add3A_25 = arith.addf %sub3A_20, %add3A_24 : vector<1000x128xf32>
    %swap3A = arith.constant 0 : index
    %swap3A_26 = arith.constant 0 : index
    %swap3A_27 = vector.load %arg7[%swap3A, %swap3A_26] : memref<1000x128xf32, #tpu.memory_space<vmem>>, vector<1000x128xf32>
    tpu.vector_store %arg7[%swap3A, %swap3A_26], %add3A_25 {strides = array<i32>} : memref<1000x128xf32, #tpu.memory_space<vmem>>, vector<1000x128xf32>,
    return
  }
  func.func @transform_0(%arg0: i32) -> (i32, i32) {
    %c0_i32 = arith.constant 0 : i32
    %c0_i32_0 = arith.constant 0 : i32
    return %arg0, %c0_i32 : i32, i32
  }
  func.func @transform_1(%arg0: i32) -> (i32, i32) {
    %c0_i32 = arith.constant 0 : i32
    %c0_i32_0 = arith.constant 0 : i32
    return %arg0, %c0_i32 : i32, i32
  }
  func.func @transform_2(%arg0: i32) -> (i32, i32) {
    %c0_i32 = arith.constant 0 : i32
    %c0_i32_0 = arith.constant 0 : i32
    return %arg0, %c0_i32 : i32, i32
  }
  func.func @transform_3(%arg0: i32) -> (i32, i32) {
    %c0_i32 = arith.constant 0 : i32
    %c0_i32_0 = arith.constant 0 : i32
    return %arg0, %c0_i32 : i32, i32
  }
  func.func @transform_4(%arg0: i32) -> (i32, i32) {
    %c0_i32 = arith.constant 0 : i32
    %c0_i32_0 = arith.constant 0 : i32
    return %arg0, %c0_i32 : i32, i32
  }
  func.func @transform_5(%arg0: i32) -> (i32, i32) {
    %c0_i32 = arith.constant 0 : i32
    %c0_i32_0 = arith.constant 0 : i32
    %c0_i32_1 = arith.constant 0 : i32
    return %c0_i32, %c0_i32_0 : i32, i32
  }
  func.func @transform_6(%arg0: i32) -> (i32, i32) {
    %c0_i32 = arith.constant 0 : i32
    %c0_i32_0 = arith.constant 0 : i32
    return %arg0, %c0_i32 : i32, i32
  }
}

module attributes {stable_mosaic.version = 14 : i64} {
  func.func @body(%arg0: i32, %arg1: memref<1024x128xf32, #tpu.memory_space<vmem>>, %arg2: memref<128x256xf32, #tpu.memory_space<vmem>>, %arg3: memref<1x256xf32, #tpu.memory_space<vmem>>, %arg4: memref<256x1xf32, #tpu.memory_space<vmem>>, %arg5: memref<1x1xf32, #tpu.memory_space<vmem>>, %arg6: memref<1024x1xf32, #tpu.memory_space<vmem>>) attributes {dimension_semantics = [#tpu.dimension_semantics<arbitrary>], iteration_bounds = array<i64: 321>, scalar_prefetch = 0 : i64, scratch_operands = 0 : i64, tpu.core_type = #tpu.core_type<tc>, window_params = [{transform_indices = @transform_0, window_bounds = array<i64: 1024, 128>}, {pipeline_mode = #tpu.pipeline_mode<synchronous>, transform_indices = @transform_1, window_bounds = array<i64: 128, 256>}, {pipeline_mode = #tpu.pipeline_mode<synchronous>, transform_indices = @transform_2, window_bounds = array<i64: 1, 256>}, {pipeline_mode = #tpu.pipeline_mode<synchronous>, transform_indices = @transform_3, window_bounds = array<i64: 256, 1>}, {pipeline_mode = #tpu.pipeline_mode<synchronous>, transform_indices = @transform_4, window_bounds = array<i64: 1, 1>}, {transform_indices = @transform_5, window_bounds = array<i64: 1024, 1>}]} {
    %get3A = arith.constant 0 : index
    %get3A_0 = arith.constant 0 : index
    %get3A_1 = vector.load %arg1[%get3A, %get3A_0] : memref<1024x128xf32, #tpu.memory_space<vmem>>, vector<1024x128xf32>
    %get3A_2 = arith.constant 0 : index
    %get3A_3 = arith.constant 0 : index
    %get3A_4 = vector.load %arg2[%get3A_2, %get3A_3] : memref<128x256xf32, #tpu.memory_space<vmem>>, vector<128x256xf32>
    %dot_general3A = arith.constant dense<0.000000e+00> : vector<1024x256xf32>
    %dot_general3A_5 = tpu.matmul %get3A_1, %get3A_4, %dot_general3A {dimension_numbers = #tpu.dot_dimension_numbers<[1], [0], [0], [1], [0, 0, 1, 1], [], []>, transpose_lhs_hint = false} : vector<1024x128xf32>, vector<128x256xf32>, vector<1024x256xf32> -> vector<1024x256xf32>
    %get3A_6 = arith.constant 0 : index
    %get3A_7 = arith.constant 0 : index
    %get3A_8 = vector.load %arg3[%get3A_6, %get3A_7] : memref<1x256xf32, #tpu.memory_space<vmem>>, vector<1x256xf32>
    %add3A = vector.broadcast %get3A_8 : vector<1x256xf32> to vector<1024x256xf32>
    %add3A_9 = arith.addf %dot_general3A_5, %add3A : vector<1024x256xf32>
    %max3A = arith.constant 0.000000e+00 : f32
    %max3A_10 = vector.broadcast %max3A : f32 to vector<1024x256xf32>
    %max3A_11 = arith.maximumf %add3A_9, %max3A_10 : vector<1024x256xf32>
    %get3A_12 = arith.constant 0 : index
    %get3A_13 = arith.constant 0 : index
    %get3A_14 = vector.load %arg4[%get3A_12, %get3A_13] : memref<256x1xf32, #tpu.memory_space<vmem>>, vector<256x1xf32>
    %dot_general3A_15 = arith.constant dense<0.000000e+00> : vector<1024x1xf32>
    %dot_general3A_16 = tpu.matmul %max3A_11, %get3A_14, %dot_general3A_15 {dimension_numbers = #tpu.dot_dimension_numbers<[1], [0], [0], [1], [0, 0, 1, 1], [], []>, transpose_lhs_hint = false} : vector<1024x256xf32>, vector<256x1xf32>, vector<1024x1xf32> -> vector<1024x1xf32>
    %get3A_17 = arith.constant 0 : index
    %get3A_18 = arith.constant 0 : index
    %get3A_19 = vector.load %arg5[%get3A_17, %get3A_18] : memref<1x1xf32, #tpu.memory_space<vmem>>, vector<1x1xf32>
    %add3A_20 = vector.broadcast %get3A_19 : vector<1x1xf32> to vector<1024x1xf32>
    %add3A_21 = arith.addf %dot_general3A_16, %add3A_20 : vector<1024x1xf32>
    %neg3A = arith.constant 0.000000e+00 : f32
    %neg3A_22 = vector.broadcast %neg3A : f32 to vector<1024x1xf32>
    %neg3A_23 = arith.subf %neg3A_22, %add3A_21 : vector<1024x1xf32>
    %exp3A = math.exp %neg3A_23 : vector<1024x1xf32>
    %add3A_24 = arith.constant 1.000000e+00 : f32
    %add3A_25 = vector.broadcast %add3A_24 : f32 to vector<1024x1xf32>
    %add3A_26 = arith.addf %add3A_25, %exp3A : vector<1024x1xf32>
    %div3A = arith.constant 1.000000e+00 : f32
    %div3A_27 = vector.broadcast %div3A : f32 to vector<1024x1xf32>
    %div3A_28 = arith.divf %div3A_27, %add3A_26 : vector<1024x1xf32>
    %swap3A = arith.constant 0 : index
    %swap3A_29 = arith.constant 0 : index
    %swap3A_30 = vector.load %arg6[%swap3A, %swap3A_29] : memref<1024x1xf32, #tpu.memory_space<vmem>>, vector<1024x1xf32>
    tpu.vector_store %arg6[%swap3A, %swap3A_29], %div3A_28 {strides = array<i32>} : memref<1024x1xf32, #tpu.memory_space<vmem>>, vector<1024x1xf32>,
    return
  }
  func.func @transform_0(%arg0: i32) -> (i32, i32) {
    %c0_i32 = arith.constant 0 : i32
    %c0_i32_0 = arith.constant 0 : i32
    return %arg0, %c0_i32 : i32, i32
  }
  func.func @transform_1(%arg0: i32) -> (i32, i32) {
    %c0_i32 = arith.constant 0 : i32
    %c0_i32_0 = arith.constant 0 : i32
    %c0_i32_1 = arith.constant 0 : i32
    return %c0_i32, %c0_i32_0 : i32, i32
  }
  func.func @transform_2(%arg0: i32) -> (i32, i32) {
    %c0_i32 = arith.constant 0 : i32
    %c0_i32_0 = arith.constant 0 : i32
    %c0_i32_1 = arith.constant 0 : i32
    return %c0_i32, %c0_i32_0 : i32, i32
  }
  func.func @transform_3(%arg0: i32) -> (i32, i32) {
    %c0_i32 = arith.constant 0 : i32
    %c0_i32_0 = arith.constant 0 : i32
    %c0_i32_1 = arith.constant 0 : i32
    return %c0_i32, %c0_i32_0 : i32, i32
  }
  func.func @transform_4(%arg0: i32) -> (i32, i32) {
    %c0_i32 = arith.constant 0 : i32
    %c0_i32_0 = arith.constant 0 : i32
    %c0_i32_1 = arith.constant 0 : i32
    return %c0_i32, %c0_i32_0 : i32, i32
  }
  func.func @transform_5(%arg0: i32) -> (i32, i32) {
    %c0_i32 = arith.constant 0 : i32
    %c0_i32_0 = arith.constant 0 : i32
    return %arg0, %c0_i32 : i32, i32
  }
}

</mosaic_0001>

<sc_bundles>
// kernel: kernel.10.cloned.1.call-start
scs
__scs_entry_jumppad:
0x0: {  	(pc) =	sbr.rel $0x88, $3  }
0x1: {  	(tag) =	ssettag $0x0;
	lr =	simm.s32 $0x1  }
0x2: {  	[smem:$0x3F95] =	sst lr;
	_ =	strace $0xD0000000  }
0x3: {  	_ = 	snop  }
0x4: {  	_ = 	snop  }
0x5: {  	_ = 	snop  }
0x6: {  	_ = 	snop  }
0x7: {  	_ = 	snop  }
__scs_overlays_trampoline_lowered:
0x8: {  	[smem:$0x3FA4] =	sst s0  }
0x9: {  	[smem:$0x3FA5] =	sst s1  }
0xa: {  	[smem:$0x3FA6] =	sst s2  }
0xb: {  	[smem:$0x3FA7] =	sst s3  }
0xc: {  	[smem:$0x3FA8] =	sst s4  }
0xd: {  	[smem:$0x3FA9] =	sst s5  }
0xe: {  	[smem:$0x3FAA] =	sst s6  }
0xf: {  	[smem:$0x3FAB] =	sst s7  }
0x10: {  	[smem:$0x3FAC] =	sst s8  }
0x11: {  	[smem:$0x3FAD] =	sst s9;
	s0 =	simm.s32 @!p0 $0x0  }
0x12: {  	s1 =	sld [smem:$0x3F93];
	s0 =	simm.s32 @p0 $0x1  }
0x13: {  	[smem:$0x3FAE] =	sst s0;
	s0 =	simm.s32 @!p1 $0x0  }
0x14: {  	s2 =	sld [smem:$0x3F92];
	s0 =	simm.s32 @p1 $0x1  }
0x15: {  	[smem:$0x3FAF] =	sst s0;
	s0 =	simm.s32 @!p2 $0x0  }
0x16: {  	s3 =	sld [smem:$0x3FDB];
	s0 =	simm.s32 @p2 $0x1  }
0x17: {  	s4 =	simm.s32 $0x1BF5;
	[smem:$0x3FB1] =	sst s0  }
0x18: {  	s0 =	sld [smem:$0x3F94];
	_ =	swait.ge [sflag:s4], $0x0  }
0x19: {  	s7 =	sld [smem:$0x3F95]  }
0x1a: {  	s8 =	sadd.s32 $0xFFFFE003, lr  }
0x1b: {  	s9 =	sadd.s32 $0xFFFFFEF7, lr;
	s5 =	simm.s32 $0xFFFFFFFF;
	p2 =	slt.u32 s8, $0xFFFFF086  }
0x1c: {  	p1 =	slt.u32 s9, $0xF7A;
	s5 =	simm.s32 @!p2 $0x0  }
0x1d: {  	s5 =	simm.s32 @p1 $0x1;
	p0 =	seq.s32 s7, s2  }
0x1e: {  	s7 =	smul.u32 @!p0 $0xF7A, s2;
	p2 =	seq.s32 @!p0 s5, $0x0  }
0x1f: {  	s9 =	smul.u32 $0xF7A, s1;
	s8 =	simm.s32 @!p0 $0x1BF5;
	p2 =	por !p2, p0  }
0x20: {  	[sflag:s8] =	ssyncset.s32 @!p0 $0xFFFFF086;
	s6 =	sadd.s32 @!p0 s3, s7;
	s7 =	simm.s32 @!p0 $0x108  }
0x21: {  	s3 =	sadd.s32 s3, s9;
	s6 =	sadd.s32 @!p0 $0x88, s6;
	s7 =	simm.s32 @p2 $0x1082  }
0x22: {  	[simem:s7], [sflag:s8] =	dma.local @!p0 [hbm:s6], $0xF7A  }
0x23: {  	s9 =	sor.u32 $0xD0000000, s2;
	s6 =	simm.s32 $0x108;
	_ =	swait.ge @!p0 [sflag:s8], $0x0  }
0x24: {  	s3 =	sadd.s32 $0x88, s3;
	s6 =	simm.s32 @!p1 $0x1082;
	[sflag:s4] =	ssyncset.s32 $0xFFFFF086  }
0x25: {  	[simem:s6], [sflag:s4] =	dma.local [hbm:s3], $0xF7A  }
0x26: {  	[smem:$0x3F95] =	sst s1;
	(tag) =	ssettag s2;
	_ =	strace s9  }
0x27: {  	s1 =	sld [smem:$0x3FA5]  }
0x28: {  	s2 =	sld [smem:$0x3FA6]  }
0x29: {  	s4 =	sld [smem:$0x3FA8]  }
0x2a: {  	p0 =	seq.s32 s5, $0x0;
	s5 =	sld [smem:$0x3FA9]  }
0x2b: {  	s6 =	sld [smem:$0x3FAA]  }
0x2c: {  	s7 =	sld [smem:$0x3FAB]  }
0x2d: {  	s3 =	simm.s32 $0x108;
	s8 =	sld [smem:$0x3FAC]  }
0x2e: {  	s3 =	simm.s32 @!p0 $0x1082;
	s9 =	sld [smem:$0x3FAD]  }
0x2f: {  	lr =	sadd.s32 s0, s3;
	s0 =	sld [smem:$0x3FA4]  }
0x30: {  	s3 =	sld [smem:$0x3FA7]  }
0x31: {  	[smem:$0x3FB0] =	sst s10  }
0x32: {  	s10 =	sld [smem:$0x3FAE];
	_ =	sdelay $0x3  }
0x33: {  	p0 =	seq.s32 s10, $0x1;
	s10 =	sld [smem:$0x3FB0];
	_ =	sdelay $0x3  }
0x34: {  	[smem:$0x3FB0] =	sst s10  }
0x35: {  	s10 =	sld [smem:$0x3FAF];
	_ =	sdelay $0x3  }
0x36: {  	p1 =	seq.s32 s10, $0x1;
	s10 =	sld [smem:$0x3FB0];
	_ =	sdelay $0x3  }
0x37: {  	[smem:$0x3FB0] =	sst s10  }
0x38: {  	s10 =	sld [smem:$0x3FB1]  }
0x39: {  	_ = 	snop;
	(pc) =	sbr.ind lr, $3  }
0x3a: {  	_ = 	snop  }
0x3b: {  	_ = 	snop  }
0x3c: {  	p2 =	seq.s32 s10, $0x1;
	s10 =	sld [smem:$0x3FB0]  }
0x3d: {  	_ =	shalt  }
0x3e: {  	_ =	shalt  }
0x3f: {  	_ =	shalt  }
0x40: {  	_ =	shalt  }
0x41: {  	_ =	shalt  }
0x42: {  	_ =	shalt  }
0x43: {  	_ =	shalt  }
0x44: {  	_ =	shalt  }
0x45: {  	_ =	shalt  }
0x46: {  	_ =	shalt  }
0x47: {  	_ =	shalt  }
0x48: {  	_ =	shalt  }
0x49: {  	_ =	shalt  }
0x4a: {  	_ =	shalt  }
0x4b: {  	_ =	shalt  }
0x4c: {  	_ =	shalt  }
0x4d: {  	_ =	shalt  }
0x4e: {  	_ =	shalt  }
0x4f: {  	_ =	shalt  }
0x50: {  	_ =	shalt  }
0x51: {  	_ =	shalt  }
0x52: {  	_ =	shalt  }
0x53: {  	_ =	shalt  }
0x54: {  	_ =	shalt  }
0x55: {  	_ =	shalt  }
0x56: {  	_ =	shalt  }
0x57: {  	_ =	shalt  }
0x58: {  	_ =	shalt  }
0x59: {  	_ =	shalt  }
0x5a: {  	_ =	shalt  }
0x5b: {  	_ =	shalt  }
0x5c: {  	_ =	shalt  }
0x5d: {  	_ =	shalt  }
0x5e: {  	_ =	shalt  }
0x5f: {  	_ =	shalt  }
0x60: {  	_ =	shalt  }
0x61: {  	_ =	shalt  }
0x62: {  	_ =	shalt  }
0x63: {  	_ =	shalt  }
0x64: {  	_ =	shalt  }
0x65: {  	_ =	shalt  }
0x66: {  	_ =	shalt  }
0x67: {  	_ =	shalt  }
0x68: {  	_ =	shalt  }
0x69: {  	_ =	shalt  }
0x6a: {  	_ =	shalt  }
0x6b: {  	_ =	shalt  }
0x6c: {  	_ =	shalt  }
0x6d: {  	_ =	shalt  }
0x6e: {  	_ =	shalt  }
0x6f: {  	_ =	shalt  }
0x70: {  	_ =	shalt  }
0x71: {  	_ =	shalt  }
0x72: {  	_ =	shalt  }
0x73: {  	_ =	shalt  }
0x74: {  	_ =	shalt  }
0x75: {  	_ =	shalt  }
0x76: {  	_ =	shalt  }
0x77: {  	_ =	shalt  }
0x78: {  	_ =	shalt  }
0x79: {  	_ =	shalt  }
0x7a: {  	_ =	shalt  }
0x7b: {  	_ =	shalt  }
0x7c: {  	_ =	shalt  }
0x7d: {  	_ =	shalt  }
0x7e: {  	_ =	shalt  }
0x7f: {  	_ =	shalt  }
0x80: {  	_ =	shalt  }
0x81: {  	_ =	shalt  }
0x82: {  	_ =	shalt  }
0x83: {  	_ =	shalt  }
0x84: {  	_ =	shalt  }
0x85: {  	_ =	shalt  }
0x86: {  	_ =	shalt  }
0x87: {  	_ =	shalt  }
.Lfunc_end0:
.L_simem_size_0:
called_computation_lowered:
.L_overlay_start_0:
0x88: {  	s2 =	sld [smem:$0x3FD9]  }
0x89: {  	s3 =	sld [smem:$0x3FFE];
	_ =	sdelay $0x1  }
0x8a: {  	s1 =	srdreg.scid  }
0x8b: {  	s0 =	sand.u32 $0x1, s1  }
0x8c: {  	s17 =	sshll.u32 s0, $0xA;
	s2 =	sadd.s32 s3, s2  }
0x8d: {  	s2 =	sadd.s32 s2, s17  }
0x8e: {  	[smem:$0x3FBC] =	sst s2  }
0x8f: {  	_ = 	snop  }
0x90: {  	s2 =	sld [smem:$0x3FD0];
	(tm) =	ssettm $0x1  }
0x91: {  	s18 =	sld [smem:$0x3FFB];
	_ =	sdelay $0x3  }
0x92: {  	_ =	strace s18  }
0x93: {  	s3 =	sld [smem:$0x3FFC];
	_ =	sdelay $0x3  }
0x94: {  	_ =	strace s3  }
0x95: {  	s3 =	sld [smem:$0x3FFD];
	_ =	sdelay $0x3  }
0x96: {  	_ =	strace s3  }
0x97: {  	_ =	strace $0x8FFFFFFF  }
0x98: {  	s19 =	sld [smem:$0x3FDB];
	_ =	sdelay $0x1  }
0x99: {  	s4 =	simm.s32 $_scs_section_size  }
0x9a: {  	s5 =	simm.s32 $_size__tile_overlayer_lowered;
	s6 =	simm.s32 $_tile_overlayer_lowered  }
0x9b: {  	s22 =	simm.s32 $0x1BFF;
	s21 =	sshll.u32 s6, $0x1;
	s3 =	sadd.s32 s4, s19  }
0x9c: {  	s7 =	simm.s32 $0x0;
	s20 =	sshll.u32 s5, $0x1;
	s5 =	sadd.s32 s21, s3  }
0x9d: {  	[timem:s7], [sflag:s22] =	dma.local [hbm:s5], s20  }
0x9e: {  	_ =	swait.ge [sflag:s22], s20  }
0x9f: {  	s4 =	ssub.s32 $0x0, s20;
	[sflag:s22] =	ssyncset.done $0x0  }
0xa0: {  	[sflag:s22] =	ssyncadd.s32 s4;
	_ =	sdelay $0x1  }
0xa1: {  	s23 =	simm.s32 $0x1B8B  }
0xa2: {  	_ =	swait.ge [sflag:s23], $0x1  }
0xa3: {  	[sflag:s23] =	ssyncset.done $0x0  }
0xa4: {  	s25 =	simm.s32 $0x1B8E;
	s24 =	sld [smem:$0x3FFE];
	[sflag:s23] =	ssyncadd.s32 $0xFFFFFFFF  }
0xa5: {  	s26 =	simm.s32 $execute0_lowered;
	[smem:$0x3FD2] =	sst s25  }
0xa6: {  	s5 =	sshll.u32 s26, $0x1;
	_ =	strace $0x80000046;
	[dreg:$0x1] =	wrdreg $0xFFFFFFFF  }
0xa7: {  	s28 =	simm.s32 $_size_execute0_lowered;
	s3 =	sadd.s32 s3, s5;
	[dreg:$0x0] =	wrdreg $0x0  }
0xa8: {  	s5 =	sshll.u32 s28, $0x1;
	[dreg:$0x2] =	wrdreg s3  }
0xa9: {  	[dreg:$0x3] =	wrdreg s5  }
0xaa: {  	[dreg:$0x4] =	wrdreg $0xC0  }
0xab: {  	_ =	task [dreg:s7], $0x5FFFF  }
0xac: {  	[dreg:$0x1] =	wrdreg $0xFFFFFFFF  }
0xad: {  	[dreg:$0x0] =	wrdreg $0x60  }
0xae: {  	[dreg:$0x2] =	wrdreg s24  }
0xaf: {  	[dreg:$0x3] =	wrdreg s2  }
0xb0: {  	[dreg:$0x4] =	wrdreg $0x6C000  }
0xb1: {  	[dreg:$0x5] =	wrdreg $0x9  }
0xb2: {  	_ =	task.clear_ibuf [dreg:s7], $0x6FFFF;
	_ =	strace $0x90000046  }
0xb3: {  	s29 =	simm.s32 $0x9;
	_ =	strace $0x80000048  }
0xb4: {  	_ =	swait.ge [sflag:s29], $0x1  }
0xb5: {  	[sflag:s29] =	ssyncadd.s32 $0xFFFFFFFF  }
0xb6: {  	_ =	strace $0x90000048  }
0xb7: {  	_ =	sfence  }
0xb8: {  	s30 =	sld [smem:$0x0];
	_ =	sdelay $0x2  }
0xb9: {  	s31 =	sshll.u32 s1, $0xD;
	s1 =	sshrl.u32 s1, $0x2  }
0xba: {  	s3 =	sand.u32 $0x4000, s31;
	s1 =	sadd.s32 s1, s30  }
0xbb: {  	s0 =	sor.u32 s3, s0;
	s1 =	sshll.u32 s1, $0x11  }
0xbc: {  	s0 =	sor.u32 s1, s0  }
0xbd: {  	s0 =	sadd.s32 $0x8F2B, s0  }
0xbe: {  	[sflag:s0] =	ssyncadd.remote.s32 $0x1  }
0xbf: {  	_ =	sfence.sel $0xFFFF  }
0xc0: {  	[dreg:$0x0] =	wrdreg $0xFFFFFFFF;
	(pc) =	sbr.abs _section_cstart, $3  }
0xc1: {  	[dreg:$0x1] =	wrdreg $0xFFFFFFFF  }
0xc2: {  	_ =	task.clear_ibuf [dreg:s7], $0x2FFFF;
	_ =	strace $0x9FFFFFFF  }
0xc3: {  	(tm) =	ssettm $0x7FFFFFFF  }
tec
execute0_lowered:
.L_overlay_start_1:
0x0: {  	(tag) =	ssettag $0x1  }
0x1: {  	s6 =	rddreg [dreg:$0x0]  }
0x2: {  	s2 =	rddreg [dreg:$0x1]  }
0x3: {  	s0 =	srdreg.scid;
	s3 =	rddreg [dreg:$0x2];
	s4 =	simm.s32 $0x0  }
0x4: {  	s13 =	simm.s32 $0x80;
	s5 =	sand.u32 $0x1, s0;
	s0 =	stileid.u32  }
0x5: {  	s14 =	simm.s32 $0x0;
	[smem:$0x7FF] =	sst s4;
	s8 =	smul.u32 $0x13C00, s0  }
0x6: {  	s1 =	sshll.u32 s5, $0x4;
	s9 =	smul.u32 $0x13C000, s5;
	s5 =	ssub.s32 $0x2, s5  }
0x7: {  	s29 =	smul.u32 $0x4F000, s0;
	s31 =	sshll.u32 s0, $0x6;
	s1 =	sor.u32 s0, s1  }
0x8: {  	s11 =	sshrl.u32 s5, $0x1;
	s7 =	smul.u32 $0x580, s1;
	s1 =	rddreg [dreg:$0x3]  }
0x9: {  	_ =	strace $0x80000047;
	s10 =	sshrl.u32 s8, $0x3;
	s8 =	sadd.s32 s8, s9  }
0xa: {  	s11 =	ssub.s32 s5, s11;
	s30 =	sshrl.u32 s29, $0x2;
	s10 =	sadd.s32 s10, s6  }
0xb: {  	s8 =	sshrl.u32 s8, $0x3;
	s12 =	sadd.s32 s30, s3;
	s9 =	smax.u32 s11, $0x1  }
0xc: {  	s11 =	simm.s32 $0x1;
	s7 =	sadd.s32 s7, s6;
	s8 =	sadd.s32 s8, s6  }
0xd: {  	s5 =	sadd.s32 $0xD800, s10;
	s6 =	sor.u32 $0x1C01, s31;
	s10 =	sshrl.u32 s12, $0x3  }
0xe: {  	s12 =	simm.s32 $0x2C00;
	s7 =	sadd.s32 $0x2800, s7;
	s8 =	sadd.s32 $0x35000, s8  }
.LBB2_1:
0xf: {  	[spmem:s10], [sflag:s6] =	dma.local [hbm:s5], $0x2780  }
0x10: {  	_ =	swait.ge [sflag:s11], $0x2780  }
0x11: {  	[sflag:s11] =	ssyncset.done $0x0  }
0x12: {  	[sflag:s11] =	ssyncadd.s32 $0xFFFFD880  }
0x13: {  	[tilespmem:s12], [sflag:$0x1] =	stream.linear.gather [hbm4b:s2+s4], $0x4000, $0x38;
	[tilespmem:$0x6E78] =	vst v63  }
0x14: {  	_ =	swait.ge [sflag:s11], $0x4000  }
0x15: {  	[sflag:s11] =	ssyncset.done $0x0  }
0x16: {  	[sflag:s11] =	ssyncadd.s32 $0xFFFFC000  }
0x17: {  	[tilespmem:s4], [sflag:$0x1] =	stream.linear.gather [hbm4b:s7+s4], $0x2A00, $0x38;
	[tilespmem:$0x6E78] =	vst v63  }
0x18: {  	_ =	swait.ge [sflag:s11], $0x2A00  }
0x19: {  	[sflag:s11] =	ssyncset.done $0x0  }
0x1a: {  	[sflag:s11] =	ssyncadd.s32 $0xFFFFD600  }
0x1b: {  	s15 =	simm.s32 $0x0;
	[bflag:$0x0] =	sbarrier.arrive $0xFFFF  }
0x1c: {  	[spmem:s3] =	stream.indirect.scatter.add.f32 [tilespmem:s12], [sflag:$0x1], $0x1, s15, s13, $0xb8;
	[tilespmem:$0x6E78] =	vst v63  }
0x1d: {  	_ =	swait.ge [sflag:s11], $0x80  }
0x1e: {  	s15 =	simm.s32 $0x200;
	[sflag:s11] =	ssyncset.done $0x0  }
.LBB2_2:
0x1f: {  	s16 =	sshra.s32 s15, $0x2;
	[sflag:s11] =	ssyncadd.s32 $0xFFFFFF80;
	p0 =	sne.s32 s15, $0x9E00  }
0x20: {  	[spmem:s3] =	stream.indirect.scatter.add.f32 [tilespmem:s12], [sflag:$0x1], $0x1, s16, s13, $0xb8;
	[tilespmem:$0x6E78] =	vst v63  }
.Ltmp0:
0x21: {  	_ = 	snop;
	(pc) =	sbr.rel @p0 .LBB2_2-.Ltmp0, $4  }
0x22: {  	_ = 	snop  }
0x23: {  	s15 =	sadd.s32 $0x200, s15  }
0x24: {  	_ =	swait.ge [sflag:s11], $0x80  }
0x25: {  	[sflag:s11] =	ssyncset.done $0x0  }
0x26: {  	s14 =	sadd.s32 $0x1, s14  }
0x27: {  	[sflag:s11] =	ssyncadd.s32 $0xFFFFFF80;
	p0 =	sne.s32 s14, s9  }
.Ltmp1:
0x28: {  	[bflag:$0x0] =	sbarrier.arrive $0xFFFF;
	(pc) =	sbr.rel @p0 .LBB2_1-.Ltmp1, $4  }
0x29: {  	[hbm:s8], [sflag:s6] =	dma.local [spmem:s10], $0x2780  }
0x2a: {  	_ =	swait.ge [sflag:s11], $0x2780  }
0x2b: {  	[sflag:s11] =	ssyncset.done $0x0  }
0x2c: {  	[sflag:s11] =	ssyncadd.s32 $0xFFFFD880  }
0x2d: {  	_ =	sfence.sel $0x180000  }
0x2e: {  	[bflag:$0x0] =	sbarrier.arrive $0xFFFF  }
0x2f: {  	p0 =	sne.s32 s0, $0x0;
	_ =	strace $0x90000047  }
0x30: {  	s0 =	sadd.s32 @!p0 $0x100000, s1;
	[bflag:$0x2] =	sbarrier.arrive $0xFFFF  }
0x31: {  	[sflag:s0] =	ssyncadd.tile.s32 @!p0 $0x1;
	_ =	shalt  }
.Lfunc_end2:
_tile_overlayer_lowered:
.L_overlay_start_2:
0x32: {  	(tag) =	ssettag $0x2  }
0x33: {  	s0 =	rddreg [dreg:$0x0];
	s2 =	stileid.u32  }
0x34: {  	s1 =	rddreg [dreg:$0x1];
	p0 =	sne.s32 s2, $0x0  }
0x35: {  	s3 =	rddreg [dreg:$0x2];
	[bflag:$0x3] =	sbarrier.arrive $0xFFFF;
	s2 =	simm.s32 @!p0 $0x1C01  }
0x36: {  	[timem:s3], [sflag:s2] =	dma.local @!p0 [hbm:s0], s1  }
0x37: {  	s0 =	simm.s32 @!p0 $0x1  }
0x38: {  	_ =	swait.ge @!p0 [sflag:s0], s1  }
0x39: {  	s1 =	ssub.s32 @!p0 $0x0, s1;
	[sflag:s0] =	ssyncset.done @!p0 $0x0  }
0x3a: {  	[sflag:s0] =	ssyncadd.s32 @!p0 s1  }
0x3b: {  	[bflag:$0x3] =	sbarrier.arrive $0xFFFF  }
0x3c: {  	_ =	shalt  }

// kernel: kernel.13.cloned.1.call-start
scs
__scs_entry_jumppad:
0x0: {  	(pc) =	sbr.rel $0x88, $3  }
0x1: {  	(tag) =	ssettag $0x0;
	lr =	simm.s32 $0x1  }
0x2: {  	[smem:$0x3F95] =	sst lr;
	_ =	strace $0xD0000000  }
0x3: {  	_ = 	snop  }
0x4: {  	_ = 	snop  }
0x5: {  	_ = 	snop  }
0x6: {  	_ = 	snop  }
0x7: {  	_ = 	snop  }
__scs_overlays_trampoline_lowered:
0x8: {  	[smem:$0x3FA4] =	sst s0  }
0x9: {  	[smem:$0x3FA5] =	sst s1  }
0xa: {  	[smem:$0x3FA6] =	sst s2  }
0xb: {  	[smem:$0x3FA7] =	sst s3  }
0xc: {  	[smem:$0x3FA8] =	sst s4  }
0xd: {  	[smem:$0x3FA9] =	sst s5  }
0xe: {  	[smem:$0x3FAA] =	sst s6  }
0xf: {  	[smem:$0x3FAB] =	sst s7  }
0x10: {  	[smem:$0x3FAC] =	sst s8  }
0x11: {  	[smem:$0x3FAD] =	sst s9;
	s0 =	simm.s32 @!p0 $0x0  }
0x12: {  	s1 =	sld [smem:$0x3F93];
	s0 =	simm.s32 @p0 $0x1  }
0x13: {  	[smem:$0x3FAE] =	sst s0;
	s0 =	simm.s32 @!p1 $0x0  }
0x14: {  	s2 =	sld [smem:$0x3F92];
	s0 =	simm.s32 @p1 $0x1  }
0x15: {  	[smem:$0x3FAF] =	sst s0;
	s0 =	simm.s32 @!p2 $0x0  }
0x16: {  	s3 =	sld [smem:$0x3FDB];
	s0 =	simm.s32 @p2 $0x1  }
0x17: {  	s4 =	simm.s32 $0x1BF5;
	[smem:$0x3FB1] =	sst s0  }
0x18: {  	s0 =	sld [smem:$0x3F94];
	_ =	swait.ge [sflag:s4], $0x0  }
0x19: {  	s7 =	sld [smem:$0x3F95]  }
0x1a: {  	s8 =	sadd.s32 $0xFFFFE003, lr  }
0x1b: {  	s9 =	sadd.s32 $0xFFFFFEF7, lr;
	s5 =	simm.s32 $0xFFFFFFFF;
	p2 =	slt.u32 s8, $0xFFFFF086  }
0x1c: {  	p1 =	slt.u32 s9, $0xF7A;
	s5 =	simm.s32 @!p2 $0x0  }
0x1d: {  	s5 =	simm.s32 @p1 $0x1;
	p0 =	seq.s32 s7, s2  }
0x1e: {  	s7 =	smul.u32 @!p0 $0xF7A, s2;
	p2 =	seq.s32 @!p0 s5, $0x0  }
0x1f: {  	s9 =	smul.u32 $0xF7A, s1;
	s8 =	simm.s32 @!p0 $0x1BF5;
	p2 =	por !p2, p0  }
0x20: {  	[sflag:s8] =	ssyncset.s32 @!p0 $0xFFFFF086;
	s6 =	sadd.s32 @!p0 s3, s7;
	s7 =	simm.s32 @!p0 $0x108  }
0x21: {  	s3 =	sadd.s32 s3, s9;
	s6 =	sadd.s32 @!p0 $0x88, s6;
	s7 =	simm.s32 @p2 $0x1082  }
0x22: {  	[simem:s7], [sflag:s8] =	dma.local @!p0 [hbm:s6], $0xF7A  }
0x23: {  	s9 =	sor.u32 $0xD0000000, s2;
	s6 =	simm.s32 $0x108;
	_ =	swait.ge @!p0 [sflag:s8], $0x0  }
0x24: {  	s3 =	sadd.s32 $0x88, s3;
	s6 =	simm.s32 @!p1 $0x1082;
	[sflag:s4] =	ssyncset.s32 $0xFFFFF086  }
0x25: {  	[simem:s6], [sflag:s4] =	dma.local [hbm:s3], $0xF7A  }
0x26: {  	[smem:$0x3F95] =	sst s1;
	(tag) =	ssettag s2;
	_ =	strace s9  }
0x27: {  	s1 =	sld [smem:$0x3FA5]  }
0x28: {  	s2 =	sld [smem:$0x3FA6]  }
0x29: {  	s4 =	sld [smem:$0x3FA8]  }
0x2a: {  	p0 =	seq.s32 s5, $0x0;
	s5 =	sld [smem:$0x3FA9]  }
0x2b: {  	s6 =	sld [smem:$0x3FAA]  }
0x2c: {  	s7 =	sld [smem:$0x3FAB]  }
0x2d: {  	s3 =	simm.s32 $0x108;
	s8 =	sld [smem:$0x3FAC]  }
0x2e: {  	s3 =	simm.s32 @!p0 $0x1082;
	s9 =	sld [smem:$0x3FAD]  }
0x2f: {  	lr =	sadd.s32 s0, s3;
	s0 =	sld [smem:$0x3FA4]  }
0x30: {  	s3 =	sld [smem:$0x3FA7]  }
0x31: {  	[smem:$0x3FB0] =	sst s10  }
0x32: {  	s10 =	sld [smem:$0x3FAE];
	_ =	sdelay $0x3  }
0x33: {  	p0 =	seq.s32 s10, $0x1;
	s10 =	sld [smem:$0x3FB0];
	_ =	sdelay $0x3  }
0x34: {  	[smem:$0x3FB0] =	sst s10  }
0x35: {  	s10 =	sld [smem:$0x3FAF];
	_ =	sdelay $0x3  }
0x36: {  	p1 =	seq.s32 s10, $0x1;
	s10 =	sld [smem:$0x3FB0];
	_ =	sdelay $0x3  }
0x37: {  	[smem:$0x3FB0] =	sst s10  }
0x38: {  	s10 =	sld [smem:$0x3FB1]  }
0x39: {  	_ = 	snop;
	(pc) =	sbr.ind lr, $3  }
0x3a: {  	_ = 	snop  }
0x3b: {  	_ = 	snop  }
0x3c: {  	p2 =	seq.s32 s10, $0x1;
	s10 =	sld [smem:$0x3FB0]  }
0x3d: {  	_ =	shalt  }
0x3e: {  	_ =	shalt  }
0x3f: {  	_ =	shalt  }
0x40: {  	_ =	shalt  }
0x41: {  	_ =	shalt  }
0x42: {  	_ =	shalt  }
0x43: {  	_ =	shalt  }
0x44: {  	_ =	shalt  }
0x45: {  	_ =	shalt  }
0x46: {  	_ =	shalt  }
0x47: {  	_ =	shalt  }
0x48: {  	_ =	shalt  }
0x49: {  	_ =	shalt  }
0x4a: {  	_ =	shalt  }
0x4b: {  	_ =	shalt  }
0x4c: {  	_ =	shalt  }
0x4d: {  	_ =	shalt  }
0x4e: {  	_ =	shalt  }
0x4f: {  	_ =	shalt  }
0x50: {  	_ =	shalt  }
0x51: {  	_ =	shalt  }
0x52: {  	_ =	shalt  }
0x53: {  	_ =	shalt  }
0x54: {  	_ =	shalt  }
0x55: {  	_ =	shalt  }
0x56: {  	_ =	shalt  }
0x57: {  	_ =	shalt  }
0x58: {  	_ =	shalt  }
0x59: {  	_ =	shalt  }
0x5a: {  	_ =	shalt  }
0x5b: {  	_ =	shalt  }
0x5c: {  	_ =	shalt  }
0x5d: {  	_ =	shalt  }
0x5e: {  	_ =	shalt  }
0x5f: {  	_ =	shalt  }
0x60: {  	_ =	shalt  }
0x61: {  	_ =	shalt  }
0x62: {  	_ =	shalt  }
0x63: {  	_ =	shalt  }
0x64: {  	_ =	shalt  }
0x65: {  	_ =	shalt  }
0x66: {  	_ =	shalt  }
0x67: {  	_ =	shalt  }
0x68: {  	_ =	shalt  }
0x69: {  	_ =	shalt  }
0x6a: {  	_ =	shalt  }
0x6b: {  	_ =	shalt  }
0x6c: {  	_ =	shalt  }
0x6d: {  	_ =	shalt  }
0x6e: {  	_ =	shalt  }
0x6f: {  	_ =	shalt  }
0x70: {  	_ =	shalt  }
0x71: {  	_ =	shalt  }
0x72: {  	_ =	shalt  }
0x73: {  	_ =	shalt  }
0x74: {  	_ =	shalt  }
0x75: {  	_ =	shalt  }
0x76: {  	_ =	shalt  }
0x77: {  	_ =	shalt  }
0x78: {  	_ =	shalt  }
0x79: {  	_ =	shalt  }
0x7a: {  	_ =	shalt  }
0x7b: {  	_ =	shalt  }
0x7c: {  	_ =	shalt  }
0x7d: {  	_ =	shalt  }
0x7e: {  	_ =	shalt  }
0x7f: {  	_ =	shalt  }
0x80: {  	_ =	shalt  }
0x81: {  	_ =	shalt  }
0x82: {  	_ =	shalt  }
0x83: {  	_ =	shalt  }
0x84: {  	_ =	shalt  }
0x85: {  	_ =	shalt  }
0x86: {  	_ =	shalt  }
0x87: {  	_ =	shalt  }
.Lfunc_end0:
.L_simem_size_0:
called_computation.1_lowered:
.L_overlay_start_0:
0x88: {  	s2 =	sld [smem:$0x3FD9]  }
0x89: {  	s3 =	sld [smem:$0x3FFE];
	_ =	sdelay $0x1  }
0x8a: {  	s1 =	srdreg.scid  }
0x8b: {  	s0 =	sand.u32 $0x1, s1  }
0x8c: {  	s16 =	sshll.u32 s0, $0xA;
	s2 =	sadd.s32 s3, s2  }
0x8d: {  	s2 =	sadd.s32 s2, s16  }
0x8e: {  	[smem:$0x3FBC] =	sst s2  }
0x8f: {  	_ = 	snop  }
0x90: {  	(tm) =	ssettm $0x1  }
0x91: {  	s17 =	sld [smem:$0x3FFB];
	_ =	sdelay $0x3  }
0x92: {  	_ =	strace s17  }
0x93: {  	s2 =	sld [smem:$0x3FFC];
	_ =	sdelay $0x3  }
0x94: {  	_ =	strace s2  }
0x95: {  	s2 =	sld [smem:$0x3FFD];
	_ =	sdelay $0x3  }
0x96: {  	_ =	strace s2  }
0x97: {  	_ =	strace $0x8FFFFFFF  }
0x98: {  	s18 =	sld [smem:$0x3FDB];
	_ =	sdelay $0x1  }
0x99: {  	s19 =	simm.s32 $_scs_section_size  }
0x9a: {  	s4 =	simm.s32 $_size__tile_overlayer_lowered;
	s5 =	simm.s32 $_tile_overlayer_lowered  }
0x9b: {  	s22 =	simm.s32 $0x1BFF;
	s21 =	sshll.u32 s5, $0x1;
	s2 =	sadd.s32 s19, s18  }
0x9c: {  	s6 =	simm.s32 $0x0;
	s20 =	sshll.u32 s4, $0x1;
	s4 =	sadd.s32 s21, s2  }
0x9d: {  	[timem:s6], [sflag:s22] =	dma.local [hbm:s4], s20  }
0x9e: {  	_ =	swait.ge [sflag:s22], s20  }
0x9f: {  	s3 =	ssub.s32 $0x0, s20;
	[sflag:s22] =	ssyncset.done $0x0  }
0xa0: {  	[sflag:s22] =	ssyncadd.s32 s3;
	_ =	sdelay $0x1  }
0xa1: {  	s23 =	simm.s32 $0x1B8B  }
0xa2: {  	_ =	swait.ge [sflag:s23], $0x1  }
0xa3: {  	[sflag:s23] =	ssyncset.done $0x0  }
0xa4: {  	s25 =	simm.s32 $0x1B8E;
	s24 =	sld [smem:$0x3FFE];
	[sflag:s23] =	ssyncadd.s32 $0xFFFFFFFF  }
0xa5: {  	s26 =	simm.s32 $execute0_lowered;
	[smem:$0x3FD2] =	sst s25  }
0xa6: {  	s4 =	sshll.u32 s26, $0x1;
	_ =	strace $0x80000049;
	[dreg:$0x1] =	wrdreg $0xFFFFFFFF  }
0xa7: {  	s28 =	simm.s32 $_size_execute0_lowered;
	s2 =	sadd.s32 s2, s4;
	[dreg:$0x0] =	wrdreg $0x0  }
0xa8: {  	s4 =	sshll.u32 s28, $0x1;
	[dreg:$0x2] =	wrdreg s2  }
0xa9: {  	[dreg:$0x3] =	wrdreg s4  }
0xaa: {  	[dreg:$0x4] =	wrdreg $0xC0  }
0xab: {  	_ =	task [dreg:s6], $0x5FFFF  }
0xac: {  	[dreg:$0x1] =	wrdreg $0xFFFFFFFF  }
0xad: {  	[dreg:$0x0] =	wrdreg $0x60  }
0xae: {  	[dreg:$0x2] =	wrdreg s24  }
0xaf: {  	[dreg:$0x3] =	wrdreg $0x84000  }
0xb0: {  	[dreg:$0x4] =	wrdreg $0x9  }
0xb1: {  	_ =	task.clear_ibuf [dreg:s6], $0x5FFFF;
	_ =	strace $0x90000049  }
0xb2: {  	s29 =	simm.s32 $0x9;
	_ =	strace $0x8000004B  }
0xb3: {  	_ =	swait.ge [sflag:s29], $0x1  }
0xb4: {  	[sflag:s29] =	ssyncadd.s32 $0xFFFFFFFF  }
0xb5: {  	_ =	strace $0x9000004B  }
0xb6: {  	_ =	sfence  }
0xb7: {  	s30 =	sld [smem:$0x0];
	_ =	sdelay $0x2  }
0xb8: {  	s31 =	sshll.u32 s1, $0xD;
	s1 =	sshrl.u32 s1, $0x2  }
0xb9: {  	s3 =	sand.u32 $0x4000, s31;
	s1 =	sadd.s32 s1, s30  }
0xba: {  	s0 =	sor.u32 s3, s0;
	s1 =	sshll.u32 s1, $0x11  }
0xbb: {  	s0 =	sor.u32 s1, s0  }
0xbc: {  	s0 =	sadd.s32 $0x8F2B, s0  }
0xbd: {  	[sflag:s0] =	ssyncadd.remote.s32 $0x1  }
0xbe: {  	_ =	sfence.sel $0xFFFF  }
0xbf: {  	[dreg:$0x0] =	wrdreg $0xFFFFFFFF;
	(pc) =	sbr.abs _section_cstart, $3  }
0xc0: {  	[dreg:$0x1] =	wrdreg $0xFFFFFFFF  }
0xc1: {  	_ =	task.clear_ibuf [dreg:s6], $0x2FFFF;
	_ =	strace $0x9FFFFFFF  }
0xc2: {  	(tm) =	ssettm $0x7FFFFFFF  }
0xc3: {  	_ =	shalt  }
tec
execute0_lowered:
.L_overlay_start_1:
0x0: {  	(tag) =	ssettag $0x1  }
0x1: {  	s0 =	rddreg [dreg:$0x0]  }
0x2: {  	s2 =	rddreg [dreg:$0x1]  }
0x3: {  	s3 =	simm.s32 $0x0;
	s11 =	stileid.u32;
	s1 =	srdreg.scid  }
0x4: {  	s28 =	simm.s32 $0x180;
	s29 =	simm.s32 $0x400;
	s30 =	simm.s32 $0x4400  }
0x5: {  	s31 =	simm.s32 $0x1;
	s12 =	simm.s32 $0xB;
	[smem:$0x7FF] =	sst s3  }
0x6: {  	s7 =	smul.u32 $0x13C00, s11;
	s1 =	sand.u32 $0x1, s1;
	s4 =	sadd.s32 $0xD800, s0  }
0x7: {  	s5 =	sadd.s32 $0x84000, s0;
	s6 =	sadd.s32 $0x2800, s0;
	s13 =	smul.u32 $0x4F000, s11  }
0x8: {  	s16 =	sshll.u32 s11, $0x6;
	_ =	strace $0x8000004A;
	s8 =	smul.u32 $0x13C000, s1  }
0x9: {  	s10 =	sshll.u32 s1, $0x4;
	s1 =	ssub.s32 $0x2, s1;
	s18 =	sor.u32 $0x1C0C, s16  }
0xa: {  	s16 =	simm.s32 $0x5;
	s9 =	sshrl.u32 s7, $0x3;
	s14 =	sor.u32 s11, s10  }
0xb: {  	s15 =	sshrl.u32 s1, $0x1;
	s11 =	simm.s32 $0x7;
	[dreg:$0x4] =	wrdreg s18  }
0xc: {  	s9 =	sadd.s32 s9, s0;
	s7 =	sadd.s32 s7, s8;
	s8 =	sshrl.u32 s13, $0x2  }
0xd: {  	s1 =	ssub.s32 s1, s15;
	s13 =	simm.s32 $0x4;
	s15 =	simm.s32 $0x380  }
0xe: {  	s7 =	sshrl.u32 s7, $0x3;
	s8 =	sadd.s32 s8, s2;
	s9 =	sadd.s32 $0x8F000, s9  }
0xf: {  	s26 =	smax.u32 s1, $0x1;
	s1 =	simm.s32 $0x6;
	[dreg:$0x3] =	wrdreg s9  }
0x10: {  	s0 =	sadd.s32 s7, s0;
	s7 =	smul.u32 $0x2C00, s14;
	[dreg:$0xe] =	wrdreg s26  }
0x11: {  	s26 =	simm.s32 $0x300;
	s14 =	simm.s32 $0x8;
	s0 =	sadd.s32 $0xB6800, s0  }
0x12: {  	s17 =	sshrl.u32 s7, $0x3;
	[dreg:$0xd] =	wrdreg s0;
	s0 =	simm.s32 $0x3  }
0x13: {  	s19 =	sadd.s32 s5, s17;
	s20 =	sadd.s32 s6, s17;
	s21 =	sor.u32 $0x10, s17  }
0x14: {  	s23 =	sor.u32 $0x20, s17;
	s9 =	sor.u32 $0x30, s17;
	[dreg:$0x5] =	wrdreg s19  }
0x15: {  	s17 =	simm.s32 $0x9;
	[dreg:$0x6] =	wrdreg s20;
	s22 =	sadd.s32 s5, s21  }
0x16: {  	s10 =	sadd.s32 s6, s21;
	s24 =	sadd.s32 s5, s23;
	[dreg:$0x7] =	wrdreg s22  }
0x17: {  	s25 =	sadd.s32 s5, s9;
	s9 =	sadd.s32 s6, s9;
	[dreg:$0x8] =	wrdreg s10  }
0x18: {  	s19 =	sshrl.u32 s8, $0x3;
	s21 =	simm.s32 $0xC;
	[dreg:$0x9] =	wrdreg s24  }
0x19: {  	s8 =	simm.s32 $0xA;
	s20 =	simm.s32 $0x0;
	[dreg:$0xb] =	wrdreg s25  }
0x1a: {  	s10 =	sadd.s32 s6, s23;
	[dreg:$0xc] =	wrdreg s9;
	s22 =	simm.s32 $0x200  }
0x1b: {  	s23 =	simm.s32 $0x80;
	s24 =	simm.s32 $0x280;
	[dreg:$0xf] =	wrdreg s19  }
0x1c: {  	s25 =	simm.s32 $0x100;
	[dreg:$0xa] =	wrdreg s10;
	s10 =	simm.s32 $0x2  }
.LBB2_1:
0x1d: {  	[dreg:$0x10] =	wrdreg s20  }
0x1e: {  	s9 =	rddreg [dreg:$0x3]  }
0x1f: {  	[spmem:s19], [sflag:s18] =	dma.local [hbm:s9], $0x2780  }
0x20: {  	_ =	swait.ge [sflag:s21], $0x2780  }
0x21: {  	[sflag:s21] =	ssyncset.done $0x0  }
0x22: {  	s18 =	rddreg [dreg:$0x5];
	[sflag:s21] =	ssyncadd.s32 $0xFFFFD880  }
0x23: {  	[tilespmem:s3], [sflag:$0xC] =	stream.linear.gather [hbm4b:s18+s3], $0x80, $0x38;
	[tilespmem:$0x1C000] =	vst v63  }
0x24: {  	_ =	swait.ge [sflag:s21], $0x80  }
0x25: {  	[sflag:s21] =	ssyncset.done $0x0  }
0x26: {  	s19 =	rddreg [dreg:$0x6];
	[sflag:s21] =	ssyncadd.s32 $0xFFFFFF80  }
0x27: {  	[tilespmem:s22], [sflag:$0xC] =	stream.linear.gather [hbm4b:s19+s3], $0x80, $0x38;
	[tilespmem:$0x1C000] =	vst v63  }
0x28: {  	_ =	swait.ge [sflag:s21], $0x80  }
0x29: {  	[sflag:s21] =	ssyncset.done $0x0  }
0x2a: {  	s20 =	rddreg [dreg:$0x7];
	[sflag:s21] =	ssyncadd.s32 $0xFFFFFF80  }
0x2b: {  	[tilespmem:s23], [sflag:$0xC] =	stream.linear.gather [hbm4b:s20+s3], $0x80, $0x38;
	[tilespmem:$0x1C000] =	vst v63  }
0x2c: {  	_ =	swait.ge [sflag:s21], $0x80  }
0x2d: {  	[sflag:s21] =	ssyncset.done $0x0  }
0x2e: {  	s18 =	rddreg [dreg:$0x8];
	[sflag:s21] =	ssyncadd.s32 $0xFFFFFF80  }
0x2f: {  	[tilespmem:s24], [sflag:$0xC] =	stream.linear.gather [hbm4b:s18+s3], $0x80, $0x38;
	[tilespmem:$0x1C000] =	vst v63  }
0x30: {  	_ =	swait.ge [sflag:s21], $0x80  }
0x31: {  	[sflag:s21] =	ssyncset.done $0x0  }
0x32: {  	s19 =	rddreg [dreg:$0x9];
	[sflag:s21] =	ssyncadd.s32 $0xFFFFFF80  }
0x33: {  	[tilespmem:s25], [sflag:$0x6] =	stream.linear.gather [hbm4b:s19+s3], $0x80, $0x38;
	[tilespmem:$0x1C000] =	vst v63  }
0x34: {  	s20 =	rddreg [dreg:$0xa]  }
0x35: {  	[tilespmem:s26], [sflag:$0xA] =	stream.linear.gather [hbm4b:s20+s3], $0x80, $0x38;
	[tilespmem:$0x1C000] =	vst v63  }
0x36: {  	s18 =	rddreg [dreg:$0xb]  }
0x37: {  	[tilespmem:s28], [sflag:$0x7] =	stream.linear.gather [hbm4b:s18+s3], $0x80, $0x38;
	[tilespmem:$0x1C000] =	vst v63  }
0x38: {  	s19 =	rddreg [dreg:$0xc]  }
0x39: {  	[tilespmem:s15], [sflag:$0xB] =	stream.linear.gather [hbm4b:s19+s3], $0x80, $0x38;
	[tilespmem:$0x1C000] =	vst v63  }
0x3a: {  	_ = 	snop  }
0x3b: {  	[tilespmem:s29], [sflag:$0x1] =	stream.indirect.gather [hbm4b:s4+s23], $0x80, s3, s23, $0xb8;
	[tilespmem:$0x1C000] =	vst v63  }
0x3c: {  	_ = 	snop  }
0x3d: {  	[tilespmem:s30], [sflag:$0x2] =	stream.indirect.gather [hbm4b:s4+s23], $0x80, s23, s23, $0xb8;
	[tilespmem:$0x1C000] =	vst v63  }
0x3e: {  	[bflag:$0x0] =	sbarrier.arrive $0xFFFF  }
0x3f: {  	s20 =	simm.s32 $0x200;
	_ =	swait.ge [sflag:s31], $0x4000  }
0x40: {  	s18 =	sand.u32 $0x7C00, s20;
	[sflag:s31] =	ssyncset.done $0x0  }
0x41: {  	s9 =	sand.u32 $0x200, s20;
	s19 =	sadd.s32 s7, s18;
	[sflag:s31] =	ssyncadd.s32 $0xFFFFC000  }
0x42: {  	[spmem:s2] =	stream.indirect.scatter.add.f32 [tilespmem:s29], [sflag:$0x3], $0x80, s22, s23, $0xb8;
	[tilespmem:$0x1C000] =	vst v63  }
0x43: {  	s9 =	sor.u32 s9, s19;
	_ =	swait.ge [sflag:s0], $0x4000  }
0x44: {  	s9 =	sshrl.u32 s9, $0x3;
	[sflag:s0] =	ssyncset.done $0x0  }
0x45: {  	s20 =	sadd.s32 s5, s9;
	[sflag:s0] =	ssyncadd.s32 $0xFFFFC000  }
0x46: {  	[tilespmem:s3], [sflag:$0x4] =	stream.linear.gather [hbm4b:s20+s3], $0x80, $0x38;
	[tilespmem:$0x1C000] =	vst v63  }
0x47: {  	s9 =	sadd.s32 s6, s9  }
0x48: {  	[tilespmem:s22], [sflag:$0x8] =	stream.linear.gather [hbm4b:s9+s3], $0x80, $0x38;
	[tilespmem:$0x1C000] =	vst v63  }
0x49: {  	_ =	swait.ge [sflag:s1], $0x80  }
0x4a: {  	[sflag:s1] =	ssyncset.done $0x0  }
0x4b: {  	[sflag:s1] =	ssyncadd.s32 $0xFFFFFF80  }
0x4c: {  	_ =	swait.ge [sflag:s8], $0x80  }
0x4d: {  	[sflag:s8] =	ssyncset.done $0x0  }
0x4e: {  	[sflag:s8] =	ssyncadd.s32 $0xFFFFFF80  }
0x4f: {  	[tilespmem:s29], [sflag:$0x1] =	stream.indirect.gather [hbm4b:s4+s23], $0x80, s25, s23, $0xb8;
	[tilespmem:$0x1C000] =	vst v63  }
0x50: {  	s18 =	simm.s32 $0x280;
	_ =	swait.ge [sflag:s10], $0x4000  }
0x51: {  	s20 =	sand.u32 $0x7C00, s18;
	[sflag:s10] =	ssyncset.done $0x0  }
0x52: {  	s19 =	sadd.s32 s7, s20;
	s9 =	sand.u32 $0x280, s18;
	[sflag:s10] =	ssyncadd.s32 $0xFFFFC000  }
0x53: {  	[spmem:s2] =	stream.indirect.scatter.add.f32 [tilespmem:s30], [sflag:$0x3], $0x80, s24, s23, $0xb8;
	[tilespmem:$0x1C000] =	vst v63  }
0x54: {  	s9 =	sor.u32 s9, s19;
	_ =	swait.ge [sflag:s0], $0x4000  }
0x55: {  	s9 =	sshrl.u32 s9, $0x3;
	[sflag:s0] =	ssyncset.done $0x0  }
0x56: {  	s18 =	sadd.s32 s5, s9;
	[sflag:s0] =	ssyncadd.s32 $0xFFFFC000  }
0x57: {  	[tilespmem:s23], [sflag:$0x5] =	stream.linear.gather [hbm4b:s18+s3], $0x80, $0x38;
	[tilespmem:$0x1C000] =	vst v63  }
0x58: {  	s9 =	sadd.s32 s6, s9  }
0x59: {  	[tilespmem:s24], [sflag:$0x9] =	stream.linear.gather [hbm4b:s9+s3], $0x80, $0x38;
	[tilespmem:$0x1C000] =	vst v63  }
0x5a: {  	_ =	swait.ge [sflag:s11], $0x80  }
0x5b: {  	[sflag:s11] =	ssyncset.done $0x0  }
0x5c: {  	[sflag:s11] =	ssyncadd.s32 $0xFFFFFF80  }
0x5d: {  	_ =	swait.ge [sflag:s12], $0x80  }
0x5e: {  	[sflag:s12] =	ssyncset.done $0x0  }
0x5f: {  	[sflag:s12] =	ssyncadd.s32 $0xFFFFFF80  }
0x60: {  	[tilespmem:s30], [sflag:$0x2] =	stream.indirect.gather [hbm4b:s4+s23], $0x80, s28, s23, $0xb8;
	[tilespmem:$0x1C000] =	vst v63  }
0x61: {  	s19 =	simm.s32 $0x300;
	_ =	swait.ge [sflag:s31], $0x4000  }
0x62: {  	s20 =	sand.u32 $0x7C00, s19;
	[sflag:s31] =	ssyncset.done $0x0  }
0x63: {  	s9 =	sand.u32 $0x300, s19;
	s19 =	sadd.s32 s7, s20;
	[sflag:s31] =	ssyncadd.s32 $0xFFFFC000  }
0x64: {  	[spmem:s2] =	stream.indirect.scatter.add.f32 [tilespmem:s29], [sflag:$0x3], $0x80, s26, s23, $0xb8;
	[tilespmem:$0x1C000] =	vst v63  }
0x65: {  	s9 =	sor.u32 s9, s19;
	_ =	swait.ge [sflag:s0], $0x4000  }
0x66: {  	s9 =	sshrl.u32 s9, $0x3;
	[sflag:s0] =	ssyncset.done $0x0  }
0x67: {  	s18 =	sadd.s32 s5, s9;
	[sflag:s0] =	ssyncadd.s32 $0xFFFFC000  }
0x68: {  	[tilespmem:s25], [sflag:$0x6] =	stream.linear.gather [hbm4b:s18+s3], $0x80, $0x38;
	[tilespmem:$0x1C000] =	vst v63  }
0x69: {  	s9 =	sadd.s32 s6, s9  }
0x6a: {  	[tilespmem:s26], [sflag:$0xA] =	stream.linear.gather [hbm4b:s9+s3], $0x80, $0x38;
	[tilespmem:$0x1C000] =	vst v63  }
0x6b: {  	_ =	swait.ge [sflag:s13], $0x80  }
0x6c: {  	[sflag:s13] =	ssyncset.done $0x0  }
0x6d: {  	[sflag:s13] =	ssyncadd.s32 $0xFFFFFF80  }
0x6e: {  	_ =	swait.ge [sflag:s14], $0x80  }
0x6f: {  	[sflag:s14] =	ssyncset.done $0x0  }
0x70: {  	[sflag:s14] =	ssyncadd.s32 $0xFFFFFF80  }
0x71: {  	[tilespmem:s29], [sflag:$0x1] =	stream.indirect.gather [hbm4b:s4+s23], $0x80, s3, s23, $0xb8;
	[tilespmem:$0x1C000] =	vst v63  }
0x72: {  	_ =	swait.ge [sflag:s10], $0x4000  }
0x73: {  	s20 =	sand.u32 $0x7C00, s15;
	[sflag:s10] =	ssyncset.done $0x0  }
0x74: {  	s18 =	sand.u32 $0x380, s15;
	s9 =	sadd.s32 s7, s20;
	[sflag:s10] =	ssyncadd.s32 $0xFFFFC000  }
0x75: {  	[spmem:s2] =	stream.indirect.scatter.add.f32 [tilespmem:s30], [sflag:$0x3], $0x80, s15, s23, $0xb8;
	[tilespmem:$0x1C000] =	vst v63  }
0x76: {  	s9 =	sor.u32 s18, s9;
	_ =	swait.ge [sflag:s0], $0x4000  }
0x77: {  	s9 =	sshrl.u32 s9, $0x3;
	[sflag:s0] =	ssyncset.done $0x0  }
0x78: {  	s20 =	sadd.s32 s5, s9;
	[sflag:s0] =	ssyncadd.s32 $0xFFFFC000  }
0x79: {  	[tilespmem:s28], [sflag:$0x7] =	stream.linear.gather [hbm4b:s20+s3], $0x80, $0x38;
	[tilespmem:$0x1C000] =	vst v63  }
0x7a: {  	s9 =	sadd.s32 s6, s9  }
0x7b: {  	[tilespmem:s15], [sflag:$0xB] =	stream.linear.gather [hbm4b:s9+s3], $0x80, $0x38;
	[tilespmem:$0x1C000] =	vst v63  }
0x7c: {  	_ =	swait.ge [sflag:s16], $0x80  }
0x7d: {  	[sflag:s16] =	ssyncset.done $0x0  }
0x7e: {  	[sflag:s16] =	ssyncadd.s32 $0xFFFFFF80  }
0x7f: {  	_ =	swait.ge [sflag:s17], $0x80  }
0x80: {  	s19 =	simm.s32 $0x580;
	[sflag:s17] =	ssyncset.done $0x0  }
.LBB2_2:
0x81: {  	p0 =	sne.s32 s19, $0x2980  }
0x82: {  	[sflag:s17] =	ssyncadd.s32 $0xFFFFFF80;
	s9 =	smov.u32 s19;
	s19 =	sadd.s32 $0x200, s19  }
0x83: {  	[tilespmem:s30], [sflag:$0x2] =	stream.indirect.gather [hbm4b:s4+s23], $0x80, s23, s23, $0xb8;
	[tilespmem:$0x1C000] =	vst v63  }
0x84: {  	s20 =	sadd.s32 $0xFFFFFE80, s9;
	_ =	swait.ge [sflag:s31], $0x4000  }
0x85: {  	s18 =	sand.u32 $0x7C00, s20;
	s20 =	sand.u32 $0x200, s20;
	[sflag:s31] =	ssyncset.done $0x0  }
0x86: {  	s18 =	sadd.s32 s7, s18;
	[sflag:s31] =	ssyncadd.s32 $0xFFFFC000  }
0x87: {  	[spmem:s2] =	stream.indirect.scatter.add.f32 [tilespmem:s29], [sflag:$0x3], $0x80, s22, s23, $0xb8;
	[tilespmem:$0x1C000] =	vst v63  }
0x88: {  	s18 =	sor.u32 s20, s18;
	_ =	swait.ge [sflag:s0], $0x4000  }
0x89: {  	s18 =	sshrl.u32 s18, $0x3;
	[sflag:s0] =	ssyncset.done $0x0  }
0x8a: {  	s20 =	sadd.s32 s5, s18;
	s18 =	sadd.s32 s6, s18;
	[sflag:s0] =	ssyncadd.s32 $0xFFFFC000  }
0x8b: {  	[tilespmem:s3], [sflag:$0x4] =	stream.linear.gather [hbm4b:s20+s3], $0x80, $0x38;
	[tilespmem:$0x1C000] =	vst v63  }
0x8c: {  	_ = 	snop  }
0x8d: {  	[tilespmem:s22], [sflag:$0x8] =	stream.linear.gather [hbm4b:s18+s3], $0x80, $0x38;
	[tilespmem:$0x1C000] =	vst v63  }
0x8e: {  	_ =	swait.ge [sflag:s1], $0x80  }
0x8f: {  	[sflag:s1] =	ssyncset.done $0x0  }
0x90: {  	[sflag:s1] =	ssyncadd.s32 $0xFFFFFF80  }
0x91: {  	_ =	swait.ge [sflag:s8], $0x80  }
0x92: {  	[sflag:s8] =	ssyncset.done $0x0  }
0x93: {  	[sflag:s8] =	ssyncadd.s32 $0xFFFFFF80  }
0x94: {  	[tilespmem:s29], [sflag:$0x1] =	stream.indirect.gather [hbm4b:s4+s23], $0x80, s25, s23, $0xb8;
	[tilespmem:$0x1C000] =	vst v63  }
0x95: {  	s18 =	sadd.s32 $0xFFFFFF00, s9;
	_ =	swait.ge [sflag:s10], $0x4000  }
0x96: {  	s20 =	sand.u32 $0x7C00, s18;
	[sflag:s10] =	ssyncset.done $0x0  }
0x97: {  	s18 =	sand.u32 $0x280, s18;
	s20 =	sadd.s32 s7, s20;
	[sflag:s10] =	ssyncadd.s32 $0xFFFFC000  }
0x98: {  	[spmem:s2] =	stream.indirect.scatter.add.f32 [tilespmem:s30], [sflag:$0x3], $0x80, s24, s23, $0xb8;
	[tilespmem:$0x1C000] =	vst v63  }
0x99: {  	s18 =	sor.u32 s18, s20;
	_ =	swait.ge [sflag:s0], $0x4000  }
0x9a: {  	s18 =	sshrl.u32 s18, $0x3;
	[sflag:s0] =	ssyncset.done $0x0  }
0x9b: {  	s20 =	sadd.s32 s5, s18;
	s18 =	sadd.s32 s6, s18;
	[sflag:s0] =	ssyncadd.s32 $0xFFFFC000  }
0x9c: {  	[tilespmem:s23], [sflag:$0x5] =	stream.linear.gather [hbm4b:s20+s3], $0x80, $0x38;
	[tilespmem:$0x1C000] =	vst v63  }
0x9d: {  	_ = 	snop  }
0x9e: {  	[tilespmem:s24], [sflag:$0x9] =	stream.linear.gather [hbm4b:s18+s3], $0x80, $0x38;
	[tilespmem:$0x1C000] =	vst v63  }
0x9f: {  	_ =	swait.ge [sflag:s11], $0x80  }
0xa0: {  	[sflag:s11] =	ssyncset.done $0x0  }
0xa1: {  	[sflag:s11] =	ssyncadd.s32 $0xFFFFFF80  }
0xa2: {  	_ =	swait.ge [sflag:s12], $0x80  }
0xa3: {  	[sflag:s12] =	ssyncset.done $0x0  }
0xa4: {  	[sflag:s12] =	ssyncadd.s32 $0xFFFFFF80  }
0xa5: {  	[tilespmem:s30], [sflag:$0x2] =	stream.indirect.gather [hbm4b:s4+s23], $0x80, s28, s23, $0xb8;
	[tilespmem:$0x1C000] =	vst v63  }
0xa6: {  	s18 =	sadd.s32 $0xFFFFFF80, s9;
	_ =	swait.ge [sflag:s31], $0x4000  }
0xa7: {  	s20 =	sand.u32 $0x7C00, s18;
	s18 =	sand.u32 $0x300, s18;
	[sflag:s31] =	ssyncset.done $0x0  }
0xa8: {  	s20 =	sadd.s32 s7, s20;
	[sflag:s31] =	ssyncadd.s32 $0xFFFFC000  }
0xa9: {  	[spmem:s2] =	stream.indirect.scatter.add.f32 [tilespmem:s29], [sflag:$0x3], $0x80, s26, s23, $0xb8;
	[tilespmem:$0x1C000] =	vst v63  }
0xaa: {  	s18 =	sor.u32 s18, s20;
	_ =	swait.ge [sflag:s0], $0x4000  }
0xab: {  	s18 =	sshrl.u32 s18, $0x3;
	[sflag:s0] =	ssyncset.done $0x0  }
0xac: {  	s20 =	sadd.s32 s5, s18;
	s18 =	sadd.s32 s6, s18;
	[sflag:s0] =	ssyncadd.s32 $0xFFFFC000  }
0xad: {  	[tilespmem:s25], [sflag:$0x6] =	stream.linear.gather [hbm4b:s20+s3], $0x80, $0x38;
	[tilespmem:$0x1C000] =	vst v63  }
0xae: {  	_ = 	snop  }
0xaf: {  	[tilespmem:s26], [sflag:$0xA] =	stream.linear.gather [hbm4b:s18+s3], $0x80, $0x38;
	[tilespmem:$0x1C000] =	vst v63  }
0xb0: {  	_ =	swait.ge [sflag:s13], $0x80  }
0xb1: {  	[sflag:s13] =	ssyncset.done $0x0  }
0xb2: {  	[sflag:s13] =	ssyncadd.s32 $0xFFFFFF80  }
0xb3: {  	_ =	swait.ge [sflag:s14], $0x80  }
0xb4: {  	[sflag:s14] =	ssyncset.done $0x0  }
0xb5: {  	[sflag:s14] =	ssyncadd.s32 $0xFFFFFF80  }
0xb6: {  	[tilespmem:s29], [sflag:$0x1] =	stream.indirect.gather [hbm4b:s4+s23], $0x80, s3, s23, $0xb8;
	[tilespmem:$0x1C000] =	vst v63  }
0xb7: {  	_ =	swait.ge [sflag:s10], $0x4000  }
0xb8: {  	s18 =	sand.u32 $0x7C00, s9;
	[sflag:s10] =	ssyncset.done $0x0  }
0xb9: {  	s9 =	sand.u32 $0x380, s9;
	s18 =	sadd.s32 s7, s18;
	[sflag:s10] =	ssyncadd.s32 $0xFFFFC000  }
0xba: {  	[spmem:s2] =	stream.indirect.scatter.add.f32 [tilespmem:s30], [sflag:$0x3], $0x80, s15, s23, $0xb8;
	[tilespmem:$0x1C000] =	vst v63  }
0xbb: {  	s9 =	sor.u32 s9, s18;
	_ =	swait.ge [sflag:s0], $0x4000  }
0xbc: {  	s9 =	sshrl.u32 s9, $0x3;
	[sflag:s0] =	ssyncset.done $0x0  }
0xbd: {  	s18 =	sadd.s32 s5, s9;
	s9 =	sadd.s32 s6, s9;
	[sflag:s0] =	ssyncadd.s32 $0xFFFFC000  }
0xbe: {  	[tilespmem:s28], [sflag:$0x7] =	stream.linear.gather [hbm4b:s18+s3], $0x80, $0x38;
	[tilespmem:$0x1C000] =	vst v63  }
0xbf: {  	_ = 	snop  }
0xc0: {  	[tilespmem:s15], [sflag:$0xB] =	stream.linear.gather [hbm4b:s9+s3], $0x80, $0x38;
	[tilespmem:$0x1C000] =	vst v63  }
.Ltmp0:
0xc1: {  	_ =	swait.ge [sflag:s16], $0x80;
	(pc) =	sbr.rel @p0 .LBB2_2-.Ltmp0, $4  }
0xc2: {  	[sflag:s16] =	ssyncset.done $0x0  }
0xc3: {  	[sflag:s16] =	ssyncadd.s32 $0xFFFFFF80  }
0xc4: {  	_ =	swait.ge [sflag:s17], $0x80  }
0xc5: {  	[sflag:s17] =	ssyncset.done $0x0  }
0xc6: {  	[sflag:s17] =	ssyncadd.s32 $0xFFFFFF80  }
0xc7: {  	[tilespmem:s30], [sflag:$0x2] =	stream.indirect.gather [hbm4b:s4+s23], $0x80, s23, s23, $0xb8;
	[tilespmem:$0x1C000] =	vst v63  }
0xc8: {  	_ =	swait.ge [sflag:s31], $0x4000  }
0xc9: {  	[sflag:s31] =	ssyncset.done $0x0  }
0xca: {  	[sflag:s31] =	ssyncadd.s32 $0xFFFFC000  }
0xcb: {  	_ =	swait.ge [sflag:s10], $0x4000  }
0xcc: {  	[sflag:s10] =	ssyncset.done $0x0  }
0xcd: {  	[sflag:s10] =	ssyncadd.s32 $0xFFFFC000  }
0xce: {  	_ =	swait.ge [sflag:s1], $0x80  }
0xcf: {  	[sflag:s1] =	ssyncset.done $0x0  }
0xd0: {  	[sflag:s1] =	ssyncadd.s32 $0xFFFFFF80  }
0xd1: {  	_ =	swait.ge [sflag:s8], $0x80  }
0xd2: {  	[sflag:s8] =	ssyncset.done $0x0  }
0xd3: {  	[sflag:s8] =	ssyncadd.s32 $0xFFFFFF80  }
0xd4: {  	_ =	swait.ge [sflag:s11], $0x80  }
0xd5: {  	[sflag:s11] =	ssyncset.done $0x0  }
0xd6: {  	[sflag:s11] =	ssyncadd.s32 $0xFFFFFF80  }
0xd7: {  	_ =	swait.ge [sflag:s12], $0x80  }
0xd8: {  	[sflag:s12] =	ssyncset.done $0x0  }
0xd9: {  	[sflag:s12] =	ssyncadd.s32 $0xFFFFFF80  }
0xda: {  	[bflag:$0x0] =	sbarrier.arrive $0xFFFF  }
0xdb: {  	s18 =	rddreg [dreg:$0x4]  }
0xdc: {  	s9 =	rddreg [dreg:$0xd]  }
0xdd: {  	s19 =	rddreg [dreg:$0xf]  }
0xde: {  	[hbm:s9], [sflag:s18] =	dma.local [spmem:s19], $0x2780  }
0xdf: {  	_ =	swait.ge [sflag:s21], $0x2780  }
0xe0: {  	s20 =	rddreg [dreg:$0x10]  }
0xe1: {  	s9 =	rddreg [dreg:$0xe];
	s20 =	sadd.s32 $0x1, s20  }
0xe2: {  	p0 =	sne.s32 s20, s9  }
.Ltmp1:
0xe3: {  	_ = 	snop;
	(pc) =	sbr.rel @p0 .LBB2_1-.Ltmp1, $3  }
0xe4: {  	_ =	sdelay $0x1  }
0xe5: {  	[sflag:s21] =	ssyncset.done $0x0  }
0xe6: {  	[sflag:s21] =	ssyncadd.s32 $0xFFFFD880  }
0xe7: {  	_ =	sfence.sel $0x180000  }
0xe8: {  	[bflag:$0x0] =	sbarrier.arrive $0xFFFF  }
0xe9: {  	_ =	strace $0x9000004A  }
0xea: {  	s0 =	stileid.u32;
	[bflag:$0x2] =	sbarrier.arrive $0xFFFF  }
0xeb: {  	p0 =	sne.s32 s0, $0x0;
	s0 =	rddreg [dreg:$0x2]  }
0xec: {  	s0 =	sadd.s32 @!p0 $0x100000, s0  }
0xed: {  	[sflag:s0] =	ssyncadd.tile.s32 @!p0 $0x1;
	_ =	shalt  }
.Lfunc_end2:
_tile_overlayer_lowered:
.L_overlay_start_2:
0xee: {  	(tag) =	ssettag $0x2  }
0xef: {  	s0 =	rddreg [dreg:$0x0];
	s2 =	stileid.u32  }
0xf0: {  	s1 =	rddreg [dreg:$0x1];
	p0 =	sne.s32 s2, $0x0  }
0xf1: {  	s3 =	rddreg [dreg:$0x2];
	[bflag:$0x3] =	sbarrier.arrive $0xFFFF;
	s2 =	simm.s32 @!p0 $0x1C0C  }
0xf2: {  	[timem:s3], [sflag:s2] =	dma.local @!p0 [hbm:s0], s1  }
0xf3: {  	s0 =	simm.s32 @!p0 $0xC  }
0xf4: {  	_ =	swait.ge @!p0 [sflag:s0], s1  }
0xf5: {  	s1 =	ssub.s32 @!p0 $0x0, s1;
	[sflag:s0] =	ssyncset.done @!p0 $0x0  }
0xf6: {  	[sflag:s0] =	ssyncadd.s32 @!p0 s1  }
0xf7: {  	[bflag:$0x3] =	sbarrier.arrive $0xFFFF  }
0xf8: {  	_ =	shalt  }

// kernel: kernel.16.cloned.1.call-start
scs
__scs_entry_jumppad:
0x0: {  	(pc) =	sbr.rel $0x88, $3  }
0x1: {  	(tag) =	ssettag $0x0;
	lr =	simm.s32 $0x1  }
0x2: {  	[smem:$0x3F95] =	sst lr;
	_ =	strace $0xD0000000  }
0x3: {  	_ = 	snop  }
0x4: {  	_ = 	snop  }
0x5: {  	_ = 	snop  }
0x6: {  	_ = 	snop  }
0x7: {  	_ = 	snop  }
__scs_overlays_trampoline_lowered:
0x8: {  	[smem:$0x3FA4] =	sst s0  }
0x9: {  	[smem:$0x3FA5] =	sst s1  }
0xa: {  	[smem:$0x3FA6] =	sst s2  }
0xb: {  	[smem:$0x3FA7] =	sst s3  }
0xc: {  	[smem:$0x3FA8] =	sst s4  }
0xd: {  	[smem:$0x3FA9] =	sst s5  }
0xe: {  	[smem:$0x3FAA] =	sst s6  }
0xf: {  	[smem:$0x3FAB] =	sst s7  }
0x10: {  	[smem:$0x3FAC] =	sst s8  }
0x11: {  	[smem:$0x3FAD] =	sst s9;
	s0 =	simm.s32 @!p0 $0x0  }
0x12: {  	s1 =	sld [smem:$0x3F93];
	s0 =	simm.s32 @p0 $0x1  }
0x13: {  	[smem:$0x3FAE] =	sst s0;
	s0 =	simm.s32 @!p1 $0x0  }
0x14: {  	s2 =	sld [smem:$0x3F92];
	s0 =	simm.s32 @p1 $0x1  }
0x15: {  	[smem:$0x3FAF] =	sst s0;
	s0 =	simm.s32 @!p2 $0x0  }
0x16: {  	s3 =	sld [smem:$0x3FDB];
	s0 =	simm.s32 @p2 $0x1  }
0x17: {  	s4 =	simm.s32 $0x1BF5;
	[smem:$0x3FB1] =	sst s0  }
0x18: {  	s0 =	sld [smem:$0x3F94];
	_ =	swait.ge [sflag:s4], $0x0  }
0x19: {  	s7 =	sld [smem:$0x3F95]  }
0x1a: {  	s8 =	sadd.s32 $0xFFFFE003, lr  }
0x1b: {  	s9 =	sadd.s32 $0xFFFFFEF7, lr;
	s5 =	simm.s32 $0xFFFFFFFF;
	p2 =	slt.u32 s8, $0xFFFFF086  }
0x1c: {  	p1 =	slt.u32 s9, $0xF7A;
	s5 =	simm.s32 @!p2 $0x0  }
0x1d: {  	s5 =	simm.s32 @p1 $0x1;
	p0 =	seq.s32 s7, s2  }
0x1e: {  	s7 =	smul.u32 @!p0 $0xF7A, s2;
	p2 =	seq.s32 @!p0 s5, $0x0  }
0x1f: {  	s9 =	smul.u32 $0xF7A, s1;
	s8 =	simm.s32 @!p0 $0x1BF5;
	p2 =	por !p2, p0  }
0x20: {  	[sflag:s8] =	ssyncset.s32 @!p0 $0xFFFFF086;
	s6 =	sadd.s32 @!p0 s3, s7;
	s7 =	simm.s32 @!p0 $0x108  }
0x21: {  	s3 =	sadd.s32 s3, s9;
	s6 =	sadd.s32 @!p0 $0x88, s6;
	s7 =	simm.s32 @p2 $0x1082  }
0x22: {  	[simem:s7], [sflag:s8] =	dma.local @!p0 [hbm:s6], $0xF7A  }
0x23: {  	s9 =	sor.u32 $0xD0000000, s2;
	s6 =	simm.s32 $0x108;
	_ =	swait.ge @!p0 [sflag:s8], $0x0  }
0x24: {  	s3 =	sadd.s32 $0x88, s3;
	s6 =	simm.s32 @!p1 $0x1082;
	[sflag:s4] =	ssyncset.s32 $0xFFFFF086  }
0x25: {  	[simem:s6], [sflag:s4] =	dma.local [hbm:s3], $0xF7A  }
0x26: {  	[smem:$0x3F95] =	sst s1;
	(tag) =	ssettag s2;
	_ =	strace s9  }
0x27: {  	s1 =	sld [smem:$0x3FA5]  }
0x28: {  	s2 =	sld [smem:$0x3FA6]  }
0x29: {  	s4 =	sld [smem:$0x3FA8]  }
0x2a: {  	p0 =	seq.s32 s5, $0x0;
	s5 =	sld [smem:$0x3FA9]  }
0x2b: {  	s6 =	sld [smem:$0x3FAA]  }
0x2c: {  	s7 =	sld [smem:$0x3FAB]  }
0x2d: {  	s3 =	simm.s32 $0x108;
	s8 =	sld [smem:$0x3FAC]  }
0x2e: {  	s3 =	simm.s32 @!p0 $0x1082;
	s9 =	sld [smem:$0x3FAD]  }
0x2f: {  	lr =	sadd.s32 s0, s3;
	s0 =	sld [smem:$0x3FA4]  }
0x30: {  	s3 =	sld [smem:$0x3FA7]  }
0x31: {  	[smem:$0x3FB0] =	sst s10  }
0x32: {  	s10 =	sld [smem:$0x3FAE];
	_ =	sdelay $0x3  }
0x33: {  	p0 =	seq.s32 s10, $0x1;
	s10 =	sld [smem:$0x3FB0];
	_ =	sdelay $0x3  }
0x34: {  	[smem:$0x3FB0] =	sst s10  }
0x35: {  	s10 =	sld [smem:$0x3FAF];
	_ =	sdelay $0x3  }
0x36: {  	p1 =	seq.s32 s10, $0x1;
	s10 =	sld [smem:$0x3FB0];
	_ =	sdelay $0x3  }
0x37: {  	[smem:$0x3FB0] =	sst s10  }
0x38: {  	s10 =	sld [smem:$0x3FB1]  }
0x39: {  	_ = 	snop;
	(pc) =	sbr.ind lr, $3  }
0x3a: {  	_ = 	snop  }
0x3b: {  	_ = 	snop  }
0x3c: {  	p2 =	seq.s32 s10, $0x1;
	s10 =	sld [smem:$0x3FB0]  }
0x3d: {  	_ =	shalt  }
0x3e: {  	_ =	shalt  }
0x3f: {  	_ =	shalt  }
0x40: {  	_ =	shalt  }
0x41: {  	_ =	shalt  }
0x42: {  	_ =	shalt  }
0x43: {  	_ =	shalt  }
0x44: {  	_ =	shalt  }
0x45: {  	_ =	shalt  }
0x46: {  	_ =	shalt  }
0x47: {  	_ =	shalt  }
0x48: {  	_ =	shalt  }
0x49: {  	_ =	shalt  }
0x4a: {  	_ =	shalt  }
0x4b: {  	_ =	shalt  }
0x4c: {  	_ =	shalt  }
0x4d: {  	_ =	shalt  }
0x4e: {  	_ =	shalt  }
0x4f: {  	_ =	shalt  }
0x50: {  	_ =	shalt  }
0x51: {  	_ =	shalt  }
0x52: {  	_ =	shalt  }
0x53: {  	_ =	shalt  }
0x54: {  	_ =	shalt  }
0x55: {  	_ =	shalt  }
0x56: {  	_ =	shalt  }
0x57: {  	_ =	shalt  }
0x58: {  	_ =	shalt  }
0x59: {  	_ =	shalt  }
0x5a: {  	_ =	shalt  }
0x5b: {  	_ =	shalt  }
0x5c: {  	_ =	shalt  }
0x5d: {  	_ =	shalt  }
0x5e: {  	_ =	shalt  }
0x5f: {  	_ =	shalt  }
0x60: {  	_ =	shalt  }
0x61: {  	_ =	shalt  }
0x62: {  	_ =	shalt  }
0x63: {  	_ =	shalt  }
0x64: {  	_ =	shalt  }
0x65: {  	_ =	shalt  }
0x66: {  	_ =	shalt  }
0x67: {  	_ =	shalt  }
0x68: {  	_ =	shalt  }
0x69: {  	_ =	shalt  }
0x6a: {  	_ =	shalt  }
0x6b: {  	_ =	shalt  }
0x6c: {  	_ =	shalt  }
0x6d: {  	_ =	shalt  }
0x6e: {  	_ =	shalt  }
0x6f: {  	_ =	shalt  }
0x70: {  	_ =	shalt  }
0x71: {  	_ =	shalt  }
0x72: {  	_ =	shalt  }
0x73: {  	_ =	shalt  }
0x74: {  	_ =	shalt  }
0x75: {  	_ =	shalt  }
0x76: {  	_ =	shalt  }
0x77: {  	_ =	shalt  }
0x78: {  	_ =	shalt  }
0x79: {  	_ =	shalt  }
0x7a: {  	_ =	shalt  }
0x7b: {  	_ =	shalt  }
0x7c: {  	_ =	shalt  }
0x7d: {  	_ =	shalt  }
0x7e: {  	_ =	shalt  }
0x7f: {  	_ =	shalt  }
0x80: {  	_ =	shalt  }
0x81: {  	_ =	shalt  }
0x82: {  	_ =	shalt  }
0x83: {  	_ =	shalt  }
0x84: {  	_ =	shalt  }
0x85: {  	_ =	shalt  }
0x86: {  	_ =	shalt  }
0x87: {  	_ =	shalt  }
.Lfunc_end0:
.L_simem_size_0:
called_computation.2_lowered:
.L_overlay_start_0:
0x88: {  	s2 =	sld [smem:$0x3FD9]  }
0x89: {  	s3 =	sld [smem:$0x3FFE];
	_ =	sdelay $0x1  }
0x8a: {  	s1 =	srdreg.scid  }
0x8b: {  	s0 =	sand.u32 $0x1, s1  }
0x8c: {  	s16 =	sshll.u32 s0, $0xA;
	s2 =	sadd.s32 s3, s2  }
0x8d: {  	s2 =	sadd.s32 s2, s16  }
0x8e: {  	[smem:$0x3FBC] =	sst s2  }
0x8f: {  	_ = 	snop  }
0x90: {  	(tm) =	ssettm $0x1  }
0x91: {  	s17 =	sld [smem:$0x3FFB];
	_ =	sdelay $0x3  }
0x92: {  	_ =	strace s17  }
0x93: {  	s2 =	sld [smem:$0x3FFC];
	_ =	sdelay $0x3  }
0x94: {  	_ =	strace s2  }
0x95: {  	s2 =	sld [smem:$0x3FFD];
	_ =	sdelay $0x3  }
0x96: {  	_ =	strace s2  }
0x97: {  	_ =	strace $0x8FFFFFFF  }
0x98: {  	s18 =	sld [smem:$0x3FDB];
	_ =	sdelay $0x1  }
0x99: {  	s19 =	simm.s32 $_scs_section_size  }
0x9a: {  	s4 =	simm.s32 $_size__tile_overlayer_lowered;
	s5 =	simm.s32 $_tile_overlayer_lowered  }
0x9b: {  	s22 =	simm.s32 $0x1BFF;
	s21 =	sshll.u32 s5, $0x1;
	s2 =	sadd.s32 s19, s18  }
0x9c: {  	s6 =	simm.s32 $0x0;
	s20 =	sshll.u32 s4, $0x1;
	s4 =	sadd.s32 s21, s2  }
0x9d: {  	[timem:s6], [sflag:s22] =	dma.local [hbm:s4], s20  }
0x9e: {  	_ =	swait.ge [sflag:s22], s20  }
0x9f: {  	s3 =	ssub.s32 $0x0, s20;
	[sflag:s22] =	ssyncset.done $0x0  }
0xa0: {  	[sflag:s22] =	ssyncadd.s32 s3;
	_ =	sdelay $0x1  }
0xa1: {  	s23 =	simm.s32 $0x1B8B  }
0xa2: {  	_ =	swait.ge [sflag:s23], $0x1  }
0xa3: {  	[sflag:s23] =	ssyncset.done $0x0  }
0xa4: {  	s25 =	simm.s32 $0x1B8E;
	s24 =	sld [smem:$0x3FFE];
	[sflag:s23] =	ssyncadd.s32 $0xFFFFFFFF  }
0xa5: {  	s26 =	simm.s32 $execute0_lowered;
	[smem:$0x3FD2] =	sst s25  }
0xa6: {  	s4 =	sshll.u32 s26, $0x1;
	_ =	strace $0x8000004C;
	[dreg:$0x1] =	wrdreg $0xFFFFFFFF  }
0xa7: {  	s28 =	simm.s32 $_size_execute0_lowered;
	s2 =	sadd.s32 s2, s4;
	[dreg:$0x0] =	wrdreg $0x0  }
0xa8: {  	s4 =	sshll.u32 s28, $0x1;
	[dreg:$0x2] =	wrdreg s2  }
0xa9: {  	[dreg:$0x3] =	wrdreg s4  }
0xaa: {  	[dreg:$0x4] =	wrdreg $0xC0  }
0xab: {  	_ =	task [dreg:s6], $0x5FFFF  }
0xac: {  	[dreg:$0x1] =	wrdreg $0xFFFFFFFF  }
0xad: {  	[dreg:$0x0] =	wrdreg $0x60  }
0xae: {  	[dreg:$0x2] =	wrdreg s24  }
0xaf: {  	[dreg:$0x3] =	wrdreg $0x84000  }
0xb0: {  	[dreg:$0x4] =	wrdreg $0x9  }
0xb1: {  	_ =	task.clear_ibuf [dreg:s6], $0x5FFFF;
	_ =	strace $0x9000004C  }
0xb2: {  	s29 =	simm.s32 $0x9;
	_ =	strace $0x8000004E  }
0xb3: {  	_ =	swait.ge [sflag:s29], $0x1  }
0xb4: {  	[sflag:s29] =	ssyncadd.s32 $0xFFFFFFFF  }
0xb5: {  	_ =	strace $0x9000004E  }
0xb6: {  	_ =	sfence  }
0xb7: {  	s30 =	sld [smem:$0x0];
	_ =	sdelay $0x2  }
0xb8: {  	s31 =	sshll.u32 s1, $0xD;
	s1 =	sshrl.u32 s1, $0x2  }
0xb9: {  	s3 =	sand.u32 $0x4000, s31;
	s1 =	sadd.s32 s1, s30  }
0xba: {  	s0 =	sor.u32 s3, s0;
	s1 =	sshll.u32 s1, $0x11  }
0xbb: {  	s0 =	sor.u32 s1, s0  }
0xbc: {  	s0 =	sadd.s32 $0x8F2B, s0  }
0xbd: {  	[sflag:s0] =	ssyncadd.remote.s32 $0x1  }
0xbe: {  	_ =	sfence.sel $0xFFFF  }
0xbf: {  	[dreg:$0x0] =	wrdreg $0xFFFFFFFF;
	(pc) =	sbr.abs _section_cstart, $3  }
0xc0: {  	[dreg:$0x1] =	wrdreg $0xFFFFFFFF  }
0xc1: {  	_ =	task.clear_ibuf [dreg:s6], $0x2FFFF;
	_ =	strace $0x9FFFFFFF  }
0xc2: {  	(tm) =	ssettm $0x7FFFFFFF  }
0xc3: {  	_ =	shalt  }
tec
execute0_lowered:
.L_overlay_start_1:
0x0: {  	(tag) =	ssettag $0x1  }
0x1: {  	s0 =	rddreg [dreg:$0x0]  }
0x2: {  	s2 =	rddreg [dreg:$0x1]  }
0x3: {  	s3 =	simm.s32 $0x0;
	s11 =	stileid.u32;
	s1 =	srdreg.scid  }
0x4: {  	s28 =	simm.s32 $0x180;
	s29 =	simm.s32 $0x400;
	s30 =	simm.s32 $0x4400  }
0x5: {  	s31 =	simm.s32 $0x1;
	s12 =	simm.s32 $0xB;
	[smem:$0x7FF] =	sst s3  }
0x6: {  	s7 =	smul.u32 $0x13C00, s11;
	s1 =	sand.u32 $0x1, s1;
	s4 =	sadd.s32 $0xD800, s0  }
0x7: {  	s5 =	sadd.s32 $0x84000, s0;
	s6 =	sadd.s32 $0x2800, s0;
	s13 =	smul.u32 $0x4F000, s11  }
0x8: {  	s16 =	sshll.u32 s11, $0x6;
	_ =	strace $0x8000004D;
	s8 =	smul.u32 $0x13C000, s1  }
0x9: {  	s10 =	sshll.u32 s1, $0x4;
	s1 =	ssub.s32 $0x2, s1;
	s18 =	sor.u32 $0x1C0C, s16  }
0xa: {  	s16 =	simm.s32 $0x5;
	s9 =	sshrl.u32 s7, $0x3;
	s14 =	sor.u32 s11, s10  }
0xb: {  	s15 =	sshrl.u32 s1, $0x1;
	s11 =	simm.s32 $0x7;
	[dreg:$0x4] =	wrdreg s18  }
0xc: {  	s9 =	sadd.s32 s9, s0;
	s7 =	sadd.s32 s7, s8;
	s8 =	sshrl.u32 s13, $0x2  }
0xd: {  	s1 =	ssub.s32 s1, s15;
	s13 =	simm.s32 $0x4;
	s15 =	simm.s32 $0x380  }
0xe: {  	s7 =	sshrl.u32 s7, $0x3;
	s8 =	sadd.s32 s8, s2;
	s9 =	sadd.s32 $0x8F000, s9  }
0xf: {  	s26 =	smax.u32 s1, $0x1;
	s1 =	simm.s32 $0x6;
	[dreg:$0x3] =	wrdreg s9  }
0x10: {  	s0 =	sadd.s32 s7, s0;
	s7 =	smul.u32 $0x2C00, s14;
	[dreg:$0xe] =	wrdreg s26  }
0x11: {  	s26 =	simm.s32 $0x300;
	s14 =	simm.s32 $0x8;
	s0 =	sadd.s32 $0xB6800, s0  }
0x12: {  	s17 =	sshrl.u32 s7, $0x3;
	[dreg:$0xd] =	wrdreg s0;
	s0 =	simm.s32 $0x3  }
0x13: {  	s19 =	sadd.s32 s5, s17;
	s20 =	sadd.s32 s6, s17;
	s21 =	sor.u32 $0x10, s17  }
0x14: {  	s23 =	sor.u32 $0x20, s17;
	s9 =	sor.u32 $0x30, s17;
	[dreg:$0x5] =	wrdreg s19  }
0x15: {  	s17 =	simm.s32 $0x9;
	[dreg:$0x6] =	wrdreg s20;
	s22 =	sadd.s32 s5, s21  }
0x16: {  	s10 =	sadd.s32 s6, s21;
	s24 =	sadd.s32 s5, s23;
	[dreg:$0x7] =	wrdreg s22  }
0x17: {  	s25 =	sadd.s32 s5, s9;
	s9 =	sadd.s32 s6, s9;
	[dreg:$0x8] =	wrdreg s10  }
0x18: {  	s19 =	sshrl.u32 s8, $0x3;
	s21 =	simm.s32 $0xC;
	[dreg:$0x9] =	wrdreg s24  }
0x19: {  	s8 =	simm.s32 $0xA;
	s20 =	simm.s32 $0x0;
	[dreg:$0xb] =	wrdreg s25  }
0x1a: {  	s10 =	sadd.s32 s6, s23;
	[dreg:$0xc] =	wrdreg s9;
	s22 =	simm.s32 $0x200  }
0x1b: {  	s23 =	simm.s32 $0x80;
	s24 =	simm.s32 $0x280;
	[dreg:$0xf] =	wrdreg s19  }
0x1c: {  	s25 =	simm.s32 $0x100;
	[dreg:$0xa] =	wrdreg s10;
	s10 =	simm.s32 $0x2  }
.LBB2_1:
0x1d: {  	[dreg:$0x10] =	wrdreg s20  }
0x1e: {  	s9 =	rddreg [dreg:$0x3]  }
0x1f: {  	[spmem:s19], [sflag:s18] =	dma.local [hbm:s9], $0x2780  }
0x20: {  	_ =	swait.ge [sflag:s21], $0x2780  }
0x21: {  	[sflag:s21] =	ssyncset.done $0x0  }
0x22: {  	s18 =	rddreg [dreg:$0x5];
	[sflag:s21] =	ssyncadd.s32 $0xFFFFD880  }
0x23: {  	[tilespmem:s3], [sflag:$0xC] =	stream.linear.gather [hbm4b:s18+s3], $0x80, $0x38;
	[tilespmem:$0x1C000] =	vst v63  }
0x24: {  	_ =	swait.ge [sflag:s21], $0x80  }
0x25: {  	[sflag:s21] =	ssyncset.done $0x0  }
0x26: {  	s19 =	rddreg [dreg:$0x6];
	[sflag:s21] =	ssyncadd.s32 $0xFFFFFF80  }
0x27: {  	[tilespmem:s22], [sflag:$0xC] =	stream.linear.gather [hbm4b:s19+s3], $0x80, $0x38;
	[tilespmem:$0x1C000] =	vst v63  }
0x28: {  	_ =	swait.ge [sflag:s21], $0x80  }
0x29: {  	[sflag:s21] =	ssyncset.done $0x0  }
0x2a: {  	s20 =	rddreg [dreg:$0x7];
	[sflag:s21] =	ssyncadd.s32 $0xFFFFFF80  }
0x2b: {  	[tilespmem:s23], [sflag:$0xC] =	stream.linear.gather [hbm4b:s20+s3], $0x80, $0x38;
	[tilespmem:$0x1C000] =	vst v63  }
0x2c: {  	_ =	swait.ge [sflag:s21], $0x80  }
0x2d: {  	[sflag:s21] =	ssyncset.done $0x0  }
0x2e: {  	s18 =	rddreg [dreg:$0x8];
	[sflag:s21] =	ssyncadd.s32 $0xFFFFFF80  }
0x2f: {  	[tilespmem:s24], [sflag:$0xC] =	stream.linear.gather [hbm4b:s18+s3], $0x80, $0x38;
	[tilespmem:$0x1C000] =	vst v63  }
0x30: {  	_ =	swait.ge [sflag:s21], $0x80  }
0x31: {  	[sflag:s21] =	ssyncset.done $0x0  }
0x32: {  	s19 =	rddreg [dreg:$0x9];
	[sflag:s21] =	ssyncadd.s32 $0xFFFFFF80  }
0x33: {  	[tilespmem:s25], [sflag:$0x6] =	stream.linear.gather [hbm4b:s19+s3], $0x80, $0x38;
	[tilespmem:$0x1C000] =	vst v63  }
0x34: {  	s20 =	rddreg [dreg:$0xa]  }
0x35: {  	[tilespmem:s26], [sflag:$0xA] =	stream.linear.gather [hbm4b:s20+s3], $0x80, $0x38;
	[tilespmem:$0x1C000] =	vst v63  }
0x36: {  	s18 =	rddreg [dreg:$0xb]  }
0x37: {  	[tilespmem:s28], [sflag:$0x7] =	stream.linear.gather [hbm4b:s18+s3], $0x80, $0x38;
	[tilespmem:$0x1C000] =	vst v63  }
0x38: {  	s19 =	rddreg [dreg:$0xc]  }
0x39: {  	[tilespmem:s15], [sflag:$0xB] =	stream.linear.gather [hbm4b:s19+s3], $0x80, $0x38;
	[tilespmem:$0x1C000] =	vst v63  }
0x3a: {  	_ = 	snop  }
0x3b: {  	[tilespmem:s29], [sflag:$0x1] =	stream.indirect.gather [hbm4b:s4+s23], $0x80, s3, s23, $0xb8;
	[tilespmem:$0x1C000] =	vst v63  }
0x3c: {  	_ = 	snop  }
0x3d: {  	[tilespmem:s30], [sflag:$0x2] =	stream.indirect.gather [hbm4b:s4+s23], $0x80, s23, s23, $0xb8;
	[tilespmem:$0x1C000] =	vst v63  }
0x3e: {  	[bflag:$0x0] =	sbarrier.arrive $0xFFFF  }
0x3f: {  	s20 =	simm.s32 $0x200;
	_ =	swait.ge [sflag:s31], $0x4000  }
0x40: {  	s18 =	sand.u32 $0x7C00, s20;
	[sflag:s31] =	ssyncset.done $0x0  }
0x41: {  	s9 =	sand.u32 $0x200, s20;
	s19 =	sadd.s32 s7, s18;
	[sflag:s31] =	ssyncadd.s32 $0xFFFFC000  }
0x42: {  	[spmem:s2] =	stream.indirect.scatter.add.f32 [tilespmem:s29], [sflag:$0x3], $0x80, s22, s23, $0xb8;
	[tilespmem:$0x1C000] =	vst v63  }
0x43: {  	s9 =	sor.u32 s9, s19;
	_ =	swait.ge [sflag:s0], $0x4000  }
0x44: {  	s9 =	sshrl.u32 s9, $0x3;
	[sflag:s0] =	ssyncset.done $0x0  }
0x45: {  	s20 =	sadd.s32 s5, s9;
	[sflag:s0] =	ssyncadd.s32 $0xFFFFC000  }
0x46: {  	[tilespmem:s3], [sflag:$0x4] =	stream.linear.gather [hbm4b:s20+s3], $0x80, $0x38;
	[tilespmem:$0x1C000] =	vst v63  }
0x47: {  	s9 =	sadd.s32 s6, s9  }
0x48: {  	[tilespmem:s22], [sflag:$0x8] =	stream.linear.gather [hbm4b:s9+s3], $0x80, $0x38;
	[tilespmem:$0x1C000] =	vst v63  }
0x49: {  	_ =	swait.ge [sflag:s1], $0x80  }
0x4a: {  	[sflag:s1] =	ssyncset.done $0x0  }
0x4b: {  	[sflag:s1] =	ssyncadd.s32 $0xFFFFFF80  }
0x4c: {  	_ =	swait.ge [sflag:s8], $0x80  }
0x4d: {  	[sflag:s8] =	ssyncset.done $0x0  }
0x4e: {  	[sflag:s8] =	ssyncadd.s32 $0xFFFFFF80  }
0x4f: {  	[tilespmem:s29], [sflag:$0x1] =	stream.indirect.gather [hbm4b:s4+s23], $0x80, s25, s23, $0xb8;
	[tilespmem:$0x1C000] =	vst v63  }
0x50: {  	s18 =	simm.s32 $0x280;
	_ =	swait.ge [sflag:s10], $0x4000  }
0x51: {  	s20 =	sand.u32 $0x7C00, s18;
	[sflag:s10] =	ssyncset.done $0x0  }
0x52: {  	s19 =	sadd.s32 s7, s20;
	s9 =	sand.u32 $0x280, s18;
	[sflag:s10] =	ssyncadd.s32 $0xFFFFC000  }
0x53: {  	[spmem:s2] =	stream.indirect.scatter.add.f32 [tilespmem:s30], [sflag:$0x3], $0x80, s24, s23, $0xb8;
	[tilespmem:$0x1C000] =	vst v63  }
0x54: {  	s9 =	sor.u32 s9, s19;
	_ =	swait.ge [sflag:s0], $0x4000  }
0x55: {  	s9 =	sshrl.u32 s9, $0x3;
	[sflag:s0] =	ssyncset.done $0x0  }
0x56: {  	s18 =	sadd.s32 s5, s9;
	[sflag:s0] =	ssyncadd.s32 $0xFFFFC000  }
0x57: {  	[tilespmem:s23], [sflag:$0x5] =	stream.linear.gather [hbm4b:s18+s3], $0x80, $0x38;
	[tilespmem:$0x1C000] =	vst v63  }
0x58: {  	s9 =	sadd.s32 s6, s9  }
0x59: {  	[tilespmem:s24], [sflag:$0x9] =	stream.linear.gather [hbm4b:s9+s3], $0x80, $0x38;
	[tilespmem:$0x1C000] =	vst v63  }
0x5a: {  	_ =	swait.ge [sflag:s11], $0x80  }
0x5b: {  	[sflag:s11] =	ssyncset.done $0x0  }
0x5c: {  	[sflag:s11] =	ssyncadd.s32 $0xFFFFFF80  }
0x5d: {  	_ =	swait.ge [sflag:s12], $0x80  }
0x5e: {  	[sflag:s12] =	ssyncset.done $0x0  }
0x5f: {  	[sflag:s12] =	ssyncadd.s32 $0xFFFFFF80  }
0x60: {  	[tilespmem:s30], [sflag:$0x2] =	stream.indirect.gather [hbm4b:s4+s23], $0x80, s28, s23, $0xb8;
	[tilespmem:$0x1C000] =	vst v63  }
0x61: {  	s19 =	simm.s32 $0x300;
	_ =	swait.ge [sflag:s31], $0x4000  }
0x62: {  	s20 =	sand.u32 $0x7C00, s19;
	[sflag:s31] =	ssyncset.done $0x0  }
0x63: {  	s9 =	sand.u32 $0x300, s19;
	s19 =	sadd.s32 s7, s20;
	[sflag:s31] =	ssyncadd.s32 $0xFFFFC000  }
0x64: {  	[spmem:s2] =	stream.indirect.scatter.add.f32 [tilespmem:s29], [sflag:$0x3], $0x80, s26, s23, $0xb8;
	[tilespmem:$0x1C000] =	vst v63  }
0x65: {  	s9 =	sor.u32 s9, s19;
	_ =	swait.ge [sflag:s0], $0x4000  }
0x66: {  	s9 =	sshrl.u32 s9, $0x3;
	[sflag:s0] =	ssyncset.done $0x0  }
0x67: {  	s18 =	sadd.s32 s5, s9;
	[sflag:s0] =	ssyncadd.s32 $0xFFFFC000  }
0x68: {  	[tilespmem:s25], [sflag:$0x6] =	stream.linear.gather [hbm4b:s18+s3], $0x80, $0x38;
	[tilespmem:$0x1C000] =	vst v63  }
0x69: {  	s9 =	sadd.s32 s6, s9  }
0x6a: {  	[tilespmem:s26], [sflag:$0xA] =	stream.linear.gather [hbm4b:s9+s3], $0x80, $0x38;
	[tilespmem:$0x1C000] =	vst v63  }
0x6b: {  	_ =	swait.ge [sflag:s13], $0x80  }
0x6c: {  	[sflag:s13] =	ssyncset.done $0x0  }
0x6d: {  	[sflag:s13] =	ssyncadd.s32 $0xFFFFFF80  }
0x6e: {  	_ =	swait.ge [sflag:s14], $0x80  }
0x6f: {  	[sflag:s14] =	ssyncset.done $0x0  }
0x70: {  	[sflag:s14] =	ssyncadd.s32 $0xFFFFFF80  }
0x71: {  	[tilespmem:s29], [sflag:$0x1] =	stream.indirect.gather [hbm4b:s4+s23], $0x80, s3, s23, $0xb8;
	[tilespmem:$0x1C000] =	vst v63  }
0x72: {  	_ =	swait.ge [sflag:s10], $0x4000  }
0x73: {  	s20 =	sand.u32 $0x7C00, s15;
	[sflag:s10] =	ssyncset.done $0x0  }
0x74: {  	s18 =	sand.u32 $0x380, s15;
	s9 =	sadd.s32 s7, s20;
	[sflag:s10] =	ssyncadd.s32 $0xFFFFC000  }
0x75: {  	[spmem:s2] =	stream.indirect.scatter.add.f32 [tilespmem:s30], [sflag:$0x3], $0x80, s15, s23, $0xb8;
	[tilespmem:$0x1C000] =	vst v63  }
0x76: {  	s9 =	sor.u32 s18, s9;
	_ =	swait.ge [sflag:s0], $0x4000  }
0x77: {  	s9 =	sshrl.u32 s9, $0x3;
	[sflag:s0] =	ssyncset.done $0x0  }
0x78: {  	s20 =	sadd.s32 s5, s9;
	[sflag:s0] =	ssyncadd.s32 $0xFFFFC000  }
0x79: {  	[tilespmem:s28], [sflag:$0x7] =	stream.linear.gather [hbm4b:s20+s3], $0x80, $0x38;
	[tilespmem:$0x1C000] =	vst v63  }
0x7a: {  	s9 =	sadd.s32 s6, s9  }
0x7b: {  	[tilespmem:s15], [sflag:$0xB] =	stream.linear.gather [hbm4b:s9+s3], $0x80, $0x38;
	[tilespmem:$0x1C000] =	vst v63  }
0x7c: {  	_ =	swait.ge [sflag:s16], $0x80  }
0x7d: {  	[sflag:s16] =	ssyncset.done $0x0  }
0x7e: {  	[sflag:s16] =	ssyncadd.s32 $0xFFFFFF80  }
0x7f: {  	_ =	swait.ge [sflag:s17], $0x80  }
0x80: {  	s19 =	simm.s32 $0x580;
	[sflag:s17] =	ssyncset.done $0x0  }
.LBB2_2:
0x81: {  	p0 =	sne.s32 s19, $0x2980  }
0x82: {  	[sflag:s17] =	ssyncadd.s32 $0xFFFFFF80;
	s9 =	smov.u32 s19;
	s19 =	sadd.s32 $0x200, s19  }
0x83: {  	[tilespmem:s30], [sflag:$0x2] =	stream.indirect.gather [hbm4b:s4+s23], $0x80, s23, s23, $0xb8;
	[tilespmem:$0x1C000] =	vst v63  }
0x84: {  	s20 =	sadd.s32 $0xFFFFFE80, s9;
	_ =	swait.ge [sflag:s31], $0x4000  }
0x85: {  	s18 =	sand.u32 $0x7C00, s20;
	s20 =	sand.u32 $0x200, s20;
	[sflag:s31] =	ssyncset.done $0x0  }
0x86: {  	s18 =	sadd.s32 s7, s18;
	[sflag:s31] =	ssyncadd.s32 $0xFFFFC000  }
0x87: {  	[spmem:s2] =	stream.indirect.scatter.add.f32 [tilespmem:s29], [sflag:$0x3], $0x80, s22, s23, $0xb8;
	[tilespmem:$0x1C000] =	vst v63  }
0x88: {  	s18 =	sor.u32 s20, s18;
	_ =	swait.ge [sflag:s0], $0x4000  }
0x89: {  	s18 =	sshrl.u32 s18, $0x3;
	[sflag:s0] =	ssyncset.done $0x0  }
0x8a: {  	s20 =	sadd.s32 s5, s18;
	s18 =	sadd.s32 s6, s18;
	[sflag:s0] =	ssyncadd.s32 $0xFFFFC000  }
0x8b: {  	[tilespmem:s3], [sflag:$0x4] =	stream.linear.gather [hbm4b:s20+s3], $0x80, $0x38;
	[tilespmem:$0x1C000] =	vst v63  }
0x8c: {  	_ = 	snop  }
0x8d: {  	[tilespmem:s22], [sflag:$0x8] =	stream.linear.gather [hbm4b:s18+s3], $0x80, $0x38;
	[tilespmem:$0x1C000] =	vst v63  }
0x8e: {  	_ =	swait.ge [sflag:s1], $0x80  }
0x8f: {  	[sflag:s1] =	ssyncset.done $0x0  }
0x90: {  	[sflag:s1] =	ssyncadd.s32 $0xFFFFFF80  }
0x91: {  	_ =	swait.ge [sflag:s8], $0x80  }
0x92: {  	[sflag:s8] =	ssyncset.done $0x0  }
0x93: {  	[sflag:s8] =	ssyncadd.s32 $0xFFFFFF80  }
0x94: {  	[tilespmem:s29], [sflag:$0x1] =	stream.indirect.gather [hbm4b:s4+s23], $0x80, s25, s23, $0xb8;
	[tilespmem:$0x1C000] =	vst v63  }
0x95: {  	s18 =	sadd.s32 $0xFFFFFF00, s9;
	_ =	swait.ge [sflag:s10], $0x4000  }
0x96: {  	s20 =	sand.u32 $0x7C00, s18;
	[sflag:s10] =	ssyncset.done $0x0  }
0x97: {  	s18 =	sand.u32 $0x280, s18;
	s20 =	sadd.s32 s7, s20;
	[sflag:s10] =	ssyncadd.s32 $0xFFFFC000  }
0x98: {  	[spmem:s2] =	stream.indirect.scatter.add.f32 [tilespmem:s30], [sflag:$0x3], $0x80, s24, s23, $0xb8;
	[tilespmem:$0x1C000] =	vst v63  }
0x99: {  	s18 =	sor.u32 s18, s20;
	_ =	swait.ge [sflag:s0], $0x4000  }
0x9a: {  	s18 =	sshrl.u32 s18, $0x3;
	[sflag:s0] =	ssyncset.done $0x0  }
0x9b: {  	s20 =	sadd.s32 s5, s18;
	s18 =	sadd.s32 s6, s18;
	[sflag:s0] =	ssyncadd.s32 $0xFFFFC000  }
0x9c: {  	[tilespmem:s23], [sflag:$0x5] =	stream.linear.gather [hbm4b:s20+s3], $0x80, $0x38;
	[tilespmem:$0x1C000] =	vst v63  }
0x9d: {  	_ = 	snop  }
0x9e: {  	[tilespmem:s24], [sflag:$0x9] =	stream.linear.gather [hbm4b:s18+s3], $0x80, $0x38;
	[tilespmem:$0x1C000] =	vst v63  }
0x9f: {  	_ =	swait.ge [sflag:s11], $0x80  }
0xa0: {  	[sflag:s11] =	ssyncset.done $0x0  }
0xa1: {  	[sflag:s11] =	ssyncadd.s32 $0xFFFFFF80  }
0xa2: {  	_ =	swait.ge [sflag:s12], $0x80  }
0xa3: {  	[sflag:s12] =	ssyncset.done $0x0  }
0xa4: {  	[sflag:s12] =	ssyncadd.s32 $0xFFFFFF80  }
0xa5: {  	[tilespmem:s30], [sflag:$0x2] =	stream.indirect.gather [hbm4b:s4+s23], $0x80, s28, s23, $0xb8;
	[tilespmem:$0x1C000] =	vst v63  }
0xa6: {  	s18 =	sadd.s32 $0xFFFFFF80, s9;
	_ =	swait.ge [sflag:s31], $0x4000  }
0xa7: {  	s20 =	sand.u32 $0x7C00, s18;
	s18 =	sand.u32 $0x300, s18;
	[sflag:s31] =	ssyncset.done $0x0  }
0xa8: {  	s20 =	sadd.s32 s7, s20;
	[sflag:s31] =	ssyncadd.s32 $0xFFFFC000  }
0xa9: {  	[spmem:s2] =	stream.indirect.scatter.add.f32 [tilespmem:s29], [sflag:$0x3], $0x80, s26, s23, $0xb8;
	[tilespmem:$0x1C000] =	vst v63  }
0xaa: {  	s18 =	sor.u32 s18, s20;
	_ =	swait.ge [sflag:s0], $0x4000  }
0xab: {  	s18 =	sshrl.u32 s18, $0x3;
	[sflag:s0] =	ssyncset.done $0x0  }
0xac: {  	s20 =	sadd.s32 s5, s18;
	s18 =	sadd.s32 s6, s18;
	[sflag:s0] =	ssyncadd.s32 $0xFFFFC000  }
0xad: {  	[tilespmem:s25], [sflag:$0x6] =	stream.linear.gather [hbm4b:s20+s3], $0x80, $0x38;
	[tilespmem:$0x1C000] =	vst v63  }
0xae: {  	_ = 	snop  }
0xaf: {  	[tilespmem:s26], [sflag:$0xA] =	stream.linear.gather [hbm4b:s18+s3], $0x80, $0x38;
	[tilespmem:$0x1C000] =	vst v63  }
0xb0: {  	_ =	swait.ge [sflag:s13], $0x80  }
0xb1: {  	[sflag:s13] =	ssyncset.done $0x0  }
0xb2: {  	[sflag:s13] =	ssyncadd.s32 $0xFFFFFF80  }
0xb3: {  	_ =	swait.ge [sflag:s14], $0x80  }
0xb4: {  	[sflag:s14] =	ssyncset.done $0x0  }
0xb5: {  	[sflag:s14] =	ssyncadd.s32 $0xFFFFFF80  }
0xb6: {  	[tilespmem:s29], [sflag:$0x1] =	stream.indirect.gather [hbm4b:s4+s23], $0x80, s3, s23, $0xb8;
	[tilespmem:$0x1C000] =	vst v63  }
0xb7: {  	_ =	swait.ge [sflag:s10], $0x4000  }
0xb8: {  	s18 =	sand.u32 $0x7C00, s9;
	[sflag:s10] =	ssyncset.done $0x0  }
0xb9: {  	s9 =	sand.u32 $0x380, s9;
	s18 =	sadd.s32 s7, s18;
	[sflag:s10] =	ssyncadd.s32 $0xFFFFC000  }
0xba: {  	[spmem:s2] =	stream.indirect.scatter.add.f32 [tilespmem:s30], [sflag:$0x3], $0x80, s15, s23, $0xb8;
	[tilespmem:$0x1C000] =	vst v63  }
0xbb: {  	s9 =	sor.u32 s9, s18;
	_ =	swait.ge [sflag:s0], $0x4000  }
0xbc: {  	s9 =	sshrl.u32 s9, $0x3;
	[sflag:s0] =	ssyncset.done $0x0  }
0xbd: {  	s18 =	sadd.s32 s5, s9;
	s9 =	sadd.s32 s6, s9;
	[sflag:s0] =	ssyncadd.s32 $0xFFFFC000  }
0xbe: {  	[tilespmem:s28], [sflag:$0x7] =	stream.linear.gather [hbm4b:s18+s3], $0x80, $0x38;
	[tilespmem:$0x1C000] =	vst v63  }
0xbf: {  	_ = 	snop  }
0xc0: {  	[tilespmem:s15], [sflag:$0xB] =	stream.linear.gather [hbm4b:s9+s3], $0x80, $0x38;
	[tilespmem:$0x1C000] =	vst v63  }
.Ltmp0:
0xc1: {  	_ =	swait.ge [sflag:s16], $0x80;
	(pc) =	sbr.rel @p0 .LBB2_2-.Ltmp0, $4  }
0xc2: {  	[sflag:s16] =	ssyncset.done $0x0  }
0xc3: {  	[sflag:s16] =	ssyncadd.s32 $0xFFFFFF80  }
0xc4: {  	_ =	swait.ge [sflag:s17], $0x80  }
0xc5: {  	[sflag:s17] =	ssyncset.done $0x0  }
0xc6: {  	[sflag:s17] =	ssyncadd.s32 $0xFFFFFF80  }
0xc7: {  	[tilespmem:s30], [sflag:$0x2] =	stream.indirect.gather [hbm4b:s4+s23], $0x80, s23, s23, $0xb8;
	[tilespmem:$0x1C000] =	vst v63  }
0xc8: {  	_ =	swait.ge [sflag:s31], $0x4000  }
0xc9: {  	[sflag:s31] =	ssyncset.done $0x0  }
0xca: {  	[sflag:s31] =	ssyncadd.s32 $0xFFFFC000  }
0xcb: {  	_ =	swait.ge [sflag:s10], $0x4000  }
0xcc: {  	[sflag:s10] =	ssyncset.done $0x0  }
0xcd: {  	[sflag:s10] =	ssyncadd.s32 $0xFFFFC000  }
0xce: {  	_ =	swait.ge [sflag:s1], $0x80  }
0xcf: {  	[sflag:s1] =	ssyncset.done $0x0  }
0xd0: {  	[sflag:s1] =	ssyncadd.s32 $0xFFFFFF80  }
0xd1: {  	_ =	swait.ge [sflag:s8], $0x80  }
0xd2: {  	[sflag:s8] =	ssyncset.done $0x0  }
0xd3: {  	[sflag:s8] =	ssyncadd.s32 $0xFFFFFF80  }
0xd4: {  	_ =	swait.ge [sflag:s11], $0x80  }
0xd5: {  	[sflag:s11] =	ssyncset.done $0x0  }
0xd6: {  	[sflag:s11] =	ssyncadd.s32 $0xFFFFFF80  }
0xd7: {  	_ =	swait.ge [sflag:s12], $0x80  }
0xd8: {  	[sflag:s12] =	ssyncset.done $0x0  }
0xd9: {  	[sflag:s12] =	ssyncadd.s32 $0xFFFFFF80  }
0xda: {  	[bflag:$0x0] =	sbarrier.arrive $0xFFFF  }
0xdb: {  	s18 =	rddreg [dreg:$0x4]  }
0xdc: {  	s9 =	rddreg [dreg:$0xd]  }
0xdd: {  	s19 =	rddreg [dreg:$0xf]  }
0xde: {  	[hbm:s9], [sflag:s18] =	dma.local [spmem:s19], $0x2780  }
0xdf: {  	_ =	swait.ge [sflag:s21], $0x2780  }
0xe0: {  	s20 =	rddreg [dreg:$0x10]  }
0xe1: {  	s9 =	rddreg [dreg:$0xe];
	s20 =	sadd.s32 $0x1, s20  }
0xe2: {  	p0 =	sne.s32 s20, s9  }
.Ltmp1:
0xe3: {  	_ = 	snop;
	(pc) =	sbr.rel @p0 .LBB2_1-.Ltmp1, $3  }
0xe4: {  	_ =	sdelay $0x1  }
0xe5: {  	[sflag:s21] =	ssyncset.done $0x0  }
0xe6: {  	[sflag:s21] =	ssyncadd.s32 $0xFFFFD880  }
0xe7: {  	_ =	sfence.sel $0x180000  }
0xe8: {  	[bflag:$0x0] =	sbarrier.arrive $0xFFFF  }
0xe9: {  	_ =	strace $0x9000004D  }
0xea: {  	s0 =	stileid.u32;
	[bflag:$0x2] =	sbarrier.arrive $0xFFFF  }
0xeb: {  	p0 =	sne.s32 s0, $0x0;
	s0 =	rddreg [dreg:$0x2]  }
0xec: {  	s0 =	sadd.s32 @!p0 $0x100000, s0  }
0xed: {  	[sflag:s0] =	ssyncadd.tile.s32 @!p0 $0x1;
	_ =	shalt  }
.Lfunc_end2:
_tile_overlayer_lowered:
.L_overlay_start_2:
0xee: {  	(tag) =	ssettag $0x2  }
0xef: {  	s0 =	rddreg [dreg:$0x0];
	s2 =	stileid.u32  }
0xf0: {  	s1 =	rddreg [dreg:$0x1];
	p0 =	sne.s32 s2, $0x0  }
0xf1: {  	s3 =	rddreg [dreg:$0x2];
	[bflag:$0x3] =	sbarrier.arrive $0xFFFF;
	s2 =	simm.s32 @!p0 $0x1C0C  }
0xf2: {  	[timem:s3], [sflag:s2] =	dma.local @!p0 [hbm:s0], s1  }
0xf3: {  	s0 =	simm.s32 @!p0 $0xC  }
0xf4: {  	_ =	swait.ge @!p0 [sflag:s0], s1  }
0xf5: {  	s1 =	ssub.s32 @!p0 $0x0, s1;
	[sflag:s0] =	ssyncset.done @!p0 $0x0  }
0xf6: {  	[sflag:s0] =	ssyncadd.s32 @!p0 s1  }
0xf7: {  	[bflag:$0x3] =	sbarrier.arrive $0xFFFF  }
0xf8: {  	_ =	shalt  }

// kernel: kernel.19.cloned.1.call-start
scs
__scs_entry_jumppad:
0x0: {  	(pc) =	sbr.rel $0x88, $3  }
0x1: {  	(tag) =	ssettag $0x0;
	lr =	simm.s32 $0x1  }
0x2: {  	[smem:$0x3F95] =	sst lr;
	_ =	strace $0xD0000000  }
0x3: {  	_ = 	snop  }
0x4: {  	_ = 	snop  }
0x5: {  	_ = 	snop  }
0x6: {  	_ = 	snop  }
0x7: {  	_ = 	snop  }
__scs_overlays_trampoline_lowered:
0x8: {  	[smem:$0x3FA4] =	sst s0  }
0x9: {  	[smem:$0x3FA5] =	sst s1  }
0xa: {  	[smem:$0x3FA6] =	sst s2  }
0xb: {  	[smem:$0x3FA7] =	sst s3  }
0xc: {  	[smem:$0x3FA8] =	sst s4  }
0xd: {  	[smem:$0x3FA9] =	sst s5  }
0xe: {  	[smem:$0x3FAA] =	sst s6  }
0xf: {  	[smem:$0x3FAB] =	sst s7  }
0x10: {  	[smem:$0x3FAC] =	sst s8  }
0x11: {  	[smem:$0x3FAD] =	sst s9;
	s0 =	simm.s32 @!p0 $0x0  }
0x12: {  	s1 =	sld [smem:$0x3F93];
	s0 =	simm.s32 @p0 $0x1  }
0x13: {  	[smem:$0x3FAE] =	sst s0;
	s0 =	simm.s32 @!p1 $0x0  }
0x14: {  	s2 =	sld [smem:$0x3F92];
	s0 =	simm.s32 @p1 $0x1  }
0x15: {  	[smem:$0x3FAF] =	sst s0;
	s0 =	simm.s32 @!p2 $0x0  }
0x16: {  	s3 =	sld [smem:$0x3FDB];
	s0 =	simm.s32 @p2 $0x1  }
0x17: {  	s4 =	simm.s32 $0x1BF5;
	[smem:$0x3FB1] =	sst s0  }
0x18: {  	s0 =	sld [smem:$0x3F94];
	_ =	swait.ge [sflag:s4], $0x0  }
0x19: {  	s7 =	sld [smem:$0x3F95]  }
0x1a: {  	s8 =	sadd.s32 $0xFFFFE003, lr  }
0x1b: {  	s9 =	sadd.s32 $0xFFFFFEF7, lr;
	s5 =	simm.s32 $0xFFFFFFFF;
	p2 =	slt.u32 s8, $0xFFFFF086  }
0x1c: {  	p1 =	slt.u32 s9, $0xF7A;
	s5 =	simm.s32 @!p2 $0x0  }
0x1d: {  	s5 =	simm.s32 @p1 $0x1;
	p0 =	seq.s32 s7, s2  }
0x1e: {  	s7 =	smul.u32 @!p0 $0xF7A, s2;
	p2 =	seq.s32 @!p0 s5, $0x0  }
0x1f: {  	s9 =	smul.u32 $0xF7A, s1;
	s8 =	simm.s32 @!p0 $0x1BF5;
	p2 =	por !p2, p0  }
0x20: {  	[sflag:s8] =	ssyncset.s32 @!p0 $0xFFFFF086;
	s6 =	sadd.s32 @!p0 s3, s7;
	s7 =	simm.s32 @!p0 $0x108  }
0x21: {  	s3 =	sadd.s32 s3, s9;
	s6 =	sadd.s32 @!p0 $0x88, s6;
	s7 =	simm.s32 @p2 $0x1082  }
0x22: {  	[simem:s7], [sflag:s8] =	dma.local @!p0 [hbm:s6], $0xF7A  }
0x23: {  	s9 =	sor.u32 $0xD0000000, s2;
	s6 =	simm.s32 $0x108;
	_ =	swait.ge @!p0 [sflag:s8], $0x0  }
0x24: {  	s3 =	sadd.s32 $0x88, s3;
	s6 =	simm.s32 @!p1 $0x1082;
	[sflag:s4] =	ssyncset.s32 $0xFFFFF086  }
0x25: {  	[simem:s6], [sflag:s4] =	dma.local [hbm:s3], $0xF7A  }
0x26: {  	[smem:$0x3F95] =	sst s1;
	(tag) =	ssettag s2;
	_ =	strace s9  }
0x27: {  	s1 =	sld [smem:$0x3FA5]  }
0x28: {  	s2 =	sld [smem:$0x3FA6]  }
0x29: {  	s4 =	sld [smem:$0x3FA8]  }
0x2a: {  	p0 =	seq.s32 s5, $0x0;
	s5 =	sld [smem:$0x3FA9]  }
0x2b: {  	s6 =	sld [smem:$0x3FAA]  }
0x2c: {  	s7 =	sld [smem:$0x3FAB]  }
0x2d: {  	s3 =	simm.s32 $0x108;
	s8 =	sld [smem:$0x3FAC]  }
0x2e: {  	s3 =	simm.s32 @!p0 $0x1082;
	s9 =	sld [smem:$0x3FAD]  }
0x2f: {  	lr =	sadd.s32 s0, s3;
	s0 =	sld [smem:$0x3FA4]  }
0x30: {  	s3 =	sld [smem:$0x3FA7]  }
0x31: {  	[smem:$0x3FB0] =	sst s10  }
0x32: {  	s10 =	sld [smem:$0x3FAE];
	_ =	sdelay $0x3  }
0x33: {  	p0 =	seq.s32 s10, $0x1;
	s10 =	sld [smem:$0x3FB0];
	_ =	sdelay $0x3  }
0x34: {  	[smem:$0x3FB0] =	sst s10  }
0x35: {  	s10 =	sld [smem:$0x3FAF];
	_ =	sdelay $0x3  }
0x36: {  	p1 =	seq.s32 s10, $0x1;
	s10 =	sld [smem:$0x3FB0];
	_ =	sdelay $0x3  }
0x37: {  	[smem:$0x3FB0] =	sst s10  }
0x38: {  	s10 =	sld [smem:$0x3FB1]  }
0x39: {  	_ = 	snop;
	(pc) =	sbr.ind lr, $3  }
0x3a: {  	_ = 	snop  }
0x3b: {  	_ = 	snop  }
0x3c: {  	p2 =	seq.s32 s10, $0x1;
	s10 =	sld [smem:$0x3FB0]  }
0x3d: {  	_ =	shalt  }
0x3e: {  	_ =	shalt  }
0x3f: {  	_ =	shalt  }
0x40: {  	_ =	shalt  }
0x41: {  	_ =	shalt  }
0x42: {  	_ =	shalt  }
0x43: {  	_ =	shalt  }
0x44: {  	_ =	shalt  }
0x45: {  	_ =	shalt  }
0x46: {  	_ =	shalt  }
0x47: {  	_ =	shalt  }
0x48: {  	_ =	shalt  }
0x49: {  	_ =	shalt  }
0x4a: {  	_ =	shalt  }
0x4b: {  	_ =	shalt  }
0x4c: {  	_ =	shalt  }
0x4d: {  	_ =	shalt  }
0x4e: {  	_ =	shalt  }
0x4f: {  	_ =	shalt  }
0x50: {  	_ =	shalt  }
0x51: {  	_ =	shalt  }
0x52: {  	_ =	shalt  }
0x53: {  	_ =	shalt  }
0x54: {  	_ =	shalt  }
0x55: {  	_ =	shalt  }
0x56: {  	_ =	shalt  }
0x57: {  	_ =	shalt  }
0x58: {  	_ =	shalt  }
0x59: {  	_ =	shalt  }
0x5a: {  	_ =	shalt  }
0x5b: {  	_ =	shalt  }
0x5c: {  	_ =	shalt  }
0x5d: {  	_ =	shalt  }
0x5e: {  	_ =	shalt  }
0x5f: {  	_ =	shalt  }
0x60: {  	_ =	shalt  }
0x61: {  	_ =	shalt  }
0x62: {  	_ =	shalt  }
0x63: {  	_ =	shalt  }
0x64: {  	_ =	shalt  }
0x65: {  	_ =	shalt  }
0x66: {  	_ =	shalt  }
0x67: {  	_ =	shalt  }
0x68: {  	_ =	shalt  }
0x69: {  	_ =	shalt  }
0x6a: {  	_ =	shalt  }
0x6b: {  	_ =	shalt  }
0x6c: {  	_ =	shalt  }
0x6d: {  	_ =	shalt  }
0x6e: {  	_ =	shalt  }
0x6f: {  	_ =	shalt  }
0x70: {  	_ =	shalt  }
0x71: {  	_ =	shalt  }
0x72: {  	_ =	shalt  }
0x73: {  	_ =	shalt  }
0x74: {  	_ =	shalt  }
0x75: {  	_ =	shalt  }
0x76: {  	_ =	shalt  }
0x77: {  	_ =	shalt  }
0x78: {  	_ =	shalt  }
0x79: {  	_ =	shalt  }
0x7a: {  	_ =	shalt  }
0x7b: {  	_ =	shalt  }
0x7c: {  	_ =	shalt  }
0x7d: {  	_ =	shalt  }
0x7e: {  	_ =	shalt  }
0x7f: {  	_ =	shalt  }
0x80: {  	_ =	shalt  }
0x81: {  	_ =	shalt  }
0x82: {  	_ =	shalt  }
0x83: {  	_ =	shalt  }
0x84: {  	_ =	shalt  }
0x85: {  	_ =	shalt  }
0x86: {  	_ =	shalt  }
0x87: {  	_ =	shalt  }
.Lfunc_end0:
.L_simem_size_0:
called_computation.3_lowered:
.L_overlay_start_0:
0x88: {  	s2 =	sld [smem:$0x3FD9]  }
0x89: {  	s3 =	sld [smem:$0x3FFE];
	_ =	sdelay $0x1  }
0x8a: {  	s1 =	srdreg.scid  }
0x8b: {  	s0 =	sand.u32 $0x1, s1  }
0x8c: {  	s16 =	sshll.u32 s0, $0xA;
	s2 =	sadd.s32 s3, s2  }
0x8d: {  	s2 =	sadd.s32 s2, s16  }
0x8e: {  	[smem:$0x3FBC] =	sst s2  }
0x8f: {  	_ = 	snop  }
0x90: {  	(tm) =	ssettm $0x1  }
0x91: {  	s17 =	sld [smem:$0x3FFB];
	_ =	sdelay $0x3  }
0x92: {  	_ =	strace s17  }
0x93: {  	s2 =	sld [smem:$0x3FFC];
	_ =	sdelay $0x3  }
0x94: {  	_ =	strace s2  }
0x95: {  	s2 =	sld [smem:$0x3FFD];
	_ =	sdelay $0x3  }
0x96: {  	_ =	strace s2  }
0x97: {  	_ =	strace $0x8FFFFFFF  }
0x98: {  	s18 =	sld [smem:$0x3FDB];
	_ =	sdelay $0x1  }
0x99: {  	s19 =	simm.s32 $_scs_section_size  }
0x9a: {  	s4 =	simm.s32 $_size__tile_overlayer_lowered;
	s5 =	simm.s32 $_tile_overlayer_lowered  }
0x9b: {  	s22 =	simm.s32 $0x1BFF;
	s21 =	sshll.u32 s5, $0x1;
	s2 =	sadd.s32 s19, s18  }
0x9c: {  	s6 =	simm.s32 $0x0;
	s20 =	sshll.u32 s4, $0x1;
	s4 =	sadd.s32 s21, s2  }
0x9d: {  	[timem:s6], [sflag:s22] =	dma.local [hbm:s4], s20  }
0x9e: {  	_ =	swait.ge [sflag:s22], s20  }
0x9f: {  	s3 =	ssub.s32 $0x0, s20;
	[sflag:s22] =	ssyncset.done $0x0  }
0xa0: {  	[sflag:s22] =	ssyncadd.s32 s3;
	_ =	sdelay $0x1  }
0xa1: {  	s23 =	simm.s32 $0x1B8B  }
0xa2: {  	_ =	swait.ge [sflag:s23], $0x1  }
0xa3: {  	[sflag:s23] =	ssyncset.done $0x0  }
0xa4: {  	s25 =	simm.s32 $0x1B8E;
	s24 =	sld [smem:$0x3FFE];
	[sflag:s23] =	ssyncadd.s32 $0xFFFFFFFF  }
0xa5: {  	s26 =	simm.s32 $execute0_lowered;
	[smem:$0x3FD2] =	sst s25  }
0xa6: {  	s4 =	sshll.u32 s26, $0x1;
	_ =	strace $0x8000004F;
	[dreg:$0x1] =	wrdreg $0xFFFFFFFF  }
0xa7: {  	s28 =	simm.s32 $_size_execute0_lowered;
	s2 =	sadd.s32 s2, s4;
	[dreg:$0x0] =	wrdreg $0x0  }
0xa8: {  	s4 =	sshll.u32 s28, $0x1;
	[dreg:$0x2] =	wrdreg s2  }
0xa9: {  	[dreg:$0x3] =	wrdreg s4  }
0xaa: {  	[dreg:$0x4] =	wrdreg $0xC0  }
0xab: {  	_ =	task [dreg:s6], $0x5FFFF  }
0xac: {  	[dreg:$0x1] =	wrdreg $0xFFFFFFFF  }
0xad: {  	[dreg:$0x0] =	wrdreg $0x60  }
0xae: {  	[dreg:$0x2] =	wrdreg s24  }
0xaf: {  	[dreg:$0x3] =	wrdreg $0x9  }
0xb0: {  	_ =	task.clear_ibuf [dreg:s6], $0x4FFFF;
	_ =	strace $0x9000004F  }
0xb1: {  	s29 =	simm.s32 $0x9;
	_ =	strace $0x80000051  }
0xb2: {  	_ =	swait.ge [sflag:s29], $0x1  }
0xb3: {  	[sflag:s29] =	ssyncadd.s32 $0xFFFFFFFF  }
0xb4: {  	_ =	strace $0x90000051  }
0xb5: {  	_ =	sfence  }
0xb6: {  	s30 =	sld [smem:$0x0];
	_ =	sdelay $0x2  }
0xb7: {  	s31 =	sshll.u32 s1, $0xD;
	s1 =	sshrl.u32 s1, $0x2  }
0xb8: {  	s3 =	sand.u32 $0x4000, s31;
	s1 =	sadd.s32 s1, s30  }
0xb9: {  	s0 =	sor.u32 s3, s0;
	s1 =	sshll.u32 s1, $0x11  }
0xba: {  	s0 =	sor.u32 s1, s0  }
0xbb: {  	s0 =	sadd.s32 $0x8F2B, s0  }
0xbc: {  	[sflag:s0] =	ssyncadd.remote.s32 $0x1  }
0xbd: {  	_ =	sfence.sel $0xFFFF  }
0xbe: {  	[dreg:$0x0] =	wrdreg $0xFFFFFFFF;
	(pc) =	sbr.abs _section_cstart, $3  }
0xbf: {  	[dreg:$0x1] =	wrdreg $0xFFFFFFFF  }
0xc0: {  	_ =	task.clear_ibuf [dreg:s6], $0x2FFFF;
	_ =	strace $0x9FFFFFFF  }
0xc1: {  	(tm) =	ssettm $0x7FFFFFFF  }
tec
execute0_lowered:
.L_overlay_start_1:
0x0: {  	(tag) =	ssettag $0x1  }
0x1: {  	s0 =	srdreg.scid  }
0x2: {  	s1 =	rddreg [dreg:$0x0];
	s4 =	stileid.u32;
	s2 =	simm.s32 $0x0  }
0x3: {  	s12 =	simm.s32 $0x7;
	s13 =	simm.s32 $0x2C00;
	s14 =	simm.s32 $0x80  }
0x4: {  	s15 =	simm.s32 $0x5800;
	s16 =	simm.s32 $0x9800;
	s17 =	simm.s32 $0x11800  }
0x5: {  	s19 =	simm.s32 $0x15800;
	s20 =	simm.s32 $0xD800;
	s21 =	simm.s32 $0x19800  }
0x6: {  	s22 =	simm.s32 $0x1;
	s23 =	simm.s32 $0x2;
	s24 =	simm.s32 $0x5  }
0x7: {  	s25 =	simm.s32 $0x3;
	s26 =	simm.s32 $0x4;
	s0 =	sand.u32 $0x1, s0  }
0x8: {  	s28 =	simm.s32 $0x6;
	s29 =	simm.s32 $0x0;
	s3 =	sshll.u32 s0, $0x4  }
0x9: {  	[smem:$0x7FF] =	sst s2;
	s8 =	sadd.s32 $0x611000, s1;
	s9 =	sor.u32 s4, s3  }
0xa: {  	_ =	strace $0x80000050;
	s0 =	ssub.s32 $0x2, s0;
	s4 =	smul.u32 $0x580, s9  }
0xb: {  	s3 =	sadd.s32 $0x8F000, s1;
	s7 =	sshrl.u32 s0, $0x1;
	s10 =	smul.u32 $0x2800, s9  }
0xc: {  	s0 =	ssub.s32 s0, s7;
	s7 =	sadd.s32 $0x610800, s1;
	s9 =	smul.u32 $0x140000, s9  }
0xd: {  	s11 =	smax.u32 s0, $0x1;
	s6 =	sadd.s32 s4, s1;
	s4 =	sadd.s32 $0x110800, s1  }
0xe: {  	s10 =	sor.u32 $0x80, s10;
	s5 =	sadd.s32 $0x84000, s6;
	s6 =	sadd.s32 $0x105800, s6  }
.LBB2_1:
0xf: {  	[tilespmem:s2], [sflag:$0x7] =	stream.linear.gather [hbm4b:s5+s2], $0x2A00, $0x38;
	[tilespmem:$0x1D800] =	vst v63  }
0x10: {  	_ =	swait.ge [sflag:s12], $0x2A00  }
0x11: {  	[sflag:s12] =	ssyncset.done $0x0  }
0x12: {  	[sflag:s12] =	ssyncadd.s32 $0xFFFFD600  }
0x13: {  	[tilespmem:s13], [sflag:$0x7] =	stream.linear.gather [hbm4b:s6+s2], $0x2A00, $0x38;
	[tilespmem:$0x1D800] =	vst v63  }
0x14: {  	_ =	swait.ge [sflag:s12], $0x2A00  }
0x15: {  	[sflag:s12] =	ssyncset.done $0x0  }
0x16: {  	[sflag:s12] =	ssyncadd.s32 $0xFFFFD600  }
0x17: {  	[tilespmem:s15], [sflag:$0x1] =	stream.indirect.gather [hbm4b:s3+s14], $0x80, s2, s14, $0xb8;
	[tilespmem:$0x1D800] =	vst v63  }
0x18: {  	_ = 	snop  }
0x19: {  	[tilespmem:s16], [sflag:$0x2] =	stream.indirect.gather [hbm4b:s3+s14], $0x80, s13, s14, $0xb8;
	[tilespmem:$0x1D800] =	vst v63  }
0x1a: {  	_ = 	snop  }
0x1b: {  	[tilespmem:s17], [sflag:$0x3] =	stream.indirect.gather [hbm4b:s3+s14], $0x80, s14, s14, $0xb8;
	[tilespmem:$0x1D800] =	vst v63  }
0x1c: {  	s0 =	simm.s32 $0x2C80  }
0x1d: {  	[tilespmem:s19], [sflag:$0x4] =	stream.indirect.gather [hbm4b:s3+s14], $0x80, s0, s14, $0xb8;
	[tilespmem:$0x1D800] =	vst v63  }
0x1e: {  	_ = 	snop  }
0x1f: {  	[hbm4b:s7+s2] =	stream.linear.scatter [tilespmem:s20], [sflag:$0x5], $0x4000, $0x38;
	[tilespmem:$0x1D800] =	vst v63  }
0x20: {  	s30 =	simm.s32 $0x0  }
0x21: {  	[hbm4b:s8+s2] =	stream.linear.scatter [tilespmem:s21], [sflag:$0x6], $0x4000, $0x38;
	[tilespmem:$0x1D800] =	vst v63  }
.LBB2_2:
0x22: {  	_ =	swait.ge [sflag:s22], $0x4000  }
0x23: {  	[sflag:s22] =	ssyncset.done $0x0  }
0x24: {  	[sflag:s22] =	ssyncadd.s32 $0xFFFFC000  }
0x25: {  	_ =	swait.ge [sflag:s23], $0x4000  }
0x26: {  	[sflag:s23] =	ssyncset.done $0x0  }
0x27: {  	[sflag:s23] =	ssyncadd.s32 $0xFFFFC000  }
0x28: {  	_ =	swait.ge [sflag:s24], $0x4000  }
0x29: {  	[sflag:s24] =	ssyncset.done $0x0  }
0x2a: {  	s31 =	simm.s32 $0x0;
	[sflag:s24] =	ssyncadd.s32 $0xFFFFC000  }
0x2b: {  	v0 =	vld [tilespmem:s31+$0x5870]  }
0x2c: {  	v1 =	vld [tilespmem:s31+$0x9870]  }
0x2d: {  	v2 =	vld [tilespmem:s31+$0x5800]  }
0x2e: {  	v3 =	vld [tilespmem:s31+$0x9800]  }
0x2f: {  	v4 =	vld [tilespmem:s31+$0x5810]  }
0x30: {  	v5 =	vld [tilespmem:s31+$0x9810]  }
0x31: {  	v6 =	vld [tilespmem:s31+$0x5820]  }
0x32: {  	v7 =	vld [tilespmem:s31+$0x5830]  }
0x33: {  	v0 =	vadd.f32 v1, v0;
	v1 =	vld [tilespmem:s31+$0x9820]  }
0x34: {  	v8 =	vld [tilespmem:s31+$0x9830]  }
0x35: {  	v9 =	vld [tilespmem:s31+$0x9840];
	v2 =	vadd.f32 v3, v2  }
0x36: {  	[tilespmem:s31+$0xD870] =	vst v0;
	v0 =	vadd.f32 v5, v4;
	v5 =	vld [tilespmem:s31+$0x5840]  }
0x37: {  	v3 =	vld [tilespmem:s31+$0x9850];
	[tilespmem:s31+$0xD800] =	vst v2  }
0x38: {  	v2 =	vld [tilespmem:s31+$0x5850];
	[tilespmem:s31+$0xD810] =	vst v0;
	v0 =	vadd.f32 v1, v6  }
0x39: {  	v4 =	vld [tilespmem:s31+$0x9860];
	v6 =	vadd.f32 v8, v7  }
0x3a: {  	s0 =	simm.s32 $0x80;
	[tilespmem:s31+$0xD820] =	vst v0;
	v0 =	vld [tilespmem:s31+$0x5860]  }
0x3b: {  	s1 =	simm.s32 $0x400;
	v5 =	vadd.f32 v9, v5;
	v1 =	vld [tilespmem:s0+$0x5870];
	[tilespmem:s31+$0xD830] =	vst v6  }
.LBB2_3:
0x3c: {  	p0 =	sne.s32 s1, $0xFE00;
	v6 =	vld [tilespmem:s0+$0x9870]  }
0x3d: {  	v7 =	vld [tilespmem:s0+$0x5800];
	[tilespmem:s31+$0xD840] =	vst v5;
	v2 =	vadd.f32 v3, v2  }
0x3e: {  	v3 =	vld [tilespmem:s0+$0x9800]  }
0x3f: {  	v5 =	vld [tilespmem:s0+$0x5810];
	[tilespmem:s31+$0xD850] =	vst v2;
	v0 =	vadd.f32 v4, v0  }
0x40: {  	v2 =	vld [tilespmem:s0+$0x9810]  }
0x41: {  	v4 =	vld [tilespmem:s0+$0x5820];
	v1 =	vadd.f32 v6, v1;
	[tilespmem:s31+$0xD860] =	vst v0;
	s31 =	smov.u32 s0  }
0x42: {  	v0 =	vld [tilespmem:s31+$0x9820]  }
0x43: {  	v3 =	vadd.f32 v3, v7;
	v6 =	vld [tilespmem:s31+$0x5830];
	[tilespmem:s31+$0xD870] =	vst v1  }
0x44: {  	v1 =	vld [tilespmem:s31+$0x9830]  }
0x45: {  	[tilespmem:s31+$0xD800] =	vst v3;
	v2 =	vadd.f32 v2, v5;
	v5 =	vld [tilespmem:s31+$0x5840]  }
0x46: {  	v7 =	vld [tilespmem:s31+$0x9840]  }
.Ltmp0:
0x47: {  	[tilespmem:s31+$0xD810] =	vst v2;
	v0 =	vadd.f32 v0, v4;
	v2 =	vld [tilespmem:s31+$0x5850];
	(pc) =	sbr.rel @p0 .LBB2_3-.Ltmp0, $4  }
0x48: {  	v3 =	vld [tilespmem:s31+$0x9850]  }
0x49: {  	[tilespmem:s31+$0xD820] =	vst v0;
	v6 =	vadd.f32 v1, v6;
	v0 =	vld [tilespmem:s31+$0x5860]  }
0x4a: {  	s0 =	sshra.s32 s1, $0x2;
	v4 =	vld [tilespmem:s31+$0x9860]  }
0x4b: {  	s1 =	sadd.s32 $0x200, s1;
	v1 =	vld [tilespmem:s0+$0x5870];
	[tilespmem:s31+$0xD830] =	vst v6;
	v5 =	vadd.f32 v7, v5  }
0x4c: {  	v6 =	vld [tilespmem:s0+$0x9870]  }
0x4d: {  	v7 =	vld [tilespmem:s0+$0x5800];
	[tilespmem:s31+$0xD840] =	vst v5;
	v2 =	vadd.f32 v3, v2  }
0x4e: {  	v3 =	vld [tilespmem:s0+$0x9800]  }
0x4f: {  	v5 =	vld [tilespmem:s0+$0x5810];
	[tilespmem:s31+$0xD850] =	vst v2;
	v0 =	vadd.f32 v4, v0  }
0x50: {  	v2 =	vld [tilespmem:s0+$0x9810]  }
0x51: {  	v4 =	vld [tilespmem:s0+$0x5820];
	[tilespmem:s31+$0xD860] =	vst v0  }
0x52: {  	v0 =	vadd.f32 v6, v1;
	v1 =	vld [tilespmem:s0+$0x9820]  }
0x53: {  	v6 =	vld [tilespmem:s0+$0x5830]  }
0x54: {  	v3 =	vadd.f32 v3, v7;
	[tilespmem:s0+$0xD870] =	vst v0;
	v0 =	vld [tilespmem:s0+$0x9830]  }
0x55: {  	v7 =	vld [tilespmem:s0+$0x9860]  }
0x56: {  	[tilespmem:s0+$0xD800] =	vst v3;
	v2 =	vadd.f32 v2, v5;
	v3 =	vld [tilespmem:s0+$0x5840]  }
0x57: {  	v5 =	vld [tilespmem:s0+$0x9840]  }
0x58: {  	[tilespmem:s0+$0xD810] =	vst v2;
	v1 =	vadd.f32 v1, v4;
	v2 =	vld [tilespmem:s0+$0x5850]  }
0x59: {  	v4 =	vld [tilespmem:s0+$0x9850]  }
0x5a: {  	[tilespmem:s0+$0xD820] =	vst v1;
	v1 =	vld [tilespmem:s0+$0x5860];
	_ =	sdelay $0x1  }
0x5b: {  	v0 =	vadd.f32 v0, v6  }
0x5c: {  	v3 =	vadd.f32 v5, v3  }
0x5d: {  	s1 =	sshll.u32 s30, $0xF;
	[tilespmem:s0+$0xD830] =	vst v0;
	v0 =	vadd.f32 v4, v2  }
0x5e: {  	s1 =	sadd.s32 s9, s1;
	[tilespmem:s0+$0xD840] =	vst v3;
	v1 =	vadd.f32 v7, v1  }
0x5f: {  	s1 =	sshrl.u32 s1, $0x3;
	[tilespmem:s0+$0xD850] =	vst v0  }
0x60: {  	s18 =	simm.s32 $0x0;
	s1 =	sadd.s32 s4, s1;
	s31 =	sshll.u32 s30, $0x8;
	[tilespmem:s0+$0xD860] =	vst v1  }
0x61: {  	[hbm4b:s1+s18] =	stream.linear.scatter [tilespmem:s20], [sflag:$0x5], $0x4000, $0x38;
	[tilespmem:$0x1D800] =	vst v63  }
0x62: {  	s1 =	sadd.s32 $0x100, s31  }
0x63: {  	[tilespmem:s15], [sflag:$0x1] =	stream.indirect.gather [hbm4b:s3+s14], $0x80, s1, s14, $0xb8;
	[tilespmem:$0x1D800] =	vst v63  }
0x64: {  	s18 =	sadd.s32 $0x2D00, s31  }
0x65: {  	[tilespmem:s16], [sflag:$0x2] =	stream.indirect.gather [hbm4b:s3+s14], $0x80, s18, s14, $0xb8;
	[tilespmem:$0x1D800] =	vst v63  }
0x66: {  	_ =	swait.ge [sflag:s25], $0x4000  }
0x67: {  	[sflag:s25] =	ssyncset.done $0x0  }
0x68: {  	[sflag:s25] =	ssyncadd.s32 $0xFFFFC000  }
0x69: {  	_ =	swait.ge [sflag:s26], $0x4000  }
0x6a: {  	[sflag:s26] =	ssyncset.done $0x0  }
0x6b: {  	[sflag:s26] =	ssyncadd.s32 $0xFFFFC000  }
0x6c: {  	_ =	swait.ge [sflag:s28], $0x4000  }
0x6d: {  	[sflag:s28] =	ssyncset.done $0x0  }
0x6e: {  	s0 =	simm.s32 $0x0;
	[sflag:s28] =	ssyncadd.s32 $0xFFFFC000  }
0x6f: {  	v0 =	vld [tilespmem:s0+$0x11870]  }
0x70: {  	v1 =	vld [tilespmem:s0+$0x15870]  }
0x71: {  	v2 =	vld [tilespmem:s0+$0x11800]  }
0x72: {  	v3 =	vld [tilespmem:s0+$0x15800]  }
0x73: {  	v4 =	vld [tilespmem:s0+$0x11810]  }
0x74: {  	v5 =	vld [tilespmem:s0+$0x15810]  }
0x75: {  	v6 =	vld [tilespmem:s0+$0x11820]  }
0x76: {  	v7 =	vld [tilespmem:s0+$0x11830]  }
0x77: {  	v0 =	vadd.f32 v1, v0;
	v1 =	vld [tilespmem:s0+$0x15820]  }
0x78: {  	v8 =	vld [tilespmem:s0+$0x15830]  }
0x79: {  	v9 =	vld [tilespmem:s0+$0x15840];
	v2 =	vadd.f32 v3, v2  }
0x7a: {  	[tilespmem:s0+$0x19870] =	vst v0;
	v0 =	vadd.f32 v5, v4;
	v5 =	vld [tilespmem:s0+$0x11840]  }
0x7b: {  	v3 =	vld [tilespmem:s0+$0x15850];
	[tilespmem:s0+$0x19800] =	vst v2  }
0x7c: {  	v2 =	vld [tilespmem:s0+$0x11850];
	[tilespmem:s0+$0x19810] =	vst v0;
	v0 =	vadd.f32 v1, v6  }
0x7d: {  	v4 =	vld [tilespmem:s0+$0x15860];
	v6 =	vadd.f32 v8, v7  }
0x7e: {  	s1 =	simm.s32 $0x80;
	[tilespmem:s0+$0x19820] =	vst v0;
	v0 =	vld [tilespmem:s0+$0x11860]  }
0x7f: {  	s18 =	simm.s32 $0x400;
	v5 =	vadd.f32 v9, v5;
	v1 =	vld [tilespmem:s1+$0x11870];
	[tilespmem:s0+$0x19830] =	vst v6  }
.LBB2_5:
0x80: {  	p0 =	sne.s32 s18, $0xFE00;
	v6 =	vld [tilespmem:s1+$0x15870]  }
0x81: {  	v7 =	vld [tilespmem:s1+$0x11800];
	[tilespmem:s0+$0x19840] =	vst v5;
	v2 =	vadd.f32 v3, v2  }
0x82: {  	v3 =	vld [tilespmem:s1+$0x15800]  }
0x83: {  	v5 =	vld [tilespmem:s1+$0x11810];
	[tilespmem:s0+$0x19850] =	vst v2;
	v0 =	vadd.f32 v4, v0  }
0x84: {  	v2 =	vld [tilespmem:s1+$0x15810]  }
0x85: {  	v4 =	vld [tilespmem:s1+$0x11820];
	v1 =	vadd.f32 v6, v1;
	[tilespmem:s0+$0x19860] =	vst v0;
	s0 =	smov.u32 s1  }
0x86: {  	v0 =	vld [tilespmem:s0+$0x15820]  }
0x87: {  	v3 =	vadd.f32 v3, v7;
	v6 =	vld [tilespmem:s0+$0x11830];
	[tilespmem:s0+$0x19870] =	vst v1  }
0x88: {  	v1 =	vld [tilespmem:s0+$0x15830]  }
0x89: {  	[tilespmem:s0+$0x19800] =	vst v3;
	v2 =	vadd.f32 v2, v5;
	v5 =	vld [tilespmem:s0+$0x11840]  }
0x8a: {  	v7 =	vld [tilespmem:s0+$0x15840]  }
.Ltmp1:
0x8b: {  	[tilespmem:s0+$0x19810] =	vst v2;
	v0 =	vadd.f32 v0, v4;
	v2 =	vld [tilespmem:s0+$0x11850];
	(pc) =	sbr.rel @p0 .LBB2_5-.Ltmp1, $4  }
0x8c: {  	v3 =	vld [tilespmem:s0+$0x15850]  }
0x8d: {  	[tilespmem:s0+$0x19820] =	vst v0;
	v6 =	vadd.f32 v1, v6;
	v0 =	vld [tilespmem:s0+$0x11860]  }
0x8e: {  	s1 =	sshra.s32 s18, $0x2;
	v4 =	vld [tilespmem:s0+$0x15860]  }
0x8f: {  	s18 =	sadd.s32 $0x200, s18;
	v1 =	vld [tilespmem:s1+$0x11870];
	[tilespmem:s0+$0x19830] =	vst v6;
	v5 =	vadd.f32 v7, v5  }
0x90: {  	v6 =	vld [tilespmem:s1+$0x15870]  }
0x91: {  	v7 =	vld [tilespmem:s1+$0x11800];
	[tilespmem:s0+$0x19840] =	vst v5;
	v2 =	vadd.f32 v3, v2  }
0x92: {  	v51 =	vld [tilespmem:s1+$0x15800]  }
0x93: {  	v5 =	vld [tilespmem:s1+$0x11810];
	[tilespmem:s0+$0x19850] =	vst v2;
	v0 =	vadd.f32 v4, v0  }
0x94: {  	v2 =	vld [tilespmem:s1+$0x15810]  }
0x95: {  	v52 =	vld [tilespmem:s1+$0x11820];
	[tilespmem:s0+$0x19860] =	vst v0  }
0x96: {  	v54 =	vld [tilespmem:s1+$0x15820]  }
0x97: {  	v55 =	vld [tilespmem:s1+$0x11830]  }
0x98: {  	v56 =	vld [tilespmem:s1+$0x15830]  }
0x99: {  	v57 =	vld [tilespmem:s1+$0x11840]  }
0x9a: {  	v58 =	vld [tilespmem:s1+$0x15840]  }
0x9b: {  	v59 =	vld [tilespmem:s1+$0x11850]  }
0x9c: {  	v53 =	vadd.f32 v6, v1;
	v60 =	vld [tilespmem:s1+$0x15850]  }
0x9d: {  	v61 =	vld [tilespmem:s1+$0x11860];
	v3 =	vadd.f32 v51, v7  }
0x9e: {  	v62 =	vld [tilespmem:s1+$0x15860];
	[tilespmem:s1+$0x19870] =	vst v53;
	v2 =	vadd.f32 v2, v5  }
0x9f: {  	[tilespmem:s1+$0x19800] =	vst v3;
	v1 =	vadd.f32 v54, v52  }
0xa0: {  	[tilespmem:s1+$0x19810] =	vst v2;
	v0 =	vadd.f32 v56, v55  }
0xa1: {  	v3 =	vadd.f32 v58, v57;
	[tilespmem:s1+$0x19820] =	vst v1  }
0xa2: {  	v63 =	vadd.f32 v60, v59;
	[tilespmem:s1+$0x19830] =	vst v0  }
0xa3: {  	s18 =	sadd.s32 s31, s10;
	[tilespmem:s1+$0x19840] =	vst v3;
	v1 =	vadd.f32 v62, v61  }
0xa4: {  	s30 =	sadd.s32 $0x1, s30;
	s0 =	sshll.u32 s18, $0x4;
	[tilespmem:s1+$0x19850] =	vst v63  }
0xa5: {  	p0 =	sne.s32 s30, $0x28;
	s0 =	sadd.s32 s4, s0;
	[tilespmem:s1+$0x19860] =	vst v1  }
0xa6: {  	[hbm4b:s0+s2] =	stream.linear.scatter [tilespmem:s21], [sflag:$0x6], $0x4000, $0x38;
	[tilespmem:$0x1D800] =	vst v63  }
.Ltmp2:
0xa7: {  	_ = 	snop;
	(pc) =	sbr.rel @p0 .LBB2_2-.Ltmp2, $4  }
0xa8: {  	s18 =	sadd.s32 $0x180, s31  }
0xa9: {  	[tilespmem:s17], [sflag:$0x3] =	stream.indirect.gather [hbm4b:s3+s14], $0x80, s18, s14, $0xb8;
	[tilespmem:$0x1D800] =	vst v63  }
0xaa: {  	s31 =	sadd.s32 $0x2D80, s31  }
0xab: {  	[tilespmem:s19], [sflag:$0x4] =	stream.indirect.gather [hbm4b:s3+s14], $0x80, s31, s14, $0xb8;
	[tilespmem:$0x1D800] =	vst v63  }
0xac: {  	_ =	swait.ge [sflag:s22], $0x4000  }
0xad: {  	[sflag:s22] =	ssyncset.done $0x0  }
0xae: {  	[sflag:s22] =	ssyncadd.s32 $0xFFFFC000  }
0xaf: {  	_ =	swait.ge [sflag:s23], $0x4000  }
0xb0: {  	[sflag:s23] =	ssyncset.done $0x0  }
0xb1: {  	[sflag:s23] =	ssyncadd.s32 $0xFFFFC000  }
0xb2: {  	_ =	swait.ge [sflag:s25], $0x4000  }
0xb3: {  	[sflag:s25] =	ssyncset.done $0x0  }
0xb4: {  	[sflag:s25] =	ssyncadd.s32 $0xFFFFC000  }
0xb5: {  	_ =	swait.ge [sflag:s26], $0x4000  }
0xb6: {  	[sflag:s26] =	ssyncset.done $0x0  }
0xb7: {  	s29 =	sadd.s32 $0x1, s29;
	[sflag:s26] =	ssyncadd.s32 $0xFFFFC000  }
0xb8: {  	p0 =	sne.s32 s29, s11;
	_ =	swait.ge [sflag:s24], $0x4000  }
.Ltmp3:
0xb9: {  	[sflag:s24] =	ssyncset.done $0x0;
	(pc) =	sbr.rel @p0 .LBB2_1-.Ltmp3, $4  }
0xba: {  	[sflag:s24] =	ssyncadd.s32 $0xFFFFC000  }
0xbb: {  	_ =	swait.ge [sflag:s28], $0x4000  }
0xbc: {  	[sflag:s28] =	ssyncset.done $0x0  }
0xbd: {  	[sflag:s28] =	ssyncadd.s32 $0xFFFFC000  }
0xbe: {  	_ =	sfence.sel $0x180000  }
0xbf: {  	[bflag:$0x0] =	sbarrier.arrive $0xFFFF  }
0xc0: {  	_ =	strace $0x90000050  }
0xc1: {  	s0 =	stileid.u32;
	[bflag:$0x2] =	sbarrier.arrive $0xFFFF  }
0xc2: {  	p0 =	sne.s32 s0, $0x0;
	s0 =	rddreg [dreg:$0x1]  }
0xc3: {  	s0 =	sadd.s32 @!p0 $0x100000, s0  }
0xc4: {  	[sflag:s0] =	ssyncadd.tile.s32 @!p0 $0x1;
	_ =	shalt  }
.Lfunc_end2:
_tile_overlayer_lowered:
.L_overlay_start_2:
0xc5: {  	(tag) =	ssettag $0x2  }
0xc6: {  	s0 =	rddreg [dreg:$0x0];
	s2 =	stileid.u32  }
0xc7: {  	s1 =	rddreg [dreg:$0x1];
	p0 =	sne.s32 s2, $0x0  }
0xc8: {  	s3 =	rddreg [dreg:$0x2];
	[bflag:$0x3] =	sbarrier.arrive $0xFFFF;
	s2 =	simm.s32 @!p0 $0x1C07  }
0xc9: {  	[timem:s3], [sflag:s2] =	dma.local @!p0 [hbm:s0], s1  }
0xca: {  	s0 =	simm.s32 @!p0 $0x7  }
0xcb: {  	_ =	swait.ge @!p0 [sflag:s0], s1  }
0xcc: {  	s1 =	ssub.s32 @!p0 $0x0, s1;
	[sflag:s0] =	ssyncset.done @!p0 $0x0  }
0xcd: {  	[sflag:s0] =	ssyncadd.s32 @!p0 s1  }
0xce: {  	[bflag:$0x3] =	sbarrier.arrive $0xFFFF  }
0xcf: {  	_ =	shalt  }

</sc_bundles>
